<compile_context>
chip_gen: v7x
topology: tpu7x:2x2x1
jax: 0.10.2.dev20260603
libtpu: 0.0.44.dev20260713+nightly
codegen_flags: <defaults>
</compile_context>

<pallas_src>
import functools

import jax
import jax.numpy as jnp
from jax import lax
from jax.experimental import pallas as pl
from jax.experimental.pallas import tpu as pltpu
from jax.experimental.pallas import tpu_sc as plsc

N = 10000
E = 160000
FC = 128
NC = 2
NS = 16
EPT = E // NS
GK = 125
G = EPT // GK
SEG = 40
NSEG = G // SEG
ZSP = 25
WPT = 624


def _zero_rows(ref, nrows, ncols):
    zv = jnp.zeros((16,), jnp.float32)

    def body(i, _):
        for j in range(ncols // 16):
            ref[i, pl.ds(j * 16, 16)] = zv
        return 0

    lax.fori_loop(0, nrows, body, 0)


def _zero_shared(zero_v, shared, sid):

    def zbody(t, _):
        pltpu.sync_copy(zero_v, shared.at[pl.ds(sid * 625 + t * ZSP, ZSP)])
        return 0

    lax.fori_loop(0, 625 // ZSP, zbody, 0)


def _writeout_shared(shared, out2d, sid):
    pltpu.sync_copy(
        shared.at[pl.ds(sid * WPT, WPT)], out2d.at[pl.ds(sid * WPT, WPT)]
    )

    @pl.when(sid == NS - 1)
    def _():
        pltpu.sync_copy(
            shared.at[pl.ds(NS * WPT, N - NS * WPT)],
            out2d.at[pl.ds(NS * WPT, N - NS * WPT)],
        )


def _make_hist():
    mesh = plsc.VectorSubcoreMesh(core_axis_name="c", subcore_axis_name="s")

    @functools.partial(
        pl.kernel,
        mesh=mesh,
        out_type=jax.ShapeDtypeStruct((2, N, 16), jnp.float32),
        scratch_types=[
            pltpu.VMEM((NSEG, SEG, GK), jnp.int32),
            pltpu.VMEM((104, 16), jnp.float32),
            pltpu.VMEM((32, 16), jnp.float32),
            pltpu.VMEM_SHARED((N, 16), jnp.float32),
        ],
    )
    def hist(ei_hbm, oz_hbm, deg_hbm, idx_v, ones_v, zero_v, hist_s):
        cid = lax.axis_index("c")
        sid = lax.axis_index("s")
        pltpu.sync_copy(ei_hbm.at[cid, sid], idx_v)
        pltpu.sync_copy(oz_hbm.at[pl.ds(0, 104)], ones_v)
        pltpu.sync_copy(oz_hbm.at[pl.ds(104, 32)], zero_v)
        _zero_shared(zero_v.at[pl.ds(0, ZSP)], hist_s, sid)
        plsc.subcore_barrier()

        def body(g, _):
            pltpu.sync_copy(
                ones_v.at[pl.ds(0, GK)],
                hist_s.at[idx_v.at[g // SEG, g % SEG]],
                add=True,
            )
            return 0

        lax.fori_loop(0, G, body, 0)
        plsc.subcore_barrier()
        _writeout_shared(hist_s, deg_hbm.at[cid], sid)

    return hist


def _make_spmm(C):
    CPC = C // NC
    mesh = plsc.VectorSubcoreMesh(core_axis_name="c", subcore_axis_name="s")

    @functools.partial(
        pl.kernel,
        mesh=mesh,
        out_type=jax.ShapeDtypeStruct((C, N, FC), jnp.float32),
        scratch_types=[
            pltpu.VMEM((SEG, GK), jnp.int32),
            pltpu.VMEM((SEG, GK), jnp.int32),
            pltpu.VMEM((2, GK, FC), jnp.float32),
            pltpu.VMEM((ZSP, FC), jnp.float32),
            pltpu.VMEM_SHARED((N, FC), jnp.float32),
            pltpu.SemaphoreType.DMA,
            pltpu.SemaphoreType.DMA,
        ],
    )
    def spmm(h_hbm, ei_hbm, out_hbm, sidx, didx, buf, zero_v, agg, sem0, sem1):
        cid = lax.axis_index("c")
        sid = lax.axis_index("s")
        _zero_rows(zero_v, ZSP, FC)

        for lc in range(CPC):
            c = cid * CPC + lc
            _zero_shared(zero_v, agg, sid)
            plsc.subcore_barrier()

            def gat(g, slot, sem):
                return pltpu.async_copy(
                    h_hbm.at[c].at[sidx.at[g]], buf.at[slot], sem
                )

            def wait(g, slot, sem):
                pltpu.make_async_copy(
                    h_hbm.at[c].at[sidx.at[g]], buf.at[slot], sem
                ).wait()

            def sca(g, slot):
                pltpu.sync_copy(buf.at[slot], agg.at[didx.at[g]], add=True)

            def segbody(seg, _):
                pltpu.sync_copy(ei_hbm.at[0, sid, seg], sidx)
                pltpu.sync_copy(ei_hbm.at[1, sid, seg], didx)
                gat(0, 0, sem0)

                def body(gg, _):
                    g0 = 2 * gg
                    gat(g0 + 1, 1, sem1)
                    wait(g0, 0, sem0)
                    sca(g0, 0)
                    gat(g0 + 2, 0, sem0)
                    wait(g0 + 1, 1, sem1)
                    sca(g0 + 1, 1)
                    return 0

                lax.fori_loop(0, SEG // 2 - 1, body, 0)
                gat(SEG - 1, 1, sem1)
                wait(SEG - 2, 0, sem0)
                sca(SEG - 2, 0)
                wait(SEG - 1, 1, sem1)
                sca(SEG - 1, 1)
                return 0

            lax.fori_loop(0, NSEG, segbody, 0)

            plsc.subcore_barrier()
            _writeout_shared(agg, out_hbm.at[c], sid)
            if lc + 1 < CPC:
                plsc.subcore_barrier()

    return spmm


RB = 1000
NB = N // RB


def _prep_body(deg_ref, x_ref, ns_ref, nd_ref, p0_ref):
    ns = lax.rsqrt(jnp.maximum(deg_ref[0, :, 0:1], 1.0))
    nd = lax.rsqrt(jnp.maximum(deg_ref[1, :, 0:1], 1.0))
    ns_ref[...] = ns
    nd_ref[...] = nd
    x = x_ref[...] * ns
    p0_ref[0] = x[:, :FC]
    p0_ref[1] = x[:, FC:]


def _prep(deg, features):
    return pl.pallas_call(
        _prep_body,
        grid=(NB,),
        in_specs=[
            pl.BlockSpec((2, RB, 16), lambda i: (0, i, 0)),
            pl.BlockSpec((RB, 256), lambda i: (i, 0)),
        ],
        out_specs=[
            pl.BlockSpec((RB, 1), lambda i: (i, 0)),
            pl.BlockSpec((RB, 1), lambda i: (i, 0)),
            pl.BlockSpec((2, RB, FC), lambda i: (0, i, 0)),
        ],
        out_shape=[
            jax.ShapeDtypeStruct((N, 1), jnp.float32),
            jax.ShapeDtypeStruct((N, 1), jnp.float32),
            jax.ShapeDtypeStruct((2, N, FC), jnp.float32),
        ],
    )(deg, features)


def _mm_body(nd_ref, x_ref, w_ref, b_ref, ns_ref, o_ref, *, cin, cout):
    x = jnp.concatenate([x_ref[i] for i in range(cin)], axis=1)
    x = x * nd_ref[...]
    y = jnp.dot(x, w_ref[...], preferred_element_type=jnp.float32)
    y = jnp.maximum(y + b_ref[...], 0.0) * ns_ref[...]
    for j in range(cout):
        o_ref[j] = y[:, j * FC:(j + 1) * FC]


def _mm(x, w, b, nd, ns):
    cin = x.shape[0]
    k, h = w.shape
    cout = h // FC
    body = functools.partial(_mm_body, cin=cin, cout=cout)
    return pl.pallas_call(
        body,
        grid=(NB,),
        in_specs=[
            pl.BlockSpec((RB, 1), lambda i: (i, 0)),
            pl.BlockSpec((cin, RB, FC), lambda i: (0, i, 0)),
            pl.BlockSpec((k, h), lambda i: (0, 0)),
            pl.BlockSpec((1, h), lambda i: (0, 0)),
            pl.BlockSpec((RB, 1), lambda i: (i, 0)),
        ],
        out_specs=pl.BlockSpec((cout, RB, FC), lambda i: (0, i, 0)),
        out_shape=jax.ShapeDtypeStruct((cout, N, FC), jnp.float32),
    )(nd, x, w, b.reshape(1, h), ns)


def _mm23_body(nd_ref, x_ref, w2_ref, b2_ref, ns_ref, w3_ref, o_ref, *, cin,
               cout):
    x = jnp.concatenate([x_ref[i] for i in range(cin)], axis=1)
    x = x * nd_ref[...]
    z = jnp.dot(x, w2_ref[...], preferred_element_type=jnp.float32)
    z = jnp.maximum(z + b2_ref[...], 0.0) * ns_ref[...]
    y = jnp.dot(z, w3_ref[...], preferred_element_type=jnp.float32)
    for j in range(cout):
        o_ref[j] = y[:, j * FC:(j + 1) * FC]


def _mm23(x, w2, b2, w3, nd, ns):
    cin = x.shape[0]
    k, h = w2.shape
    h3 = w3.shape[1]
    cout = h3 // FC
    body = functools.partial(_mm23_body, cin=cin, cout=cout)
    return pl.pallas_call(
        body,
        grid=(NB,),
        in_specs=[
            pl.BlockSpec((RB, 1), lambda i: (i, 0)),
            pl.BlockSpec((cin, RB, FC), lambda i: (0, i, 0)),
            pl.BlockSpec((k, h), lambda i: (0, 0)),
            pl.BlockSpec((1, h), lambda i: (0, 0)),
            pl.BlockSpec((RB, 1), lambda i: (i, 0)),
            pl.BlockSpec((h, h3), lambda i: (0, 0)),
        ],
        out_specs=pl.BlockSpec((cout, RB, FC), lambda i: (0, i, 0)),
        out_shape=jax.ShapeDtypeStruct((cout, N, FC), jnp.float32),
    )(nd, x, w2, b2.reshape(1, h), ns, w3)


def _final_body(a_ref, nd_ref, b_ref, o_ref):
    x = jnp.concatenate([a_ref[0], a_ref[1]], axis=1)
    o_ref[...] = jnp.maximum(x * nd_ref[...] + b_ref[...], 0.0)


def _final(a3, nd, b3):
    return pl.pallas_call(
        _final_body,
        grid=(NB,),
        in_specs=[
            pl.BlockSpec((2, RB, FC), lambda i: (0, i, 0)),
            pl.BlockSpec((RB, 1), lambda i: (i, 0)),
            pl.BlockSpec((1, 256), lambda i: (0, 0)),
        ],
        out_specs=pl.BlockSpec((RB, 256), lambda i: (i, 0)),
        out_shape=jax.ShapeDtypeStruct((N, 256), jnp.float32),
    )(a3, nd, b3.reshape(1, 256))


_hist_k = _make_hist()
_spmm2 = _make_spmm(2)
_spmm4 = _make_spmm(4)


@jax.jit
def kernel(features, edge_index, W1, b1, W2, b2, W3, b3):
    ei = edge_index.reshape(2, NS, NSEG, SEG, GK)
    oz = jnp.concatenate(
        [jnp.ones((GK, 16), jnp.float32), jnp.zeros((136 - GK, 16), jnp.float32)]
    )
    deg = _hist_k(ei, oz)
    ns, nd, p0 = _prep(deg, features)

    a1 = _spmm2(p0, ei)
    h1 = _mm(a1, W1, b1, nd, ns)
    a2 = _spmm4(h1, ei)
    p2 = _mm23(a2, W2, b2, W3, nd, ns)
    a3 = _spmm2(p2, ei)
    return _final(a3, nd, b3)

# --- scband reference (transcript-rebuilt; emitter-appended) ---
"""Pipeline reference for scband-gcn-72164040507856 (READ-ONLY COPY).

The authoritative reference and input builder live on the scoring server;
editing this copy changes nothing except your own understanding.
"""

import jax, jax.numpy as jnp
import numpy as np

N = 10000
E = 160000
IN_FEATS = 256
HID_FEATS = 512
OUT_FEATS = 256


def setup_inputs(seed: int = 0) -> dict:
    key = jax.random.key(seed)
    ks = jax.random.split(key, 8)
    features = jax.random.normal(ks[0], (N, IN_FEATS), dtype=jnp.float32)
    edge_index = jax.random.randint(ks[1], (2, E), 0, N, dtype=jnp.int32)
    # GraphConv weights (glorot-style scaling) + zero biases per DGL defaults
    W1 = jax.random.normal(ks[2], (IN_FEATS, HID_FEATS), dtype=jnp.float32) * (1.0 / np.sqrt(IN_FEATS))
    b1 = jnp.zeros((HID_FEATS,), dtype=jnp.float32)
    W2 = jax.random.normal(ks[3], (HID_FEATS, HID_FEATS), dtype=jnp.float32) * (1.0 / np.sqrt(HID_FEATS))
    b2 = jnp.zeros((HID_FEATS,), dtype=jnp.float32)
    W3 = jax.random.normal(ks[4], (HID_FEATS, OUT_FEATS), dtype=jnp.float32) * (1.0 / np.sqrt(HID_FEATS))
    b3 = jnp.zeros((OUT_FEATS,), dtype=jnp.float32)
    return {"features": features, "edge_index": edge_index,
            "W1": W1, "b1": b1, "W2": W2, "b2": b2, "W3": W3, "b3": b3}


def _gcn_layer(x, src, dst, W, b):
    # DGL GraphConv with norm='both': D_dst^{-1/2} A D_src^{-1/2} X W + b, then ReLU.
    e = src.shape[0]
    ones = jnp.ones((e,), dtype=x.dtype)
    deg_out = jax.ops.segment_sum(ones, src, num_segments=N)
    deg_in = jax.ops.segment_sum(ones, dst, num_segments=N)
    norm_src = jnp.clip(deg_out, 1.0, None) ** -0.5
    norm_dst = jnp.clip(deg_in, 1.0, None) ** -0.5
    h = x * norm_src[:, None]
    msgs = jnp.take(h, src, axis=0)
    agg = jax.ops.segment_sum(msgs, dst, num_segments=N)
    agg = agg * norm_dst[:, None]
    return jax.nn.relu(agg @ W + b)


def reference(features, edge_index, W1, b1, W2, b2, W3, b3):
    src = edge_index[0]
    dst = edge_index[1]
    h = _gcn_layer(features, src, dst, W1, b1)
    # dropout(p=0.1) is identity at inference
    h = _gcn_layer(h, src, dst, W2, b2)
    h = _gcn_layer(h, src, dst, W3, b3)
    return h

if __name__ == "__main__":
    import jax
    _d = setup_inputs()
    print(jax.jit(kernel)(*tuple(_d.values())))

</pallas_src>

<mosaic_0001>
#map = affine_map<(d0, d1) -> (0, 0, 0)>
#map1 = affine_map<(d0, d1) -> (0, 0, 0, 0, 0)>
module attributes {stable_mosaic.version = 14 : i64} {
  func.func @spmm(%arg0: i32, %arg1: i32, %arg2: memref<2x10000x128xf32, #tpu.memory_space<hbm>>, %arg3: memref<2x16x2x40x125xi32, #tpu.memory_space<hbm>>, %arg4: memref<2x10000x128xf32, #tpu.memory_space<hbm>>, %arg5: memref<40x125xi32, #tpu.memory_space<vmem>>, %arg6: memref<40x125xi32, #tpu.memory_space<vmem>>, %arg7: memref<2x125x128xf32, #tpu.memory_space<vmem>>, %arg8: memref<25x128xf32, #tpu.memory_space<vmem>>, %arg9: memref<10000x128xf32, #tpu.memory_space<vmem_shared>>, %arg10: memref<!tpu.dma_semaphore, #tpu.memory_space<semaphore_mem>>, %arg11: memref<!tpu.dma_semaphore, #tpu.memory_space<semaphore_mem>>) attributes {dimension_semantics = [#tpu.dimension_semantics<core_parallel>, #tpu.dimension_semantics<subcore_parallel>], iteration_bounds = array<i64: 2, 16>, scalar_prefetch = 0 : i64, scratch_operands = 7 : i64, tpu.core_type = #tpu.core_type<sc_vector_subcore>, window_params = [{transform_indices = #map}, {transform_indices = #map1}, {transform_indices = #map}]} {
    %broadcast_in_dim3A = arith.constant 0.000000e+00 : f32
    %broadcast_in_dim3A_0 = vector.broadcast %broadcast_in_dim3A : f32 to vector<16xf32>
    %scan3A = arith.constant 0 : i32
    %scan3A_1 = arith.constant 0 : i32
    %scan3A_2 = arith.constant 25 : i32
    %scan3A_3 = arith.addi %scan3A_1, %scan3A_2 : i32
    %scan3A_4 = arith.constant 1 : i32
    %scan3A_5 = scf.for %scan3A_30 = %scan3A_1 to %scan3A_3 step %scan3A_4 iter_args(%scan3A_31 = %scan3A) -> (i32)  : i32 {
      %swap3A = arith.index_cast %scan3A_30 : i32 to index
      %swap3A_32 = arith.constant 0 : index
      %swap3A_33 = tpu.vector_load %arg8[%swap3A, %swap3A_32] {strides = array<i32>} : memref<25x128xf32, #tpu.memory_space<vmem>>, vector<1x16xf32>,
      %swap3A_34 = vector.shape_cast %swap3A_33 : vector<1x16xf32> to vector<16xf32>
      %swap3A_35 = vector.shape_cast %broadcast_in_dim3A_0 : vector<16xf32> to vector<1x16xf32>
      tpu.vector_store %arg8[%swap3A, %swap3A_32], %swap3A_35 {strides = array<i32>} : memref<25x128xf32, #tpu.memory_space<vmem>>, vector<1x16xf32>,
      %swap3A_36 = arith.index_cast %scan3A_30 : i32 to index
      %swap3A_37 = arith.constant 16 : index
      %swap3A_38 = tpu.vector_load %arg8[%swap3A_36, %swap3A_37] {strides = array<i32>} : memref<25x128xf32, #tpu.memory_space<vmem>>, vector<1x16xf32>,
      %swap3A_39 = vector.shape_cast %swap3A_38 : vector<1x16xf32> to vector<16xf32>
      %swap3A_40 = vector.shape_cast %broadcast_in_dim3A_0 : vector<16xf32> to vector<1x16xf32>
      tpu.vector_store %arg8[%swap3A_36, %swap3A_37], %swap3A_40 {strides = array<i32>} : memref<25x128xf32, #tpu.memory_space<vmem>>, vector<1x16xf32>,
      %swap3A_41 = arith.index_cast %scan3A_30 : i32 to index
      %swap3A_42 = arith.constant 32 : index
      %swap3A_43 = tpu.vector_load %arg8[%swap3A_41, %swap3A_42] {strides = array<i32>} : memref<25x128xf32, #tpu.memory_space<vmem>>, vector<1x16xf32>,
      %swap3A_44 = vector.shape_cast %swap3A_43 : vector<1x16xf32> to vector<16xf32>
      %swap3A_45 = vector.shape_cast %broadcast_in_dim3A_0 : vector<16xf32> to vector<1x16xf32>
      tpu.vector_store %arg8[%swap3A_41, %swap3A_42], %swap3A_45 {strides = array<i32>} : memref<25x128xf32, #tpu.memory_space<vmem>>, vector<1x16xf32>,
      %swap3A_46 = arith.index_cast %scan3A_30 : i32 to index
      %swap3A_47 = arith.constant 48 : index
      %swap3A_48 = tpu.vector_load %arg8[%swap3A_46, %swap3A_47] {strides = array<i32>} : memref<25x128xf32, #tpu.memory_space<vmem>>, vector<1x16xf32>,
      %swap3A_49 = vector.shape_cast %swap3A_48 : vector<1x16xf32> to vector<16xf32>
      %swap3A_50 = vector.shape_cast %broadcast_in_dim3A_0 : vector<16xf32> to vector<1x16xf32>
      tpu.vector_store %arg8[%swap3A_46, %swap3A_47], %swap3A_50 {strides = array<i32>} : memref<25x128xf32, #tpu.memory_space<vmem>>, vector<1x16xf32>,
      %swap3A_51 = arith.index_cast %scan3A_30 : i32 to index
      %swap3A_52 = arith.constant 64 : index
      %swap3A_53 = tpu.vector_load %arg8[%swap3A_51, %swap3A_52] {strides = array<i32>} : memref<25x128xf32, #tpu.memory_space<vmem>>, vector<1x16xf32>,
      %swap3A_54 = vector.shape_cast %swap3A_53 : vector<1x16xf32> to vector<16xf32>
      %swap3A_55 = vector.shape_cast %broadcast_in_dim3A_0 : vector<16xf32> to vector<1x16xf32>
      tpu.vector_store %arg8[%swap3A_51, %swap3A_52], %swap3A_55 {strides = array<i32>} : memref<25x128xf32, #tpu.memory_space<vmem>>, vector<1x16xf32>,
      %swap3A_56 = arith.index_cast %scan3A_30 : i32 to index
      %swap3A_57 = arith.constant 80 : index
      %swap3A_58 = tpu.vector_load %arg8[%swap3A_56, %swap3A_57] {strides = array<i32>} : memref<25x128xf32, #tpu.memory_space<vmem>>, vector<1x16xf32>,
      %swap3A_59 = vector.shape_cast %swap3A_58 : vector<1x16xf32> to vector<16xf32>
      %swap3A_60 = vector.shape_cast %broadcast_in_dim3A_0 : vector<16xf32> to vector<1x16xf32>
      tpu.vector_store %arg8[%swap3A_56, %swap3A_57], %swap3A_60 {strides = array<i32>} : memref<25x128xf32, #tpu.memory_space<vmem>>, vector<1x16xf32>,
      %swap3A_61 = arith.index_cast %scan3A_30 : i32 to index
      %swap3A_62 = arith.constant 96 : index
      %swap3A_63 = tpu.vector_load %arg8[%swap3A_61, %swap3A_62] {strides = array<i32>} : memref<25x128xf32, #tpu.memory_space<vmem>>, vector<1x16xf32>,
      %swap3A_64 = vector.shape_cast %swap3A_63 : vector<1x16xf32> to vector<16xf32>
      %swap3A_65 = vector.shape_cast %broadcast_in_dim3A_0 : vector<16xf32> to vector<1x16xf32>
      tpu.vector_store %arg8[%swap3A_61, %swap3A_62], %swap3A_65 {strides = array<i32>} : memref<25x128xf32, #tpu.memory_space<vmem>>, vector<1x16xf32>,
      %swap3A_66 = arith.index_cast %scan3A_30 : i32 to index
      %swap3A_67 = arith.constant 112 : index
      %swap3A_68 = tpu.vector_load %arg8[%swap3A_66, %swap3A_67] {strides = array<i32>} : memref<25x128xf32, #tpu.memory_space<vmem>>, vector<1x16xf32>,
      %swap3A_69 = vector.shape_cast %swap3A_68 : vector<1x16xf32> to vector<16xf32>
      %swap3A_70 = vector.shape_cast %broadcast_in_dim3A_0 : vector<16xf32> to vector<1x16xf32>
      tpu.vector_store %arg8[%swap3A_66, %swap3A_67], %swap3A_70 {strides = array<i32>} : memref<25x128xf32, #tpu.memory_space<vmem>>, vector<1x16xf32>,
      %scan3A_71 = arith.constant 0 : i32
      scf.yield %scan3A_71 : i32
    }
    %scan3A_6 = arith.constant 25 : i32
    %mul3A = arith.constant 1 : i32
    %mul3A_7 = arith.muli %arg0, %mul3A : i32
    %add3A = arith.constant 0 : i32
    %add3A_8 = arith.addi %mul3A_7, %add3A : i32
    %scan3A_9 = arith.constant 0 : i32
    %scan3A_10 = arith.constant 0 : i32
    %scan3A_11 = arith.constant 25 : i32
    %scan3A_12 = arith.addi %scan3A_10, %scan3A_11 : i32
    %scan3A_13 = arith.constant 1 : i32
    %scan3A_14 = scf.for %scan3A_30 = %scan3A_10 to %scan3A_12 step %scan3A_13 iter_args(%scan3A_31 = %scan3A_9) -> (i32)  : i32 {
      %mul3A_32 = arith.constant 625 : i32
      %mul3A_33 = arith.muli %arg1, %mul3A_32 : i32
      %mul3A_34 = arith.constant 25 : i32
      %mul3A_35 = arith.muli %scan3A_30, %mul3A_34 : i32
      %add3A_36 = arith.addi %mul3A_33, %mul3A_35 : i32
      "tpu.region"() ({
        %run_scoped3A = tpu.sem_alloc : memref<!tpu.dma_semaphore, #tpu.memory_space<semaphore_mem>>
        %dma_start3A = arith.constant 0 : i32
        %dma_start3A_38 = tpu.memref_slice %arg9[%add3A_36, %dma_start3A] : memref<10000x128xf32, #tpu.memory_space<vmem_shared>> -> memref<25x128xf32, #tpu.memory_space<vmem_shared>>
        %dma_start3A_39 = arith.constant 0 : i32
        %dma_start3A_40 = tpu.memref_slice %arg9[%add3A_36, %dma_start3A_39] : memref<10000x128xf32, #tpu.memory_space<vmem_shared>> -> memref<25x128xf32, #tpu.memory_space<vmem_shared>>
        tpu.enqueue_dma source(%arg8 : memref<25x128xf32, #tpu.memory_space<vmem>>) target(%dma_start3A_40 : memref<25x128xf32, #tpu.memory_space<vmem_shared>>) target_semaphore(%run_scoped3A : memref<!tpu.dma_semaphore, #tpu.memory_space<semaphore_mem>>)
        %dma_wait3A = arith.constant 0 : i32
        %dma_wait3A_41 = tpu.memref_slice %arg9[%add3A_36, %dma_wait3A] : memref<10000x128xf32, #tpu.memory_space<vmem_shared>> -> memref<25x128xf32, #tpu.memory_space<vmem_shared>>
        %dma_wait3A_42 = arith.constant 0 : i32
        %dma_wait3A_43 = tpu.memref_slice %arg9[%add3A_36, %dma_wait3A_42] : memref<10000x128xf32, #tpu.memory_space<vmem_shared>> -> memref<25x128xf32, #tpu.memory_space<vmem_shared>>
        tpu.wait_dma2 semaphore(%run_scoped3A : memref<!tpu.dma_semaphore, #tpu.memory_space<semaphore_mem>>) src(%arg8 : memref<25x128xf32, #tpu.memory_space<vmem>>) dst(%dma_wait3A_43 : memref<25x128xf32, #tpu.memory_space<vmem_shared>>)
        tpu.yield
      }) : () -> ()
      %scan3A_37 = arith.constant 0 : i32
      scf.yield %scan3A_37 : i32
    }
    %scan3A_15 = arith.constant 25 : i32
    %barrier3A = arith.constant 0 : index
    tpu.barrier barrier_id(%barrier3A)
    %scan3A_16 = arith.constant 0 : i32
    %scan3A_17 = arith.constant 0 : i32
    %scan3A_18 = arith.constant 2 : i32
    %scan3A_19 = arith.addi %scan3A_17, %scan3A_18 : i32
    %scan3A_20 = arith.constant 1 : i32
    %scan3A_21 = scf.for %scan3A_30 = %scan3A_17 to %scan3A_19 step %scan3A_20 iter_args(%scan3A_31 = %scan3A_16) -> (i32)  : i32 {
      %run_scoped3A = arith.constant 0 : i32
      "tpu.region"() ({
        %run_scoped3A_107 = tpu.sem_alloc : memref<!tpu.dma_semaphore, #tpu.memory_space<semaphore_mem>>
        %dma_start3A_108 = arith.constant 0 : i32
        %dma_start3A_109 = arith.constant 0 : i32
        %dma_start3A_110 = tpu.memref_slice %arg3[%run_scoped3A, %arg1, %scan3A_30, %dma_start3A_108, %dma_start3A_109] : memref<2x16x2x40x125xi32, #tpu.memory_space<hbm>> -> memref<1x1x1x40x125xi32, #tpu.memory_space<hbm>>
        %dma_start3A_111 = tpu.memref_squeeze %dma_start3A_110 : memref<1x1x1x40x125xi32, #tpu.memory_space<hbm>> -> memref<40x125xi32, #tpu.memory_space<hbm>>
        %dma_start3A_112 = arith.constant 0 : i32
        %dma_start3A_113 = arith.constant 0 : i32
        %dma_start3A_114 = tpu.memref_slice %arg3[%run_scoped3A, %arg1, %scan3A_30, %dma_start3A_112, %dma_start3A_113] : memref<2x16x2x40x125xi32, #tpu.memory_space<hbm>> -> memref<1x1x1x40x125xi32, #tpu.memory_space<hbm>>
        %dma_start3A_115 = tpu.memref_squeeze %dma_start3A_114 : memref<1x1x1x40x125xi32, #tpu.memory_space<hbm>> -> memref<40x125xi32, #tpu.memory_space<hbm>>
        tpu.enqueue_dma source(%dma_start3A_115 : memref<40x125xi32, #tpu.memory_space<hbm>>) target(%arg5 : memref<40x125xi32, #tpu.memory_space<vmem>>) target_semaphore(%run_scoped3A_107 : memref<!tpu.dma_semaphore, #tpu.memory_space<semaphore_mem>>)
        %dma_wait3A_116 = arith.constant 0 : i32
        %dma_wait3A_117 = arith.constant 0 : i32
        %dma_wait3A_118 = tpu.memref_slice %arg3[%run_scoped3A, %arg1, %scan3A_30, %dma_wait3A_116, %dma_wait3A_117] : memref<2x16x2x40x125xi32, #tpu.memory_space<hbm>> -> memref<1x1x1x40x125xi32, #tpu.memory_space<hbm>>
        %dma_wait3A_119 = tpu.memref_squeeze %dma_wait3A_118 : memref<1x1x1x40x125xi32, #tpu.memory_space<hbm>> -> memref<40x125xi32, #tpu.memory_space<hbm>>
        %dma_wait3A_120 = arith.constant 0 : i32
        %dma_wait3A_121 = arith.constant 0 : i32
        %dma_wait3A_122 = tpu.memref_slice %arg3[%run_scoped3A, %arg1, %scan3A_30, %dma_wait3A_120, %dma_wait3A_121] : memref<2x16x2x40x125xi32, #tpu.memory_space<hbm>> -> memref<1x1x1x40x125xi32, #tpu.memory_space<hbm>>
        %dma_wait3A_123 = tpu.memref_squeeze %dma_wait3A_122 : memref<1x1x1x40x125xi32, #tpu.memory_space<hbm>> -> memref<40x125xi32, #tpu.memory_space<hbm>>
        tpu.wait_dma2 semaphore(%run_scoped3A_107 : memref<!tpu.dma_semaphore, #tpu.memory_space<semaphore_mem>>) src(%dma_wait3A_123 : memref<40x125xi32, #tpu.memory_space<hbm>>) dst(%arg5 : memref<40x125xi32, #tpu.memory_space<vmem>>)
        tpu.yield
      }) : () -> ()
      %run_scoped3A_32 = arith.constant 1 : i32
      "tpu.region"() ({
        %run_scoped3A_107 = tpu.sem_alloc : memref<!tpu.dma_semaphore, #tpu.memory_space<semaphore_mem>>
        %dma_start3A_108 = arith.constant 0 : i32
        %dma_start3A_109 = arith.constant 0 : i32
        %dma_start3A_110 = tpu.memref_slice %arg3[%run_scoped3A_32, %arg1, %scan3A_30, %dma_start3A_108, %dma_start3A_109] : memref<2x16x2x40x125xi32, #tpu.memory_space<hbm>> -> memref<1x1x1x40x125xi32, #tpu.memory_space<hbm>>
        %dma_start3A_111 = tpu.memref_squeeze %dma_start3A_110 : memref<1x1x1x40x125xi32, #tpu.memory_space<hbm>> -> memref<40x125xi32, #tpu.memory_space<hbm>>
        %dma_start3A_112 = arith.constant 0 : i32
        %dma_start3A_113 = arith.constant 0 : i32
        %dma_start3A_114 = tpu.memref_slice %arg3[%run_scoped3A_32, %arg1, %scan3A_30, %dma_start3A_112, %dma_start3A_113] : memref<2x16x2x40x125xi32, #tpu.memory_space<hbm>> -> memref<1x1x1x40x125xi32, #tpu.memory_space<hbm>>
        %dma_start3A_115 = tpu.memref_squeeze %dma_start3A_114 : memref<1x1x1x40x125xi32, #tpu.memory_space<hbm>> -> memref<40x125xi32, #tpu.memory_space<hbm>>
        tpu.enqueue_dma source(%dma_start3A_115 : memref<40x125xi32, #tpu.memory_space<hbm>>) target(%arg6 : memref<40x125xi32, #tpu.memory_space<vmem>>) target_semaphore(%run_scoped3A_107 : memref<!tpu.dma_semaphore, #tpu.memory_space<semaphore_mem>>)
        %dma_wait3A_116 = arith.constant 0 : i32
        %dma_wait3A_117 = arith.constant 0 : i32
        %dma_wait3A_118 = tpu.memref_slice %arg3[%run_scoped3A_32, %arg1, %scan3A_30, %dma_wait3A_116, %dma_wait3A_117] : memref<2x16x2x40x125xi32, #tpu.memory_space<hbm>> -> memref<1x1x1x40x125xi32, #tpu.memory_space<hbm>>
        %dma_wait3A_119 = tpu.memref_squeeze %dma_wait3A_118 : memref<1x1x1x40x125xi32, #tpu.memory_space<hbm>> -> memref<40x125xi32, #tpu.memory_space<hbm>>
        %dma_wait3A_120 = arith.constant 0 : i32
        %dma_wait3A_121 = arith.constant 0 : i32
        %dma_wait3A_122 = tpu.memref_slice %arg3[%run_scoped3A_32, %arg1, %scan3A_30, %dma_wait3A_120, %dma_wait3A_121] : memref<2x16x2x40x125xi32, #tpu.memory_space<hbm>> -> memref<1x1x1x40x125xi32, #tpu.memory_space<hbm>>
        %dma_wait3A_123 = tpu.memref_squeeze %dma_wait3A_122 : memref<1x1x1x40x125xi32, #tpu.memory_space<hbm>> -> memref<40x125xi32, #tpu.memory_space<hbm>>
        tpu.wait_dma2 semaphore(%run_scoped3A_107 : memref<!tpu.dma_semaphore, #tpu.memory_space<semaphore_mem>>) src(%dma_wait3A_123 : memref<40x125xi32, #tpu.memory_space<hbm>>) dst(%arg6 : memref<40x125xi32, #tpu.memory_space<vmem>>)
        tpu.yield
      }) : () -> ()
      %dma_start3A = arith.constant 0 : i32
      %dma_start3A_33 = arith.constant 0 : i32
      %dma_start3A_34 = arith.constant 0 : i32
      %dma_start3A_35 = arith.constant 0 : i32
      %dma_start3A_36 = tpu.memref_slice %arg7[%dma_start3A_33, %dma_start3A_34, %dma_start3A_35] : memref<2x125x128xf32, #tpu.memory_space<vmem>> -> memref<1x125x128xf32, #tpu.memory_space<vmem>>
      %dma_start3A_37 = tpu.memref_squeeze %dma_start3A_36 : memref<1x125x128xf32, #tpu.memory_space<vmem>> -> memref<125x128xf32, #tpu.memory_space<vmem>>
      %dma_start3A_38 = arith.constant 0 : i32
      %dma_start3A_39 = tpu.memref_slice %arg5[%dma_start3A, %dma_start3A_38] : memref<40x125xi32, #tpu.memory_space<vmem>> -> memref<1x125xi32, #tpu.memory_space<vmem>>
      %dma_start3A_40 = tpu.memref_squeeze %dma_start3A_39 : memref<1x125xi32, #tpu.memory_space<vmem>> -> memref<125xi32, #tpu.memory_space<vmem>>
      %dma_start3A_41 = arith.constant 0 : i32
      %dma_start3A_42 = arith.constant 0 : i32
      %dma_start3A_43 = tpu.memref_slice %arg2[%add3A_8, %dma_start3A_41, %dma_start3A_42] : memref<2x10000x128xf32, #tpu.memory_space<hbm>> -> memref<1x10000x128xf32, #tpu.memory_space<hbm>>
      %dma_start3A_44 = tpu.memref_squeeze %dma_start3A_43 : memref<1x10000x128xf32, #tpu.memory_space<hbm>> -> memref<10000x128xf32, #tpu.memory_space<hbm>>
      %dma_start3A_45 = arith.constant 0 : i32
      %dma_start3A_46 = arith.constant 0 : i32
      %dma_start3A_47 = tpu.memref_slice %dma_start3A_44[%dma_start3A_45, %dma_start3A_46] : memref<10000x128xf32, #tpu.memory_space<hbm>> -> memref<10000x128xf32, #tpu.memory_space<hbm>>
      tpu.enqueue_indirect_dma source(%dma_start3A_47 : memref<10000x128xf32, #tpu.memory_space<hbm>>) target(%dma_start3A_37 : memref<125x128xf32, #tpu.memory_space<vmem>>) offsets(%dma_start3A_40 : memref<125xi32, #tpu.memory_space<vmem>>) semaphore(%arg10 : memref<!tpu.dma_semaphore, #tpu.memory_space<semaphore_mem>>)
      %scan3A_48 = arith.constant 0 : i32
      %scan3A_49 = arith.constant 0 : i32
      %scan3A_50 = arith.constant 19 : i32
      %scan3A_51 = arith.addi %scan3A_49, %scan3A_50 : i32
      %scan3A_52 = arith.constant 1 : i32
      %scan3A_53 = scf.for %scan3A_107 = %scan3A_49 to %scan3A_51 step %scan3A_52 iter_args(%scan3A_108 = %scan3A_48) -> (i32)  : i32 {
        %mul3A_109 = arith.constant 2 : i32
        %mul3A_110 = arith.muli %mul3A_109, %scan3A_107 : i32
        %add3A_111 = arith.constant 1 : i32
        %add3A_112 = arith.addi %mul3A_110, %add3A_111 : i32
        %dma_start3A_113 = arith.constant 1 : i32
        %dma_start3A_114 = arith.constant 0 : i32
        %dma_start3A_115 = arith.constant 0 : i32
        %dma_start3A_116 = tpu.memref_slice %arg7[%dma_start3A_113, %dma_start3A_114, %dma_start3A_115] : memref<2x125x128xf32, #tpu.memory_space<vmem>> -> memref<1x125x128xf32, #tpu.memory_space<vmem>>
        %dma_start3A_117 = tpu.memref_squeeze %dma_start3A_116 : memref<1x125x128xf32, #tpu.memory_space<vmem>> -> memref<125x128xf32, #tpu.memory_space<vmem>>
        %dma_start3A_118 = arith.constant 0 : i32
        %dma_start3A_119 = tpu.memref_slice %arg5[%add3A_112, %dma_start3A_118] : memref<40x125xi32, #tpu.memory_space<vmem>> -> memref<1x125xi32, #tpu.memory_space<vmem>>
        %dma_start3A_120 = tpu.memref_squeeze %dma_start3A_119 : memref<1x125xi32, #tpu.memory_space<vmem>> -> memref<125xi32, #tpu.memory_space<vmem>>
        %dma_start3A_121 = arith.constant 0 : i32
        %dma_start3A_122 = arith.constant 0 : i32
        %dma_start3A_123 = tpu.memref_slice %arg2[%add3A_8, %dma_start3A_121, %dma_start3A_122] : memref<2x10000x128xf32, #tpu.memory_space<hbm>> -> memref<1x10000x128xf32, #tpu.memory_space<hbm>>
        %dma_start3A_124 = tpu.memref_squeeze %dma_start3A_123 : memref<1x10000x128xf32, #tpu.memory_space<hbm>> -> memref<10000x128xf32, #tpu.memory_space<hbm>>
        %dma_start3A_125 = arith.constant 0 : i32
        %dma_start3A_126 = arith.constant 0 : i32
        %dma_start3A_127 = tpu.memref_slice %dma_start3A_124[%dma_start3A_125, %dma_start3A_126] : memref<10000x128xf32, #tpu.memory_space<hbm>> -> memref<10000x128xf32, #tpu.memory_space<hbm>>
        tpu.enqueue_indirect_dma source(%dma_start3A_127 : memref<10000x128xf32, #tpu.memory_space<hbm>>) target(%dma_start3A_117 : memref<125x128xf32, #tpu.memory_space<vmem>>) offsets(%dma_start3A_120 : memref<125xi32, #tpu.memory_space<vmem>>) semaphore(%arg11 : memref<!tpu.dma_semaphore, #tpu.memory_space<semaphore_mem>>)
        %dma_wait3A_128 = arith.constant 0 : i32
        %dma_wait3A_129 = arith.constant 0 : i32
        %dma_wait3A_130 = arith.constant 0 : i32
        %dma_wait3A_131 = tpu.memref_slice %arg7[%dma_wait3A_128, %dma_wait3A_129, %dma_wait3A_130] : memref<2x125x128xf32, #tpu.memory_space<vmem>> -> memref<1x125x128xf32, #tpu.memory_space<vmem>>
        %dma_wait3A_132 = tpu.memref_squeeze %dma_wait3A_131 : memref<1x125x128xf32, #tpu.memory_space<vmem>> -> memref<125x128xf32, #tpu.memory_space<vmem>>
        %dma_wait3A_133 = arith.constant 0 : i32
        %dma_wait3A_134 = tpu.memref_slice %arg5[%mul3A_110, %dma_wait3A_133] : memref<40x125xi32, #tpu.memory_space<vmem>> -> memref<1x125xi32, #tpu.memory_space<vmem>>
        %dma_wait3A_135 = tpu.memref_squeeze %dma_wait3A_134 : memref<1x125xi32, #tpu.memory_space<vmem>> -> memref<125xi32, #tpu.memory_space<vmem>>
        %dma_wait3A_136 = arith.constant 0 : i32
        %dma_wait3A_137 = arith.constant 0 : i32
        %dma_wait3A_138 = tpu.memref_slice %arg2[%add3A_8, %dma_wait3A_136, %dma_wait3A_137] : memref<2x10000x128xf32, #tpu.memory_space<hbm>> -> memref<1x10000x128xf32, #tpu.memory_space<hbm>>
        %dma_wait3A_139 = tpu.memref_squeeze %dma_wait3A_138 : memref<1x10000x128xf32, #tpu.memory_space<hbm>> -> memref<10000x128xf32, #tpu.memory_space<hbm>>
        %dma_wait3A_140 = arith.constant 0 : i32
        %dma_wait3A_141 = arith.constant 0 : i32
        %dma_wait3A_142 = tpu.memref_slice %dma_wait3A_139[%dma_wait3A_140, %dma_wait3A_141] : memref<10000x128xf32, #tpu.memory_space<hbm>> -> memref<10000x128xf32, #tpu.memory_space<hbm>>
        tpu.wait_indirect_dma semaphore(%arg10 : memref<!tpu.dma_semaphore, #tpu.memory_space<semaphore_mem>>) src(%dma_wait3A_142 : memref<10000x128xf32, #tpu.memory_space<hbm>>) dst(%dma_wait3A_132 : memref<125x128xf32, #tpu.memory_space<vmem>>)
        %run_scoped3A_143 = arith.constant 0 : i32
        "tpu.region"() ({
          %run_scoped3A_182 = tpu.sem_alloc : memref<!tpu.dma_semaphore, #tpu.memory_space<semaphore_mem>>
          %dma_start3A_183 = arith.constant 0 : i32
          %dma_start3A_184 = arith.constant 0 : i32
          %dma_start3A_185 = tpu.memref_slice %arg7[%run_scoped3A_143, %dma_start3A_183, %dma_start3A_184] : memref<2x125x128xf32, #tpu.memory_space<vmem>> -> memref<1x125x128xf32, #tpu.memory_space<vmem>>
          %dma_start3A_186 = tpu.memref_squeeze %dma_start3A_185 : memref<1x125x128xf32, #tpu.memory_space<vmem>> -> memref<125x128xf32, #tpu.memory_space<vmem>>
          %dma_start3A_187 = arith.constant 0 : i32
          %dma_start3A_188 = tpu.memref_slice %arg6[%mul3A_110, %dma_start3A_187] : memref<40x125xi32, #tpu.memory_space<vmem>> -> memref<1x125xi32, #tpu.memory_space<vmem>>
          %dma_start3A_189 = tpu.memref_squeeze %dma_start3A_188 : memref<1x125xi32, #tpu.memory_space<vmem>> -> memref<125xi32, #tpu.memory_space<vmem>>
          %dma_start3A_190 = arith.constant 0 : i32
          %dma_start3A_191 = arith.constant 0 : i32
          %dma_start3A_192 = tpu.memref_slice %arg9[%dma_start3A_190, %dma_start3A_191] : memref<10000x128xf32, #tpu.memory_space<vmem_shared>> -> memref<10000x128xf32, #tpu.memory_space<vmem_shared>>
          tpu.enqueue_indirect_dma source(%dma_start3A_186 : memref<125x128xf32, #tpu.memory_space<vmem>>) target(%dma_start3A_192 : memref<10000x128xf32, #tpu.memory_space<vmem_shared>>) offsets(%dma_start3A_189 : memref<125xi32, #tpu.memory_space<vmem>>) semaphore(%run_scoped3A_182 : memref<!tpu.dma_semaphore, #tpu.memory_space<semaphore_mem>>) {add = true}
          %dma_wait3A_193 = arith.constant 0 : i32
          %dma_wait3A_194 = arith.constant 0 : i32
          %dma_wait3A_195 = tpu.memref_slice %arg7[%run_scoped3A_143, %dma_wait3A_193, %dma_wait3A_194] : memref<2x125x128xf32, #tpu.memory_space<vmem>> -> memref<1x125x128xf32, #tpu.memory_space<vmem>>
          %dma_wait3A_196 = tpu.memref_squeeze %dma_wait3A_195 : memref<1x125x128xf32, #tpu.memory_space<vmem>> -> memref<125x128xf32, #tpu.memory_space<vmem>>
          %dma_wait3A_197 = arith.constant 0 : i32
          %dma_wait3A_198 = tpu.memref_slice %arg6[%mul3A_110, %dma_wait3A_197] : memref<40x125xi32, #tpu.memory_space<vmem>> -> memref<1x125xi32, #tpu.memory_space<vmem>>
          %dma_wait3A_199 = tpu.memref_squeeze %dma_wait3A_198 : memref<1x125xi32, #tpu.memory_space<vmem>> -> memref<125xi32, #tpu.memory_space<vmem>>
          %dma_wait3A_200 = arith.constant 0 : i32
          %dma_wait3A_201 = arith.constant 0 : i32
          %dma_wait3A_202 = tpu.memref_slice %arg9[%dma_wait3A_200, %dma_wait3A_201] : memref<10000x128xf32, #tpu.memory_space<vmem_shared>> -> memref<10000x128xf32, #tpu.memory_space<vmem_shared>>
          tpu.wait_indirect_dma semaphore(%run_scoped3A_182 : memref<!tpu.dma_semaphore, #tpu.memory_space<semaphore_mem>>) src(%dma_wait3A_196 : memref<125x128xf32, #tpu.memory_space<vmem>>) dst(%dma_wait3A_202 : memref<10000x128xf32, #tpu.memory_space<vmem_shared>>)
          tpu.yield
        }) : () -> ()
        %add3A_144 = arith.constant 2 : i32
        %add3A_145 = arith.addi %mul3A_110, %add3A_144 : i32
        %dma_start3A_146 = arith.constant 0 : i32
        %dma_start3A_147 = arith.constant 0 : i32
        %dma_start3A_148 = arith.constant 0 : i32
        %dma_start3A_149 = tpu.memref_slice %arg7[%dma_start3A_146, %dma_start3A_147, %dma_start3A_148] : memref<2x125x128xf32, #tpu.memory_space<vmem>> -> memref<1x125x128xf32, #tpu.memory_space<vmem>>
        %dma_start3A_150 = tpu.memref_squeeze %dma_start3A_149 : memref<1x125x128xf32, #tpu.memory_space<vmem>> -> memref<125x128xf32, #tpu.memory_space<vmem>>
        %dma_start3A_151 = arith.constant 0 : i32
        %dma_start3A_152 = tpu.memref_slice %arg5[%add3A_145, %dma_start3A_151] : memref<40x125xi32, #tpu.memory_space<vmem>> -> memref<1x125xi32, #tpu.memory_space<vmem>>
        %dma_start3A_153 = tpu.memref_squeeze %dma_start3A_152 : memref<1x125xi32, #tpu.memory_space<vmem>> -> memref<125xi32, #tpu.memory_space<vmem>>
        %dma_start3A_154 = arith.constant 0 : i32
        %dma_start3A_155 = arith.constant 0 : i32
        %dma_start3A_156 = tpu.memref_slice %arg2[%add3A_8, %dma_start3A_154, %dma_start3A_155] : memref<2x10000x128xf32, #tpu.memory_space<hbm>> -> memref<1x10000x128xf32, #tpu.memory_space<hbm>>
        %dma_start3A_157 = tpu.memref_squeeze %dma_start3A_156 : memref<1x10000x128xf32, #tpu.memory_space<hbm>> -> memref<10000x128xf32, #tpu.memory_space<hbm>>
        %dma_start3A_158 = arith.constant 0 : i32
        %dma_start3A_159 = arith.constant 0 : i32
        %dma_start3A_160 = tpu.memref_slice %dma_start3A_157[%dma_start3A_158, %dma_start3A_159] : memref<10000x128xf32, #tpu.memory_space<hbm>> -> memref<10000x128xf32, #tpu.memory_space<hbm>>
        tpu.enqueue_indirect_dma source(%dma_start3A_160 : memref<10000x128xf32, #tpu.memory_space<hbm>>) target(%dma_start3A_150 : memref<125x128xf32, #tpu.memory_space<vmem>>) offsets(%dma_start3A_153 : memref<125xi32, #tpu.memory_space<vmem>>) semaphore(%arg10 : memref<!tpu.dma_semaphore, #tpu.memory_space<semaphore_mem>>)
        %add3A_161 = arith.constant 1 : i32
        %add3A_162 = arith.addi %mul3A_110, %add3A_161 : i32
        %dma_wait3A_163 = arith.constant 1 : i32
        %dma_wait3A_164 = arith.constant 0 : i32
        %dma_wait3A_165 = arith.constant 0 : i32
        %dma_wait3A_166 = tpu.memref_slice %arg7[%dma_wait3A_163, %dma_wait3A_164, %dma_wait3A_165] : memref<2x125x128xf32, #tpu.memory_space<vmem>> -> memref<1x125x128xf32, #tpu.memory_space<vmem>>
        %dma_wait3A_167 = tpu.memref_squeeze %dma_wait3A_166 : memref<1x125x128xf32, #tpu.memory_space<vmem>> -> memref<125x128xf32, #tpu.memory_space<vmem>>
        %dma_wait3A_168 = arith.constant 0 : i32
        %dma_wait3A_169 = tpu.memref_slice %arg5[%add3A_162, %dma_wait3A_168] : memref<40x125xi32, #tpu.memory_space<vmem>> -> memref<1x125xi32, #tpu.memory_space<vmem>>
        %dma_wait3A_170 = tpu.memref_squeeze %dma_wait3A_169 : memref<1x125xi32, #tpu.memory_space<vmem>> -> memref<125xi32, #tpu.memory_space<vmem>>
        %dma_wait3A_171 = arith.constant 0 : i32
        %dma_wait3A_172 = arith.constant 0 : i32
        %dma_wait3A_173 = tpu.memref_slice %arg2[%add3A_8, %dma_wait3A_171, %dma_wait3A_172] : memref<2x10000x128xf32, #tpu.memory_space<hbm>> -> memref<1x10000x128xf32, #tpu.memory_space<hbm>>
        %dma_wait3A_174 = tpu.memref_squeeze %dma_wait3A_173 : memref<1x10000x128xf32, #tpu.memory_space<hbm>> -> memref<10000x128xf32, #tpu.memory_space<hbm>>
        %dma_wait3A_175 = arith.constant 0 : i32
        %dma_wait3A_176 = arith.constant 0 : i32
        %dma_wait3A_177 = tpu.memref_slice %dma_wait3A_174[%dma_wait3A_175, %dma_wait3A_176] : memref<10000x128xf32, #tpu.memory_space<hbm>> -> memref<10000x128xf32, #tpu.memory_space<hbm>>
        tpu.wait_indirect_dma semaphore(%arg11 : memref<!tpu.dma_semaphore, #tpu.memory_space<semaphore_mem>>) src(%dma_wait3A_177 : memref<10000x128xf32, #tpu.memory_space<hbm>>) dst(%dma_wait3A_167 : memref<125x128xf32, #tpu.memory_space<vmem>>)
        %add3A_178 = arith.constant 1 : i32
        %add3A_179 = arith.addi %mul3A_110, %add3A_178 : i32
        %run_scoped3A_180 = arith.constant 1 : i32
        "tpu.region"() ({
          %run_scoped3A_182 = tpu.sem_alloc : memref<!tpu.dma_semaphore, #tpu.memory_space<semaphore_mem>>
          %dma_start3A_183 = arith.constant 0 : i32
          %dma_start3A_184 = arith.constant 0 : i32
          %dma_start3A_185 = tpu.memref_slice %arg7[%run_scoped3A_180, %dma_start3A_183, %dma_start3A_184] : memref<2x125x128xf32, #tpu.memory_space<vmem>> -> memref<1x125x128xf32, #tpu.memory_space<vmem>>
          %dma_start3A_186 = tpu.memref_squeeze %dma_start3A_185 : memref<1x125x128xf32, #tpu.memory_space<vmem>> -> memref<125x128xf32, #tpu.memory_space<vmem>>
          %dma_start3A_187 = arith.constant 0 : i32
          %dma_start3A_188 = tpu.memref_slice %arg6[%add3A_179, %dma_start3A_187] : memref<40x125xi32, #tpu.memory_space<vmem>> -> memref<1x125xi32, #tpu.memory_space<vmem>>
          %dma_start3A_189 = tpu.memref_squeeze %dma_start3A_188 : memref<1x125xi32, #tpu.memory_space<vmem>> -> memref<125xi32, #tpu.memory_space<vmem>>
          %dma_start3A_190 = arith.constant 0 : i32
          %dma_start3A_191 = arith.constant 0 : i32
          %dma_start3A_192 = tpu.memref_slice %arg9[%dma_start3A_190, %dma_start3A_191] : memref<10000x128xf32, #tpu.memory_space<vmem_shared>> -> memref<10000x128xf32, #tpu.memory_space<vmem_shared>>
          tpu.enqueue_indirect_dma source(%dma_start3A_186 : memref<125x128xf32, #tpu.memory_space<vmem>>) target(%dma_start3A_192 : memref<10000x128xf32, #tpu.memory_space<vmem_shared>>) offsets(%dma_start3A_189 : memref<125xi32, #tpu.memory_space<vmem>>) semaphore(%run_scoped3A_182 : memref<!tpu.dma_semaphore, #tpu.memory_space<semaphore_mem>>) {add = true}
          %dma_wait3A_193 = arith.constant 0 : i32
          %dma_wait3A_194 = arith.constant 0 : i32
          %dma_wait3A_195 = tpu.memref_slice %arg7[%run_scoped3A_180, %dma_wait3A_193, %dma_wait3A_194] : memref<2x125x128xf32, #tpu.memory_space<vmem>> -> memref<1x125x128xf32, #tpu.memory_space<vmem>>
          %dma_wait3A_196 = tpu.memref_squeeze %dma_wait3A_195 : memref<1x125x128xf32, #tpu.memory_space<vmem>> -> memref<125x128xf32, #tpu.memory_space<vmem>>
          %dma_wait3A_197 = arith.constant 0 : i32
          %dma_wait3A_198 = tpu.memref_slice %arg6[%add3A_179, %dma_wait3A_197] : memref<40x125xi32, #tpu.memory_space<vmem>> -> memref<1x125xi32, #tpu.memory_space<vmem>>
          %dma_wait3A_199 = tpu.memref_squeeze %dma_wait3A_198 : memref<1x125xi32, #tpu.memory_space<vmem>> -> memref<125xi32, #tpu.memory_space<vmem>>
          %dma_wait3A_200 = arith.constant 0 : i32
          %dma_wait3A_201 = arith.constant 0 : i32
          %dma_wait3A_202 = tpu.memref_slice %arg9[%dma_wait3A_200, %dma_wait3A_201] : memref<10000x128xf32, #tpu.memory_space<vmem_shared>> -> memref<10000x128xf32, #tpu.memory_space<vmem_shared>>
          tpu.wait_indirect_dma semaphore(%run_scoped3A_182 : memref<!tpu.dma_semaphore, #tpu.memory_space<semaphore_mem>>) src(%dma_wait3A_196 : memref<125x128xf32, #tpu.memory_space<vmem>>) dst(%dma_wait3A_202 : memref<10000x128xf32, #tpu.memory_space<vmem_shared>>)
          tpu.yield
        }) : () -> ()
        %scan3A_181 = arith.constant 0 : i32
        scf.yield %scan3A_181 : i32
      }
      %scan3A_54 = arith.constant 19 : i32
      %dma_start3A_55 = arith.constant 39 : i32
      %dma_start3A_56 = arith.constant 1 : i32
      %dma_start3A_57 = arith.constant 0 : i32
      %dma_start3A_58 = arith.constant 0 : i32
      %dma_start3A_59 = tpu.memref_slice %arg7[%dma_start3A_56, %dma_start3A_57, %dma_start3A_58] : memref<2x125x128xf32, #tpu.memory_space<vmem>> -> memref<1x125x128xf32, #tpu.memory_space<vmem>>
      %dma_start3A_60 = tpu.memref_squeeze %dma_start3A_59 : memref<1x125x128xf32, #tpu.memory_space<vmem>> -> memref<125x128xf32, #tpu.memory_space<vmem>>
      %dma_start3A_61 = arith.constant 0 : i32
      %dma_start3A_62 = tpu.memref_slice %arg5[%dma_start3A_55, %dma_start3A_61] : memref<40x125xi32, #tpu.memory_space<vmem>> -> memref<1x125xi32, #tpu.memory_space<vmem>>
      %dma_start3A_63 = tpu.memref_squeeze %dma_start3A_62 : memref<1x125xi32, #tpu.memory_space<vmem>> -> memref<125xi32, #tpu.memory_space<vmem>>
      %dma_start3A_64 = arith.constant 0 : i32
      %dma_start3A_65 = arith.constant 0 : i32
      %dma_start3A_66 = tpu.memref_slice %arg2[%add3A_8, %dma_start3A_64, %dma_start3A_65] : memref<2x10000x128xf32, #tpu.memory_space<hbm>> -> memref<1x10000x128xf32, #tpu.memory_space<hbm>>
      %dma_start3A_67 = tpu.memref_squeeze %dma_start3A_66 : memref<1x10000x128xf32, #tpu.memory_space<hbm>> -> memref<10000x128xf32, #tpu.memory_space<hbm>>
      %dma_start3A_68 = arith.constant 0 : i32
      %dma_start3A_69 = arith.constant 0 : i32
      %dma_start3A_70 = tpu.memref_slice %dma_start3A_67[%dma_start3A_68, %dma_start3A_69] : memref<10000x128xf32, #tpu.memory_space<hbm>> -> memref<10000x128xf32, #tpu.memory_space<hbm>>
      tpu.enqueue_indirect_dma source(%dma_start3A_70 : memref<10000x128xf32, #tpu.memory_space<hbm>>) target(%dma_start3A_60 : memref<125x128xf32, #tpu.memory_space<vmem>>) offsets(%dma_start3A_63 : memref<125xi32, #tpu.memory_space<vmem>>) semaphore(%arg11 : memref<!tpu.dma_semaphore, #tpu.memory_space<semaphore_mem>>)
      %dma_wait3A = arith.constant 38 : i32
      %dma_wait3A_71 = arith.constant 0 : i32
      %dma_wait3A_72 = arith.constant 0 : i32
      %dma_wait3A_73 = arith.constant 0 : i32
      %dma_wait3A_74 = tpu.memref_slice %arg7[%dma_wait3A_71, %dma_wait3A_72, %dma_wait3A_73] : memref<2x125x128xf32, #tpu.memory_space<vmem>> -> memref<1x125x128xf32, #tpu.memory_space<vmem>>
      %dma_wait3A_75 = tpu.memref_squeeze %dma_wait3A_74 : memref<1x125x128xf32, #tpu.memory_space<vmem>> -> memref<125x128xf32, #tpu.memory_space<vmem>>
      %dma_wait3A_76 = arith.constant 0 : i32
      %dma_wait3A_77 = tpu.memref_slice %arg5[%dma_wait3A, %dma_wait3A_76] : memref<40x125xi32, #tpu.memory_space<vmem>> -> memref<1x125xi32, #tpu.memory_space<vmem>>
      %dma_wait3A_78 = tpu.memref_squeeze %dma_wait3A_77 : memref<1x125xi32, #tpu.memory_space<vmem>> -> memref<125xi32, #tpu.memory_space<vmem>>
      %dma_wait3A_79 = arith.constant 0 : i32
      %dma_wait3A_80 = arith.constant 0 : i32
      %dma_wait3A_81 = tpu.memref_slice %arg2[%add3A_8, %dma_wait3A_79, %dma_wait3A_80] : memref<2x10000x128xf32, #tpu.memory_space<hbm>> -> memref<1x10000x128xf32, #tpu.memory_space<hbm>>
      %dma_wait3A_82 = tpu.memref_squeeze %dma_wait3A_81 : memref<1x10000x128xf32, #tpu.memory_space<hbm>> -> memref<10000x128xf32, #tpu.memory_space<hbm>>
      %dma_wait3A_83 = arith.constant 0 : i32
      %dma_wait3A_84 = arith.constant 0 : i32
      %dma_wait3A_85 = tpu.memref_slice %dma_wait3A_82[%dma_wait3A_83, %dma_wait3A_84] : memref<10000x128xf32, #tpu.memory_space<hbm>> -> memref<10000x128xf32, #tpu.memory_space<hbm>>
      tpu.wait_indirect_dma semaphore(%arg10 : memref<!tpu.dma_semaphore, #tpu.memory_space<semaphore_mem>>) src(%dma_wait3A_85 : memref<10000x128xf32, #tpu.memory_space<hbm>>) dst(%dma_wait3A_75 : memref<125x128xf32, #tpu.memory_space<vmem>>)
      %run_scoped3A_86 = arith.constant 0 : i32
      %run_scoped3A_87 = arith.constant 38 : i32
      "tpu.region"() ({
        %run_scoped3A_107 = tpu.sem_alloc : memref<!tpu.dma_semaphore, #tpu.memory_space<semaphore_mem>>
        %dma_start3A_108 = arith.constant 0 : i32
        %dma_start3A_109 = arith.constant 0 : i32
        %dma_start3A_110 = tpu.memref_slice %arg7[%run_scoped3A_86, %dma_start3A_108, %dma_start3A_109] : memref<2x125x128xf32, #tpu.memory_space<vmem>> -> memref<1x125x128xf32, #tpu.memory_space<vmem>>
        %dma_start3A_111 = tpu.memref_squeeze %dma_start3A_110 : memref<1x125x128xf32, #tpu.memory_space<vmem>> -> memref<125x128xf32, #tpu.memory_space<vmem>>
        %dma_start3A_112 = arith.constant 0 : i32
        %dma_start3A_113 = tpu.memref_slice %arg6[%run_scoped3A_87, %dma_start3A_112] : memref<40x125xi32, #tpu.memory_space<vmem>> -> memref<1x125xi32, #tpu.memory_space<vmem>>
        %dma_start3A_114 = tpu.memref_squeeze %dma_start3A_113 : memref<1x125xi32, #tpu.memory_space<vmem>> -> memref<125xi32, #tpu.memory_space<vmem>>
        %dma_start3A_115 = arith.constant 0 : i32
        %dma_start3A_116 = arith.constant 0 : i32
        %dma_start3A_117 = tpu.memref_slice %arg9[%dma_start3A_115, %dma_start3A_116] : memref<10000x128xf32, #tpu.memory_space<vmem_shared>> -> memref<10000x128xf32, #tpu.memory_space<vmem_shared>>
        tpu.enqueue_indirect_dma source(%dma_start3A_111 : memref<125x128xf32, #tpu.memory_space<vmem>>) target(%dma_start3A_117 : memref<10000x128xf32, #tpu.memory_space<vmem_shared>>) offsets(%dma_start3A_114 : memref<125xi32, #tpu.memory_space<vmem>>) semaphore(%run_scoped3A_107 : memref<!tpu.dma_semaphore, #tpu.memory_space<semaphore_mem>>) {add = true}
        %dma_wait3A_118 = arith.constant 0 : i32
        %dma_wait3A_119 = arith.constant 0 : i32
        %dma_wait3A_120 = tpu.memref_slice %arg7[%run_scoped3A_86, %dma_wait3A_118, %dma_wait3A_119] : memref<2x125x128xf32, #tpu.memory_space<vmem>> -> memref<1x125x128xf32, #tpu.memory_space<vmem>>
        %dma_wait3A_121 = tpu.memref_squeeze %dma_wait3A_120 : memref<1x125x128xf32, #tpu.memory_space<vmem>> -> memref<125x128xf32, #tpu.memory_space<vmem>>
        %dma_wait3A_122 = arith.constant 0 : i32
        %dma_wait3A_123 = tpu.memref_slice %arg6[%run_scoped3A_87, %dma_wait3A_122] : memref<40x125xi32, #tpu.memory_space<vmem>> -> memref<1x125xi32, #tpu.memory_space<vmem>>
        %dma_wait3A_124 = tpu.memref_squeeze %dma_wait3A_123 : memref<1x125xi32, #tpu.memory_space<vmem>> -> memref<125xi32, #tpu.memory_space<vmem>>
        %dma_wait3A_125 = arith.constant 0 : i32
        %dma_wait3A_126 = arith.constant 0 : i32
        %dma_wait3A_127 = tpu.memref_slice %arg9[%dma_wait3A_125, %dma_wait3A_126] : memref<10000x128xf32, #tpu.memory_space<vmem_shared>> -> memref<10000x128xf32, #tpu.memory_space<vmem_shared>>
        tpu.wait_indirect_dma semaphore(%run_scoped3A_107 : memref<!tpu.dma_semaphore, #tpu.memory_space<semaphore_mem>>) src(%dma_wait3A_121 : memref<125x128xf32, #tpu.memory_space<vmem>>) dst(%dma_wait3A_127 : memref<10000x128xf32, #tpu.memory_space<vmem_shared>>)
        tpu.yield
      }) : () -> ()
      %dma_wait3A_88 = arith.constant 39 : i32
      %dma_wait3A_89 = arith.constant 1 : i32
      %dma_wait3A_90 = arith.constant 0 : i32
      %dma_wait3A_91 = arith.constant 0 : i32
      %dma_wait3A_92 = tpu.memref_slice %arg7[%dma_wait3A_89, %dma_wait3A_90, %dma_wait3A_91] : memref<2x125x128xf32, #tpu.memory_space<vmem>> -> memref<1x125x128xf32, #tpu.memory_space<vmem>>
      %dma_wait3A_93 = tpu.memref_squeeze %dma_wait3A_92 : memref<1x125x128xf32, #tpu.memory_space<vmem>> -> memref<125x128xf32, #tpu.memory_space<vmem>>
      %dma_wait3A_94 = arith.constant 0 : i32
      %dma_wait3A_95 = tpu.memref_slice %arg5[%dma_wait3A_88, %dma_wait3A_94] : memref<40x125xi32, #tpu.memory_space<vmem>> -> memref<1x125xi32, #tpu.memory_space<vmem>>
      %dma_wait3A_96 = tpu.memref_squeeze %dma_wait3A_95 : memref<1x125xi32, #tpu.memory_space<vmem>> -> memref<125xi32, #tpu.memory_space<vmem>>
      %dma_wait3A_97 = arith.constant 0 : i32
      %dma_wait3A_98 = arith.constant 0 : i32
      %dma_wait3A_99 = tpu.memref_slice %arg2[%add3A_8, %dma_wait3A_97, %dma_wait3A_98] : memref<2x10000x128xf32, #tpu.memory_space<hbm>> -> memref<1x10000x128xf32, #tpu.memory_space<hbm>>
      %dma_wait3A_100 = tpu.memref_squeeze %dma_wait3A_99 : memref<1x10000x128xf32, #tpu.memory_space<hbm>> -> memref<10000x128xf32, #tpu.memory_space<hbm>>
      %dma_wait3A_101 = arith.constant 0 : i32
      %dma_wait3A_102 = arith.constant 0 : i32
      %dma_wait3A_103 = tpu.memref_slice %dma_wait3A_100[%dma_wait3A_101, %dma_wait3A_102] : memref<10000x128xf32, #tpu.memory_space<hbm>> -> memref<10000x128xf32, #tpu.memory_space<hbm>>
      tpu.wait_indirect_dma semaphore(%arg11 : memref<!tpu.dma_semaphore, #tpu.memory_space<semaphore_mem>>) src(%dma_wait3A_103 : memref<10000x128xf32, #tpu.memory_space<hbm>>) dst(%dma_wait3A_93 : memref<125x128xf32, #tpu.memory_space<vmem>>)
      %run_scoped3A_104 = arith.constant 1 : i32
      %run_scoped3A_105 = arith.constant 39 : i32
      "tpu.region"() ({
        %run_scoped3A_107 = tpu.sem_alloc : memref<!tpu.dma_semaphore, #tpu.memory_space<semaphore_mem>>
        %dma_start3A_108 = arith.constant 0 : i32
        %dma_start3A_109 = arith.constant 0 : i32
        %dma_start3A_110 = tpu.memref_slice %arg7[%run_scoped3A_104, %dma_start3A_108, %dma_start3A_109] : memref<2x125x128xf32, #tpu.memory_space<vmem>> -> memref<1x125x128xf32, #tpu.memory_space<vmem>>
        %dma_start3A_111 = tpu.memref_squeeze %dma_start3A_110 : memref<1x125x128xf32, #tpu.memory_space<vmem>> -> memref<125x128xf32, #tpu.memory_space<vmem>>
        %dma_start3A_112 = arith.constant 0 : i32
        %dma_start3A_113 = tpu.memref_slice %arg6[%run_scoped3A_105, %dma_start3A_112] : memref<40x125xi32, #tpu.memory_space<vmem>> -> memref<1x125xi32, #tpu.memory_space<vmem>>
        %dma_start3A_114 = tpu.memref_squeeze %dma_start3A_113 : memref<1x125xi32, #tpu.memory_space<vmem>> -> memref<125xi32, #tpu.memory_space<vmem>>
        %dma_start3A_115 = arith.constant 0 : i32
        %dma_start3A_116 = arith.constant 0 : i32
        %dma_start3A_117 = tpu.memref_slice %arg9[%dma_start3A_115, %dma_start3A_116] : memref<10000x128xf32, #tpu.memory_space<vmem_shared>> -> memref<10000x128xf32, #tpu.memory_space<vmem_shared>>
        tpu.enqueue_indirect_dma source(%dma_start3A_111 : memref<125x128xf32, #tpu.memory_space<vmem>>) target(%dma_start3A_117 : memref<10000x128xf32, #tpu.memory_space<vmem_shared>>) offsets(%dma_start3A_114 : memref<125xi32, #tpu.memory_space<vmem>>) semaphore(%run_scoped3A_107 : memref<!tpu.dma_semaphore, #tpu.memory_space<semaphore_mem>>) {add = true}
        %dma_wait3A_118 = arith.constant 0 : i32
        %dma_wait3A_119 = arith.constant 0 : i32
        %dma_wait3A_120 = tpu.memref_slice %arg7[%run_scoped3A_104, %dma_wait3A_118, %dma_wait3A_119] : memref<2x125x128xf32, #tpu.memory_space<vmem>> -> memref<1x125x128xf32, #tpu.memory_space<vmem>>
        %dma_wait3A_121 = tpu.memref_squeeze %dma_wait3A_120 : memref<1x125x128xf32, #tpu.memory_space<vmem>> -> memref<125x128xf32, #tpu.memory_space<vmem>>
        %dma_wait3A_122 = arith.constant 0 : i32
        %dma_wait3A_123 = tpu.memref_slice %arg6[%run_scoped3A_105, %dma_wait3A_122] : memref<40x125xi32, #tpu.memory_space<vmem>> -> memref<1x125xi32, #tpu.memory_space<vmem>>
        %dma_wait3A_124 = tpu.memref_squeeze %dma_wait3A_123 : memref<1x125xi32, #tpu.memory_space<vmem>> -> memref<125xi32, #tpu.memory_space<vmem>>
        %dma_wait3A_125 = arith.constant 0 : i32
        %dma_wait3A_126 = arith.constant 0 : i32
        %dma_wait3A_127 = tpu.memref_slice %arg9[%dma_wait3A_125, %dma_wait3A_126] : memref<10000x128xf32, #tpu.memory_space<vmem_shared>> -> memref<10000x128xf32, #tpu.memory_space<vmem_shared>>
        tpu.wait_indirect_dma semaphore(%run_scoped3A_107 : memref<!tpu.dma_semaphore, #tpu.memory_space<semaphore_mem>>) src(%dma_wait3A_121 : memref<125x128xf32, #tpu.memory_space<vmem>>) dst(%dma_wait3A_127 : memref<10000x128xf32, #tpu.memory_space<vmem_shared>>)
        tpu.yield
      }) : () -> ()
      %scan3A_106 = arith.constant 0 : i32
      scf.yield %scan3A_106 : i32
    }
    %scan3A_22 = arith.constant 2 : i32
    %barrier3A_23 = arith.constant 0 : index
    tpu.barrier barrier_id(%barrier3A_23)
    %mul3A_24 = arith.constant 624 : i32
    %mul3A_25 = arith.muli %arg1, %mul3A_24 : i32
    %mul3A_26 = arith.constant 624 : i32
    %mul3A_27 = arith.muli %arg1, %mul3A_26 : i32
    "tpu.region"() ({
      %run_scoped3A = tpu.sem_alloc : memref<!tpu.dma_semaphore, #tpu.memory_space<semaphore_mem>>
      %dma_start3A = arith.constant 0 : i32
      %dma_start3A_30 = arith.constant 0 : i32
      %dma_start3A_31 = tpu.memref_slice %arg4[%add3A_8, %dma_start3A, %dma_start3A_30] : memref<2x10000x128xf32, #tpu.memory_space<hbm>> -> memref<1x10000x128xf32, #tpu.memory_space<hbm>>
      %dma_start3A_32 = tpu.memref_squeeze %dma_start3A_31 : memref<1x10000x128xf32, #tpu.memory_space<hbm>> -> memref<10000x128xf32, #tpu.memory_space<hbm>>
      %dma_start3A_33 = arith.constant 0 : i32
      %dma_start3A_34 = tpu.memref_slice %dma_start3A_32[%mul3A_27, %dma_start3A_33] : memref<10000x128xf32, #tpu.memory_space<hbm>> -> memref<624x128xf32, #tpu.memory_space<hbm>>
      %dma_start3A_35 = arith.constant 0 : i32
      %dma_start3A_36 = tpu.memref_slice %arg9[%mul3A_25, %dma_start3A_35] : memref<10000x128xf32, #tpu.memory_space<vmem_shared>> -> memref<624x128xf32, #tpu.memory_space<vmem_shared>>
      tpu.enqueue_dma source(%dma_start3A_36 : memref<624x128xf32, #tpu.memory_space<vmem_shared>>) target(%dma_start3A_34 : memref<624x128xf32, #tpu.memory_space<hbm>>) target_semaphore(%run_scoped3A : memref<!tpu.dma_semaphore, #tpu.memory_space<semaphore_mem>>)
      %dma_wait3A = arith.constant 0 : i32
      %dma_wait3A_37 = arith.constant 0 : i32
      %dma_wait3A_38 = tpu.memref_slice %arg4[%add3A_8, %dma_wait3A, %dma_wait3A_37] : memref<2x10000x128xf32, #tpu.memory_space<hbm>> -> memref<1x10000x128xf32, #tpu.memory_space<hbm>>
      %dma_wait3A_39 = tpu.memref_squeeze %dma_wait3A_38 : memref<1x10000x128xf32, #tpu.memory_space<hbm>> -> memref<10000x128xf32, #tpu.memory_space<hbm>>
      %dma_wait3A_40 = arith.constant 0 : i32
      %dma_wait3A_41 = tpu.memref_slice %dma_wait3A_39[%mul3A_27, %dma_wait3A_40] : memref<10000x128xf32, #tpu.memory_space<hbm>> -> memref<624x128xf32, #tpu.memory_space<hbm>>
      %dma_wait3A_42 = arith.constant 0 : i32
      %dma_wait3A_43 = tpu.memref_slice %arg9[%mul3A_25, %dma_wait3A_42] : memref<10000x128xf32, #tpu.memory_space<vmem_shared>> -> memref<624x128xf32, #tpu.memory_space<vmem_shared>>
      tpu.wait_dma2 semaphore(%run_scoped3A : memref<!tpu.dma_semaphore, #tpu.memory_space<semaphore_mem>>) src(%dma_wait3A_43 : memref<624x128xf32, #tpu.memory_space<vmem_shared>>) dst(%dma_wait3A_41 : memref<624x128xf32, #tpu.memory_space<hbm>>)
      tpu.yield
    }) : () -> ()
    %eq3A = arith.constant 15 : i32
    %eq3A_28 = arith.cmpi eq, %arg1, %eq3A : i32
    %convert_element_type3A = arith.extui %eq3A_28 : i1 to i32
    %cond3A = arith.constant 0 : i32
    %cond3A_29 = arith.cmpi ne, %convert_element_type3A, %cond3A : i32
    scf.if %cond3A_29 {
      "tpu.region"() ({
        %run_scoped3A = tpu.sem_alloc : memref<!tpu.dma_semaphore, #tpu.memory_space<semaphore_mem>>
        %dma_start3A = arith.constant 0 : i32
        %dma_start3A_30 = arith.constant 0 : i32
        %dma_start3A_31 = tpu.memref_slice %arg4[%add3A_8, %dma_start3A, %dma_start3A_30] : memref<2x10000x128xf32, #tpu.memory_space<hbm>> -> memref<1x10000x128xf32, #tpu.memory_space<hbm>>
        %dma_start3A_32 = tpu.memref_squeeze %dma_start3A_31 : memref<1x10000x128xf32, #tpu.memory_space<hbm>> -> memref<10000x128xf32, #tpu.memory_space<hbm>>
        %dma_start3A_33 = arith.constant 9984 : i32
        %dma_start3A_34 = arith.constant 0 : i32
        %dma_start3A_35 = tpu.memref_slice %dma_start3A_32[%dma_start3A_33, %dma_start3A_34] : memref<10000x128xf32, #tpu.memory_space<hbm>> -> memref<16x128xf32, #tpu.memory_space<hbm>>
        %dma_start3A_36 = arith.constant 9984 : i32
        %dma_start3A_37 = arith.constant 0 : i32
        %dma_start3A_38 = tpu.memref_slice %arg9[%dma_start3A_36, %dma_start3A_37] : memref<10000x128xf32, #tpu.memory_space<vmem_shared>> -> memref<16x128xf32, #tpu.memory_space<vmem_shared>>
        tpu.enqueue_dma source(%dma_start3A_38 : memref<16x128xf32, #tpu.memory_space<vmem_shared>>) target(%dma_start3A_35 : memref<16x128xf32, #tpu.memory_space<hbm>>) target_semaphore(%run_scoped3A : memref<!tpu.dma_semaphore, #tpu.memory_space<semaphore_mem>>)
        %dma_wait3A = arith.constant 0 : i32
        %dma_wait3A_39 = arith.constant 0 : i32
        %dma_wait3A_40 = tpu.memref_slice %arg4[%add3A_8, %dma_wait3A, %dma_wait3A_39] : memref<2x10000x128xf32, #tpu.memory_space<hbm>> -> memref<1x10000x128xf32, #tpu.memory_space<hbm>>
        %dma_wait3A_41 = tpu.memref_squeeze %dma_wait3A_40 : memref<1x10000x128xf32, #tpu.memory_space<hbm>> -> memref<10000x128xf32, #tpu.memory_space<hbm>>
        %dma_wait3A_42 = arith.constant 9984 : i32
        %dma_wait3A_43 = arith.constant 0 : i32
        %dma_wait3A_44 = tpu.memref_slice %dma_wait3A_41[%dma_wait3A_42, %dma_wait3A_43] : memref<10000x128xf32, #tpu.memory_space<hbm>> -> memref<16x128xf32, #tpu.memory_space<hbm>>
        %dma_wait3A_45 = arith.constant 9984 : i32
        %dma_wait3A_46 = arith.constant 0 : i32
        %dma_wait3A_47 = tpu.memref_slice %arg9[%dma_wait3A_45, %dma_wait3A_46] : memref<10000x128xf32, #tpu.memory_space<vmem_shared>> -> memref<16x128xf32, #tpu.memory_space<vmem_shared>>
        tpu.wait_dma2 semaphore(%run_scoped3A : memref<!tpu.dma_semaphore, #tpu.memory_space<semaphore_mem>>) src(%dma_wait3A_47 : memref<16x128xf32, #tpu.memory_space<vmem_shared>>) dst(%dma_wait3A_44 : memref<16x128xf32, #tpu.memory_space<hbm>>)
        tpu.yield
      }) : () -> ()
    } else {
    }
    return
  }
}

#map = affine_map<(d0, d1) -> (0, 0, 0)>
#map1 = affine_map<(d0, d1) -> (0, 0, 0, 0, 0)>
module attributes {stable_mosaic.version = 14 : i64} {
  func.func @spmm(%arg0: i32, %arg1: i32, %arg2: memref<4x10000x128xf32, #tpu.memory_space<hbm>>, %arg3: memref<2x16x2x40x125xi32, #tpu.memory_space<hbm>>, %arg4: memref<4x10000x128xf32, #tpu.memory_space<hbm>>, %arg5: memref<40x125xi32, #tpu.memory_space<vmem>>, %arg6: memref<40x125xi32, #tpu.memory_space<vmem>>, %arg7: memref<2x125x128xf32, #tpu.memory_space<vmem>>, %arg8: memref<25x128xf32, #tpu.memory_space<vmem>>, %arg9: memref<10000x128xf32, #tpu.memory_space<vmem_shared>>, %arg10: memref<!tpu.dma_semaphore, #tpu.memory_space<semaphore_mem>>, %arg11: memref<!tpu.dma_semaphore, #tpu.memory_space<semaphore_mem>>) attributes {dimension_semantics = [#tpu.dimension_semantics<core_parallel>, #tpu.dimension_semantics<subcore_parallel>], iteration_bounds = array<i64: 2, 16>, scalar_prefetch = 0 : i64, scratch_operands = 7 : i64, tpu.core_type = #tpu.core_type<sc_vector_subcore>, window_params = [{transform_indices = #map}, {transform_indices = #map1}, {transform_indices = #map}]} {
    %broadcast_in_dim3A = arith.constant 0.000000e+00 : f32
    %broadcast_in_dim3A_0 = vector.broadcast %broadcast_in_dim3A : f32 to vector<16xf32>
    %scan3A = arith.constant 0 : i32
    %scan3A_1 = arith.constant 0 : i32
    %scan3A_2 = arith.constant 25 : i32
    %scan3A_3 = arith.addi %scan3A_1, %scan3A_2 : i32
    %scan3A_4 = arith.constant 1 : i32
    %scan3A_5 = scf.for %scan3A_60 = %scan3A_1 to %scan3A_3 step %scan3A_4 iter_args(%scan3A_61 = %scan3A) -> (i32)  : i32 {
      %swap3A = arith.index_cast %scan3A_60 : i32 to index
      %swap3A_62 = arith.constant 0 : index
      %swap3A_63 = tpu.vector_load %arg8[%swap3A, %swap3A_62] {strides = array<i32>} : memref<25x128xf32, #tpu.memory_space<vmem>>, vector<1x16xf32>,
      %swap3A_64 = vector.shape_cast %swap3A_63 : vector<1x16xf32> to vector<16xf32>
      %swap3A_65 = vector.shape_cast %broadcast_in_dim3A_0 : vector<16xf32> to vector<1x16xf32>
      tpu.vector_store %arg8[%swap3A, %swap3A_62], %swap3A_65 {strides = array<i32>} : memref<25x128xf32, #tpu.memory_space<vmem>>, vector<1x16xf32>,
      %swap3A_66 = arith.index_cast %scan3A_60 : i32 to index
      %swap3A_67 = arith.constant 16 : index
      %swap3A_68 = tpu.vector_load %arg8[%swap3A_66, %swap3A_67] {strides = array<i32>} : memref<25x128xf32, #tpu.memory_space<vmem>>, vector<1x16xf32>,
      %swap3A_69 = vector.shape_cast %swap3A_68 : vector<1x16xf32> to vector<16xf32>
      %swap3A_70 = vector.shape_cast %broadcast_in_dim3A_0 : vector<16xf32> to vector<1x16xf32>
      tpu.vector_store %arg8[%swap3A_66, %swap3A_67], %swap3A_70 {strides = array<i32>} : memref<25x128xf32, #tpu.memory_space<vmem>>, vector<1x16xf32>,
      %swap3A_71 = arith.index_cast %scan3A_60 : i32 to index
      %swap3A_72 = arith.constant 32 : index
      %swap3A_73 = tpu.vector_load %arg8[%swap3A_71, %swap3A_72] {strides = array<i32>} : memref<25x128xf32, #tpu.memory_space<vmem>>, vector<1x16xf32>,
      %swap3A_74 = vector.shape_cast %swap3A_73 : vector<1x16xf32> to vector<16xf32>
      %swap3A_75 = vector.shape_cast %broadcast_in_dim3A_0 : vector<16xf32> to vector<1x16xf32>
      tpu.vector_store %arg8[%swap3A_71, %swap3A_72], %swap3A_75 {strides = array<i32>} : memref<25x128xf32, #tpu.memory_space<vmem>>, vector<1x16xf32>,
      %swap3A_76 = arith.index_cast %scan3A_60 : i32 to index
      %swap3A_77 = arith.constant 48 : index
      %swap3A_78 = tpu.vector_load %arg8[%swap3A_76, %swap3A_77] {strides = array<i32>} : memref<25x128xf32, #tpu.memory_space<vmem>>, vector<1x16xf32>,
      %swap3A_79 = vector.shape_cast %swap3A_78 : vector<1x16xf32> to vector<16xf32>
      %swap3A_80 = vector.shape_cast %broadcast_in_dim3A_0 : vector<16xf32> to vector<1x16xf32>
      tpu.vector_store %arg8[%swap3A_76, %swap3A_77], %swap3A_80 {strides = array<i32>} : memref<25x128xf32, #tpu.memory_space<vmem>>, vector<1x16xf32>,
      %swap3A_81 = arith.index_cast %scan3A_60 : i32 to index
      %swap3A_82 = arith.constant 64 : index
      %swap3A_83 = tpu.vector_load %arg8[%swap3A_81, %swap3A_82] {strides = array<i32>} : memref<25x128xf32, #tpu.memory_space<vmem>>, vector<1x16xf32>,
      %swap3A_84 = vector.shape_cast %swap3A_83 : vector<1x16xf32> to vector<16xf32>
      %swap3A_85 = vector.shape_cast %broadcast_in_dim3A_0 : vector<16xf32> to vector<1x16xf32>
      tpu.vector_store %arg8[%swap3A_81, %swap3A_82], %swap3A_85 {strides = array<i32>} : memref<25x128xf32, #tpu.memory_space<vmem>>, vector<1x16xf32>,
      %swap3A_86 = arith.index_cast %scan3A_60 : i32 to index
      %swap3A_87 = arith.constant 80 : index
      %swap3A_88 = tpu.vector_load %arg8[%swap3A_86, %swap3A_87] {strides = array<i32>} : memref<25x128xf32, #tpu.memory_space<vmem>>, vector<1x16xf32>,
      %swap3A_89 = vector.shape_cast %swap3A_88 : vector<1x16xf32> to vector<16xf32>
      %swap3A_90 = vector.shape_cast %broadcast_in_dim3A_0 : vector<16xf32> to vector<1x16xf32>
      tpu.vector_store %arg8[%swap3A_86, %swap3A_87], %swap3A_90 {strides = array<i32>} : memref<25x128xf32, #tpu.memory_space<vmem>>, vector<1x16xf32>,
      %swap3A_91 = arith.index_cast %scan3A_60 : i32 to index
      %swap3A_92 = arith.constant 96 : index
      %swap3A_93 = tpu.vector_load %arg8[%swap3A_91, %swap3A_92] {strides = array<i32>} : memref<25x128xf32, #tpu.memory_space<vmem>>, vector<1x16xf32>,
      %swap3A_94 = vector.shape_cast %swap3A_93 : vector<1x16xf32> to vector<16xf32>
      %swap3A_95 = vector.shape_cast %broadcast_in_dim3A_0 : vector<16xf32> to vector<1x16xf32>
      tpu.vector_store %arg8[%swap3A_91, %swap3A_92], %swap3A_95 {strides = array<i32>} : memref<25x128xf32, #tpu.memory_space<vmem>>, vector<1x16xf32>,
      %swap3A_96 = arith.index_cast %scan3A_60 : i32 to index
      %swap3A_97 = arith.constant 112 : index
      %swap3A_98 = tpu.vector_load %arg8[%swap3A_96, %swap3A_97] {strides = array<i32>} : memref<25x128xf32, #tpu.memory_space<vmem>>, vector<1x16xf32>,
      %swap3A_99 = vector.shape_cast %swap3A_98 : vector<1x16xf32> to vector<16xf32>
      %swap3A_100 = vector.shape_cast %broadcast_in_dim3A_0 : vector<16xf32> to vector<1x16xf32>
      tpu.vector_store %arg8[%swap3A_96, %swap3A_97], %swap3A_100 {strides = array<i32>} : memref<25x128xf32, #tpu.memory_space<vmem>>, vector<1x16xf32>,
      %scan3A_101 = arith.constant 0 : i32
      scf.yield %scan3A_101 : i32
    }
    %scan3A_6 = arith.constant 25 : i32
    %mul3A = arith.constant 2 : i32
    %mul3A_7 = arith.muli %arg0, %mul3A : i32
    %add3A = arith.constant 0 : i32
    %add3A_8 = arith.addi %mul3A_7, %add3A : i32
    %scan3A_9 = arith.constant 0 : i32
    %scan3A_10 = arith.constant 0 : i32
    %scan3A_11 = arith.constant 25 : i32
    %scan3A_12 = arith.addi %scan3A_10, %scan3A_11 : i32
    %scan3A_13 = arith.constant 1 : i32
    %scan3A_14 = scf.for %scan3A_60 = %scan3A_10 to %scan3A_12 step %scan3A_13 iter_args(%scan3A_61 = %scan3A_9) -> (i32)  : i32 {
      %mul3A_62 = arith.constant 625 : i32
      %mul3A_63 = arith.muli %arg1, %mul3A_62 : i32
      %mul3A_64 = arith.constant 25 : i32
      %mul3A_65 = arith.muli %scan3A_60, %mul3A_64 : i32
      %add3A_66 = arith.addi %mul3A_63, %mul3A_65 : i32
      "tpu.region"() ({
        %run_scoped3A = tpu.sem_alloc : memref<!tpu.dma_semaphore, #tpu.memory_space<semaphore_mem>>
        %dma_start3A = arith.constant 0 : i32
        %dma_start3A_68 = tpu.memref_slice %arg9[%add3A_66, %dma_start3A] : memref<10000x128xf32, #tpu.memory_space<vmem_shared>> -> memref<25x128xf32, #tpu.memory_space<vmem_shared>>
        %dma_start3A_69 = arith.constant 0 : i32
        %dma_start3A_70 = tpu.memref_slice %arg9[%add3A_66, %dma_start3A_69] : memref<10000x128xf32, #tpu.memory_space<vmem_shared>> -> memref<25x128xf32, #tpu.memory_space<vmem_shared>>
        tpu.enqueue_dma source(%arg8 : memref<25x128xf32, #tpu.memory_space<vmem>>) target(%dma_start3A_70 : memref<25x128xf32, #tpu.memory_space<vmem_shared>>) target_semaphore(%run_scoped3A : memref<!tpu.dma_semaphore, #tpu.memory_space<semaphore_mem>>)
        %dma_wait3A = arith.constant 0 : i32
        %dma_wait3A_71 = tpu.memref_slice %arg9[%add3A_66, %dma_wait3A] : memref<10000x128xf32, #tpu.memory_space<vmem_shared>> -> memref<25x128xf32, #tpu.memory_space<vmem_shared>>
        %dma_wait3A_72 = arith.constant 0 : i32
        %dma_wait3A_73 = tpu.memref_slice %arg9[%add3A_66, %dma_wait3A_72] : memref<10000x128xf32, #tpu.memory_space<vmem_shared>> -> memref<25x128xf32, #tpu.memory_space<vmem_shared>>
        tpu.wait_dma2 semaphore(%run_scoped3A : memref<!tpu.dma_semaphore, #tpu.memory_space<semaphore_mem>>) src(%arg8 : memref<25x128xf32, #tpu.memory_space<vmem>>) dst(%dma_wait3A_73 : memref<25x128xf32, #tpu.memory_space<vmem_shared>>)
        tpu.yield
      }) : () -> ()
      %scan3A_67 = arith.constant 0 : i32
      scf.yield %scan3A_67 : i32
    }
    %scan3A_15 = arith.constant 25 : i32
    %barrier3A = arith.constant 0 : index
    tpu.barrier barrier_id(%barrier3A)
    %scan3A_16 = arith.constant 0 : i32
    %scan3A_17 = arith.constant 0 : i32
    %scan3A_18 = arith.constant 2 : i32
    %scan3A_19 = arith.addi %scan3A_17, %scan3A_18 : i32
    %scan3A_20 = arith.constant 1 : i32
    %scan3A_21 = scf.for %scan3A_60 = %scan3A_17 to %scan3A_19 step %scan3A_20 iter_args(%scan3A_61 = %scan3A_16) -> (i32)  : i32 {
      %run_scoped3A = arith.constant 0 : i32
      "tpu.region"() ({
        %run_scoped3A_137 = tpu.sem_alloc : memref<!tpu.dma_semaphore, #tpu.memory_space<semaphore_mem>>
        %dma_start3A_138 = arith.constant 0 : i32
        %dma_start3A_139 = arith.constant 0 : i32
        %dma_start3A_140 = tpu.memref_slice %arg3[%run_scoped3A, %arg1, %scan3A_60, %dma_start3A_138, %dma_start3A_139] : memref<2x16x2x40x125xi32, #tpu.memory_space<hbm>> -> memref<1x1x1x40x125xi32, #tpu.memory_space<hbm>>
        %dma_start3A_141 = tpu.memref_squeeze %dma_start3A_140 : memref<1x1x1x40x125xi32, #tpu.memory_space<hbm>> -> memref<40x125xi32, #tpu.memory_space<hbm>>
        %dma_start3A_142 = arith.constant 0 : i32
        %dma_start3A_143 = arith.constant 0 : i32
        %dma_start3A_144 = tpu.memref_slice %arg3[%run_scoped3A, %arg1, %scan3A_60, %dma_start3A_142, %dma_start3A_143] : memref<2x16x2x40x125xi32, #tpu.memory_space<hbm>> -> memref<1x1x1x40x125xi32, #tpu.memory_space<hbm>>
        %dma_start3A_145 = tpu.memref_squeeze %dma_start3A_144 : memref<1x1x1x40x125xi32, #tpu.memory_space<hbm>> -> memref<40x125xi32, #tpu.memory_space<hbm>>
        tpu.enqueue_dma source(%dma_start3A_145 : memref<40x125xi32, #tpu.memory_space<hbm>>) target(%arg5 : memref<40x125xi32, #tpu.memory_space<vmem>>) target_semaphore(%run_scoped3A_137 : memref<!tpu.dma_semaphore, #tpu.memory_space<semaphore_mem>>)
        %dma_wait3A_146 = arith.constant 0 : i32
        %dma_wait3A_147 = arith.constant 0 : i32
        %dma_wait3A_148 = tpu.memref_slice %arg3[%run_scoped3A, %arg1, %scan3A_60, %dma_wait3A_146, %dma_wait3A_147] : memref<2x16x2x40x125xi32, #tpu.memory_space<hbm>> -> memref<1x1x1x40x125xi32, #tpu.memory_space<hbm>>
        %dma_wait3A_149 = tpu.memref_squeeze %dma_wait3A_148 : memref<1x1x1x40x125xi32, #tpu.memory_space<hbm>> -> memref<40x125xi32, #tpu.memory_space<hbm>>
        %dma_wait3A_150 = arith.constant 0 : i32
        %dma_wait3A_151 = arith.constant 0 : i32
        %dma_wait3A_152 = tpu.memref_slice %arg3[%run_scoped3A, %arg1, %scan3A_60, %dma_wait3A_150, %dma_wait3A_151] : memref<2x16x2x40x125xi32, #tpu.memory_space<hbm>> -> memref<1x1x1x40x125xi32, #tpu.memory_space<hbm>>
        %dma_wait3A_153 = tpu.memref_squeeze %dma_wait3A_152 : memref<1x1x1x40x125xi32, #tpu.memory_space<hbm>> -> memref<40x125xi32, #tpu.memory_space<hbm>>
        tpu.wait_dma2 semaphore(%run_scoped3A_137 : memref<!tpu.dma_semaphore, #tpu.memory_space<semaphore_mem>>) src(%dma_wait3A_153 : memref<40x125xi32, #tpu.memory_space<hbm>>) dst(%arg5 : memref<40x125xi32, #tpu.memory_space<vmem>>)
        tpu.yield
      }) : () -> ()
      %run_scoped3A_62 = arith.constant 1 : i32
      "tpu.region"() ({
        %run_scoped3A_137 = tpu.sem_alloc : memref<!tpu.dma_semaphore, #tpu.memory_space<semaphore_mem>>
        %dma_start3A_138 = arith.constant 0 : i32
        %dma_start3A_139 = arith.constant 0 : i32
        %dma_start3A_140 = tpu.memref_slice %arg3[%run_scoped3A_62, %arg1, %scan3A_60, %dma_start3A_138, %dma_start3A_139] : memref<2x16x2x40x125xi32, #tpu.memory_space<hbm>> -> memref<1x1x1x40x125xi32, #tpu.memory_space<hbm>>
        %dma_start3A_141 = tpu.memref_squeeze %dma_start3A_140 : memref<1x1x1x40x125xi32, #tpu.memory_space<hbm>> -> memref<40x125xi32, #tpu.memory_space<hbm>>
        %dma_start3A_142 = arith.constant 0 : i32
        %dma_start3A_143 = arith.constant 0 : i32
        %dma_start3A_144 = tpu.memref_slice %arg3[%run_scoped3A_62, %arg1, %scan3A_60, %dma_start3A_142, %dma_start3A_143] : memref<2x16x2x40x125xi32, #tpu.memory_space<hbm>> -> memref<1x1x1x40x125xi32, #tpu.memory_space<hbm>>
        %dma_start3A_145 = tpu.memref_squeeze %dma_start3A_144 : memref<1x1x1x40x125xi32, #tpu.memory_space<hbm>> -> memref<40x125xi32, #tpu.memory_space<hbm>>
        tpu.enqueue_dma source(%dma_start3A_145 : memref<40x125xi32, #tpu.memory_space<hbm>>) target(%arg6 : memref<40x125xi32, #tpu.memory_space<vmem>>) target_semaphore(%run_scoped3A_137 : memref<!tpu.dma_semaphore, #tpu.memory_space<semaphore_mem>>)
        %dma_wait3A_146 = arith.constant 0 : i32
        %dma_wait3A_147 = arith.constant 0 : i32
        %dma_wait3A_148 = tpu.memref_slice %arg3[%run_scoped3A_62, %arg1, %scan3A_60, %dma_wait3A_146, %dma_wait3A_147] : memref<2x16x2x40x125xi32, #tpu.memory_space<hbm>> -> memref<1x1x1x40x125xi32, #tpu.memory_space<hbm>>
        %dma_wait3A_149 = tpu.memref_squeeze %dma_wait3A_148 : memref<1x1x1x40x125xi32, #tpu.memory_space<hbm>> -> memref<40x125xi32, #tpu.memory_space<hbm>>
        %dma_wait3A_150 = arith.constant 0 : i32
        %dma_wait3A_151 = arith.constant 0 : i32
        %dma_wait3A_152 = tpu.memref_slice %arg3[%run_scoped3A_62, %arg1, %scan3A_60, %dma_wait3A_150, %dma_wait3A_151] : memref<2x16x2x40x125xi32, #tpu.memory_space<hbm>> -> memref<1x1x1x40x125xi32, #tpu.memory_space<hbm>>
        %dma_wait3A_153 = tpu.memref_squeeze %dma_wait3A_152 : memref<1x1x1x40x125xi32, #tpu.memory_space<hbm>> -> memref<40x125xi32, #tpu.memory_space<hbm>>
        tpu.wait_dma2 semaphore(%run_scoped3A_137 : memref<!tpu.dma_semaphore, #tpu.memory_space<semaphore_mem>>) src(%dma_wait3A_153 : memref<40x125xi32, #tpu.memory_space<hbm>>) dst(%arg6 : memref<40x125xi32, #tpu.memory_space<vmem>>)
        tpu.yield
      }) : () -> ()
      %dma_start3A = arith.constant 0 : i32
      %dma_start3A_63 = arith.constant 0 : i32
      %dma_start3A_64 = arith.constant 0 : i32
      %dma_start3A_65 = arith.constant 0 : i32
      %dma_start3A_66 = tpu.memref_slice %arg7[%dma_start3A_63, %dma_start3A_64, %dma_start3A_65] : memref<2x125x128xf32, #tpu.memory_space<vmem>> -> memref<1x125x128xf32, #tpu.memory_space<vmem>>
      %dma_start3A_67 = tpu.memref_squeeze %dma_start3A_66 : memref<1x125x128xf32, #tpu.memory_space<vmem>> -> memref<125x128xf32, #tpu.memory_space<vmem>>
      %dma_start3A_68 = arith.constant 0 : i32
      %dma_start3A_69 = tpu.memref_slice %arg5[%dma_start3A, %dma_start3A_68] : memref<40x125xi32, #tpu.memory_space<vmem>> -> memref<1x125xi32, #tpu.memory_space<vmem>>
      %dma_start3A_70 = tpu.memref_squeeze %dma_start3A_69 : memref<1x125xi32, #tpu.memory_space<vmem>> -> memref<125xi32, #tpu.memory_space<vmem>>
      %dma_start3A_71 = arith.constant 0 : i32
      %dma_start3A_72 = arith.constant 0 : i32
      %dma_start3A_73 = tpu.memref_slice %arg2[%add3A_8, %dma_start3A_71, %dma_start3A_72] : memref<4x10000x128xf32, #tpu.memory_space<hbm>> -> memref<1x10000x128xf32, #tpu.memory_space<hbm>>
      %dma_start3A_74 = tpu.memref_squeeze %dma_start3A_73 : memref<1x10000x128xf32, #tpu.memory_space<hbm>> -> memref<10000x128xf32, #tpu.memory_space<hbm>>
      %dma_start3A_75 = arith.constant 0 : i32
      %dma_start3A_76 = arith.constant 0 : i32
      %dma_start3A_77 = tpu.memref_slice %dma_start3A_74[%dma_start3A_75, %dma_start3A_76] : memref<10000x128xf32, #tpu.memory_space<hbm>> -> memref<10000x128xf32, #tpu.memory_space<hbm>>
      tpu.enqueue_indirect_dma source(%dma_start3A_77 : memref<10000x128xf32, #tpu.memory_space<hbm>>) target(%dma_start3A_67 : memref<125x128xf32, #tpu.memory_space<vmem>>) offsets(%dma_start3A_70 : memref<125xi32, #tpu.memory_space<vmem>>) semaphore(%arg10 : memref<!tpu.dma_semaphore, #tpu.memory_space<semaphore_mem>>)
      %scan3A_78 = arith.constant 0 : i32
      %scan3A_79 = arith.constant 0 : i32
      %scan3A_80 = arith.constant 19 : i32
      %scan3A_81 = arith.addi %scan3A_79, %scan3A_80 : i32
      %scan3A_82 = arith.constant 1 : i32
      %scan3A_83 = scf.for %scan3A_137 = %scan3A_79 to %scan3A_81 step %scan3A_82 iter_args(%scan3A_138 = %scan3A_78) -> (i32)  : i32 {
        %mul3A_139 = arith.constant 2 : i32
        %mul3A_140 = arith.muli %mul3A_139, %scan3A_137 : i32
        %add3A_141 = arith.constant 1 : i32
        %add3A_142 = arith.addi %mul3A_140, %add3A_141 : i32
        %dma_start3A_143 = arith.constant 1 : i32
        %dma_start3A_144 = arith.constant 0 : i32
        %dma_start3A_145 = arith.constant 0 : i32
        %dma_start3A_146 = tpu.memref_slice %arg7[%dma_start3A_143, %dma_start3A_144, %dma_start3A_145] : memref<2x125x128xf32, #tpu.memory_space<vmem>> -> memref<1x125x128xf32, #tpu.memory_space<vmem>>
        %dma_start3A_147 = tpu.memref_squeeze %dma_start3A_146 : memref<1x125x128xf32, #tpu.memory_space<vmem>> -> memref<125x128xf32, #tpu.memory_space<vmem>>
        %dma_start3A_148 = arith.constant 0 : i32
        %dma_start3A_149 = tpu.memref_slice %arg5[%add3A_142, %dma_start3A_148] : memref<40x125xi32, #tpu.memory_space<vmem>> -> memref<1x125xi32, #tpu.memory_space<vmem>>
        %dma_start3A_150 = tpu.memref_squeeze %dma_start3A_149 : memref<1x125xi32, #tpu.memory_space<vmem>> -> memref<125xi32, #tpu.memory_space<vmem>>
        %dma_start3A_151 = arith.constant 0 : i32
        %dma_start3A_152 = arith.constant 0 : i32
        %dma_start3A_153 = tpu.memref_slice %arg2[%add3A_8, %dma_start3A_151, %dma_start3A_152] : memref<4x10000x128xf32, #tpu.memory_space<hbm>> -> memref<1x10000x128xf32, #tpu.memory_space<hbm>>
        %dma_start3A_154 = tpu.memref_squeeze %dma_start3A_153 : memref<1x10000x128xf32, #tpu.memory_space<hbm>> -> memref<10000x128xf32, #tpu.memory_space<hbm>>
        %dma_start3A_155 = arith.constant 0 : i32
        %dma_start3A_156 = arith.constant 0 : i32
        %dma_start3A_157 = tpu.memref_slice %dma_start3A_154[%dma_start3A_155, %dma_start3A_156] : memref<10000x128xf32, #tpu.memory_space<hbm>> -> memref<10000x128xf32, #tpu.memory_space<hbm>>
        tpu.enqueue_indirect_dma source(%dma_start3A_157 : memref<10000x128xf32, #tpu.memory_space<hbm>>) target(%dma_start3A_147 : memref<125x128xf32, #tpu.memory_space<vmem>>) offsets(%dma_start3A_150 : memref<125xi32, #tpu.memory_space<vmem>>) semaphore(%arg11 : memref<!tpu.dma_semaphore, #tpu.memory_space<semaphore_mem>>)
        %dma_wait3A_158 = arith.constant 0 : i32
        %dma_wait3A_159 = arith.constant 0 : i32
        %dma_wait3A_160 = arith.constant 0 : i32
        %dma_wait3A_161 = tpu.memref_slice %arg7[%dma_wait3A_158, %dma_wait3A_159, %dma_wait3A_160] : memref<2x125x128xf32, #tpu.memory_space<vmem>> -> memref<1x125x128xf32, #tpu.memory_space<vmem>>
        %dma_wait3A_162 = tpu.memref_squeeze %dma_wait3A_161 : memref<1x125x128xf32, #tpu.memory_space<vmem>> -> memref<125x128xf32, #tpu.memory_space<vmem>>
        %dma_wait3A_163 = arith.constant 0 : i32
        %dma_wait3A_164 = tpu.memref_slice %arg5[%mul3A_140, %dma_wait3A_163] : memref<40x125xi32, #tpu.memory_space<vmem>> -> memref<1x125xi32, #tpu.memory_space<vmem>>
        %dma_wait3A_165 = tpu.memref_squeeze %dma_wait3A_164 : memref<1x125xi32, #tpu.memory_space<vmem>> -> memref<125xi32, #tpu.memory_space<vmem>>
        %dma_wait3A_166 = arith.constant 0 : i32
        %dma_wait3A_167 = arith.constant 0 : i32
        %dma_wait3A_168 = tpu.memref_slice %arg2[%add3A_8, %dma_wait3A_166, %dma_wait3A_167] : memref<4x10000x128xf32, #tpu.memory_space<hbm>> -> memref<1x10000x128xf32, #tpu.memory_space<hbm>>
        %dma_wait3A_169 = tpu.memref_squeeze %dma_wait3A_168 : memref<1x10000x128xf32, #tpu.memory_space<hbm>> -> memref<10000x128xf32, #tpu.memory_space<hbm>>
        %dma_wait3A_170 = arith.constant 0 : i32
        %dma_wait3A_171 = arith.constant 0 : i32
        %dma_wait3A_172 = tpu.memref_slice %dma_wait3A_169[%dma_wait3A_170, %dma_wait3A_171] : memref<10000x128xf32, #tpu.memory_space<hbm>> -> memref<10000x128xf32, #tpu.memory_space<hbm>>
        tpu.wait_indirect_dma semaphore(%arg10 : memref<!tpu.dma_semaphore, #tpu.memory_space<semaphore_mem>>) src(%dma_wait3A_172 : memref<10000x128xf32, #tpu.memory_space<hbm>>) dst(%dma_wait3A_162 : memref<125x128xf32, #tpu.memory_space<vmem>>)
        %run_scoped3A_173 = arith.constant 0 : i32
        "tpu.region"() ({
          %run_scoped3A_212 = tpu.sem_alloc : memref<!tpu.dma_semaphore, #tpu.memory_space<semaphore_mem>>
          %dma_start3A_213 = arith.constant 0 : i32
          %dma_start3A_214 = arith.constant 0 : i32
          %dma_start3A_215 = tpu.memref_slice %arg7[%run_scoped3A_173, %dma_start3A_213, %dma_start3A_214] : memref<2x125x128xf32, #tpu.memory_space<vmem>> -> memref<1x125x128xf32, #tpu.memory_space<vmem>>
          %dma_start3A_216 = tpu.memref_squeeze %dma_start3A_215 : memref<1x125x128xf32, #tpu.memory_space<vmem>> -> memref<125x128xf32, #tpu.memory_space<vmem>>
          %dma_start3A_217 = arith.constant 0 : i32
          %dma_start3A_218 = tpu.memref_slice %arg6[%mul3A_140, %dma_start3A_217] : memref<40x125xi32, #tpu.memory_space<vmem>> -> memref<1x125xi32, #tpu.memory_space<vmem>>
          %dma_start3A_219 = tpu.memref_squeeze %dma_start3A_218 : memref<1x125xi32, #tpu.memory_space<vmem>> -> memref<125xi32, #tpu.memory_space<vmem>>
          %dma_start3A_220 = arith.constant 0 : i32
          %dma_start3A_221 = arith.constant 0 : i32
          %dma_start3A_222 = tpu.memref_slice %arg9[%dma_start3A_220, %dma_start3A_221] : memref<10000x128xf32, #tpu.memory_space<vmem_shared>> -> memref<10000x128xf32, #tpu.memory_space<vmem_shared>>
          tpu.enqueue_indirect_dma source(%dma_start3A_216 : memref<125x128xf32, #tpu.memory_space<vmem>>) target(%dma_start3A_222 : memref<10000x128xf32, #tpu.memory_space<vmem_shared>>) offsets(%dma_start3A_219 : memref<125xi32, #tpu.memory_space<vmem>>) semaphore(%run_scoped3A_212 : memref<!tpu.dma_semaphore, #tpu.memory_space<semaphore_mem>>) {add = true}
          %dma_wait3A_223 = arith.constant 0 : i32
          %dma_wait3A_224 = arith.constant 0 : i32
          %dma_wait3A_225 = tpu.memref_slice %arg7[%run_scoped3A_173, %dma_wait3A_223, %dma_wait3A_224] : memref<2x125x128xf32, #tpu.memory_space<vmem>> -> memref<1x125x128xf32, #tpu.memory_space<vmem>>
          %dma_wait3A_226 = tpu.memref_squeeze %dma_wait3A_225 : memref<1x125x128xf32, #tpu.memory_space<vmem>> -> memref<125x128xf32, #tpu.memory_space<vmem>>
          %dma_wait3A_227 = arith.constant 0 : i32
          %dma_wait3A_228 = tpu.memref_slice %arg6[%mul3A_140, %dma_wait3A_227] : memref<40x125xi32, #tpu.memory_space<vmem>> -> memref<1x125xi32, #tpu.memory_space<vmem>>
          %dma_wait3A_229 = tpu.memref_squeeze %dma_wait3A_228 : memref<1x125xi32, #tpu.memory_space<vmem>> -> memref<125xi32, #tpu.memory_space<vmem>>
          %dma_wait3A_230 = arith.constant 0 : i32
          %dma_wait3A_231 = arith.constant 0 : i32
          %dma_wait3A_232 = tpu.memref_slice %arg9[%dma_wait3A_230, %dma_wait3A_231] : memref<10000x128xf32, #tpu.memory_space<vmem_shared>> -> memref<10000x128xf32, #tpu.memory_space<vmem_shared>>
          tpu.wait_indirect_dma semaphore(%run_scoped3A_212 : memref<!tpu.dma_semaphore, #tpu.memory_space<semaphore_mem>>) src(%dma_wait3A_226 : memref<125x128xf32, #tpu.memory_space<vmem>>) dst(%dma_wait3A_232 : memref<10000x128xf32, #tpu.memory_space<vmem_shared>>)
          tpu.yield
        }) : () -> ()
        %add3A_174 = arith.constant 2 : i32
        %add3A_175 = arith.addi %mul3A_140, %add3A_174 : i32
        %dma_start3A_176 = arith.constant 0 : i32
        %dma_start3A_177 = arith.constant 0 : i32
        %dma_start3A_178 = arith.constant 0 : i32
        %dma_start3A_179 = tpu.memref_slice %arg7[%dma_start3A_176, %dma_start3A_177, %dma_start3A_178] : memref<2x125x128xf32, #tpu.memory_space<vmem>> -> memref<1x125x128xf32, #tpu.memory_space<vmem>>
        %dma_start3A_180 = tpu.memref_squeeze %dma_start3A_179 : memref<1x125x128xf32, #tpu.memory_space<vmem>> -> memref<125x128xf32, #tpu.memory_space<vmem>>
        %dma_start3A_181 = arith.constant 0 : i32
        %dma_start3A_182 = tpu.memref_slice %arg5[%add3A_175, %dma_start3A_181] : memref<40x125xi32, #tpu.memory_space<vmem>> -> memref<1x125xi32, #tpu.memory_space<vmem>>
        %dma_start3A_183 = tpu.memref_squeeze %dma_start3A_182 : memref<1x125xi32, #tpu.memory_space<vmem>> -> memref<125xi32, #tpu.memory_space<vmem>>
        %dma_start3A_184 = arith.constant 0 : i32
        %dma_start3A_185 = arith.constant 0 : i32
        %dma_start3A_186 = tpu.memref_slice %arg2[%add3A_8, %dma_start3A_184, %dma_start3A_185] : memref<4x10000x128xf32, #tpu.memory_space<hbm>> -> memref<1x10000x128xf32, #tpu.memory_space<hbm>>
        %dma_start3A_187 = tpu.memref_squeeze %dma_start3A_186 : memref<1x10000x128xf32, #tpu.memory_space<hbm>> -> memref<10000x128xf32, #tpu.memory_space<hbm>>
        %dma_start3A_188 = arith.constant 0 : i32
        %dma_start3A_189 = arith.constant 0 : i32
        %dma_start3A_190 = tpu.memref_slice %dma_start3A_187[%dma_start3A_188, %dma_start3A_189] : memref<10000x128xf32, #tpu.memory_space<hbm>> -> memref<10000x128xf32, #tpu.memory_space<hbm>>
        tpu.enqueue_indirect_dma source(%dma_start3A_190 : memref<10000x128xf32, #tpu.memory_space<hbm>>) target(%dma_start3A_180 : memref<125x128xf32, #tpu.memory_space<vmem>>) offsets(%dma_start3A_183 : memref<125xi32, #tpu.memory_space<vmem>>) semaphore(%arg10 : memref<!tpu.dma_semaphore, #tpu.memory_space<semaphore_mem>>)
        %add3A_191 = arith.constant 1 : i32
        %add3A_192 = arith.addi %mul3A_140, %add3A_191 : i32
        %dma_wait3A_193 = arith.constant 1 : i32
        %dma_wait3A_194 = arith.constant 0 : i32
        %dma_wait3A_195 = arith.constant 0 : i32
        %dma_wait3A_196 = tpu.memref_slice %arg7[%dma_wait3A_193, %dma_wait3A_194, %dma_wait3A_195] : memref<2x125x128xf32, #tpu.memory_space<vmem>> -> memref<1x125x128xf32, #tpu.memory_space<vmem>>
        %dma_wait3A_197 = tpu.memref_squeeze %dma_wait3A_196 : memref<1x125x128xf32, #tpu.memory_space<vmem>> -> memref<125x128xf32, #tpu.memory_space<vmem>>
        %dma_wait3A_198 = arith.constant 0 : i32
        %dma_wait3A_199 = tpu.memref_slice %arg5[%add3A_192, %dma_wait3A_198] : memref<40x125xi32, #tpu.memory_space<vmem>> -> memref<1x125xi32, #tpu.memory_space<vmem>>
        %dma_wait3A_200 = tpu.memref_squeeze %dma_wait3A_199 : memref<1x125xi32, #tpu.memory_space<vmem>> -> memref<125xi32, #tpu.memory_space<vmem>>
        %dma_wait3A_201 = arith.constant 0 : i32
        %dma_wait3A_202 = arith.constant 0 : i32
        %dma_wait3A_203 = tpu.memref_slice %arg2[%add3A_8, %dma_wait3A_201, %dma_wait3A_202] : memref<4x10000x128xf32, #tpu.memory_space<hbm>> -> memref<1x10000x128xf32, #tpu.memory_space<hbm>>
        %dma_wait3A_204 = tpu.memref_squeeze %dma_wait3A_203 : memref<1x10000x128xf32, #tpu.memory_space<hbm>> -> memref<10000x128xf32, #tpu.memory_space<hbm>>
        %dma_wait3A_205 = arith.constant 0 : i32
        %dma_wait3A_206 = arith.constant 0 : i32
        %dma_wait3A_207 = tpu.memref_slice %dma_wait3A_204[%dma_wait3A_205, %dma_wait3A_206] : memref<10000x128xf32, #tpu.memory_space<hbm>> -> memref<10000x128xf32, #tpu.memory_space<hbm>>
        tpu.wait_indirect_dma semaphore(%arg11 : memref<!tpu.dma_semaphore, #tpu.memory_space<semaphore_mem>>) src(%dma_wait3A_207 : memref<10000x128xf32, #tpu.memory_space<hbm>>) dst(%dma_wait3A_197 : memref<125x128xf32, #tpu.memory_space<vmem>>)
        %add3A_208 = arith.constant 1 : i32
        %add3A_209 = arith.addi %mul3A_140, %add3A_208 : i32
        %run_scoped3A_210 = arith.constant 1 : i32
        "tpu.region"() ({
          %run_scoped3A_212 = tpu.sem_alloc : memref<!tpu.dma_semaphore, #tpu.memory_space<semaphore_mem>>
          %dma_start3A_213 = arith.constant 0 : i32
          %dma_start3A_214 = arith.constant 0 : i32
          %dma_start3A_215 = tpu.memref_slice %arg7[%run_scoped3A_210, %dma_start3A_213, %dma_start3A_214] : memref<2x125x128xf32, #tpu.memory_space<vmem>> -> memref<1x125x128xf32, #tpu.memory_space<vmem>>
          %dma_start3A_216 = tpu.memref_squeeze %dma_start3A_215 : memref<1x125x128xf32, #tpu.memory_space<vmem>> -> memref<125x128xf32, #tpu.memory_space<vmem>>
          %dma_start3A_217 = arith.constant 0 : i32
          %dma_start3A_218 = tpu.memref_slice %arg6[%add3A_209, %dma_start3A_217] : memref<40x125xi32, #tpu.memory_space<vmem>> -> memref<1x125xi32, #tpu.memory_space<vmem>>
          %dma_start3A_219 = tpu.memref_squeeze %dma_start3A_218 : memref<1x125xi32, #tpu.memory_space<vmem>> -> memref<125xi32, #tpu.memory_space<vmem>>
          %dma_start3A_220 = arith.constant 0 : i32
          %dma_start3A_221 = arith.constant 0 : i32
          %dma_start3A_222 = tpu.memref_slice %arg9[%dma_start3A_220, %dma_start3A_221] : memref<10000x128xf32, #tpu.memory_space<vmem_shared>> -> memref<10000x128xf32, #tpu.memory_space<vmem_shared>>
          tpu.enqueue_indirect_dma source(%dma_start3A_216 : memref<125x128xf32, #tpu.memory_space<vmem>>) target(%dma_start3A_222 : memref<10000x128xf32, #tpu.memory_space<vmem_shared>>) offsets(%dma_start3A_219 : memref<125xi32, #tpu.memory_space<vmem>>) semaphore(%run_scoped3A_212 : memref<!tpu.dma_semaphore, #tpu.memory_space<semaphore_mem>>) {add = true}
          %dma_wait3A_223 = arith.constant 0 : i32
          %dma_wait3A_224 = arith.constant 0 : i32
          %dma_wait3A_225 = tpu.memref_slice %arg7[%run_scoped3A_210, %dma_wait3A_223, %dma_wait3A_224] : memref<2x125x128xf32, #tpu.memory_space<vmem>> -> memref<1x125x128xf32, #tpu.memory_space<vmem>>
          %dma_wait3A_226 = tpu.memref_squeeze %dma_wait3A_225 : memref<1x125x128xf32, #tpu.memory_space<vmem>> -> memref<125x128xf32, #tpu.memory_space<vmem>>
          %dma_wait3A_227 = arith.constant 0 : i32
          %dma_wait3A_228 = tpu.memref_slice %arg6[%add3A_209, %dma_wait3A_227] : memref<40x125xi32, #tpu.memory_space<vmem>> -> memref<1x125xi32, #tpu.memory_space<vmem>>
          %dma_wait3A_229 = tpu.memref_squeeze %dma_wait3A_228 : memref<1x125xi32, #tpu.memory_space<vmem>> -> memref<125xi32, #tpu.memory_space<vmem>>
          %dma_wait3A_230 = arith.constant 0 : i32
          %dma_wait3A_231 = arith.constant 0 : i32
          %dma_wait3A_232 = tpu.memref_slice %arg9[%dma_wait3A_230, %dma_wait3A_231] : memref<10000x128xf32, #tpu.memory_space<vmem_shared>> -> memref<10000x128xf32, #tpu.memory_space<vmem_shared>>
          tpu.wait_indirect_dma semaphore(%run_scoped3A_212 : memref<!tpu.dma_semaphore, #tpu.memory_space<semaphore_mem>>) src(%dma_wait3A_226 : memref<125x128xf32, #tpu.memory_space<vmem>>) dst(%dma_wait3A_232 : memref<10000x128xf32, #tpu.memory_space<vmem_shared>>)
          tpu.yield
        }) : () -> ()
        %scan3A_211 = arith.constant 0 : i32
        scf.yield %scan3A_211 : i32
      }
      %scan3A_84 = arith.constant 19 : i32
      %dma_start3A_85 = arith.constant 39 : i32
      %dma_start3A_86 = arith.constant 1 : i32
      %dma_start3A_87 = arith.constant 0 : i32
      %dma_start3A_88 = arith.constant 0 : i32
      %dma_start3A_89 = tpu.memref_slice %arg7[%dma_start3A_86, %dma_start3A_87, %dma_start3A_88] : memref<2x125x128xf32, #tpu.memory_space<vmem>> -> memref<1x125x128xf32, #tpu.memory_space<vmem>>
      %dma_start3A_90 = tpu.memref_squeeze %dma_start3A_89 : memref<1x125x128xf32, #tpu.memory_space<vmem>> -> memref<125x128xf32, #tpu.memory_space<vmem>>
      %dma_start3A_91 = arith.constant 0 : i32
      %dma_start3A_92 = tpu.memref_slice %arg5[%dma_start3A_85, %dma_start3A_91] : memref<40x125xi32, #tpu.memory_space<vmem>> -> memref<1x125xi32, #tpu.memory_space<vmem>>
      %dma_start3A_93 = tpu.memref_squeeze %dma_start3A_92 : memref<1x125xi32, #tpu.memory_space<vmem>> -> memref<125xi32, #tpu.memory_space<vmem>>
      %dma_start3A_94 = arith.constant 0 : i32
      %dma_start3A_95 = arith.constant 0 : i32
      %dma_start3A_96 = tpu.memref_slice %arg2[%add3A_8, %dma_start3A_94, %dma_start3A_95] : memref<4x10000x128xf32, #tpu.memory_space<hbm>> -> memref<1x10000x128xf32, #tpu.memory_space<hbm>>
      %dma_start3A_97 = tpu.memref_squeeze %dma_start3A_96 : memref<1x10000x128xf32, #tpu.memory_space<hbm>> -> memref<10000x128xf32, #tpu.memory_space<hbm>>
      %dma_start3A_98 = arith.constant 0 : i32
      %dma_start3A_99 = arith.constant 0 : i32
      %dma_start3A_100 = tpu.memref_slice %dma_start3A_97[%dma_start3A_98, %dma_start3A_99] : memref<10000x128xf32, #tpu.memory_space<hbm>> -> memref<10000x128xf32, #tpu.memory_space<hbm>>
      tpu.enqueue_indirect_dma source(%dma_start3A_100 : memref<10000x128xf32, #tpu.memory_space<hbm>>) target(%dma_start3A_90 : memref<125x128xf32, #tpu.memory_space<vmem>>) offsets(%dma_start3A_93 : memref<125xi32, #tpu.memory_space<vmem>>) semaphore(%arg11 : memref<!tpu.dma_semaphore, #tpu.memory_space<semaphore_mem>>)
      %dma_wait3A = arith.constant 38 : i32
      %dma_wait3A_101 = arith.constant 0 : i32
      %dma_wait3A_102 = arith.constant 0 : i32
      %dma_wait3A_103 = arith.constant 0 : i32
      %dma_wait3A_104 = tpu.memref_slice %arg7[%dma_wait3A_101, %dma_wait3A_102, %dma_wait3A_103] : memref<2x125x128xf32, #tpu.memory_space<vmem>> -> memref<1x125x128xf32, #tpu.memory_space<vmem>>
      %dma_wait3A_105 = tpu.memref_squeeze %dma_wait3A_104 : memref<1x125x128xf32, #tpu.memory_space<vmem>> -> memref<125x128xf32, #tpu.memory_space<vmem>>
      %dma_wait3A_106 = arith.constant 0 : i32
      %dma_wait3A_107 = tpu.memref_slice %arg5[%dma_wait3A, %dma_wait3A_106] : memref<40x125xi32, #tpu.memory_space<vmem>> -> memref<1x125xi32, #tpu.memory_space<vmem>>
      %dma_wait3A_108 = tpu.memref_squeeze %dma_wait3A_107 : memref<1x125xi32, #tpu.memory_space<vmem>> -> memref<125xi32, #tpu.memory_space<vmem>>
      %dma_wait3A_109 = arith.constant 0 : i32
      %dma_wait3A_110 = arith.constant 0 : i32
      %dma_wait3A_111 = tpu.memref_slice %arg2[%add3A_8, %dma_wait3A_109, %dma_wait3A_110] : memref<4x10000x128xf32, #tpu.memory_space<hbm>> -> memref<1x10000x128xf32, #tpu.memory_space<hbm>>
      %dma_wait3A_112 = tpu.memref_squeeze %dma_wait3A_111 : memref<1x10000x128xf32, #tpu.memory_space<hbm>> -> memref<10000x128xf32, #tpu.memory_space<hbm>>
      %dma_wait3A_113 = arith.constant 0 : i32
      %dma_wait3A_114 = arith.constant 0 : i32
      %dma_wait3A_115 = tpu.memref_slice %dma_wait3A_112[%dma_wait3A_113, %dma_wait3A_114] : memref<10000x128xf32, #tpu.memory_space<hbm>> -> memref<10000x128xf32, #tpu.memory_space<hbm>>
      tpu.wait_indirect_dma semaphore(%arg10 : memref<!tpu.dma_semaphore, #tpu.memory_space<semaphore_mem>>) src(%dma_wait3A_115 : memref<10000x128xf32, #tpu.memory_space<hbm>>) dst(%dma_wait3A_105 : memref<125x128xf32, #tpu.memory_space<vmem>>)
      %run_scoped3A_116 = arith.constant 0 : i32
      %run_scoped3A_117 = arith.constant 38 : i32
      "tpu.region"() ({
        %run_scoped3A_137 = tpu.sem_alloc : memref<!tpu.dma_semaphore, #tpu.memory_space<semaphore_mem>>
        %dma_start3A_138 = arith.constant 0 : i32
        %dma_start3A_139 = arith.constant 0 : i32
        %dma_start3A_140 = tpu.memref_slice %arg7[%run_scoped3A_116, %dma_start3A_138, %dma_start3A_139] : memref<2x125x128xf32, #tpu.memory_space<vmem>> -> memref<1x125x128xf32, #tpu.memory_space<vmem>>
        %dma_start3A_141 = tpu.memref_squeeze %dma_start3A_140 : memref<1x125x128xf32, #tpu.memory_space<vmem>> -> memref<125x128xf32, #tpu.memory_space<vmem>>
        %dma_start3A_142 = arith.constant 0 : i32
        %dma_start3A_143 = tpu.memref_slice %arg6[%run_scoped3A_117, %dma_start3A_142] : memref<40x125xi32, #tpu.memory_space<vmem>> -> memref<1x125xi32, #tpu.memory_space<vmem>>
        %dma_start3A_144 = tpu.memref_squeeze %dma_start3A_143 : memref<1x125xi32, #tpu.memory_space<vmem>> -> memref<125xi32, #tpu.memory_space<vmem>>
        %dma_start3A_145 = arith.constant 0 : i32
        %dma_start3A_146 = arith.constant 0 : i32
        %dma_start3A_147 = tpu.memref_slice %arg9[%dma_start3A_145, %dma_start3A_146] : memref<10000x128xf32, #tpu.memory_space<vmem_shared>> -> memref<10000x128xf32, #tpu.memory_space<vmem_shared>>
        tpu.enqueue_indirect_dma source(%dma_start3A_141 : memref<125x128xf32, #tpu.memory_space<vmem>>) target(%dma_start3A_147 : memref<10000x128xf32, #tpu.memory_space<vmem_shared>>) offsets(%dma_start3A_144 : memref<125xi32, #tpu.memory_space<vmem>>) semaphore(%run_scoped3A_137 : memref<!tpu.dma_semaphore, #tpu.memory_space<semaphore_mem>>) {add = true}
        %dma_wait3A_148 = arith.constant 0 : i32
        %dma_wait3A_149 = arith.constant 0 : i32
        %dma_wait3A_150 = tpu.memref_slice %arg7[%run_scoped3A_116, %dma_wait3A_148, %dma_wait3A_149] : memref<2x125x128xf32, #tpu.memory_space<vmem>> -> memref<1x125x128xf32, #tpu.memory_space<vmem>>
        %dma_wait3A_151 = tpu.memref_squeeze %dma_wait3A_150 : memref<1x125x128xf32, #tpu.memory_space<vmem>> -> memref<125x128xf32, #tpu.memory_space<vmem>>
        %dma_wait3A_152 = arith.constant 0 : i32
        %dma_wait3A_153 = tpu.memref_slice %arg6[%run_scoped3A_117, %dma_wait3A_152] : memref<40x125xi32, #tpu.memory_space<vmem>> -> memref<1x125xi32, #tpu.memory_space<vmem>>
        %dma_wait3A_154 = tpu.memref_squeeze %dma_wait3A_153 : memref<1x125xi32, #tpu.memory_space<vmem>> -> memref<125xi32, #tpu.memory_space<vmem>>
        %dma_wait3A_155 = arith.constant 0 : i32
        %dma_wait3A_156 = arith.constant 0 : i32
        %dma_wait3A_157 = tpu.memref_slice %arg9[%dma_wait3A_155, %dma_wait3A_156] : memref<10000x128xf32, #tpu.memory_space<vmem_shared>> -> memref<10000x128xf32, #tpu.memory_space<vmem_shared>>
        tpu.wait_indirect_dma semaphore(%run_scoped3A_137 : memref<!tpu.dma_semaphore, #tpu.memory_space<semaphore_mem>>) src(%dma_wait3A_151 : memref<125x128xf32, #tpu.memory_space<vmem>>) dst(%dma_wait3A_157 : memref<10000x128xf32, #tpu.memory_space<vmem_shared>>)
        tpu.yield
      }) : () -> ()
      %dma_wait3A_118 = arith.constant 39 : i32
      %dma_wait3A_119 = arith.constant 1 : i32
      %dma_wait3A_120 = arith.constant 0 : i32
      %dma_wait3A_121 = arith.constant 0 : i32
      %dma_wait3A_122 = tpu.memref_slice %arg7[%dma_wait3A_119, %dma_wait3A_120, %dma_wait3A_121] : memref<2x125x128xf32, #tpu.memory_space<vmem>> -> memref<1x125x128xf32, #tpu.memory_space<vmem>>
      %dma_wait3A_123 = tpu.memref_squeeze %dma_wait3A_122 : memref<1x125x128xf32, #tpu.memory_space<vmem>> -> memref<125x128xf32, #tpu.memory_space<vmem>>
      %dma_wait3A_124 = arith.constant 0 : i32
      %dma_wait3A_125 = tpu.memref_slice %arg5[%dma_wait3A_118, %dma_wait3A_124] : memref<40x125xi32, #tpu.memory_space<vmem>> -> memref<1x125xi32, #tpu.memory_space<vmem>>
      %dma_wait3A_126 = tpu.memref_squeeze %dma_wait3A_125 : memref<1x125xi32, #tpu.memory_space<vmem>> -> memref<125xi32, #tpu.memory_space<vmem>>
      %dma_wait3A_127 = arith.constant 0 : i32
      %dma_wait3A_128 = arith.constant 0 : i32
      %dma_wait3A_129 = tpu.memref_slice %arg2[%add3A_8, %dma_wait3A_127, %dma_wait3A_128] : memref<4x10000x128xf32, #tpu.memory_space<hbm>> -> memref<1x10000x128xf32, #tpu.memory_space<hbm>>
      %dma_wait3A_130 = tpu.memref_squeeze %dma_wait3A_129 : memref<1x10000x128xf32, #tpu.memory_space<hbm>> -> memref<10000x128xf32, #tpu.memory_space<hbm>>
      %dma_wait3A_131 = arith.constant 0 : i32
      %dma_wait3A_132 = arith.constant 0 : i32
      %dma_wait3A_133 = tpu.memref_slice %dma_wait3A_130[%dma_wait3A_131, %dma_wait3A_132] : memref<10000x128xf32, #tpu.memory_space<hbm>> -> memref<10000x128xf32, #tpu.memory_space<hbm>>
      tpu.wait_indirect_dma semaphore(%arg11 : memref<!tpu.dma_semaphore, #tpu.memory_space<semaphore_mem>>) src(%dma_wait3A_133 : memref<10000x128xf32, #tpu.memory_space<hbm>>) dst(%dma_wait3A_123 : memref<125x128xf32, #tpu.memory_space<vmem>>)
      %run_scoped3A_134 = arith.constant 1 : i32
      %run_scoped3A_135 = arith.constant 39 : i32
      "tpu.region"() ({
        %run_scoped3A_137 = tpu.sem_alloc : memref<!tpu.dma_semaphore, #tpu.memory_space<semaphore_mem>>
        %dma_start3A_138 = arith.constant 0 : i32
        %dma_start3A_139 = arith.constant 0 : i32
        %dma_start3A_140 = tpu.memref_slice %arg7[%run_scoped3A_134, %dma_start3A_138, %dma_start3A_139] : memref<2x125x128xf32, #tpu.memory_space<vmem>> -> memref<1x125x128xf32, #tpu.memory_space<vmem>>
        %dma_start3A_141 = tpu.memref_squeeze %dma_start3A_140 : memref<1x125x128xf32, #tpu.memory_space<vmem>> -> memref<125x128xf32, #tpu.memory_space<vmem>>
        %dma_start3A_142 = arith.constant 0 : i32
        %dma_start3A_143 = tpu.memref_slice %arg6[%run_scoped3A_135, %dma_start3A_142] : memref<40x125xi32, #tpu.memory_space<vmem>> -> memref<1x125xi32, #tpu.memory_space<vmem>>
        %dma_start3A_144 = tpu.memref_squeeze %dma_start3A_143 : memref<1x125xi32, #tpu.memory_space<vmem>> -> memref<125xi32, #tpu.memory_space<vmem>>
        %dma_start3A_145 = arith.constant 0 : i32
        %dma_start3A_146 = arith.constant 0 : i32
        %dma_start3A_147 = tpu.memref_slice %arg9[%dma_start3A_145, %dma_start3A_146] : memref<10000x128xf32, #tpu.memory_space<vmem_shared>> -> memref<10000x128xf32, #tpu.memory_space<vmem_shared>>
        tpu.enqueue_indirect_dma source(%dma_start3A_141 : memref<125x128xf32, #tpu.memory_space<vmem>>) target(%dma_start3A_147 : memref<10000x128xf32, #tpu.memory_space<vmem_shared>>) offsets(%dma_start3A_144 : memref<125xi32, #tpu.memory_space<vmem>>) semaphore(%run_scoped3A_137 : memref<!tpu.dma_semaphore, #tpu.memory_space<semaphore_mem>>) {add = true}
        %dma_wait3A_148 = arith.constant 0 : i32
        %dma_wait3A_149 = arith.constant 0 : i32
        %dma_wait3A_150 = tpu.memref_slice %arg7[%run_scoped3A_134, %dma_wait3A_148, %dma_wait3A_149] : memref<2x125x128xf32, #tpu.memory_space<vmem>> -> memref<1x125x128xf32, #tpu.memory_space<vmem>>
        %dma_wait3A_151 = tpu.memref_squeeze %dma_wait3A_150 : memref<1x125x128xf32, #tpu.memory_space<vmem>> -> memref<125x128xf32, #tpu.memory_space<vmem>>
        %dma_wait3A_152 = arith.constant 0 : i32
        %dma_wait3A_153 = tpu.memref_slice %arg6[%run_scoped3A_135, %dma_wait3A_152] : memref<40x125xi32, #tpu.memory_space<vmem>> -> memref<1x125xi32, #tpu.memory_space<vmem>>
        %dma_wait3A_154 = tpu.memref_squeeze %dma_wait3A_153 : memref<1x125xi32, #tpu.memory_space<vmem>> -> memref<125xi32, #tpu.memory_space<vmem>>
        %dma_wait3A_155 = arith.constant 0 : i32
        %dma_wait3A_156 = arith.constant 0 : i32
        %dma_wait3A_157 = tpu.memref_slice %arg9[%dma_wait3A_155, %dma_wait3A_156] : memref<10000x128xf32, #tpu.memory_space<vmem_shared>> -> memref<10000x128xf32, #tpu.memory_space<vmem_shared>>
        tpu.wait_indirect_dma semaphore(%run_scoped3A_137 : memref<!tpu.dma_semaphore, #tpu.memory_space<semaphore_mem>>) src(%dma_wait3A_151 : memref<125x128xf32, #tpu.memory_space<vmem>>) dst(%dma_wait3A_157 : memref<10000x128xf32, #tpu.memory_space<vmem_shared>>)
        tpu.yield
      }) : () -> ()
      %scan3A_136 = arith.constant 0 : i32
      scf.yield %scan3A_136 : i32
    }
    %scan3A_22 = arith.constant 2 : i32
    %barrier3A_23 = arith.constant 0 : index
    tpu.barrier barrier_id(%barrier3A_23)
    %mul3A_24 = arith.constant 624 : i32
    %mul3A_25 = arith.muli %arg1, %mul3A_24 : i32
    %mul3A_26 = arith.constant 624 : i32
    %mul3A_27 = arith.muli %arg1, %mul3A_26 : i32
    "tpu.region"() ({
      %run_scoped3A = tpu.sem_alloc : memref<!tpu.dma_semaphore, #tpu.memory_space<semaphore_mem>>
      %dma_start3A = arith.constant 0 : i32
      %dma_start3A_60 = arith.constant 0 : i32
      %dma_start3A_61 = tpu.memref_slice %arg4[%add3A_8, %dma_start3A, %dma_start3A_60] : memref<4x10000x128xf32, #tpu.memory_space<hbm>> -> memref<1x10000x128xf32, #tpu.memory_space<hbm>>
      %dma_start3A_62 = tpu.memref_squeeze %dma_start3A_61 : memref<1x10000x128xf32, #tpu.memory_space<hbm>> -> memref<10000x128xf32, #tpu.memory_space<hbm>>
      %dma_start3A_63 = arith.constant 0 : i32
      %dma_start3A_64 = tpu.memref_slice %dma_start3A_62[%mul3A_27, %dma_start3A_63] : memref<10000x128xf32, #tpu.memory_space<hbm>> -> memref<624x128xf32, #tpu.memory_space<hbm>>
      %dma_start3A_65 = arith.constant 0 : i32
      %dma_start3A_66 = tpu.memref_slice %arg9[%mul3A_25, %dma_start3A_65] : memref<10000x128xf32, #tpu.memory_space<vmem_shared>> -> memref<624x128xf32, #tpu.memory_space<vmem_shared>>
      tpu.enqueue_dma source(%dma_start3A_66 : memref<624x128xf32, #tpu.memory_space<vmem_shared>>) target(%dma_start3A_64 : memref<624x128xf32, #tpu.memory_space<hbm>>) target_semaphore(%run_scoped3A : memref<!tpu.dma_semaphore, #tpu.memory_space<semaphore_mem>>)
      %dma_wait3A = arith.constant 0 : i32
      %dma_wait3A_67 = arith.constant 0 : i32
      %dma_wait3A_68 = tpu.memref_slice %arg4[%add3A_8, %dma_wait3A, %dma_wait3A_67] : memref<4x10000x128xf32, #tpu.memory_space<hbm>> -> memref<1x10000x128xf32, #tpu.memory_space<hbm>>
      %dma_wait3A_69 = tpu.memref_squeeze %dma_wait3A_68 : memref<1x10000x128xf32, #tpu.memory_space<hbm>> -> memref<10000x128xf32, #tpu.memory_space<hbm>>
      %dma_wait3A_70 = arith.constant 0 : i32
      %dma_wait3A_71 = tpu.memref_slice %dma_wait3A_69[%mul3A_27, %dma_wait3A_70] : memref<10000x128xf32, #tpu.memory_space<hbm>> -> memref<624x128xf32, #tpu.memory_space<hbm>>
      %dma_wait3A_72 = arith.constant 0 : i32
      %dma_wait3A_73 = tpu.memref_slice %arg9[%mul3A_25, %dma_wait3A_72] : memref<10000x128xf32, #tpu.memory_space<vmem_shared>> -> memref<624x128xf32, #tpu.memory_space<vmem_shared>>
      tpu.wait_dma2 semaphore(%run_scoped3A : memref<!tpu.dma_semaphore, #tpu.memory_space<semaphore_mem>>) src(%dma_wait3A_73 : memref<624x128xf32, #tpu.memory_space<vmem_shared>>) dst(%dma_wait3A_71 : memref<624x128xf32, #tpu.memory_space<hbm>>)
      tpu.yield
    }) : () -> ()
    %eq3A = arith.constant 15 : i32
    %eq3A_28 = arith.cmpi eq, %arg1, %eq3A : i32
    %convert_element_type3A = arith.extui %eq3A_28 : i1 to i32
    %cond3A = arith.constant 0 : i32
    %cond3A_29 = arith.cmpi ne, %convert_element_type3A, %cond3A : i32
    scf.if %cond3A_29 {
      "tpu.region"() ({
        %run_scoped3A = tpu.sem_alloc : memref<!tpu.dma_semaphore, #tpu.memory_space<semaphore_mem>>
        %dma_start3A = arith.constant 0 : i32
        %dma_start3A_60 = arith.constant 0 : i32
        %dma_start3A_61 = tpu.memref_slice %arg4[%add3A_8, %dma_start3A, %dma_start3A_60] : memref<4x10000x128xf32, #tpu.memory_space<hbm>> -> memref<1x10000x128xf32, #tpu.memory_space<hbm>>
        %dma_start3A_62 = tpu.memref_squeeze %dma_start3A_61 : memref<1x10000x128xf32, #tpu.memory_space<hbm>> -> memref<10000x128xf32, #tpu.memory_space<hbm>>
        %dma_start3A_63 = arith.constant 9984 : i32
        %dma_start3A_64 = arith.constant 0 : i32
        %dma_start3A_65 = tpu.memref_slice %dma_start3A_62[%dma_start3A_63, %dma_start3A_64] : memref<10000x128xf32, #tpu.memory_space<hbm>> -> memref<16x128xf32, #tpu.memory_space<hbm>>
        %dma_start3A_66 = arith.constant 9984 : i32
        %dma_start3A_67 = arith.constant 0 : i32
        %dma_start3A_68 = tpu.memref_slice %arg9[%dma_start3A_66, %dma_start3A_67] : memref<10000x128xf32, #tpu.memory_space<vmem_shared>> -> memref<16x128xf32, #tpu.memory_space<vmem_shared>>
        tpu.enqueue_dma source(%dma_start3A_68 : memref<16x128xf32, #tpu.memory_space<vmem_shared>>) target(%dma_start3A_65 : memref<16x128xf32, #tpu.memory_space<hbm>>) target_semaphore(%run_scoped3A : memref<!tpu.dma_semaphore, #tpu.memory_space<semaphore_mem>>)
        %dma_wait3A = arith.constant 0 : i32
        %dma_wait3A_69 = arith.constant 0 : i32
        %dma_wait3A_70 = tpu.memref_slice %arg4[%add3A_8, %dma_wait3A, %dma_wait3A_69] : memref<4x10000x128xf32, #tpu.memory_space<hbm>> -> memref<1x10000x128xf32, #tpu.memory_space<hbm>>
        %dma_wait3A_71 = tpu.memref_squeeze %dma_wait3A_70 : memref<1x10000x128xf32, #tpu.memory_space<hbm>> -> memref<10000x128xf32, #tpu.memory_space<hbm>>
        %dma_wait3A_72 = arith.constant 9984 : i32
        %dma_wait3A_73 = arith.constant 0 : i32
        %dma_wait3A_74 = tpu.memref_slice %dma_wait3A_71[%dma_wait3A_72, %dma_wait3A_73] : memref<10000x128xf32, #tpu.memory_space<hbm>> -> memref<16x128xf32, #tpu.memory_space<hbm>>
        %dma_wait3A_75 = arith.constant 9984 : i32
        %dma_wait3A_76 = arith.constant 0 : i32
        %dma_wait3A_77 = tpu.memref_slice %arg9[%dma_wait3A_75, %dma_wait3A_76] : memref<10000x128xf32, #tpu.memory_space<vmem_shared>> -> memref<16x128xf32, #tpu.memory_space<vmem_shared>>
        tpu.wait_dma2 semaphore(%run_scoped3A : memref<!tpu.dma_semaphore, #tpu.memory_space<semaphore_mem>>) src(%dma_wait3A_77 : memref<16x128xf32, #tpu.memory_space<vmem_shared>>) dst(%dma_wait3A_74 : memref<16x128xf32, #tpu.memory_space<hbm>>)
        tpu.yield
      }) : () -> ()
    } else {
    }
    %barrier3A_30 = arith.constant 0 : index
    tpu.barrier barrier_id(%barrier3A_30)
    %mul3A_31 = arith.constant 2 : i32
    %mul3A_32 = arith.muli %arg0, %mul3A_31 : i32
    %add3A_33 = arith.constant 1 : i32
    %add3A_34 = arith.addi %mul3A_32, %add3A_33 : i32
    %scan3A_35 = arith.constant 0 : i32
    %scan3A_36 = arith.constant 0 : i32
    %scan3A_37 = arith.constant 25 : i32
    %scan3A_38 = arith.addi %scan3A_36, %scan3A_37 : i32
    %scan3A_39 = arith.constant 1 : i32
    %scan3A_40 = scf.for %scan3A_60 = %scan3A_36 to %scan3A_38 step %scan3A_39 iter_args(%scan3A_61 = %scan3A_35) -> (i32)  : i32 {
      %mul3A_62 = arith.constant 625 : i32
      %mul3A_63 = arith.muli %arg1, %mul3A_62 : i32
      %mul3A_64 = arith.constant 25 : i32
      %mul3A_65 = arith.muli %scan3A_60, %mul3A_64 : i32
      %add3A_66 = arith.addi %mul3A_63, %mul3A_65 : i32
      "tpu.region"() ({
        %run_scoped3A = tpu.sem_alloc : memref<!tpu.dma_semaphore, #tpu.memory_space<semaphore_mem>>
        %dma_start3A = arith.constant 0 : i32
        %dma_start3A_68 = tpu.memref_slice %arg9[%add3A_66, %dma_start3A] : memref<10000x128xf32, #tpu.memory_space<vmem_shared>> -> memref<25x128xf32, #tpu.memory_space<vmem_shared>>
        %dma_start3A_69 = arith.constant 0 : i32
        %dma_start3A_70 = tpu.memref_slice %arg9[%add3A_66, %dma_start3A_69] : memref<10000x128xf32, #tpu.memory_space<vmem_shared>> -> memref<25x128xf32, #tpu.memory_space<vmem_shared>>
        tpu.enqueue_dma source(%arg8 : memref<25x128xf32, #tpu.memory_space<vmem>>) target(%dma_start3A_70 : memref<25x128xf32, #tpu.memory_space<vmem_shared>>) target_semaphore(%run_scoped3A : memref<!tpu.dma_semaphore, #tpu.memory_space<semaphore_mem>>)
        %dma_wait3A = arith.constant 0 : i32
        %dma_wait3A_71 = tpu.memref_slice %arg9[%add3A_66, %dma_wait3A] : memref<10000x128xf32, #tpu.memory_space<vmem_shared>> -> memref<25x128xf32, #tpu.memory_space<vmem_shared>>
        %dma_wait3A_72 = arith.constant 0 : i32
        %dma_wait3A_73 = tpu.memref_slice %arg9[%add3A_66, %dma_wait3A_72] : memref<10000x128xf32, #tpu.memory_space<vmem_shared>> -> memref<25x128xf32, #tpu.memory_space<vmem_shared>>
        tpu.wait_dma2 semaphore(%run_scoped3A : memref<!tpu.dma_semaphore, #tpu.memory_space<semaphore_mem>>) src(%arg8 : memref<25x128xf32, #tpu.memory_space<vmem>>) dst(%dma_wait3A_73 : memref<25x128xf32, #tpu.memory_space<vmem_shared>>)
        tpu.yield
      }) : () -> ()
      %scan3A_67 = arith.constant 0 : i32
      scf.yield %scan3A_67 : i32
    }
    %scan3A_41 = arith.constant 25 : i32
    %barrier3A_42 = arith.constant 0 : index
    tpu.barrier barrier_id(%barrier3A_42)
    %scan3A_43 = arith.constant 0 : i32
    %scan3A_44 = arith.constant 0 : i32
    %scan3A_45 = arith.constant 2 : i32
    %scan3A_46 = arith.addi %scan3A_44, %scan3A_45 : i32
    %scan3A_47 = arith.constant 1 : i32
    %scan3A_48 = scf.for %scan3A_60 = %scan3A_44 to %scan3A_46 step %scan3A_47 iter_args(%scan3A_61 = %scan3A_43) -> (i32)  : i32 {
      %run_scoped3A = arith.constant 0 : i32
      "tpu.region"() ({
        %run_scoped3A_137 = tpu.sem_alloc : memref<!tpu.dma_semaphore, #tpu.memory_space<semaphore_mem>>
        %dma_start3A_138 = arith.constant 0 : i32
        %dma_start3A_139 = arith.constant 0 : i32
        %dma_start3A_140 = tpu.memref_slice %arg3[%run_scoped3A, %arg1, %scan3A_60, %dma_start3A_138, %dma_start3A_139] : memref<2x16x2x40x125xi32, #tpu.memory_space<hbm>> -> memref<1x1x1x40x125xi32, #tpu.memory_space<hbm>>
        %dma_start3A_141 = tpu.memref_squeeze %dma_start3A_140 : memref<1x1x1x40x125xi32, #tpu.memory_space<hbm>> -> memref<40x125xi32, #tpu.memory_space<hbm>>
        %dma_start3A_142 = arith.constant 0 : i32
        %dma_start3A_143 = arith.constant 0 : i32
        %dma_start3A_144 = tpu.memref_slice %arg3[%run_scoped3A, %arg1, %scan3A_60, %dma_start3A_142, %dma_start3A_143] : memref<2x16x2x40x125xi32, #tpu.memory_space<hbm>> -> memref<1x1x1x40x125xi32, #tpu.memory_space<hbm>>
        %dma_start3A_145 = tpu.memref_squeeze %dma_start3A_144 : memref<1x1x1x40x125xi32, #tpu.memory_space<hbm>> -> memref<40x125xi32, #tpu.memory_space<hbm>>
        tpu.enqueue_dma source(%dma_start3A_145 : memref<40x125xi32, #tpu.memory_space<hbm>>) target(%arg5 : memref<40x125xi32, #tpu.memory_space<vmem>>) target_semaphore(%run_scoped3A_137 : memref<!tpu.dma_semaphore, #tpu.memory_space<semaphore_mem>>)
        %dma_wait3A_146 = arith.constant 0 : i32
        %dma_wait3A_147 = arith.constant 0 : i32
        %dma_wait3A_148 = tpu.memref_slice %arg3[%run_scoped3A, %arg1, %scan3A_60, %dma_wait3A_146, %dma_wait3A_147] : memref<2x16x2x40x125xi32, #tpu.memory_space<hbm>> -> memref<1x1x1x40x125xi32, #tpu.memory_space<hbm>>
        %dma_wait3A_149 = tpu.memref_squeeze %dma_wait3A_148 : memref<1x1x1x40x125xi32, #tpu.memory_space<hbm>> -> memref<40x125xi32, #tpu.memory_space<hbm>>
        %dma_wait3A_150 = arith.constant 0 : i32
        %dma_wait3A_151 = arith.constant 0 : i32
        %dma_wait3A_152 = tpu.memref_slice %arg3[%run_scoped3A, %arg1, %scan3A_60, %dma_wait3A_150, %dma_wait3A_151] : memref<2x16x2x40x125xi32, #tpu.memory_space<hbm>> -> memref<1x1x1x40x125xi32, #tpu.memory_space<hbm>>
        %dma_wait3A_153 = tpu.memref_squeeze %dma_wait3A_152 : memref<1x1x1x40x125xi32, #tpu.memory_space<hbm>> -> memref<40x125xi32, #tpu.memory_space<hbm>>
        tpu.wait_dma2 semaphore(%run_scoped3A_137 : memref<!tpu.dma_semaphore, #tpu.memory_space<semaphore_mem>>) src(%dma_wait3A_153 : memref<40x125xi32, #tpu.memory_space<hbm>>) dst(%arg5 : memref<40x125xi32, #tpu.memory_space<vmem>>)
        tpu.yield
      }) : () -> ()
      %run_scoped3A_62 = arith.constant 1 : i32
      "tpu.region"() ({
        %run_scoped3A_137 = tpu.sem_alloc : memref<!tpu.dma_semaphore, #tpu.memory_space<semaphore_mem>>
        %dma_start3A_138 = arith.constant 0 : i32
        %dma_start3A_139 = arith.constant 0 : i32
        %dma_start3A_140 = tpu.memref_slice %arg3[%run_scoped3A_62, %arg1, %scan3A_60, %dma_start3A_138, %dma_start3A_139] : memref<2x16x2x40x125xi32, #tpu.memory_space<hbm>> -> memref<1x1x1x40x125xi32, #tpu.memory_space<hbm>>
        %dma_start3A_141 = tpu.memref_squeeze %dma_start3A_140 : memref<1x1x1x40x125xi32, #tpu.memory_space<hbm>> -> memref<40x125xi32, #tpu.memory_space<hbm>>
        %dma_start3A_142 = arith.constant 0 : i32
        %dma_start3A_143 = arith.constant 0 : i32
        %dma_start3A_144 = tpu.memref_slice %arg3[%run_scoped3A_62, %arg1, %scan3A_60, %dma_start3A_142, %dma_start3A_143] : memref<2x16x2x40x125xi32, #tpu.memory_space<hbm>> -> memref<1x1x1x40x125xi32, #tpu.memory_space<hbm>>
        %dma_start3A_145 = tpu.memref_squeeze %dma_start3A_144 : memref<1x1x1x40x125xi32, #tpu.memory_space<hbm>> -> memref<40x125xi32, #tpu.memory_space<hbm>>
        tpu.enqueue_dma source(%dma_start3A_145 : memref<40x125xi32, #tpu.memory_space<hbm>>) target(%arg6 : memref<40x125xi32, #tpu.memory_space<vmem>>) target_semaphore(%run_scoped3A_137 : memref<!tpu.dma_semaphore, #tpu.memory_space<semaphore_mem>>)
        %dma_wait3A_146 = arith.constant 0 : i32
        %dma_wait3A_147 = arith.constant 0 : i32
        %dma_wait3A_148 = tpu.memref_slice %arg3[%run_scoped3A_62, %arg1, %scan3A_60, %dma_wait3A_146, %dma_wait3A_147] : memref<2x16x2x40x125xi32, #tpu.memory_space<hbm>> -> memref<1x1x1x40x125xi32, #tpu.memory_space<hbm>>
        %dma_wait3A_149 = tpu.memref_squeeze %dma_wait3A_148 : memref<1x1x1x40x125xi32, #tpu.memory_space<hbm>> -> memref<40x125xi32, #tpu.memory_space<hbm>>
        %dma_wait3A_150 = arith.constant 0 : i32
        %dma_wait3A_151 = arith.constant 0 : i32
        %dma_wait3A_152 = tpu.memref_slice %arg3[%run_scoped3A_62, %arg1, %scan3A_60, %dma_wait3A_150, %dma_wait3A_151] : memref<2x16x2x40x125xi32, #tpu.memory_space<hbm>> -> memref<1x1x1x40x125xi32, #tpu.memory_space<hbm>>
        %dma_wait3A_153 = tpu.memref_squeeze %dma_wait3A_152 : memref<1x1x1x40x125xi32, #tpu.memory_space<hbm>> -> memref<40x125xi32, #tpu.memory_space<hbm>>
        tpu.wait_dma2 semaphore(%run_scoped3A_137 : memref<!tpu.dma_semaphore, #tpu.memory_space<semaphore_mem>>) src(%dma_wait3A_153 : memref<40x125xi32, #tpu.memory_space<hbm>>) dst(%arg6 : memref<40x125xi32, #tpu.memory_space<vmem>>)
        tpu.yield
      }) : () -> ()
      %dma_start3A = arith.constant 0 : i32
      %dma_start3A_63 = arith.constant 0 : i32
      %dma_start3A_64 = arith.constant 0 : i32
      %dma_start3A_65 = arith.constant 0 : i32
      %dma_start3A_66 = tpu.memref_slice %arg7[%dma_start3A_63, %dma_start3A_64, %dma_start3A_65] : memref<2x125x128xf32, #tpu.memory_space<vmem>> -> memref<1x125x128xf32, #tpu.memory_space<vmem>>
      %dma_start3A_67 = tpu.memref_squeeze %dma_start3A_66 : memref<1x125x128xf32, #tpu.memory_space<vmem>> -> memref<125x128xf32, #tpu.memory_space<vmem>>
      %dma_start3A_68 = arith.constant 0 : i32
      %dma_start3A_69 = tpu.memref_slice %arg5[%dma_start3A, %dma_start3A_68] : memref<40x125xi32, #tpu.memory_space<vmem>> -> memref<1x125xi32, #tpu.memory_space<vmem>>
      %dma_start3A_70 = tpu.memref_squeeze %dma_start3A_69 : memref<1x125xi32, #tpu.memory_space<vmem>> -> memref<125xi32, #tpu.memory_space<vmem>>
      %dma_start3A_71 = arith.constant 0 : i32
      %dma_start3A_72 = arith.constant 0 : i32
      %dma_start3A_73 = tpu.memref_slice %arg2[%add3A_34, %dma_start3A_71, %dma_start3A_72] : memref<4x10000x128xf32, #tpu.memory_space<hbm>> -> memref<1x10000x128xf32, #tpu.memory_space<hbm>>
      %dma_start3A_74 = tpu.memref_squeeze %dma_start3A_73 : memref<1x10000x128xf32, #tpu.memory_space<hbm>> -> memref<10000x128xf32, #tpu.memory_space<hbm>>
      %dma_start3A_75 = arith.constant 0 : i32
      %dma_start3A_76 = arith.constant 0 : i32
      %dma_start3A_77 = tpu.memref_slice %dma_start3A_74[%dma_start3A_75, %dma_start3A_76] : memref<10000x128xf32, #tpu.memory_space<hbm>> -> memref<10000x128xf32, #tpu.memory_space<hbm>>
      tpu.enqueue_indirect_dma source(%dma_start3A_77 : memref<10000x128xf32, #tpu.memory_space<hbm>>) target(%dma_start3A_67 : memref<125x128xf32, #tpu.memory_space<vmem>>) offsets(%dma_start3A_70 : memref<125xi32, #tpu.memory_space<vmem>>) semaphore(%arg10 : memref<!tpu.dma_semaphore, #tpu.memory_space<semaphore_mem>>)
      %scan3A_78 = arith.constant 0 : i32
      %scan3A_79 = arith.constant 0 : i32
      %scan3A_80 = arith.constant 19 : i32
      %scan3A_81 = arith.addi %scan3A_79, %scan3A_80 : i32
      %scan3A_82 = arith.constant 1 : i32
      %scan3A_83 = scf.for %scan3A_137 = %scan3A_79 to %scan3A_81 step %scan3A_82 iter_args(%scan3A_138 = %scan3A_78) -> (i32)  : i32 {
        %mul3A_139 = arith.constant 2 : i32
        %mul3A_140 = arith.muli %mul3A_139, %scan3A_137 : i32
        %add3A_141 = arith.constant 1 : i32
        %add3A_142 = arith.addi %mul3A_140, %add3A_141 : i32
        %dma_start3A_143 = arith.constant 1 : i32
        %dma_start3A_144 = arith.constant 0 : i32
        %dma_start3A_145 = arith.constant 0 : i32
        %dma_start3A_146 = tpu.memref_slice %arg7[%dma_start3A_143, %dma_start3A_144, %dma_start3A_145] : memref<2x125x128xf32, #tpu.memory_space<vmem>> -> memref<1x125x128xf32, #tpu.memory_space<vmem>>
        %dma_start3A_147 = tpu.memref_squeeze %dma_start3A_146 : memref<1x125x128xf32, #tpu.memory_space<vmem>> -> memref<125x128xf32, #tpu.memory_space<vmem>>
        %dma_start3A_148 = arith.constant 0 : i32
        %dma_start3A_149 = tpu.memref_slice %arg5[%add3A_142, %dma_start3A_148] : memref<40x125xi32, #tpu.memory_space<vmem>> -> memref<1x125xi32, #tpu.memory_space<vmem>>
        %dma_start3A_150 = tpu.memref_squeeze %dma_start3A_149 : memref<1x125xi32, #tpu.memory_space<vmem>> -> memref<125xi32, #tpu.memory_space<vmem>>
        %dma_start3A_151 = arith.constant 0 : i32
        %dma_start3A_152 = arith.constant 0 : i32
        %dma_start3A_153 = tpu.memref_slice %arg2[%add3A_34, %dma_start3A_151, %dma_start3A_152] : memref<4x10000x128xf32, #tpu.memory_space<hbm>> -> memref<1x10000x128xf32, #tpu.memory_space<hbm>>
        %dma_start3A_154 = tpu.memref_squeeze %dma_start3A_153 : memref<1x10000x128xf32, #tpu.memory_space<hbm>> -> memref<10000x128xf32, #tpu.memory_space<hbm>>
        %dma_start3A_155 = arith.constant 0 : i32
        %dma_start3A_156 = arith.constant 0 : i32
        %dma_start3A_157 = tpu.memref_slice %dma_start3A_154[%dma_start3A_155, %dma_start3A_156] : memref<10000x128xf32, #tpu.memory_space<hbm>> -> memref<10000x128xf32, #tpu.memory_space<hbm>>
        tpu.enqueue_indirect_dma source(%dma_start3A_157 : memref<10000x128xf32, #tpu.memory_space<hbm>>) target(%dma_start3A_147 : memref<125x128xf32, #tpu.memory_space<vmem>>) offsets(%dma_start3A_150 : memref<125xi32, #tpu.memory_space<vmem>>) semaphore(%arg11 : memref<!tpu.dma_semaphore, #tpu.memory_space<semaphore_mem>>)
        %dma_wait3A_158 = arith.constant 0 : i32
        %dma_wait3A_159 = arith.constant 0 : i32
        %dma_wait3A_160 = arith.constant 0 : i32
        %dma_wait3A_161 = tpu.memref_slice %arg7[%dma_wait3A_158, %dma_wait3A_159, %dma_wait3A_160] : memref<2x125x128xf32, #tpu.memory_space<vmem>> -> memref<1x125x128xf32, #tpu.memory_space<vmem>>
        %dma_wait3A_162 = tpu.memref_squeeze %dma_wait3A_161 : memref<1x125x128xf32, #tpu.memory_space<vmem>> -> memref<125x128xf32, #tpu.memory_space<vmem>>
        %dma_wait3A_163 = arith.constant 0 : i32
        %dma_wait3A_164 = tpu.memref_slice %arg5[%mul3A_140, %dma_wait3A_163] : memref<40x125xi32, #tpu.memory_space<vmem>> -> memref<1x125xi32, #tpu.memory_space<vmem>>
        %dma_wait3A_165 = tpu.memref_squeeze %dma_wait3A_164 : memref<1x125xi32, #tpu.memory_space<vmem>> -> memref<125xi32, #tpu.memory_space<vmem>>
        %dma_wait3A_166 = arith.constant 0 : i32
        %dma_wait3A_167 = arith.constant 0 : i32
        %dma_wait3A_168 = tpu.memref_slice %arg2[%add3A_34, %dma_wait3A_166, %dma_wait3A_167] : memref<4x10000x128xf32, #tpu.memory_space<hbm>> -> memref<1x10000x128xf32, #tpu.memory_space<hbm>>
        %dma_wait3A_169 = tpu.memref_squeeze %dma_wait3A_168 : memref<1x10000x128xf32, #tpu.memory_space<hbm>> -> memref<10000x128xf32, #tpu.memory_space<hbm>>
        %dma_wait3A_170 = arith.constant 0 : i32
        %dma_wait3A_171 = arith.constant 0 : i32
        %dma_wait3A_172 = tpu.memref_slice %dma_wait3A_169[%dma_wait3A_170, %dma_wait3A_171] : memref<10000x128xf32, #tpu.memory_space<hbm>> -> memref<10000x128xf32, #tpu.memory_space<hbm>>
        tpu.wait_indirect_dma semaphore(%arg10 : memref<!tpu.dma_semaphore, #tpu.memory_space<semaphore_mem>>) src(%dma_wait3A_172 : memref<10000x128xf32, #tpu.memory_space<hbm>>) dst(%dma_wait3A_162 : memref<125x128xf32, #tpu.memory_space<vmem>>)
        %run_scoped3A_173 = arith.constant 0 : i32
        "tpu.region"() ({
          %run_scoped3A_212 = tpu.sem_alloc : memref<!tpu.dma_semaphore, #tpu.memory_space<semaphore_mem>>
          %dma_start3A_213 = arith.constant 0 : i32
          %dma_start3A_214 = arith.constant 0 : i32
          %dma_start3A_215 = tpu.memref_slice %arg7[%run_scoped3A_173, %dma_start3A_213, %dma_start3A_214] : memref<2x125x128xf32, #tpu.memory_space<vmem>> -> memref<1x125x128xf32, #tpu.memory_space<vmem>>
          %dma_start3A_216 = tpu.memref_squeeze %dma_start3A_215 : memref<1x125x128xf32, #tpu.memory_space<vmem>> -> memref<125x128xf32, #tpu.memory_space<vmem>>
          %dma_start3A_217 = arith.constant 0 : i32
          %dma_start3A_218 = tpu.memref_slice %arg6[%mul3A_140, %dma_start3A_217] : memref<40x125xi32, #tpu.memory_space<vmem>> -> memref<1x125xi32, #tpu.memory_space<vmem>>
          %dma_start3A_219 = tpu.memref_squeeze %dma_start3A_218 : memref<1x125xi32, #tpu.memory_space<vmem>> -> memref<125xi32, #tpu.memory_space<vmem>>
          %dma_start3A_220 = arith.constant 0 : i32
          %dma_start3A_221 = arith.constant 0 : i32
          %dma_start3A_222 = tpu.memref_slice %arg9[%dma_start3A_220, %dma_start3A_221] : memref<10000x128xf32, #tpu.memory_space<vmem_shared>> -> memref<10000x128xf32, #tpu.memory_space<vmem_shared>>
          tpu.enqueue_indirect_dma source(%dma_start3A_216 : memref<125x128xf32, #tpu.memory_space<vmem>>) target(%dma_start3A_222 : memref<10000x128xf32, #tpu.memory_space<vmem_shared>>) offsets(%dma_start3A_219 : memref<125xi32, #tpu.memory_space<vmem>>) semaphore(%run_scoped3A_212 : memref<!tpu.dma_semaphore, #tpu.memory_space<semaphore_mem>>) {add = true}
          %dma_wait3A_223 = arith.constant 0 : i32
          %dma_wait3A_224 = arith.constant 0 : i32
          %dma_wait3A_225 = tpu.memref_slice %arg7[%run_scoped3A_173, %dma_wait3A_223, %dma_wait3A_224] : memref<2x125x128xf32, #tpu.memory_space<vmem>> -> memref<1x125x128xf32, #tpu.memory_space<vmem>>
          %dma_wait3A_226 = tpu.memref_squeeze %dma_wait3A_225 : memref<1x125x128xf32, #tpu.memory_space<vmem>> -> memref<125x128xf32, #tpu.memory_space<vmem>>
          %dma_wait3A_227 = arith.constant 0 : i32
          %dma_wait3A_228 = tpu.memref_slice %arg6[%mul3A_140, %dma_wait3A_227] : memref<40x125xi32, #tpu.memory_space<vmem>> -> memref<1x125xi32, #tpu.memory_space<vmem>>
          %dma_wait3A_229 = tpu.memref_squeeze %dma_wait3A_228 : memref<1x125xi32, #tpu.memory_space<vmem>> -> memref<125xi32, #tpu.memory_space<vmem>>
          %dma_wait3A_230 = arith.constant 0 : i32
          %dma_wait3A_231 = arith.constant 0 : i32
          %dma_wait3A_232 = tpu.memref_slice %arg9[%dma_wait3A_230, %dma_wait3A_231] : memref<10000x128xf32, #tpu.memory_space<vmem_shared>> -> memref<10000x128xf32, #tpu.memory_space<vmem_shared>>
          tpu.wait_indirect_dma semaphore(%run_scoped3A_212 : memref<!tpu.dma_semaphore, #tpu.memory_space<semaphore_mem>>) src(%dma_wait3A_226 : memref<125x128xf32, #tpu.memory_space<vmem>>) dst(%dma_wait3A_232 : memref<10000x128xf32, #tpu.memory_space<vmem_shared>>)
          tpu.yield
        }) : () -> ()
        %add3A_174 = arith.constant 2 : i32
        %add3A_175 = arith.addi %mul3A_140, %add3A_174 : i32
        %dma_start3A_176 = arith.constant 0 : i32
        %dma_start3A_177 = arith.constant 0 : i32
        %dma_start3A_178 = arith.constant 0 : i32
        %dma_start3A_179 = tpu.memref_slice %arg7[%dma_start3A_176, %dma_start3A_177, %dma_start3A_178] : memref<2x125x128xf32, #tpu.memory_space<vmem>> -> memref<1x125x128xf32, #tpu.memory_space<vmem>>
        %dma_start3A_180 = tpu.memref_squeeze %dma_start3A_179 : memref<1x125x128xf32, #tpu.memory_space<vmem>> -> memref<125x128xf32, #tpu.memory_space<vmem>>
        %dma_start3A_181 = arith.constant 0 : i32
        %dma_start3A_182 = tpu.memref_slice %arg5[%add3A_175, %dma_start3A_181] : memref<40x125xi32, #tpu.memory_space<vmem>> -> memref<1x125xi32, #tpu.memory_space<vmem>>
        %dma_start3A_183 = tpu.memref_squeeze %dma_start3A_182 : memref<1x125xi32, #tpu.memory_space<vmem>> -> memref<125xi32, #tpu.memory_space<vmem>>
        %dma_start3A_184 = arith.constant 0 : i32
        %dma_start3A_185 = arith.constant 0 : i32
        %dma_start3A_186 = tpu.memref_slice %arg2[%add3A_34, %dma_start3A_184, %dma_start3A_185] : memref<4x10000x128xf32, #tpu.memory_space<hbm>> -> memref<1x10000x128xf32, #tpu.memory_space<hbm>>
        %dma_start3A_187 = tpu.memref_squeeze %dma_start3A_186 : memref<1x10000x128xf32, #tpu.memory_space<hbm>> -> memref<10000x128xf32, #tpu.memory_space<hbm>>
        %dma_start3A_188 = arith.constant 0 : i32
        %dma_start3A_189 = arith.constant 0 : i32
        %dma_start3A_190 = tpu.memref_slice %dma_start3A_187[%dma_start3A_188, %dma_start3A_189] : memref<10000x128xf32, #tpu.memory_space<hbm>> -> memref<10000x128xf32, #tpu.memory_space<hbm>>
        tpu.enqueue_indirect_dma source(%dma_start3A_190 : memref<10000x128xf32, #tpu.memory_space<hbm>>) target(%dma_start3A_180 : memref<125x128xf32, #tpu.memory_space<vmem>>) offsets(%dma_start3A_183 : memref<125xi32, #tpu.memory_space<vmem>>) semaphore(%arg10 : memref<!tpu.dma_semaphore, #tpu.memory_space<semaphore_mem>>)
        %add3A_191 = arith.constant 1 : i32
        %add3A_192 = arith.addi %mul3A_140, %add3A_191 : i32
        %dma_wait3A_193 = arith.constant 1 : i32
        %dma_wait3A_194 = arith.constant 0 : i32
        %dma_wait3A_195 = arith.constant 0 : i32
        %dma_wait3A_196 = tpu.memref_slice %arg7[%dma_wait3A_193, %dma_wait3A_194, %dma_wait3A_195] : memref<2x125x128xf32, #tpu.memory_space<vmem>> -> memref<1x125x128xf32, #tpu.memory_space<vmem>>
        %dma_wait3A_197 = tpu.memref_squeeze %dma_wait3A_196 : memref<1x125x128xf32, #tpu.memory_space<vmem>> -> memref<125x128xf32, #tpu.memory_space<vmem>>
        %dma_wait3A_198 = arith.constant 0 : i32
        %dma_wait3A_199 = tpu.memref_slice %arg5[%add3A_192, %dma_wait3A_198] : memref<40x125xi32, #tpu.memory_space<vmem>> -> memref<1x125xi32, #tpu.memory_space<vmem>>
        %dma_wait3A_200 = tpu.memref_squeeze %dma_wait3A_199 : memref<1x125xi32, #tpu.memory_space<vmem>> -> memref<125xi32, #tpu.memory_space<vmem>>
        %dma_wait3A_201 = arith.constant 0 : i32
        %dma_wait3A_202 = arith.constant 0 : i32
        %dma_wait3A_203 = tpu.memref_slice %arg2[%add3A_34, %dma_wait3A_201, %dma_wait3A_202] : memref<4x10000x128xf32, #tpu.memory_space<hbm>> -> memref<1x10000x128xf32, #tpu.memory_space<hbm>>
        %dma_wait3A_204 = tpu.memref_squeeze %dma_wait3A_203 : memref<1x10000x128xf32, #tpu.memory_space<hbm>> -> memref<10000x128xf32, #tpu.memory_space<hbm>>
        %dma_wait3A_205 = arith.constant 0 : i32
        %dma_wait3A_206 = arith.constant 0 : i32
        %dma_wait3A_207 = tpu.memref_slice %dma_wait3A_204[%dma_wait3A_205, %dma_wait3A_206] : memref<10000x128xf32, #tpu.memory_space<hbm>> -> memref<10000x128xf32, #tpu.memory_space<hbm>>
        tpu.wait_indirect_dma semaphore(%arg11 : memref<!tpu.dma_semaphore, #tpu.memory_space<semaphore_mem>>) src(%dma_wait3A_207 : memref<10000x128xf32, #tpu.memory_space<hbm>>) dst(%dma_wait3A_197 : memref<125x128xf32, #tpu.memory_space<vmem>>)
        %add3A_208 = arith.constant 1 : i32
        %add3A_209 = arith.addi %mul3A_140, %add3A_208 : i32
        %run_scoped3A_210 = arith.constant 1 : i32
        "tpu.region"() ({
          %run_scoped3A_212 = tpu.sem_alloc : memref<!tpu.dma_semaphore, #tpu.memory_space<semaphore_mem>>
          %dma_start3A_213 = arith.constant 0 : i32
          %dma_start3A_214 = arith.constant 0 : i32
          %dma_start3A_215 = tpu.memref_slice %arg7[%run_scoped3A_210, %dma_start3A_213, %dma_start3A_214] : memref<2x125x128xf32, #tpu.memory_space<vmem>> -> memref<1x125x128xf32, #tpu.memory_space<vmem>>
          %dma_start3A_216 = tpu.memref_squeeze %dma_start3A_215 : memref<1x125x128xf32, #tpu.memory_space<vmem>> -> memref<125x128xf32, #tpu.memory_space<vmem>>
          %dma_start3A_217 = arith.constant 0 : i32
          %dma_start3A_218 = tpu.memref_slice %arg6[%add3A_209, %dma_start3A_217] : memref<40x125xi32, #tpu.memory_space<vmem>> -> memref<1x125xi32, #tpu.memory_space<vmem>>
          %dma_start3A_219 = tpu.memref_squeeze %dma_start3A_218 : memref<1x125xi32, #tpu.memory_space<vmem>> -> memref<125xi32, #tpu.memory_space<vmem>>
          %dma_start3A_220 = arith.constant 0 : i32
          %dma_start3A_221 = arith.constant 0 : i32
          %dma_start3A_222 = tpu.memref_slice %arg9[%dma_start3A_220, %dma_start3A_221] : memref<10000x128xf32, #tpu.memory_space<vmem_shared>> -> memref<10000x128xf32, #tpu.memory_space<vmem_shared>>
          tpu.enqueue_indirect_dma source(%dma_start3A_216 : memref<125x128xf32, #tpu.memory_space<vmem>>) target(%dma_start3A_222 : memref<10000x128xf32, #tpu.memory_space<vmem_shared>>) offsets(%dma_start3A_219 : memref<125xi32, #tpu.memory_space<vmem>>) semaphore(%run_scoped3A_212 : memref<!tpu.dma_semaphore, #tpu.memory_space<semaphore_mem>>) {add = true}
          %dma_wait3A_223 = arith.constant 0 : i32
          %dma_wait3A_224 = arith.constant 0 : i32
          %dma_wait3A_225 = tpu.memref_slice %arg7[%run_scoped3A_210, %dma_wait3A_223, %dma_wait3A_224] : memref<2x125x128xf32, #tpu.memory_space<vmem>> -> memref<1x125x128xf32, #tpu.memory_space<vmem>>
          %dma_wait3A_226 = tpu.memref_squeeze %dma_wait3A_225 : memref<1x125x128xf32, #tpu.memory_space<vmem>> -> memref<125x128xf32, #tpu.memory_space<vmem>>
          %dma_wait3A_227 = arith.constant 0 : i32
          %dma_wait3A_228 = tpu.memref_slice %arg6[%add3A_209, %dma_wait3A_227] : memref<40x125xi32, #tpu.memory_space<vmem>> -> memref<1x125xi32, #tpu.memory_space<vmem>>
          %dma_wait3A_229 = tpu.memref_squeeze %dma_wait3A_228 : memref<1x125xi32, #tpu.memory_space<vmem>> -> memref<125xi32, #tpu.memory_space<vmem>>
          %dma_wait3A_230 = arith.constant 0 : i32
          %dma_wait3A_231 = arith.constant 0 : i32
          %dma_wait3A_232 = tpu.memref_slice %arg9[%dma_wait3A_230, %dma_wait3A_231] : memref<10000x128xf32, #tpu.memory_space<vmem_shared>> -> memref<10000x128xf32, #tpu.memory_space<vmem_shared>>
          tpu.wait_indirect_dma semaphore(%run_scoped3A_212 : memref<!tpu.dma_semaphore, #tpu.memory_space<semaphore_mem>>) src(%dma_wait3A_226 : memref<125x128xf32, #tpu.memory_space<vmem>>) dst(%dma_wait3A_232 : memref<10000x128xf32, #tpu.memory_space<vmem_shared>>)
          tpu.yield
        }) : () -> ()
        %scan3A_211 = arith.constant 0 : i32
        scf.yield %scan3A_211 : i32
      }
      %scan3A_84 = arith.constant 19 : i32
      %dma_start3A_85 = arith.constant 39 : i32
      %dma_start3A_86 = arith.constant 1 : i32
      %dma_start3A_87 = arith.constant 0 : i32
      %dma_start3A_88 = arith.constant 0 : i32
      %dma_start3A_89 = tpu.memref_slice %arg7[%dma_start3A_86, %dma_start3A_87, %dma_start3A_88] : memref<2x125x128xf32, #tpu.memory_space<vmem>> -> memref<1x125x128xf32, #tpu.memory_space<vmem>>
      %dma_start3A_90 = tpu.memref_squeeze %dma_start3A_89 : memref<1x125x128xf32, #tpu.memory_space<vmem>> -> memref<125x128xf32, #tpu.memory_space<vmem>>
      %dma_start3A_91 = arith.constant 0 : i32
      %dma_start3A_92 = tpu.memref_slice %arg5[%dma_start3A_85, %dma_start3A_91] : memref<40x125xi32, #tpu.memory_space<vmem>> -> memref<1x125xi32, #tpu.memory_space<vmem>>
      %dma_start3A_93 = tpu.memref_squeeze %dma_start3A_92 : memref<1x125xi32, #tpu.memory_space<vmem>> -> memref<125xi32, #tpu.memory_space<vmem>>
      %dma_start3A_94 = arith.constant 0 : i32
      %dma_start3A_95 = arith.constant 0 : i32
      %dma_start3A_96 = tpu.memref_slice %arg2[%add3A_34, %dma_start3A_94, %dma_start3A_95] : memref<4x10000x128xf32, #tpu.memory_space<hbm>> -> memref<1x10000x128xf32, #tpu.memory_space<hbm>>
      %dma_start3A_97 = tpu.memref_squeeze %dma_start3A_96 : memref<1x10000x128xf32, #tpu.memory_space<hbm>> -> memref<10000x128xf32, #tpu.memory_space<hbm>>
      %dma_start3A_98 = arith.constant 0 : i32
      %dma_start3A_99 = arith.constant 0 : i32
      %dma_start3A_100 = tpu.memref_slice %dma_start3A_97[%dma_start3A_98, %dma_start3A_99] : memref<10000x128xf32, #tpu.memory_space<hbm>> -> memref<10000x128xf32, #tpu.memory_space<hbm>>
      tpu.enqueue_indirect_dma source(%dma_start3A_100 : memref<10000x128xf32, #tpu.memory_space<hbm>>) target(%dma_start3A_90 : memref<125x128xf32, #tpu.memory_space<vmem>>) offsets(%dma_start3A_93 : memref<125xi32, #tpu.memory_space<vmem>>) semaphore(%arg11 : memref<!tpu.dma_semaphore, #tpu.memory_space<semaphore_mem>>)
      %dma_wait3A = arith.constant 38 : i32
      %dma_wait3A_101 = arith.constant 0 : i32
      %dma_wait3A_102 = arith.constant 0 : i32
      %dma_wait3A_103 = arith.constant 0 : i32
      %dma_wait3A_104 = tpu.memref_slice %arg7[%dma_wait3A_101, %dma_wait3A_102, %dma_wait3A_103] : memref<2x125x128xf32, #tpu.memory_space<vmem>> -> memref<1x125x128xf32, #tpu.memory_space<vmem>>
      %dma_wait3A_105 = tpu.memref_squeeze %dma_wait3A_104 : memref<1x125x128xf32, #tpu.memory_space<vmem>> -> memref<125x128xf32, #tpu.memory_space<vmem>>
      %dma_wait3A_106 = arith.constant 0 : i32
      %dma_wait3A_107 = tpu.memref_slice %arg5[%dma_wait3A, %dma_wait3A_106] : memref<40x125xi32, #tpu.memory_space<vmem>> -> memref<1x125xi32, #tpu.memory_space<vmem>>
      %dma_wait3A_108 = tpu.memref_squeeze %dma_wait3A_107 : memref<1x125xi32, #tpu.memory_space<vmem>> -> memref<125xi32, #tpu.memory_space<vmem>>
      %dma_wait3A_109 = arith.constant 0 : i32
      %dma_wait3A_110 = arith.constant 0 : i32
      %dma_wait3A_111 = tpu.memref_slice %arg2[%add3A_34, %dma_wait3A_109, %dma_wait3A_110] : memref<4x10000x128xf32, #tpu.memory_space<hbm>> -> memref<1x10000x128xf32, #tpu.memory_space<hbm>>
      %dma_wait3A_112 = tpu.memref_squeeze %dma_wait3A_111 : memref<1x10000x128xf32, #tpu.memory_space<hbm>> -> memref<10000x128xf32, #tpu.memory_space<hbm>>
      %dma_wait3A_113 = arith.constant 0 : i32
      %dma_wait3A_114 = arith.constant 0 : i32
      %dma_wait3A_115 = tpu.memref_slice %dma_wait3A_112[%dma_wait3A_113, %dma_wait3A_114] : memref<10000x128xf32, #tpu.memory_space<hbm>> -> memref<10000x128xf32, #tpu.memory_space<hbm>>
      tpu.wait_indirect_dma semaphore(%arg10 : memref<!tpu.dma_semaphore, #tpu.memory_space<semaphore_mem>>) src(%dma_wait3A_115 : memref<10000x128xf32, #tpu.memory_space<hbm>>) dst(%dma_wait3A_105 : memref<125x128xf32, #tpu.memory_space<vmem>>)
      %run_scoped3A_116 = arith.constant 0 : i32
      %run_scoped3A_117 = arith.constant 38 : i32
      "tpu.region"() ({
        %run_scoped3A_137 = tpu.sem_alloc : memref<!tpu.dma_semaphore, #tpu.memory_space<semaphore_mem>>
        %dma_start3A_138 = arith.constant 0 : i32
        %dma_start3A_139 = arith.constant 0 : i32
        %dma_start3A_140 = tpu.memref_slice %arg7[%run_scoped3A_116, %dma_start3A_138, %dma_start3A_139] : memref<2x125x128xf32, #tpu.memory_space<vmem>> -> memref<1x125x128xf32, #tpu.memory_space<vmem>>
        %dma_start3A_141 = tpu.memref_squeeze %dma_start3A_140 : memref<1x125x128xf32, #tpu.memory_space<vmem>> -> memref<125x128xf32, #tpu.memory_space<vmem>>
        %dma_start3A_142 = arith.constant 0 : i32
        %dma_start3A_143 = tpu.memref_slice %arg6[%run_scoped3A_117, %dma_start3A_142] : memref<40x125xi32, #tpu.memory_space<vmem>> -> memref<1x125xi32, #tpu.memory_space<vmem>>
        %dma_start3A_144 = tpu.memref_squeeze %dma_start3A_143 : memref<1x125xi32, #tpu.memory_space<vmem>> -> memref<125xi32, #tpu.memory_space<vmem>>
        %dma_start3A_145 = arith.constant 0 : i32
        %dma_start3A_146 = arith.constant 0 : i32
        %dma_start3A_147 = tpu.memref_slice %arg9[%dma_start3A_145, %dma_start3A_146] : memref<10000x128xf32, #tpu.memory_space<vmem_shared>> -> memref<10000x128xf32, #tpu.memory_space<vmem_shared>>
        tpu.enqueue_indirect_dma source(%dma_start3A_141 : memref<125x128xf32, #tpu.memory_space<vmem>>) target(%dma_start3A_147 : memref<10000x128xf32, #tpu.memory_space<vmem_shared>>) offsets(%dma_start3A_144 : memref<125xi32, #tpu.memory_space<vmem>>) semaphore(%run_scoped3A_137 : memref<!tpu.dma_semaphore, #tpu.memory_space<semaphore_mem>>) {add = true}
        %dma_wait3A_148 = arith.constant 0 : i32
        %dma_wait3A_149 = arith.constant 0 : i32
        %dma_wait3A_150 = tpu.memref_slice %arg7[%run_scoped3A_116, %dma_wait3A_148, %dma_wait3A_149] : memref<2x125x128xf32, #tpu.memory_space<vmem>> -> memref<1x125x128xf32, #tpu.memory_space<vmem>>
        %dma_wait3A_151 = tpu.memref_squeeze %dma_wait3A_150 : memref<1x125x128xf32, #tpu.memory_space<vmem>> -> memref<125x128xf32, #tpu.memory_space<vmem>>
        %dma_wait3A_152 = arith.constant 0 : i32
        %dma_wait3A_153 = tpu.memref_slice %arg6[%run_scoped3A_117, %dma_wait3A_152] : memref<40x125xi32, #tpu.memory_space<vmem>> -> memref<1x125xi32, #tpu.memory_space<vmem>>
        %dma_wait3A_154 = tpu.memref_squeeze %dma_wait3A_153 : memref<1x125xi32, #tpu.memory_space<vmem>> -> memref<125xi32, #tpu.memory_space<vmem>>
        %dma_wait3A_155 = arith.constant 0 : i32
        %dma_wait3A_156 = arith.constant 0 : i32
        %dma_wait3A_157 = tpu.memref_slice %arg9[%dma_wait3A_155, %dma_wait3A_156] : memref<10000x128xf32, #tpu.memory_space<vmem_shared>> -> memref<10000x128xf32, #tpu.memory_space<vmem_shared>>
        tpu.wait_indirect_dma semaphore(%run_scoped3A_137 : memref<!tpu.dma_semaphore, #tpu.memory_space<semaphore_mem>>) src(%dma_wait3A_151 : memref<125x128xf32, #tpu.memory_space<vmem>>) dst(%dma_wait3A_157 : memref<10000x128xf32, #tpu.memory_space<vmem_shared>>)
        tpu.yield
      }) : () -> ()
      %dma_wait3A_118 = arith.constant 39 : i32
      %dma_wait3A_119 = arith.constant 1 : i32
      %dma_wait3A_120 = arith.constant 0 : i32
      %dma_wait3A_121 = arith.constant 0 : i32
      %dma_wait3A_122 = tpu.memref_slice %arg7[%dma_wait3A_119, %dma_wait3A_120, %dma_wait3A_121] : memref<2x125x128xf32, #tpu.memory_space<vmem>> -> memref<1x125x128xf32, #tpu.memory_space<vmem>>
      %dma_wait3A_123 = tpu.memref_squeeze %dma_wait3A_122 : memref<1x125x128xf32, #tpu.memory_space<vmem>> -> memref<125x128xf32, #tpu.memory_space<vmem>>
      %dma_wait3A_124 = arith.constant 0 : i32
      %dma_wait3A_125 = tpu.memref_slice %arg5[%dma_wait3A_118, %dma_wait3A_124] : memref<40x125xi32, #tpu.memory_space<vmem>> -> memref<1x125xi32, #tpu.memory_space<vmem>>
      %dma_wait3A_126 = tpu.memref_squeeze %dma_wait3A_125 : memref<1x125xi32, #tpu.memory_space<vmem>> -> memref<125xi32, #tpu.memory_space<vmem>>
      %dma_wait3A_127 = arith.constant 0 : i32
      %dma_wait3A_128 = arith.constant 0 : i32
      %dma_wait3A_129 = tpu.memref_slice %arg2[%add3A_34, %dma_wait3A_127, %dma_wait3A_128] : memref<4x10000x128xf32, #tpu.memory_space<hbm>> -> memref<1x10000x128xf32, #tpu.memory_space<hbm>>
      %dma_wait3A_130 = tpu.memref_squeeze %dma_wait3A_129 : memref<1x10000x128xf32, #tpu.memory_space<hbm>> -> memref<10000x128xf32, #tpu.memory_space<hbm>>
      %dma_wait3A_131 = arith.constant 0 : i32
      %dma_wait3A_132 = arith.constant 0 : i32
      %dma_wait3A_133 = tpu.memref_slice %dma_wait3A_130[%dma_wait3A_131, %dma_wait3A_132] : memref<10000x128xf32, #tpu.memory_space<hbm>> -> memref<10000x128xf32, #tpu.memory_space<hbm>>
      tpu.wait_indirect_dma semaphore(%arg11 : memref<!tpu.dma_semaphore, #tpu.memory_space<semaphore_mem>>) src(%dma_wait3A_133 : memref<10000x128xf32, #tpu.memory_space<hbm>>) dst(%dma_wait3A_123 : memref<125x128xf32, #tpu.memory_space<vmem>>)
      %run_scoped3A_134 = arith.constant 1 : i32
      %run_scoped3A_135 = arith.constant 39 : i32
      "tpu.region"() ({
        %run_scoped3A_137 = tpu.sem_alloc : memref<!tpu.dma_semaphore, #tpu.memory_space<semaphore_mem>>
        %dma_start3A_138 = arith.constant 0 : i32
        %dma_start3A_139 = arith.constant 0 : i32
        %dma_start3A_140 = tpu.memref_slice %arg7[%run_scoped3A_134, %dma_start3A_138, %dma_start3A_139] : memref<2x125x128xf32, #tpu.memory_space<vmem>> -> memref<1x125x128xf32, #tpu.memory_space<vmem>>
        %dma_start3A_141 = tpu.memref_squeeze %dma_start3A_140 : memref<1x125x128xf32, #tpu.memory_space<vmem>> -> memref<125x128xf32, #tpu.memory_space<vmem>>
        %dma_start3A_142 = arith.constant 0 : i32
        %dma_start3A_143 = tpu.memref_slice %arg6[%run_scoped3A_135, %dma_start3A_142] : memref<40x125xi32, #tpu.memory_space<vmem>> -> memref<1x125xi32, #tpu.memory_space<vmem>>
        %dma_start3A_144 = tpu.memref_squeeze %dma_start3A_143 : memref<1x125xi32, #tpu.memory_space<vmem>> -> memref<125xi32, #tpu.memory_space<vmem>>
        %dma_start3A_145 = arith.constant 0 : i32
        %dma_start3A_146 = arith.constant 0 : i32
        %dma_start3A_147 = tpu.memref_slice %arg9[%dma_start3A_145, %dma_start3A_146] : memref<10000x128xf32, #tpu.memory_space<vmem_shared>> -> memref<10000x128xf32, #tpu.memory_space<vmem_shared>>
        tpu.enqueue_indirect_dma source(%dma_start3A_141 : memref<125x128xf32, #tpu.memory_space<vmem>>) target(%dma_start3A_147 : memref<10000x128xf32, #tpu.memory_space<vmem_shared>>) offsets(%dma_start3A_144 : memref<125xi32, #tpu.memory_space<vmem>>) semaphore(%run_scoped3A_137 : memref<!tpu.dma_semaphore, #tpu.memory_space<semaphore_mem>>) {add = true}
        %dma_wait3A_148 = arith.constant 0 : i32
        %dma_wait3A_149 = arith.constant 0 : i32
        %dma_wait3A_150 = tpu.memref_slice %arg7[%run_scoped3A_134, %dma_wait3A_148, %dma_wait3A_149] : memref<2x125x128xf32, #tpu.memory_space<vmem>> -> memref<1x125x128xf32, #tpu.memory_space<vmem>>
        %dma_wait3A_151 = tpu.memref_squeeze %dma_wait3A_150 : memref<1x125x128xf32, #tpu.memory_space<vmem>> -> memref<125x128xf32, #tpu.memory_space<vmem>>
        %dma_wait3A_152 = arith.constant 0 : i32
        %dma_wait3A_153 = tpu.memref_slice %arg6[%run_scoped3A_135, %dma_wait3A_152] : memref<40x125xi32, #tpu.memory_space<vmem>> -> memref<1x125xi32, #tpu.memory_space<vmem>>
        %dma_wait3A_154 = tpu.memref_squeeze %dma_wait3A_153 : memref<1x125xi32, #tpu.memory_space<vmem>> -> memref<125xi32, #tpu.memory_space<vmem>>
        %dma_wait3A_155 = arith.constant 0 : i32
        %dma_wait3A_156 = arith.constant 0 : i32
        %dma_wait3A_157 = tpu.memref_slice %arg9[%dma_wait3A_155, %dma_wait3A_156] : memref<10000x128xf32, #tpu.memory_space<vmem_shared>> -> memref<10000x128xf32, #tpu.memory_space<vmem_shared>>
        tpu.wait_indirect_dma semaphore(%run_scoped3A_137 : memref<!tpu.dma_semaphore, #tpu.memory_space<semaphore_mem>>) src(%dma_wait3A_151 : memref<125x128xf32, #tpu.memory_space<vmem>>) dst(%dma_wait3A_157 : memref<10000x128xf32, #tpu.memory_space<vmem_shared>>)
        tpu.yield
      }) : () -> ()
      %scan3A_136 = arith.constant 0 : i32
      scf.yield %scan3A_136 : i32
    }
    %scan3A_49 = arith.constant 2 : i32
    %barrier3A_50 = arith.constant 0 : index
    tpu.barrier barrier_id(%barrier3A_50)
    %mul3A_51 = arith.constant 624 : i32
    %mul3A_52 = arith.muli %arg1, %mul3A_51 : i32
    %mul3A_53 = arith.constant 624 : i32
    %mul3A_54 = arith.muli %arg1, %mul3A_53 : i32
    "tpu.region"() ({
      %run_scoped3A = tpu.sem_alloc : memref<!tpu.dma_semaphore, #tpu.memory_space<semaphore_mem>>
      %dma_start3A = arith.constant 0 : i32
      %dma_start3A_60 = arith.constant 0 : i32
      %dma_start3A_61 = tpu.memref_slice %arg4[%add3A_34, %dma_start3A, %dma_start3A_60] : memref<4x10000x128xf32, #tpu.memory_space<hbm>> -> memref<1x10000x128xf32, #tpu.memory_space<hbm>>
      %dma_start3A_62 = tpu.memref_squeeze %dma_start3A_61 : memref<1x10000x128xf32, #tpu.memory_space<hbm>> -> memref<10000x128xf32, #tpu.memory_space<hbm>>
      %dma_start3A_63 = arith.constant 0 : i32
      %dma_start3A_64 = tpu.memref_slice %dma_start3A_62[%mul3A_54, %dma_start3A_63] : memref<10000x128xf32, #tpu.memory_space<hbm>> -> memref<624x128xf32, #tpu.memory_space<hbm>>
      %dma_start3A_65 = arith.constant 0 : i32
      %dma_start3A_66 = tpu.memref_slice %arg9[%mul3A_52, %dma_start3A_65] : memref<10000x128xf32, #tpu.memory_space<vmem_shared>> -> memref<624x128xf32, #tpu.memory_space<vmem_shared>>
      tpu.enqueue_dma source(%dma_start3A_66 : memref<624x128xf32, #tpu.memory_space<vmem_shared>>) target(%dma_start3A_64 : memref<624x128xf32, #tpu.memory_space<hbm>>) target_semaphore(%run_scoped3A : memref<!tpu.dma_semaphore, #tpu.memory_space<semaphore_mem>>)
      %dma_wait3A = arith.constant 0 : i32
      %dma_wait3A_67 = arith.constant 0 : i32
      %dma_wait3A_68 = tpu.memref_slice %arg4[%add3A_34, %dma_wait3A, %dma_wait3A_67] : memref<4x10000x128xf32, #tpu.memory_space<hbm>> -> memref<1x10000x128xf32, #tpu.memory_space<hbm>>
      %dma_wait3A_69 = tpu.memref_squeeze %dma_wait3A_68 : memref<1x10000x128xf32, #tpu.memory_space<hbm>> -> memref<10000x128xf32, #tpu.memory_space<hbm>>
      %dma_wait3A_70 = arith.constant 0 : i32
      %dma_wait3A_71 = tpu.memref_slice %dma_wait3A_69[%mul3A_54, %dma_wait3A_70] : memref<10000x128xf32, #tpu.memory_space<hbm>> -> memref<624x128xf32, #tpu.memory_space<hbm>>
      %dma_wait3A_72 = arith.constant 0 : i32
      %dma_wait3A_73 = tpu.memref_slice %arg9[%mul3A_52, %dma_wait3A_72] : memref<10000x128xf32, #tpu.memory_space<vmem_shared>> -> memref<624x128xf32, #tpu.memory_space<vmem_shared>>
      tpu.wait_dma2 semaphore(%run_scoped3A : memref<!tpu.dma_semaphore, #tpu.memory_space<semaphore_mem>>) src(%dma_wait3A_73 : memref<624x128xf32, #tpu.memory_space<vmem_shared>>) dst(%dma_wait3A_71 : memref<624x128xf32, #tpu.memory_space<hbm>>)
      tpu.yield
    }) : () -> ()
    %eq3A_55 = arith.constant 15 : i32
    %eq3A_56 = arith.cmpi eq, %arg1, %eq3A_55 : i32
    %convert_element_type3A_57 = arith.extui %eq3A_56 : i1 to i32
    %cond3A_58 = arith.constant 0 : i32
    %cond3A_59 = arith.cmpi ne, %convert_element_type3A_57, %cond3A_58 : i32
    scf.if %cond3A_59 {
      "tpu.region"() ({
        %run_scoped3A = tpu.sem_alloc : memref<!tpu.dma_semaphore, #tpu.memory_space<semaphore_mem>>
        %dma_start3A = arith.constant 0 : i32
        %dma_start3A_60 = arith.constant 0 : i32
        %dma_start3A_61 = tpu.memref_slice %arg4[%add3A_34, %dma_start3A, %dma_start3A_60] : memref<4x10000x128xf32, #tpu.memory_space<hbm>> -> memref<1x10000x128xf32, #tpu.memory_space<hbm>>
        %dma_start3A_62 = tpu.memref_squeeze %dma_start3A_61 : memref<1x10000x128xf32, #tpu.memory_space<hbm>> -> memref<10000x128xf32, #tpu.memory_space<hbm>>
        %dma_start3A_63 = arith.constant 9984 : i32
        %dma_start3A_64 = arith.constant 0 : i32
        %dma_start3A_65 = tpu.memref_slice %dma_start3A_62[%dma_start3A_63, %dma_start3A_64] : memref<10000x128xf32, #tpu.memory_space<hbm>> -> memref<16x128xf32, #tpu.memory_space<hbm>>
        %dma_start3A_66 = arith.constant 9984 : i32
        %dma_start3A_67 = arith.constant 0 : i32
        %dma_start3A_68 = tpu.memref_slice %arg9[%dma_start3A_66, %dma_start3A_67] : memref<10000x128xf32, #tpu.memory_space<vmem_shared>> -> memref<16x128xf32, #tpu.memory_space<vmem_shared>>
        tpu.enqueue_dma source(%dma_start3A_68 : memref<16x128xf32, #tpu.memory_space<vmem_shared>>) target(%dma_start3A_65 : memref<16x128xf32, #tpu.memory_space<hbm>>) target_semaphore(%run_scoped3A : memref<!tpu.dma_semaphore, #tpu.memory_space<semaphore_mem>>)
        %dma_wait3A = arith.constant 0 : i32
        %dma_wait3A_69 = arith.constant 0 : i32
        %dma_wait3A_70 = tpu.memref_slice %arg4[%add3A_34, %dma_wait3A, %dma_wait3A_69] : memref<4x10000x128xf32, #tpu.memory_space<hbm>> -> memref<1x10000x128xf32, #tpu.memory_space<hbm>>
        %dma_wait3A_71 = tpu.memref_squeeze %dma_wait3A_70 : memref<1x10000x128xf32, #tpu.memory_space<hbm>> -> memref<10000x128xf32, #tpu.memory_space<hbm>>
        %dma_wait3A_72 = arith.constant 9984 : i32
        %dma_wait3A_73 = arith.constant 0 : i32
        %dma_wait3A_74 = tpu.memref_slice %dma_wait3A_71[%dma_wait3A_72, %dma_wait3A_73] : memref<10000x128xf32, #tpu.memory_space<hbm>> -> memref<16x128xf32, #tpu.memory_space<hbm>>
        %dma_wait3A_75 = arith.constant 9984 : i32
        %dma_wait3A_76 = arith.constant 0 : i32
        %dma_wait3A_77 = tpu.memref_slice %arg9[%dma_wait3A_75, %dma_wait3A_76] : memref<10000x128xf32, #tpu.memory_space<vmem_shared>> -> memref<16x128xf32, #tpu.memory_space<vmem_shared>>
        tpu.wait_dma2 semaphore(%run_scoped3A : memref<!tpu.dma_semaphore, #tpu.memory_space<semaphore_mem>>) src(%dma_wait3A_77 : memref<16x128xf32, #tpu.memory_space<vmem_shared>>) dst(%dma_wait3A_74 : memref<16x128xf32, #tpu.memory_space<hbm>>)
        tpu.yield
      }) : () -> ()
    } else {
    }
    return
  }
}

#map = affine_map<(d0, d1) -> (0, 0, 0, 0, 0)>
#map1 = affine_map<(d0, d1) -> (0, 0)>
#map2 = affine_map<(d0, d1) -> (0, 0, 0)>
module attributes {stable_mosaic.version = 14 : i64} {
  func.func @hist(%arg0: i32, %arg1: i32, %arg2: memref<2x16x2x40x125xi32, #tpu.memory_space<hbm>>, %arg3: memref<136x16xf32, #tpu.memory_space<hbm>>, %arg4: memref<2x10000x16xf32, #tpu.memory_space<hbm>>, %arg5: memref<2x40x125xi32, #tpu.memory_space<vmem>>, %arg6: memref<104x16xf32, #tpu.memory_space<vmem>>, %arg7: memref<32x16xf32, #tpu.memory_space<vmem>>, %arg8: memref<10000x16xf32, #tpu.memory_space<vmem_shared>>) attributes {dimension_semantics = [#tpu.dimension_semantics<core_parallel>, #tpu.dimension_semantics<subcore_parallel>], iteration_bounds = array<i64: 2, 16>, scalar_prefetch = 0 : i64, scratch_operands = 4 : i64, tpu.core_type = #tpu.core_type<sc_vector_subcore>, window_params = [{transform_indices = #map}, {transform_indices = #map1}, {transform_indices = #map2}]} {
    "tpu.region"() ({
      %run_scoped3A = tpu.sem_alloc : memref<!tpu.dma_semaphore, #tpu.memory_space<semaphore_mem>>
      %dma_start3A = arith.constant 0 : i32
      %dma_start3A_19 = arith.constant 0 : i32
      %dma_start3A_20 = arith.constant 0 : i32
      %dma_start3A_21 = tpu.memref_slice %arg2[%arg0, %arg1, %dma_start3A, %dma_start3A_19, %dma_start3A_20] : memref<2x16x2x40x125xi32, #tpu.memory_space<hbm>> -> memref<1x1x2x40x125xi32, #tpu.memory_space<hbm>>
      %dma_start3A_22 = tpu.memref_squeeze %dma_start3A_21 : memref<1x1x2x40x125xi32, #tpu.memory_space<hbm>> -> memref<2x40x125xi32, #tpu.memory_space<hbm>>
      %dma_start3A_23 = arith.constant 0 : i32
      %dma_start3A_24 = arith.constant 0 : i32
      %dma_start3A_25 = arith.constant 0 : i32
      %dma_start3A_26 = tpu.memref_slice %arg2[%arg0, %arg1, %dma_start3A_23, %dma_start3A_24, %dma_start3A_25] : memref<2x16x2x40x125xi32, #tpu.memory_space<hbm>> -> memref<1x1x2x40x125xi32, #tpu.memory_space<hbm>>
      %dma_start3A_27 = tpu.memref_squeeze %dma_start3A_26 : memref<1x1x2x40x125xi32, #tpu.memory_space<hbm>> -> memref<2x40x125xi32, #tpu.memory_space<hbm>>
      tpu.enqueue_dma source(%dma_start3A_27 : memref<2x40x125xi32, #tpu.memory_space<hbm>>) target(%arg5 : memref<2x40x125xi32, #tpu.memory_space<vmem>>) target_semaphore(%run_scoped3A : memref<!tpu.dma_semaphore, #tpu.memory_space<semaphore_mem>>)
      %dma_wait3A = arith.constant 0 : i32
      %dma_wait3A_28 = arith.constant 0 : i32
      %dma_wait3A_29 = arith.constant 0 : i32
      %dma_wait3A_30 = tpu.memref_slice %arg2[%arg0, %arg1, %dma_wait3A, %dma_wait3A_28, %dma_wait3A_29] : memref<2x16x2x40x125xi32, #tpu.memory_space<hbm>> -> memref<1x1x2x40x125xi32, #tpu.memory_space<hbm>>
      %dma_wait3A_31 = tpu.memref_squeeze %dma_wait3A_30 : memref<1x1x2x40x125xi32, #tpu.memory_space<hbm>> -> memref<2x40x125xi32, #tpu.memory_space<hbm>>
      %dma_wait3A_32 = arith.constant 0 : i32
      %dma_wait3A_33 = arith.constant 0 : i32
      %dma_wait3A_34 = arith.constant 0 : i32
      %dma_wait3A_35 = tpu.memref_slice %arg2[%arg0, %arg1, %dma_wait3A_32, %dma_wait3A_33, %dma_wait3A_34] : memref<2x16x2x40x125xi32, #tpu.memory_space<hbm>> -> memref<1x1x2x40x125xi32, #tpu.memory_space<hbm>>
      %dma_wait3A_36 = tpu.memref_squeeze %dma_wait3A_35 : memref<1x1x2x40x125xi32, #tpu.memory_space<hbm>> -> memref<2x40x125xi32, #tpu.memory_space<hbm>>
      tpu.wait_dma2 semaphore(%run_scoped3A : memref<!tpu.dma_semaphore, #tpu.memory_space<semaphore_mem>>) src(%dma_wait3A_36 : memref<2x40x125xi32, #tpu.memory_space<hbm>>) dst(%arg5 : memref<2x40x125xi32, #tpu.memory_space<vmem>>)
      tpu.yield
    }) : () -> ()
    "tpu.region"() ({
      %run_scoped3A = tpu.sem_alloc : memref<!tpu.dma_semaphore, #tpu.memory_space<semaphore_mem>>
      %dma_start3A = arith.constant 0 : i32
      %dma_start3A_19 = arith.constant 0 : i32
      %dma_start3A_20 = tpu.memref_slice %arg3[%dma_start3A, %dma_start3A_19] : memref<136x16xf32, #tpu.memory_space<hbm>> -> memref<104x16xf32, #tpu.memory_space<hbm>>
      %dma_start3A_21 = arith.constant 0 : i32
      %dma_start3A_22 = arith.constant 0 : i32
      %dma_start3A_23 = tpu.memref_slice %arg3[%dma_start3A_21, %dma_start3A_22] : memref<136x16xf32, #tpu.memory_space<hbm>> -> memref<104x16xf32, #tpu.memory_space<hbm>>
      tpu.enqueue_dma source(%dma_start3A_23 : memref<104x16xf32, #tpu.memory_space<hbm>>) target(%arg6 : memref<104x16xf32, #tpu.memory_space<vmem>>) target_semaphore(%run_scoped3A : memref<!tpu.dma_semaphore, #tpu.memory_space<semaphore_mem>>)
      %dma_wait3A = arith.constant 0 : i32
      %dma_wait3A_24 = arith.constant 0 : i32
      %dma_wait3A_25 = tpu.memref_slice %arg3[%dma_wait3A, %dma_wait3A_24] : memref<136x16xf32, #tpu.memory_space<hbm>> -> memref<104x16xf32, #tpu.memory_space<hbm>>
      %dma_wait3A_26 = arith.constant 0 : i32
      %dma_wait3A_27 = arith.constant 0 : i32
      %dma_wait3A_28 = tpu.memref_slice %arg3[%dma_wait3A_26, %dma_wait3A_27] : memref<136x16xf32, #tpu.memory_space<hbm>> -> memref<104x16xf32, #tpu.memory_space<hbm>>
      tpu.wait_dma2 semaphore(%run_scoped3A : memref<!tpu.dma_semaphore, #tpu.memory_space<semaphore_mem>>) src(%dma_wait3A_28 : memref<104x16xf32, #tpu.memory_space<hbm>>) dst(%arg6 : memref<104x16xf32, #tpu.memory_space<vmem>>)
      tpu.yield
    }) : () -> ()
    "tpu.region"() ({
      %run_scoped3A = tpu.sem_alloc : memref<!tpu.dma_semaphore, #tpu.memory_space<semaphore_mem>>
      %dma_start3A = arith.constant 104 : i32
      %dma_start3A_19 = arith.constant 0 : i32
      %dma_start3A_20 = tpu.memref_slice %arg3[%dma_start3A, %dma_start3A_19] : memref<136x16xf32, #tpu.memory_space<hbm>> -> memref<32x16xf32, #tpu.memory_space<hbm>>
      %dma_start3A_21 = arith.constant 104 : i32
      %dma_start3A_22 = arith.constant 0 : i32
      %dma_start3A_23 = tpu.memref_slice %arg3[%dma_start3A_21, %dma_start3A_22] : memref<136x16xf32, #tpu.memory_space<hbm>> -> memref<32x16xf32, #tpu.memory_space<hbm>>
      tpu.enqueue_dma source(%dma_start3A_23 : memref<32x16xf32, #tpu.memory_space<hbm>>) target(%arg7 : memref<32x16xf32, #tpu.memory_space<vmem>>) target_semaphore(%run_scoped3A : memref<!tpu.dma_semaphore, #tpu.memory_space<semaphore_mem>>)
      %dma_wait3A = arith.constant 104 : i32
      %dma_wait3A_24 = arith.constant 0 : i32
      %dma_wait3A_25 = tpu.memref_slice %arg3[%dma_wait3A, %dma_wait3A_24] : memref<136x16xf32, #tpu.memory_space<hbm>> -> memref<32x16xf32, #tpu.memory_space<hbm>>
      %dma_wait3A_26 = arith.constant 104 : i32
      %dma_wait3A_27 = arith.constant 0 : i32
      %dma_wait3A_28 = tpu.memref_slice %arg3[%dma_wait3A_26, %dma_wait3A_27] : memref<136x16xf32, #tpu.memory_space<hbm>> -> memref<32x16xf32, #tpu.memory_space<hbm>>
      tpu.wait_dma2 semaphore(%run_scoped3A : memref<!tpu.dma_semaphore, #tpu.memory_space<semaphore_mem>>) src(%dma_wait3A_28 : memref<32x16xf32, #tpu.memory_space<hbm>>) dst(%arg7 : memref<32x16xf32, #tpu.memory_space<vmem>>)
      tpu.yield
    }) : () -> ()
    %scan3A = arith.constant 0 : i32
    %scan3A_0 = arith.constant 0 : i32
    %scan3A_1 = arith.constant 25 : i32
    %scan3A_2 = arith.addi %scan3A_0, %scan3A_1 : i32
    %scan3A_3 = arith.constant 1 : i32
    %scan3A_4 = scf.for %scan3A_19 = %scan3A_0 to %scan3A_2 step %scan3A_3 iter_args(%scan3A_20 = %scan3A) -> (i32)  : i32 {
      %mul3A_21 = arith.constant 625 : i32
      %mul3A_22 = arith.muli %arg1, %mul3A_21 : i32
      %mul3A_23 = arith.constant 25 : i32
      %mul3A_24 = arith.muli %scan3A_19, %mul3A_23 : i32
      %add3A = arith.addi %mul3A_22, %mul3A_24 : i32
      "tpu.region"() ({
        %run_scoped3A = tpu.sem_alloc : memref<!tpu.dma_semaphore, #tpu.memory_space<semaphore_mem>>
        %dma_start3A = arith.constant 0 : i32
        %dma_start3A_26 = arith.constant 0 : i32
        %dma_start3A_27 = tpu.memref_slice %arg7[%dma_start3A, %dma_start3A_26] : memref<32x16xf32, #tpu.memory_space<vmem>> -> memref<25x16xf32, #tpu.memory_space<vmem>>
        %dma_start3A_28 = arith.constant 0 : i32
        %dma_start3A_29 = tpu.memref_slice %arg8[%add3A, %dma_start3A_28] : memref<10000x16xf32, #tpu.memory_space<vmem_shared>> -> memref<25x16xf32, #tpu.memory_space<vmem_shared>>
        %dma_start3A_30 = arith.constant 0 : i32
        %dma_start3A_31 = tpu.memref_slice %arg8[%add3A, %dma_start3A_30] : memref<10000x16xf32, #tpu.memory_space<vmem_shared>> -> memref<25x16xf32, #tpu.memory_space<vmem_shared>>
        %dma_start3A_32 = arith.constant 0 : i32
        %dma_start3A_33 = arith.constant 0 : i32
        %dma_start3A_34 = tpu.memref_slice %arg7[%dma_start3A_32, %dma_start3A_33] : memref<32x16xf32, #tpu.memory_space<vmem>> -> memref<25x16xf32, #tpu.memory_space<vmem>>
        tpu.enqueue_dma source(%dma_start3A_34 : memref<25x16xf32, #tpu.memory_space<vmem>>) target(%dma_start3A_31 : memref<25x16xf32, #tpu.memory_space<vmem_shared>>) target_semaphore(%run_scoped3A : memref<!tpu.dma_semaphore, #tpu.memory_space<semaphore_mem>>)
        %dma_wait3A = arith.constant 0 : i32
        %dma_wait3A_35 = arith.constant 0 : i32
        %dma_wait3A_36 = tpu.memref_slice %arg7[%dma_wait3A, %dma_wait3A_35] : memref<32x16xf32, #tpu.memory_space<vmem>> -> memref<25x16xf32, #tpu.memory_space<vmem>>
        %dma_wait3A_37 = arith.constant 0 : i32
        %dma_wait3A_38 = tpu.memref_slice %arg8[%add3A, %dma_wait3A_37] : memref<10000x16xf32, #tpu.memory_space<vmem_shared>> -> memref<25x16xf32, #tpu.memory_space<vmem_shared>>
        %dma_wait3A_39 = arith.constant 0 : i32
        %dma_wait3A_40 = tpu.memref_slice %arg8[%add3A, %dma_wait3A_39] : memref<10000x16xf32, #tpu.memory_space<vmem_shared>> -> memref<25x16xf32, #tpu.memory_space<vmem_shared>>
        %dma_wait3A_41 = arith.constant 0 : i32
        %dma_wait3A_42 = arith.constant 0 : i32
        %dma_wait3A_43 = tpu.memref_slice %arg7[%dma_wait3A_41, %dma_wait3A_42] : memref<32x16xf32, #tpu.memory_space<vmem>> -> memref<25x16xf32, #tpu.memory_space<vmem>>
        tpu.wait_dma2 semaphore(%run_scoped3A : memref<!tpu.dma_semaphore, #tpu.memory_space<semaphore_mem>>) src(%dma_wait3A_43 : memref<25x16xf32, #tpu.memory_space<vmem>>) dst(%dma_wait3A_40 : memref<25x16xf32, #tpu.memory_space<vmem_shared>>)
        tpu.yield
      }) : () -> ()
      %scan3A_25 = arith.constant 0 : i32
      scf.yield %scan3A_25 : i32
    }
    %scan3A_5 = arith.constant 25 : i32
    %barrier3A = arith.constant 0 : index
    tpu.barrier barrier_id(%barrier3A)
    %scan3A_6 = arith.constant 0 : i32
    %scan3A_7 = arith.constant 0 : i32
    %scan3A_8 = arith.constant 80 : i32
    %scan3A_9 = arith.addi %scan3A_7, %scan3A_8 : i32
    %scan3A_10 = arith.constant 1 : i32
    %scan3A_11 = scf.for %scan3A_19 = %scan3A_7 to %scan3A_9 step %scan3A_10 iter_args(%scan3A_20 = %scan3A_6) -> (i32)  : i32 {
      %jit3A = arith.constant 40 : i32
      %div3A = arith.divsi %scan3A_19, %jit3A : i32
      %sign3A = arith.constant 0 : i32
      %sign3A_21 = arith.cmpi sgt, %scan3A_19, %sign3A : i32
      %sign3A_22 = arith.extui %sign3A_21 : i1 to i32
      %sign3A_23 = arith.constant 0 : i32
      %sign3A_24 = arith.cmpi slt, %scan3A_19, %sign3A_23 : i32
      %sign3A_25 = arith.extui %sign3A_24 : i1 to i32
      %sign3A_26 = arith.subi %sign3A_22, %sign3A_25 : i32
      %sign3A_27 = arith.constant 0 : i32
      %sign3A_28 = arith.cmpi sgt, %jit3A, %sign3A_27 : i32
      %sign3A_29 = arith.extui %sign3A_28 : i1 to i32
      %sign3A_30 = arith.constant 0 : i32
      %sign3A_31 = arith.cmpi slt, %jit3A, %sign3A_30 : i32
      %sign3A_32 = arith.extui %sign3A_31 : i1 to i32
      %sign3A_33 = arith.subi %sign3A_29, %sign3A_32 : i32
      %ne3A = arith.cmpi ne, %sign3A_26, %sign3A_33 : i32
      %rem3A = arith.remsi %scan3A_19, %jit3A : i32
      %ne3A_34 = arith.constant 0 : i32
      %ne3A_35 = arith.cmpi ne, %rem3A, %ne3A_34 : i32
      %and3A = arith.andi %ne3A, %ne3A_35 : i1
      %sub3A = arith.constant 1 : i32
      %sub3A_36 = arith.subi %div3A, %sub3A : i32
      %select_n3A = arith.select %and3A, %sub3A_36, %div3A : i32
      %jit3A_37 = arith.constant 40 : i32
      %eq3A_38 = arith.constant 0 : i32
      %eq3A_39 = arith.cmpi eq, %jit3A_37, %eq3A_38 : i32
      %jit3A_40 = arith.constant 1 : i32
      %select_n3A_41 = arith.select %eq3A_39, %jit3A_40, %jit3A_37 : i32
      %rem3A_42 = arith.remsi %scan3A_19, %select_n3A_41 : i32
      %ne3A_43 = arith.constant 0 : i32
      %ne3A_44 = arith.cmpi ne, %rem3A_42, %ne3A_43 : i32
      %lt3A = arith.constant 0 : i32
      %lt3A_45 = arith.cmpi slt, %rem3A_42, %lt3A : i32
      %lt3A_46 = arith.constant 0 : i32
      %lt3A_47 = arith.cmpi slt, %select_n3A_41, %lt3A_46 : i32
      %ne3A_48 = arith.xori %lt3A_45, %lt3A_47 : i1
      %and3A_49 = arith.andi %ne3A_48, %ne3A_44 : i1
      %add3A = arith.addi %rem3A_42, %select_n3A_41 : i32
      %select_n3A_50 = arith.select %and3A_49, %add3A, %rem3A_42 : i32
      "tpu.region"() ({
        %run_scoped3A = tpu.sem_alloc : memref<!tpu.dma_semaphore, #tpu.memory_space<semaphore_mem>>
        %dma_start3A = arith.constant 0 : i32
        %dma_start3A_52 = arith.constant 0 : i32
        %dma_start3A_53 = tpu.memref_slice %arg6[%dma_start3A, %dma_start3A_52] : memref<104x16xf32, #tpu.memory_space<vmem>> -> memref<125x16xf32, #tpu.memory_space<vmem>>
        %dma_start3A_54 = arith.constant 0 : i32
        %dma_start3A_55 = tpu.memref_slice %arg5[%select_n3A, %select_n3A_50, %dma_start3A_54] : memref<2x40x125xi32, #tpu.memory_space<vmem>> -> memref<1x1x125xi32, #tpu.memory_space<vmem>>
        %dma_start3A_56 = tpu.memref_squeeze %dma_start3A_55 : memref<1x1x125xi32, #tpu.memory_space<vmem>> -> memref<125xi32, #tpu.memory_space<vmem>>
        %dma_start3A_57 = arith.constant 0 : i32
        %dma_start3A_58 = arith.constant 0 : i32
        %dma_start3A_59 = tpu.memref_slice %arg8[%dma_start3A_57, %dma_start3A_58] : memref<10000x16xf32, #tpu.memory_space<vmem_shared>> -> memref<10000x16xf32, #tpu.memory_space<vmem_shared>>
        tpu.enqueue_indirect_dma source(%dma_start3A_53 : memref<125x16xf32, #tpu.memory_space<vmem>>) target(%dma_start3A_59 : memref<10000x16xf32, #tpu.memory_space<vmem_shared>>) offsets(%dma_start3A_56 : memref<125xi32, #tpu.memory_space<vmem>>) semaphore(%run_scoped3A : memref<!tpu.dma_semaphore, #tpu.memory_space<semaphore_mem>>) {add = true}
        %dma_wait3A = arith.constant 0 : i32
        %dma_wait3A_60 = arith.constant 0 : i32
        %dma_wait3A_61 = tpu.memref_slice %arg6[%dma_wait3A, %dma_wait3A_60] : memref<104x16xf32, #tpu.memory_space<vmem>> -> memref<125x16xf32, #tpu.memory_space<vmem>>
        %dma_wait3A_62 = arith.constant 0 : i32
        %dma_wait3A_63 = tpu.memref_slice %arg5[%select_n3A, %select_n3A_50, %dma_wait3A_62] : memref<2x40x125xi32, #tpu.memory_space<vmem>> -> memref<1x1x125xi32, #tpu.memory_space<vmem>>
        %dma_wait3A_64 = tpu.memref_squeeze %dma_wait3A_63 : memref<1x1x125xi32, #tpu.memory_space<vmem>> -> memref<125xi32, #tpu.memory_space<vmem>>
        %dma_wait3A_65 = arith.constant 0 : i32
        %dma_wait3A_66 = arith.constant 0 : i32
        %dma_wait3A_67 = tpu.memref_slice %arg8[%dma_wait3A_65, %dma_wait3A_66] : memref<10000x16xf32, #tpu.memory_space<vmem_shared>> -> memref<10000x16xf32, #tpu.memory_space<vmem_shared>>
        tpu.wait_indirect_dma semaphore(%run_scoped3A : memref<!tpu.dma_semaphore, #tpu.memory_space<semaphore_mem>>) src(%dma_wait3A_61 : memref<125x16xf32, #tpu.memory_space<vmem>>) dst(%dma_wait3A_67 : memref<10000x16xf32, #tpu.memory_space<vmem_shared>>)
        tpu.yield
      }) : () -> ()
      %scan3A_51 = arith.constant 0 : i32
      scf.yield %scan3A_51 : i32
    }
    %scan3A_12 = arith.constant 80 : i32
    %barrier3A_13 = arith.constant 0 : index
    tpu.barrier barrier_id(%barrier3A_13)
    %mul3A = arith.constant 624 : i32
    %mul3A_14 = arith.muli %arg1, %mul3A : i32
    %mul3A_15 = arith.constant 624 : i32
    %mul3A_16 = arith.muli %arg1, %mul3A_15 : i32
    "tpu.region"() ({
      %run_scoped3A = tpu.sem_alloc : memref<!tpu.dma_semaphore, #tpu.memory_space<semaphore_mem>>
      %dma_start3A = arith.constant 0 : i32
      %dma_start3A_19 = arith.constant 0 : i32
      %dma_start3A_20 = tpu.memref_slice %arg4[%arg0, %dma_start3A, %dma_start3A_19] : memref<2x10000x16xf32, #tpu.memory_space<hbm>> -> memref<1x10000x16xf32, #tpu.memory_space<hbm>>
      %dma_start3A_21 = tpu.memref_squeeze %dma_start3A_20 : memref<1x10000x16xf32, #tpu.memory_space<hbm>> -> memref<10000x16xf32, #tpu.memory_space<hbm>>
      %dma_start3A_22 = arith.constant 0 : i32
      %dma_start3A_23 = tpu.memref_slice %dma_start3A_21[%mul3A_16, %dma_start3A_22] : memref<10000x16xf32, #tpu.memory_space<hbm>> -> memref<624x16xf32, #tpu.memory_space<hbm>>
      %dma_start3A_24 = arith.constant 0 : i32
      %dma_start3A_25 = tpu.memref_slice %arg8[%mul3A_14, %dma_start3A_24] : memref<10000x16xf32, #tpu.memory_space<vmem_shared>> -> memref<624x16xf32, #tpu.memory_space<vmem_shared>>
      tpu.enqueue_dma source(%dma_start3A_25 : memref<624x16xf32, #tpu.memory_space<vmem_shared>>) target(%dma_start3A_23 : memref<624x16xf32, #tpu.memory_space<hbm>>) target_semaphore(%run_scoped3A : memref<!tpu.dma_semaphore, #tpu.memory_space<semaphore_mem>>)
      %dma_wait3A = arith.constant 0 : i32
      %dma_wait3A_26 = arith.constant 0 : i32
      %dma_wait3A_27 = tpu.memref_slice %arg4[%arg0, %dma_wait3A, %dma_wait3A_26] : memref<2x10000x16xf32, #tpu.memory_space<hbm>> -> memref<1x10000x16xf32, #tpu.memory_space<hbm>>
      %dma_wait3A_28 = tpu.memref_squeeze %dma_wait3A_27 : memref<1x10000x16xf32, #tpu.memory_space<hbm>> -> memref<10000x16xf32, #tpu.memory_space<hbm>>
      %dma_wait3A_29 = arith.constant 0 : i32
      %dma_wait3A_30 = tpu.memref_slice %dma_wait3A_28[%mul3A_16, %dma_wait3A_29] : memref<10000x16xf32, #tpu.memory_space<hbm>> -> memref<624x16xf32, #tpu.memory_space<hbm>>
      %dma_wait3A_31 = arith.constant 0 : i32
      %dma_wait3A_32 = tpu.memref_slice %arg8[%mul3A_14, %dma_wait3A_31] : memref<10000x16xf32, #tpu.memory_space<vmem_shared>> -> memref<624x16xf32, #tpu.memory_space<vmem_shared>>
      tpu.wait_dma2 semaphore(%run_scoped3A : memref<!tpu.dma_semaphore, #tpu.memory_space<semaphore_mem>>) src(%dma_wait3A_32 : memref<624x16xf32, #tpu.memory_space<vmem_shared>>) dst(%dma_wait3A_30 : memref<624x16xf32, #tpu.memory_space<hbm>>)
      tpu.yield
    }) : () -> ()
    %eq3A = arith.constant 15 : i32
    %eq3A_17 = arith.cmpi eq, %arg1, %eq3A : i32
    %convert_element_type3A = arith.extui %eq3A_17 : i1 to i32
    %cond3A = arith.constant 0 : i32
    %cond3A_18 = arith.cmpi ne, %convert_element_type3A, %cond3A : i32
    scf.if %cond3A_18 {
      "tpu.region"() ({
        %run_scoped3A = tpu.sem_alloc : memref<!tpu.dma_semaphore, #tpu.memory_space<semaphore_mem>>
        %dma_start3A = arith.constant 0 : i32
        %dma_start3A_19 = arith.constant 0 : i32
        %dma_start3A_20 = tpu.memref_slice %arg4[%arg0, %dma_start3A, %dma_start3A_19] : memref<2x10000x16xf32, #tpu.memory_space<hbm>> -> memref<1x10000x16xf32, #tpu.memory_space<hbm>>
        %dma_start3A_21 = tpu.memref_squeeze %dma_start3A_20 : memref<1x10000x16xf32, #tpu.memory_space<hbm>> -> memref<10000x16xf32, #tpu.memory_space<hbm>>
        %dma_start3A_22 = arith.constant 9984 : i32
        %dma_start3A_23 = arith.constant 0 : i32
        %dma_start3A_24 = tpu.memref_slice %dma_start3A_21[%dma_start3A_22, %dma_start3A_23] : memref<10000x16xf32, #tpu.memory_space<hbm>> -> memref<16x16xf32, #tpu.memory_space<hbm>>
        %dma_start3A_25 = arith.constant 9984 : i32
        %dma_start3A_26 = arith.constant 0 : i32
        %dma_start3A_27 = tpu.memref_slice %arg8[%dma_start3A_25, %dma_start3A_26] : memref<10000x16xf32, #tpu.memory_space<vmem_shared>> -> memref<16x16xf32, #tpu.memory_space<vmem_shared>>
        tpu.enqueue_dma source(%dma_start3A_27 : memref<16x16xf32, #tpu.memory_space<vmem_shared>>) target(%dma_start3A_24 : memref<16x16xf32, #tpu.memory_space<hbm>>) target_semaphore(%run_scoped3A : memref<!tpu.dma_semaphore, #tpu.memory_space<semaphore_mem>>)
        %dma_wait3A = arith.constant 0 : i32
        %dma_wait3A_28 = arith.constant 0 : i32
        %dma_wait3A_29 = tpu.memref_slice %arg4[%arg0, %dma_wait3A, %dma_wait3A_28] : memref<2x10000x16xf32, #tpu.memory_space<hbm>> -> memref<1x10000x16xf32, #tpu.memory_space<hbm>>
        %dma_wait3A_30 = tpu.memref_squeeze %dma_wait3A_29 : memref<1x10000x16xf32, #tpu.memory_space<hbm>> -> memref<10000x16xf32, #tpu.memory_space<hbm>>
        %dma_wait3A_31 = arith.constant 9984 : i32
        %dma_wait3A_32 = arith.constant 0 : i32
        %dma_wait3A_33 = tpu.memref_slice %dma_wait3A_30[%dma_wait3A_31, %dma_wait3A_32] : memref<10000x16xf32, #tpu.memory_space<hbm>> -> memref<16x16xf32, #tpu.memory_space<hbm>>
        %dma_wait3A_34 = arith.constant 9984 : i32
        %dma_wait3A_35 = arith.constant 0 : i32
        %dma_wait3A_36 = tpu.memref_slice %arg8[%dma_wait3A_34, %dma_wait3A_35] : memref<10000x16xf32, #tpu.memory_space<vmem_shared>> -> memref<16x16xf32, #tpu.memory_space<vmem_shared>>
        tpu.wait_dma2 semaphore(%run_scoped3A : memref<!tpu.dma_semaphore, #tpu.memory_space<semaphore_mem>>) src(%dma_wait3A_36 : memref<16x16xf32, #tpu.memory_space<vmem_shared>>) dst(%dma_wait3A_33 : memref<16x16xf32, #tpu.memory_space<hbm>>)
        tpu.yield
      }) : () -> ()
    } else {
    }
    return
  }
}

#map = affine_map<(d0, d1) -> (0, 0, 0)>
#map1 = affine_map<(d0, d1) -> (0, 0, 0, 0, 0)>
module attributes {stable_mosaic.version = 14 : i64} {
  func.func @spmm(%arg0: i32, %arg1: i32, %arg2: memref<2x10000x128xf32, #tpu.memory_space<hbm>>, %arg3: memref<2x16x2x40x125xi32, #tpu.memory_space<hbm>>, %arg4: memref<2x10000x128xf32, #tpu.memory_space<hbm>>, %arg5: memref<40x125xi32, #tpu.memory_space<vmem>>, %arg6: memref<40x125xi32, #tpu.memory_space<vmem>>, %arg7: memref<2x125x128xf32, #tpu.memory_space<vmem>>, %arg8: memref<25x128xf32, #tpu.memory_space<vmem>>, %arg9: memref<10000x128xf32, #tpu.memory_space<vmem_shared>>, %arg10: memref<!tpu.dma_semaphore, #tpu.memory_space<semaphore_mem>>, %arg11: memref<!tpu.dma_semaphore, #tpu.memory_space<semaphore_mem>>) attributes {dimension_semantics = [#tpu.dimension_semantics<core_parallel>, #tpu.dimension_semantics<subcore_parallel>], iteration_bounds = array<i64: 2, 16>, scalar_prefetch = 0 : i64, scratch_operands = 7 : i64, tpu.core_type = #tpu.core_type<sc_vector_subcore>, window_params = [{transform_indices = #map}, {transform_indices = #map1}, {transform_indices = #map}]} {
    %broadcast_in_dim3A = arith.constant 0.000000e+00 : f32
    %broadcast_in_dim3A_0 = vector.broadcast %broadcast_in_dim3A : f32 to vector<16xf32>
    %scan3A = arith.constant 0 : i32
    %scan3A_1 = arith.constant 0 : i32
    %scan3A_2 = arith.constant 25 : i32
    %scan3A_3 = arith.addi %scan3A_1, %scan3A_2 : i32
    %scan3A_4 = arith.constant 1 : i32
    %scan3A_5 = scf.for %scan3A_30 = %scan3A_1 to %scan3A_3 step %scan3A_4 iter_args(%scan3A_31 = %scan3A) -> (i32)  : i32 {
      %swap3A = arith.index_cast %scan3A_30 : i32 to index
      %swap3A_32 = arith.constant 0 : index
      %swap3A_33 = tpu.vector_load %arg8[%swap3A, %swap3A_32] {strides = array<i32>} : memref<25x128xf32, #tpu.memory_space<vmem>>, vector<1x16xf32>,
      %swap3A_34 = vector.shape_cast %swap3A_33 : vector<1x16xf32> to vector<16xf32>
      %swap3A_35 = vector.shape_cast %broadcast_in_dim3A_0 : vector<16xf32> to vector<1x16xf32>
      tpu.vector_store %arg8[%swap3A, %swap3A_32], %swap3A_35 {strides = array<i32>} : memref<25x128xf32, #tpu.memory_space<vmem>>, vector<1x16xf32>,
      %swap3A_36 = arith.index_cast %scan3A_30 : i32 to index
      %swap3A_37 = arith.constant 16 : index
      %swap3A_38 = tpu.vector_load %arg8[%swap3A_36, %swap3A_37] {strides = array<i32>} : memref<25x128xf32, #tpu.memory_space<vmem>>, vector<1x16xf32>,
      %swap3A_39 = vector.shape_cast %swap3A_38 : vector<1x16xf32> to vector<16xf32>
      %swap3A_40 = vector.shape_cast %broadcast_in_dim3A_0 : vector<16xf32> to vector<1x16xf32>
      tpu.vector_store %arg8[%swap3A_36, %swap3A_37], %swap3A_40 {strides = array<i32>} : memref<25x128xf32, #tpu.memory_space<vmem>>, vector<1x16xf32>,
      %swap3A_41 = arith.index_cast %scan3A_30 : i32 to index
      %swap3A_42 = arith.constant 32 : index
      %swap3A_43 = tpu.vector_load %arg8[%swap3A_41, %swap3A_42] {strides = array<i32>} : memref<25x128xf32, #tpu.memory_space<vmem>>, vector<1x16xf32>,
      %swap3A_44 = vector.shape_cast %swap3A_43 : vector<1x16xf32> to vector<16xf32>
      %swap3A_45 = vector.shape_cast %broadcast_in_dim3A_0 : vector<16xf32> to vector<1x16xf32>
      tpu.vector_store %arg8[%swap3A_41, %swap3A_42], %swap3A_45 {strides = array<i32>} : memref<25x128xf32, #tpu.memory_space<vmem>>, vector<1x16xf32>,
      %swap3A_46 = arith.index_cast %scan3A_30 : i32 to index
      %swap3A_47 = arith.constant 48 : index
      %swap3A_48 = tpu.vector_load %arg8[%swap3A_46, %swap3A_47] {strides = array<i32>} : memref<25x128xf32, #tpu.memory_space<vmem>>, vector<1x16xf32>,
      %swap3A_49 = vector.shape_cast %swap3A_48 : vector<1x16xf32> to vector<16xf32>
      %swap3A_50 = vector.shape_cast %broadcast_in_dim3A_0 : vector<16xf32> to vector<1x16xf32>
      tpu.vector_store %arg8[%swap3A_46, %swap3A_47], %swap3A_50 {strides = array<i32>} : memref<25x128xf32, #tpu.memory_space<vmem>>, vector<1x16xf32>,
      %swap3A_51 = arith.index_cast %scan3A_30 : i32 to index
      %swap3A_52 = arith.constant 64 : index
      %swap3A_53 = tpu.vector_load %arg8[%swap3A_51, %swap3A_52] {strides = array<i32>} : memref<25x128xf32, #tpu.memory_space<vmem>>, vector<1x16xf32>,
      %swap3A_54 = vector.shape_cast %swap3A_53 : vector<1x16xf32> to vector<16xf32>
      %swap3A_55 = vector.shape_cast %broadcast_in_dim3A_0 : vector<16xf32> to vector<1x16xf32>
      tpu.vector_store %arg8[%swap3A_51, %swap3A_52], %swap3A_55 {strides = array<i32>} : memref<25x128xf32, #tpu.memory_space<vmem>>, vector<1x16xf32>,
      %swap3A_56 = arith.index_cast %scan3A_30 : i32 to index
      %swap3A_57 = arith.constant 80 : index
      %swap3A_58 = tpu.vector_load %arg8[%swap3A_56, %swap3A_57] {strides = array<i32>} : memref<25x128xf32, #tpu.memory_space<vmem>>, vector<1x16xf32>,
      %swap3A_59 = vector.shape_cast %swap3A_58 : vector<1x16xf32> to vector<16xf32>
      %swap3A_60 = vector.shape_cast %broadcast_in_dim3A_0 : vector<16xf32> to vector<1x16xf32>
      tpu.vector_store %arg8[%swap3A_56, %swap3A_57], %swap3A_60 {strides = array<i32>} : memref<25x128xf32, #tpu.memory_space<vmem>>, vector<1x16xf32>,
      %swap3A_61 = arith.index_cast %scan3A_30 : i32 to index
      %swap3A_62 = arith.constant 96 : index
      %swap3A_63 = tpu.vector_load %arg8[%swap3A_61, %swap3A_62] {strides = array<i32>} : memref<25x128xf32, #tpu.memory_space<vmem>>, vector<1x16xf32>,
      %swap3A_64 = vector.shape_cast %swap3A_63 : vector<1x16xf32> to vector<16xf32>
      %swap3A_65 = vector.shape_cast %broadcast_in_dim3A_0 : vector<16xf32> to vector<1x16xf32>
      tpu.vector_store %arg8[%swap3A_61, %swap3A_62], %swap3A_65 {strides = array<i32>} : memref<25x128xf32, #tpu.memory_space<vmem>>, vector<1x16xf32>,
      %swap3A_66 = arith.index_cast %scan3A_30 : i32 to index
      %swap3A_67 = arith.constant 112 : index
      %swap3A_68 = tpu.vector_load %arg8[%swap3A_66, %swap3A_67] {strides = array<i32>} : memref<25x128xf32, #tpu.memory_space<vmem>>, vector<1x16xf32>,
      %swap3A_69 = vector.shape_cast %swap3A_68 : vector<1x16xf32> to vector<16xf32>
      %swap3A_70 = vector.shape_cast %broadcast_in_dim3A_0 : vector<16xf32> to vector<1x16xf32>
      tpu.vector_store %arg8[%swap3A_66, %swap3A_67], %swap3A_70 {strides = array<i32>} : memref<25x128xf32, #tpu.memory_space<vmem>>, vector<1x16xf32>,
      %scan3A_71 = arith.constant 0 : i32
      scf.yield %scan3A_71 : i32
    }
    %scan3A_6 = arith.constant 25 : i32
    %mul3A = arith.constant 1 : i32
    %mul3A_7 = arith.muli %arg0, %mul3A : i32
    %add3A = arith.constant 0 : i32
    %add3A_8 = arith.addi %mul3A_7, %add3A : i32
    %scan3A_9 = arith.constant 0 : i32
    %scan3A_10 = arith.constant 0 : i32
    %scan3A_11 = arith.constant 25 : i32
    %scan3A_12 = arith.addi %scan3A_10, %scan3A_11 : i32
    %scan3A_13 = arith.constant 1 : i32
    %scan3A_14 = scf.for %scan3A_30 = %scan3A_10 to %scan3A_12 step %scan3A_13 iter_args(%scan3A_31 = %scan3A_9) -> (i32)  : i32 {
      %mul3A_32 = arith.constant 625 : i32
      %mul3A_33 = arith.muli %arg1, %mul3A_32 : i32
      %mul3A_34 = arith.constant 25 : i32
      %mul3A_35 = arith.muli %scan3A_30, %mul3A_34 : i32
      %add3A_36 = arith.addi %mul3A_33, %mul3A_35 : i32
      "tpu.region"() ({
        %run_scoped3A = tpu.sem_alloc : memref<!tpu.dma_semaphore, #tpu.memory_space<semaphore_mem>>
        %dma_start3A = arith.constant 0 : i32
        %dma_start3A_38 = tpu.memref_slice %arg9[%add3A_36, %dma_start3A] : memref<10000x128xf32, #tpu.memory_space<vmem_shared>> -> memref<25x128xf32, #tpu.memory_space<vmem_shared>>
        %dma_start3A_39 = arith.constant 0 : i32
        %dma_start3A_40 = tpu.memref_slice %arg9[%add3A_36, %dma_start3A_39] : memref<10000x128xf32, #tpu.memory_space<vmem_shared>> -> memref<25x128xf32, #tpu.memory_space<vmem_shared>>
        tpu.enqueue_dma source(%arg8 : memref<25x128xf32, #tpu.memory_space<vmem>>) target(%dma_start3A_40 : memref<25x128xf32, #tpu.memory_space<vmem_shared>>) target_semaphore(%run_scoped3A : memref<!tpu.dma_semaphore, #tpu.memory_space<semaphore_mem>>)
        %dma_wait3A = arith.constant 0 : i32
        %dma_wait3A_41 = tpu.memref_slice %arg9[%add3A_36, %dma_wait3A] : memref<10000x128xf32, #tpu.memory_space<vmem_shared>> -> memref<25x128xf32, #tpu.memory_space<vmem_shared>>
        %dma_wait3A_42 = arith.constant 0 : i32
        %dma_wait3A_43 = tpu.memref_slice %arg9[%add3A_36, %dma_wait3A_42] : memref<10000x128xf32, #tpu.memory_space<vmem_shared>> -> memref<25x128xf32, #tpu.memory_space<vmem_shared>>
        tpu.wait_dma2 semaphore(%run_scoped3A : memref<!tpu.dma_semaphore, #tpu.memory_space<semaphore_mem>>) src(%arg8 : memref<25x128xf32, #tpu.memory_space<vmem>>) dst(%dma_wait3A_43 : memref<25x128xf32, #tpu.memory_space<vmem_shared>>)
        tpu.yield
      }) : () -> ()
      %scan3A_37 = arith.constant 0 : i32
      scf.yield %scan3A_37 : i32
    }
    %scan3A_15 = arith.constant 25 : i32
    %barrier3A = arith.constant 0 : index
    tpu.barrier barrier_id(%barrier3A)
    %scan3A_16 = arith.constant 0 : i32
    %scan3A_17 = arith.constant 0 : i32
    %scan3A_18 = arith.constant 2 : i32
    %scan3A_19 = arith.addi %scan3A_17, %scan3A_18 : i32
    %scan3A_20 = arith.constant 1 : i32
    %scan3A_21 = scf.for %scan3A_30 = %scan3A_17 to %scan3A_19 step %scan3A_20 iter_args(%scan3A_31 = %scan3A_16) -> (i32)  : i32 {
      %run_scoped3A = arith.constant 0 : i32
      "tpu.region"() ({
        %run_scoped3A_107 = tpu.sem_alloc : memref<!tpu.dma_semaphore, #tpu.memory_space<semaphore_mem>>
        %dma_start3A_108 = arith.constant 0 : i32
        %dma_start3A_109 = arith.constant 0 : i32
        %dma_start3A_110 = tpu.memref_slice %arg3[%run_scoped3A, %arg1, %scan3A_30, %dma_start3A_108, %dma_start3A_109] : memref<2x16x2x40x125xi32, #tpu.memory_space<hbm>> -> memref<1x1x1x40x125xi32, #tpu.memory_space<hbm>>
        %dma_start3A_111 = tpu.memref_squeeze %dma_start3A_110 : memref<1x1x1x40x125xi32, #tpu.memory_space<hbm>> -> memref<40x125xi32, #tpu.memory_space<hbm>>
        %dma_start3A_112 = arith.constant 0 : i32
        %dma_start3A_113 = arith.constant 0 : i32
        %dma_start3A_114 = tpu.memref_slice %arg3[%run_scoped3A, %arg1, %scan3A_30, %dma_start3A_112, %dma_start3A_113] : memref<2x16x2x40x125xi32, #tpu.memory_space<hbm>> -> memref<1x1x1x40x125xi32, #tpu.memory_space<hbm>>
        %dma_start3A_115 = tpu.memref_squeeze %dma_start3A_114 : memref<1x1x1x40x125xi32, #tpu.memory_space<hbm>> -> memref<40x125xi32, #tpu.memory_space<hbm>>
        tpu.enqueue_dma source(%dma_start3A_115 : memref<40x125xi32, #tpu.memory_space<hbm>>) target(%arg5 : memref<40x125xi32, #tpu.memory_space<vmem>>) target_semaphore(%run_scoped3A_107 : memref<!tpu.dma_semaphore, #tpu.memory_space<semaphore_mem>>)
        %dma_wait3A_116 = arith.constant 0 : i32
        %dma_wait3A_117 = arith.constant 0 : i32
        %dma_wait3A_118 = tpu.memref_slice %arg3[%run_scoped3A, %arg1, %scan3A_30, %dma_wait3A_116, %dma_wait3A_117] : memref<2x16x2x40x125xi32, #tpu.memory_space<hbm>> -> memref<1x1x1x40x125xi32, #tpu.memory_space<hbm>>
        %dma_wait3A_119 = tpu.memref_squeeze %dma_wait3A_118 : memref<1x1x1x40x125xi32, #tpu.memory_space<hbm>> -> memref<40x125xi32, #tpu.memory_space<hbm>>
        %dma_wait3A_120 = arith.constant 0 : i32
        %dma_wait3A_121 = arith.constant 0 : i32
        %dma_wait3A_122 = tpu.memref_slice %arg3[%run_scoped3A, %arg1, %scan3A_30, %dma_wait3A_120, %dma_wait3A_121] : memref<2x16x2x40x125xi32, #tpu.memory_space<hbm>> -> memref<1x1x1x40x125xi32, #tpu.memory_space<hbm>>
        %dma_wait3A_123 = tpu.memref_squeeze %dma_wait3A_122 : memref<1x1x1x40x125xi32, #tpu.memory_space<hbm>> -> memref<40x125xi32, #tpu.memory_space<hbm>>
        tpu.wait_dma2 semaphore(%run_scoped3A_107 : memref<!tpu.dma_semaphore, #tpu.memory_space<semaphore_mem>>) src(%dma_wait3A_123 : memref<40x125xi32, #tpu.memory_space<hbm>>) dst(%arg5 : memref<40x125xi32, #tpu.memory_space<vmem>>)
        tpu.yield
      }) : () -> ()
      %run_scoped3A_32 = arith.constant 1 : i32
      "tpu.region"() ({
        %run_scoped3A_107 = tpu.sem_alloc : memref<!tpu.dma_semaphore, #tpu.memory_space<semaphore_mem>>
        %dma_start3A_108 = arith.constant 0 : i32
        %dma_start3A_109 = arith.constant 0 : i32
        %dma_start3A_110 = tpu.memref_slice %arg3[%run_scoped3A_32, %arg1, %scan3A_30, %dma_start3A_108, %dma_start3A_109] : memref<2x16x2x40x125xi32, #tpu.memory_space<hbm>> -> memref<1x1x1x40x125xi32, #tpu.memory_space<hbm>>
        %dma_start3A_111 = tpu.memref_squeeze %dma_start3A_110 : memref<1x1x1x40x125xi32, #tpu.memory_space<hbm>> -> memref<40x125xi32, #tpu.memory_space<hbm>>
        %dma_start3A_112 = arith.constant 0 : i32
        %dma_start3A_113 = arith.constant 0 : i32
        %dma_start3A_114 = tpu.memref_slice %arg3[%run_scoped3A_32, %arg1, %scan3A_30, %dma_start3A_112, %dma_start3A_113] : memref<2x16x2x40x125xi32, #tpu.memory_space<hbm>> -> memref<1x1x1x40x125xi32, #tpu.memory_space<hbm>>
        %dma_start3A_115 = tpu.memref_squeeze %dma_start3A_114 : memref<1x1x1x40x125xi32, #tpu.memory_space<hbm>> -> memref<40x125xi32, #tpu.memory_space<hbm>>
        tpu.enqueue_dma source(%dma_start3A_115 : memref<40x125xi32, #tpu.memory_space<hbm>>) target(%arg6 : memref<40x125xi32, #tpu.memory_space<vmem>>) target_semaphore(%run_scoped3A_107 : memref<!tpu.dma_semaphore, #tpu.memory_space<semaphore_mem>>)
        %dma_wait3A_116 = arith.constant 0 : i32
        %dma_wait3A_117 = arith.constant 0 : i32
        %dma_wait3A_118 = tpu.memref_slice %arg3[%run_scoped3A_32, %arg1, %scan3A_30, %dma_wait3A_116, %dma_wait3A_117] : memref<2x16x2x40x125xi32, #tpu.memory_space<hbm>> -> memref<1x1x1x40x125xi32, #tpu.memory_space<hbm>>
        %dma_wait3A_119 = tpu.memref_squeeze %dma_wait3A_118 : memref<1x1x1x40x125xi32, #tpu.memory_space<hbm>> -> memref<40x125xi32, #tpu.memory_space<hbm>>
        %dma_wait3A_120 = arith.constant 0 : i32
        %dma_wait3A_121 = arith.constant 0 : i32
        %dma_wait3A_122 = tpu.memref_slice %arg3[%run_scoped3A_32, %arg1, %scan3A_30, %dma_wait3A_120, %dma_wait3A_121] : memref<2x16x2x40x125xi32, #tpu.memory_space<hbm>> -> memref<1x1x1x40x125xi32, #tpu.memory_space<hbm>>
        %dma_wait3A_123 = tpu.memref_squeeze %dma_wait3A_122 : memref<1x1x1x40x125xi32, #tpu.memory_space<hbm>> -> memref<40x125xi32, #tpu.memory_space<hbm>>
        tpu.wait_dma2 semaphore(%run_scoped3A_107 : memref<!tpu.dma_semaphore, #tpu.memory_space<semaphore_mem>>) src(%dma_wait3A_123 : memref<40x125xi32, #tpu.memory_space<hbm>>) dst(%arg6 : memref<40x125xi32, #tpu.memory_space<vmem>>)
        tpu.yield
      }) : () -> ()
      %dma_start3A = arith.constant 0 : i32
      %dma_start3A_33 = arith.constant 0 : i32
      %dma_start3A_34 = arith.constant 0 : i32
      %dma_start3A_35 = arith.constant 0 : i32
      %dma_start3A_36 = tpu.memref_slice %arg7[%dma_start3A_33, %dma_start3A_34, %dma_start3A_35] : memref<2x125x128xf32, #tpu.memory_space<vmem>> -> memref<1x125x128xf32, #tpu.memory_space<vmem>>
      %dma_start3A_37 = tpu.memref_squeeze %dma_start3A_36 : memref<1x125x128xf32, #tpu.memory_space<vmem>> -> memref<125x128xf32, #tpu.memory_space<vmem>>
      %dma_start3A_38 = arith.constant 0 : i32
      %dma_start3A_39 = tpu.memref_slice %arg5[%dma_start3A, %dma_start3A_38] : memref<40x125xi32, #tpu.memory_space<vmem>> -> memref<1x125xi32, #tpu.memory_space<vmem>>
      %dma_start3A_40 = tpu.memref_squeeze %dma_start3A_39 : memref<1x125xi32, #tpu.memory_space<vmem>> -> memref<125xi32, #tpu.memory_space<vmem>>
      %dma_start3A_41 = arith.constant 0 : i32
      %dma_start3A_42 = arith.constant 0 : i32
      %dma_start3A_43 = tpu.memref_slice %arg2[%add3A_8, %dma_start3A_41, %dma_start3A_42] : memref<2x10000x128xf32, #tpu.memory_space<hbm>> -> memref<1x10000x128xf32, #tpu.memory_space<hbm>>
      %dma_start3A_44 = tpu.memref_squeeze %dma_start3A_43 : memref<1x10000x128xf32, #tpu.memory_space<hbm>> -> memref<10000x128xf32, #tpu.memory_space<hbm>>
      %dma_start3A_45 = arith.constant 0 : i32
      %dma_start3A_46 = arith.constant 0 : i32
      %dma_start3A_47 = tpu.memref_slice %dma_start3A_44[%dma_start3A_45, %dma_start3A_46] : memref<10000x128xf32, #tpu.memory_space<hbm>> -> memref<10000x128xf32, #tpu.memory_space<hbm>>
      tpu.enqueue_indirect_dma source(%dma_start3A_47 : memref<10000x128xf32, #tpu.memory_space<hbm>>) target(%dma_start3A_37 : memref<125x128xf32, #tpu.memory_space<vmem>>) offsets(%dma_start3A_40 : memref<125xi32, #tpu.memory_space<vmem>>) semaphore(%arg10 : memref<!tpu.dma_semaphore, #tpu.memory_space<semaphore_mem>>)
      %scan3A_48 = arith.constant 0 : i32
      %scan3A_49 = arith.constant 0 : i32
      %scan3A_50 = arith.constant 19 : i32
      %scan3A_51 = arith.addi %scan3A_49, %scan3A_50 : i32
      %scan3A_52 = arith.constant 1 : i32
      %scan3A_53 = scf.for %scan3A_107 = %scan3A_49 to %scan3A_51 step %scan3A_52 iter_args(%scan3A_108 = %scan3A_48) -> (i32)  : i32 {
        %mul3A_109 = arith.constant 2 : i32
        %mul3A_110 = arith.muli %mul3A_109, %scan3A_107 : i32
        %add3A_111 = arith.constant 1 : i32
        %add3A_112 = arith.addi %mul3A_110, %add3A_111 : i32
        %dma_start3A_113 = arith.constant 1 : i32
        %dma_start3A_114 = arith.constant 0 : i32
        %dma_start3A_115 = arith.constant 0 : i32
        %dma_start3A_116 = tpu.memref_slice %arg7[%dma_start3A_113, %dma_start3A_114, %dma_start3A_115] : memref<2x125x128xf32, #tpu.memory_space<vmem>> -> memref<1x125x128xf32, #tpu.memory_space<vmem>>
        %dma_start3A_117 = tpu.memref_squeeze %dma_start3A_116 : memref<1x125x128xf32, #tpu.memory_space<vmem>> -> memref<125x128xf32, #tpu.memory_space<vmem>>
        %dma_start3A_118 = arith.constant 0 : i32
        %dma_start3A_119 = tpu.memref_slice %arg5[%add3A_112, %dma_start3A_118] : memref<40x125xi32, #tpu.memory_space<vmem>> -> memref<1x125xi32, #tpu.memory_space<vmem>>
        %dma_start3A_120 = tpu.memref_squeeze %dma_start3A_119 : memref<1x125xi32, #tpu.memory_space<vmem>> -> memref<125xi32, #tpu.memory_space<vmem>>
        %dma_start3A_121 = arith.constant 0 : i32
        %dma_start3A_122 = arith.constant 0 : i32
        %dma_start3A_123 = tpu.memref_slice %arg2[%add3A_8, %dma_start3A_121, %dma_start3A_122] : memref<2x10000x128xf32, #tpu.memory_space<hbm>> -> memref<1x10000x128xf32, #tpu.memory_space<hbm>>
        %dma_start3A_124 = tpu.memref_squeeze %dma_start3A_123 : memref<1x10000x128xf32, #tpu.memory_space<hbm>> -> memref<10000x128xf32, #tpu.memory_space<hbm>>
        %dma_start3A_125 = arith.constant 0 : i32
        %dma_start3A_126 = arith.constant 0 : i32
        %dma_start3A_127 = tpu.memref_slice %dma_start3A_124[%dma_start3A_125, %dma_start3A_126] : memref<10000x128xf32, #tpu.memory_space<hbm>> -> memref<10000x128xf32, #tpu.memory_space<hbm>>
        tpu.enqueue_indirect_dma source(%dma_start3A_127 : memref<10000x128xf32, #tpu.memory_space<hbm>>) target(%dma_start3A_117 : memref<125x128xf32, #tpu.memory_space<vmem>>) offsets(%dma_start3A_120 : memref<125xi32, #tpu.memory_space<vmem>>) semaphore(%arg11 : memref<!tpu.dma_semaphore, #tpu.memory_space<semaphore_mem>>)
        %dma_wait3A_128 = arith.constant 0 : i32
        %dma_wait3A_129 = arith.constant 0 : i32
        %dma_wait3A_130 = arith.constant 0 : i32
        %dma_wait3A_131 = tpu.memref_slice %arg7[%dma_wait3A_128, %dma_wait3A_129, %dma_wait3A_130] : memref<2x125x128xf32, #tpu.memory_space<vmem>> -> memref<1x125x128xf32, #tpu.memory_space<vmem>>
        %dma_wait3A_132 = tpu.memref_squeeze %dma_wait3A_131 : memref<1x125x128xf32, #tpu.memory_space<vmem>> -> memref<125x128xf32, #tpu.memory_space<vmem>>
        %dma_wait3A_133 = arith.constant 0 : i32
        %dma_wait3A_134 = tpu.memref_slice %arg5[%mul3A_110, %dma_wait3A_133] : memref<40x125xi32, #tpu.memory_space<vmem>> -> memref<1x125xi32, #tpu.memory_space<vmem>>
        %dma_wait3A_135 = tpu.memref_squeeze %dma_wait3A_134 : memref<1x125xi32, #tpu.memory_space<vmem>> -> memref<125xi32, #tpu.memory_space<vmem>>
        %dma_wait3A_136 = arith.constant 0 : i32
        %dma_wait3A_137 = arith.constant 0 : i32
        %dma_wait3A_138 = tpu.memref_slice %arg2[%add3A_8, %dma_wait3A_136, %dma_wait3A_137] : memref<2x10000x128xf32, #tpu.memory_space<hbm>> -> memref<1x10000x128xf32, #tpu.memory_space<hbm>>
        %dma_wait3A_139 = tpu.memref_squeeze %dma_wait3A_138 : memref<1x10000x128xf32, #tpu.memory_space<hbm>> -> memref<10000x128xf32, #tpu.memory_space<hbm>>
        %dma_wait3A_140 = arith.constant 0 : i32
        %dma_wait3A_141 = arith.constant 0 : i32
        %dma_wait3A_142 = tpu.memref_slice %dma_wait3A_139[%dma_wait3A_140, %dma_wait3A_141] : memref<10000x128xf32, #tpu.memory_space<hbm>> -> memref<10000x128xf32, #tpu.memory_space<hbm>>
        tpu.wait_indirect_dma semaphore(%arg10 : memref<!tpu.dma_semaphore, #tpu.memory_space<semaphore_mem>>) src(%dma_wait3A_142 : memref<10000x128xf32, #tpu.memory_space<hbm>>) dst(%dma_wait3A_132 : memref<125x128xf32, #tpu.memory_space<vmem>>)
        %run_scoped3A_143 = arith.constant 0 : i32
        "tpu.region"() ({
          %run_scoped3A_182 = tpu.sem_alloc : memref<!tpu.dma_semaphore, #tpu.memory_space<semaphore_mem>>
          %dma_start3A_183 = arith.constant 0 : i32
          %dma_start3A_184 = arith.constant 0 : i32
          %dma_start3A_185 = tpu.memref_slice %arg7[%run_scoped3A_143, %dma_start3A_183, %dma_start3A_184] : memref<2x125x128xf32, #tpu.memory_space<vmem>> -> memref<1x125x128xf32, #tpu.memory_space<vmem>>
          %dma_start3A_186 = tpu.memref_squeeze %dma_start3A_185 : memref<1x125x128xf32, #tpu.memory_space<vmem>> -> memref<125x128xf32, #tpu.memory_space<vmem>>
          %dma_start3A_187 = arith.constant 0 : i32
          %dma_start3A_188 = tpu.memref_slice %arg6[%mul3A_110, %dma_start3A_187] : memref<40x125xi32, #tpu.memory_space<vmem>> -> memref<1x125xi32, #tpu.memory_space<vmem>>
          %dma_start3A_189 = tpu.memref_squeeze %dma_start3A_188 : memref<1x125xi32, #tpu.memory_space<vmem>> -> memref<125xi32, #tpu.memory_space<vmem>>
          %dma_start3A_190 = arith.constant 0 : i32
          %dma_start3A_191 = arith.constant 0 : i32
          %dma_start3A_192 = tpu.memref_slice %arg9[%dma_start3A_190, %dma_start3A_191] : memref<10000x128xf32, #tpu.memory_space<vmem_shared>> -> memref<10000x128xf32, #tpu.memory_space<vmem_shared>>
          tpu.enqueue_indirect_dma source(%dma_start3A_186 : memref<125x128xf32, #tpu.memory_space<vmem>>) target(%dma_start3A_192 : memref<10000x128xf32, #tpu.memory_space<vmem_shared>>) offsets(%dma_start3A_189 : memref<125xi32, #tpu.memory_space<vmem>>) semaphore(%run_scoped3A_182 : memref<!tpu.dma_semaphore, #tpu.memory_space<semaphore_mem>>) {add = true}
          %dma_wait3A_193 = arith.constant 0 : i32
          %dma_wait3A_194 = arith.constant 0 : i32
          %dma_wait3A_195 = tpu.memref_slice %arg7[%run_scoped3A_143, %dma_wait3A_193, %dma_wait3A_194] : memref<2x125x128xf32, #tpu.memory_space<vmem>> -> memref<1x125x128xf32, #tpu.memory_space<vmem>>
          %dma_wait3A_196 = tpu.memref_squeeze %dma_wait3A_195 : memref<1x125x128xf32, #tpu.memory_space<vmem>> -> memref<125x128xf32, #tpu.memory_space<vmem>>
          %dma_wait3A_197 = arith.constant 0 : i32
          %dma_wait3A_198 = tpu.memref_slice %arg6[%mul3A_110, %dma_wait3A_197] : memref<40x125xi32, #tpu.memory_space<vmem>> -> memref<1x125xi32, #tpu.memory_space<vmem>>
          %dma_wait3A_199 = tpu.memref_squeeze %dma_wait3A_198 : memref<1x125xi32, #tpu.memory_space<vmem>> -> memref<125xi32, #tpu.memory_space<vmem>>
          %dma_wait3A_200 = arith.constant 0 : i32
          %dma_wait3A_201 = arith.constant 0 : i32
          %dma_wait3A_202 = tpu.memref_slice %arg9[%dma_wait3A_200, %dma_wait3A_201] : memref<10000x128xf32, #tpu.memory_space<vmem_shared>> -> memref<10000x128xf32, #tpu.memory_space<vmem_shared>>
          tpu.wait_indirect_dma semaphore(%run_scoped3A_182 : memref<!tpu.dma_semaphore, #tpu.memory_space<semaphore_mem>>) src(%dma_wait3A_196 : memref<125x128xf32, #tpu.memory_space<vmem>>) dst(%dma_wait3A_202 : memref<10000x128xf32, #tpu.memory_space<vmem_shared>>)
          tpu.yield
        }) : () -> ()
        %add3A_144 = arith.constant 2 : i32
        %add3A_145 = arith.addi %mul3A_110, %add3A_144 : i32
        %dma_start3A_146 = arith.constant 0 : i32
        %dma_start3A_147 = arith.constant 0 : i32
        %dma_start3A_148 = arith.constant 0 : i32
        %dma_start3A_149 = tpu.memref_slice %arg7[%dma_start3A_146, %dma_start3A_147, %dma_start3A_148] : memref<2x125x128xf32, #tpu.memory_space<vmem>> -> memref<1x125x128xf32, #tpu.memory_space<vmem>>
        %dma_start3A_150 = tpu.memref_squeeze %dma_start3A_149 : memref<1x125x128xf32, #tpu.memory_space<vmem>> -> memref<125x128xf32, #tpu.memory_space<vmem>>
        %dma_start3A_151 = arith.constant 0 : i32
        %dma_start3A_152 = tpu.memref_slice %arg5[%add3A_145, %dma_start3A_151] : memref<40x125xi32, #tpu.memory_space<vmem>> -> memref<1x125xi32, #tpu.memory_space<vmem>>
        %dma_start3A_153 = tpu.memref_squeeze %dma_start3A_152 : memref<1x125xi32, #tpu.memory_space<vmem>> -> memref<125xi32, #tpu.memory_space<vmem>>
        %dma_start3A_154 = arith.constant 0 : i32
        %dma_start3A_155 = arith.constant 0 : i32
        %dma_start3A_156 = tpu.memref_slice %arg2[%add3A_8, %dma_start3A_154, %dma_start3A_155] : memref<2x10000x128xf32, #tpu.memory_space<hbm>> -> memref<1x10000x128xf32, #tpu.memory_space<hbm>>
        %dma_start3A_157 = tpu.memref_squeeze %dma_start3A_156 : memref<1x10000x128xf32, #tpu.memory_space<hbm>> -> memref<10000x128xf32, #tpu.memory_space<hbm>>
        %dma_start3A_158 = arith.constant 0 : i32
        %dma_start3A_159 = arith.constant 0 : i32
        %dma_start3A_160 = tpu.memref_slice %dma_start3A_157[%dma_start3A_158, %dma_start3A_159] : memref<10000x128xf32, #tpu.memory_space<hbm>> -> memref<10000x128xf32, #tpu.memory_space<hbm>>
        tpu.enqueue_indirect_dma source(%dma_start3A_160 : memref<10000x128xf32, #tpu.memory_space<hbm>>) target(%dma_start3A_150 : memref<125x128xf32, #tpu.memory_space<vmem>>) offsets(%dma_start3A_153 : memref<125xi32, #tpu.memory_space<vmem>>) semaphore(%arg10 : memref<!tpu.dma_semaphore, #tpu.memory_space<semaphore_mem>>)
        %add3A_161 = arith.constant 1 : i32
        %add3A_162 = arith.addi %mul3A_110, %add3A_161 : i32
        %dma_wait3A_163 = arith.constant 1 : i32
        %dma_wait3A_164 = arith.constant 0 : i32
        %dma_wait3A_165 = arith.constant 0 : i32
        %dma_wait3A_166 = tpu.memref_slice %arg7[%dma_wait3A_163, %dma_wait3A_164, %dma_wait3A_165] : memref<2x125x128xf32, #tpu.memory_space<vmem>> -> memref<1x125x128xf32, #tpu.memory_space<vmem>>
        %dma_wait3A_167 = tpu.memref_squeeze %dma_wait3A_166 : memref<1x125x128xf32, #tpu.memory_space<vmem>> -> memref<125x128xf32, #tpu.memory_space<vmem>>
        %dma_wait3A_168 = arith.constant 0 : i32
        %dma_wait3A_169 = tpu.memref_slice %arg5[%add3A_162, %dma_wait3A_168] : memref<40x125xi32, #tpu.memory_space<vmem>> -> memref<1x125xi32, #tpu.memory_space<vmem>>
        %dma_wait3A_170 = tpu.memref_squeeze %dma_wait3A_169 : memref<1x125xi32, #tpu.memory_space<vmem>> -> memref<125xi32, #tpu.memory_space<vmem>>
        %dma_wait3A_171 = arith.constant 0 : i32
        %dma_wait3A_172 = arith.constant 0 : i32
        %dma_wait3A_173 = tpu.memref_slice %arg2[%add3A_8, %dma_wait3A_171, %dma_wait3A_172] : memref<2x10000x128xf32, #tpu.memory_space<hbm>> -> memref<1x10000x128xf32, #tpu.memory_space<hbm>>
        %dma_wait3A_174 = tpu.memref_squeeze %dma_wait3A_173 : memref<1x10000x128xf32, #tpu.memory_space<hbm>> -> memref<10000x128xf32, #tpu.memory_space<hbm>>
        %dma_wait3A_175 = arith.constant 0 : i32
        %dma_wait3A_176 = arith.constant 0 : i32
        %dma_wait3A_177 = tpu.memref_slice %dma_wait3A_174[%dma_wait3A_175, %dma_wait3A_176] : memref<10000x128xf32, #tpu.memory_space<hbm>> -> memref<10000x128xf32, #tpu.memory_space<hbm>>
        tpu.wait_indirect_dma semaphore(%arg11 : memref<!tpu.dma_semaphore, #tpu.memory_space<semaphore_mem>>) src(%dma_wait3A_177 : memref<10000x128xf32, #tpu.memory_space<hbm>>) dst(%dma_wait3A_167 : memref<125x128xf32, #tpu.memory_space<vmem>>)
        %add3A_178 = arith.constant 1 : i32
        %add3A_179 = arith.addi %mul3A_110, %add3A_178 : i32
        %run_scoped3A_180 = arith.constant 1 : i32
        "tpu.region"() ({
          %run_scoped3A_182 = tpu.sem_alloc : memref<!tpu.dma_semaphore, #tpu.memory_space<semaphore_mem>>
          %dma_start3A_183 = arith.constant 0 : i32
          %dma_start3A_184 = arith.constant 0 : i32
          %dma_start3A_185 = tpu.memref_slice %arg7[%run_scoped3A_180, %dma_start3A_183, %dma_start3A_184] : memref<2x125x128xf32, #tpu.memory_space<vmem>> -> memref<1x125x128xf32, #tpu.memory_space<vmem>>
          %dma_start3A_186 = tpu.memref_squeeze %dma_start3A_185 : memref<1x125x128xf32, #tpu.memory_space<vmem>> -> memref<125x128xf32, #tpu.memory_space<vmem>>
          %dma_start3A_187 = arith.constant 0 : i32
          %dma_start3A_188 = tpu.memref_slice %arg6[%add3A_179, %dma_start3A_187] : memref<40x125xi32, #tpu.memory_space<vmem>> -> memref<1x125xi32, #tpu.memory_space<vmem>>
          %dma_start3A_189 = tpu.memref_squeeze %dma_start3A_188 : memref<1x125xi32, #tpu.memory_space<vmem>> -> memref<125xi32, #tpu.memory_space<vmem>>
          %dma_start3A_190 = arith.constant 0 : i32
          %dma_start3A_191 = arith.constant 0 : i32
          %dma_start3A_192 = tpu.memref_slice %arg9[%dma_start3A_190, %dma_start3A_191] : memref<10000x128xf32, #tpu.memory_space<vmem_shared>> -> memref<10000x128xf32, #tpu.memory_space<vmem_shared>>
          tpu.enqueue_indirect_dma source(%dma_start3A_186 : memref<125x128xf32, #tpu.memory_space<vmem>>) target(%dma_start3A_192 : memref<10000x128xf32, #tpu.memory_space<vmem_shared>>) offsets(%dma_start3A_189 : memref<125xi32, #tpu.memory_space<vmem>>) semaphore(%run_scoped3A_182 : memref<!tpu.dma_semaphore, #tpu.memory_space<semaphore_mem>>) {add = true}
          %dma_wait3A_193 = arith.constant 0 : i32
          %dma_wait3A_194 = arith.constant 0 : i32
          %dma_wait3A_195 = tpu.memref_slice %arg7[%run_scoped3A_180, %dma_wait3A_193, %dma_wait3A_194] : memref<2x125x128xf32, #tpu.memory_space<vmem>> -> memref<1x125x128xf32, #tpu.memory_space<vmem>>
          %dma_wait3A_196 = tpu.memref_squeeze %dma_wait3A_195 : memref<1x125x128xf32, #tpu.memory_space<vmem>> -> memref<125x128xf32, #tpu.memory_space<vmem>>
          %dma_wait3A_197 = arith.constant 0 : i32
          %dma_wait3A_198 = tpu.memref_slice %arg6[%add3A_179, %dma_wait3A_197] : memref<40x125xi32, #tpu.memory_space<vmem>> -> memref<1x125xi32, #tpu.memory_space<vmem>>
          %dma_wait3A_199 = tpu.memref_squeeze %dma_wait3A_198 : memref<1x125xi32, #tpu.memory_space<vmem>> -> memref<125xi32, #tpu.memory_space<vmem>>
          %dma_wait3A_200 = arith.constant 0 : i32
          %dma_wait3A_201 = arith.constant 0 : i32
          %dma_wait3A_202 = tpu.memref_slice %arg9[%dma_wait3A_200, %dma_wait3A_201] : memref<10000x128xf32, #tpu.memory_space<vmem_shared>> -> memref<10000x128xf32, #tpu.memory_space<vmem_shared>>
          tpu.wait_indirect_dma semaphore(%run_scoped3A_182 : memref<!tpu.dma_semaphore, #tpu.memory_space<semaphore_mem>>) src(%dma_wait3A_196 : memref<125x128xf32, #tpu.memory_space<vmem>>) dst(%dma_wait3A_202 : memref<10000x128xf32, #tpu.memory_space<vmem_shared>>)
          tpu.yield
        }) : () -> ()
        %scan3A_181 = arith.constant 0 : i32
        scf.yield %scan3A_181 : i32
      }
      %scan3A_54 = arith.constant 19 : i32
      %dma_start3A_55 = arith.constant 39 : i32
      %dma_start3A_56 = arith.constant 1 : i32
      %dma_start3A_57 = arith.constant 0 : i32
      %dma_start3A_58 = arith.constant 0 : i32
      %dma_start3A_59 = tpu.memref_slice %arg7[%dma_start3A_56, %dma_start3A_57, %dma_start3A_58] : memref<2x125x128xf32, #tpu.memory_space<vmem>> -> memref<1x125x128xf32, #tpu.memory_space<vmem>>
      %dma_start3A_60 = tpu.memref_squeeze %dma_start3A_59 : memref<1x125x128xf32, #tpu.memory_space<vmem>> -> memref<125x128xf32, #tpu.memory_space<vmem>>
      %dma_start3A_61 = arith.constant 0 : i32
      %dma_start3A_62 = tpu.memref_slice %arg5[%dma_start3A_55, %dma_start3A_61] : memref<40x125xi32, #tpu.memory_space<vmem>> -> memref<1x125xi32, #tpu.memory_space<vmem>>
      %dma_start3A_63 = tpu.memref_squeeze %dma_start3A_62 : memref<1x125xi32, #tpu.memory_space<vmem>> -> memref<125xi32, #tpu.memory_space<vmem>>
      %dma_start3A_64 = arith.constant 0 : i32
      %dma_start3A_65 = arith.constant 0 : i32
      %dma_start3A_66 = tpu.memref_slice %arg2[%add3A_8, %dma_start3A_64, %dma_start3A_65] : memref<2x10000x128xf32, #tpu.memory_space<hbm>> -> memref<1x10000x128xf32, #tpu.memory_space<hbm>>
      %dma_start3A_67 = tpu.memref_squeeze %dma_start3A_66 : memref<1x10000x128xf32, #tpu.memory_space<hbm>> -> memref<10000x128xf32, #tpu.memory_space<hbm>>
      %dma_start3A_68 = arith.constant 0 : i32
      %dma_start3A_69 = arith.constant 0 : i32
      %dma_start3A_70 = tpu.memref_slice %dma_start3A_67[%dma_start3A_68, %dma_start3A_69] : memref<10000x128xf32, #tpu.memory_space<hbm>> -> memref<10000x128xf32, #tpu.memory_space<hbm>>
      tpu.enqueue_indirect_dma source(%dma_start3A_70 : memref<10000x128xf32, #tpu.memory_space<hbm>>) target(%dma_start3A_60 : memref<125x128xf32, #tpu.memory_space<vmem>>) offsets(%dma_start3A_63 : memref<125xi32, #tpu.memory_space<vmem>>) semaphore(%arg11 : memref<!tpu.dma_semaphore, #tpu.memory_space<semaphore_mem>>)
      %dma_wait3A = arith.constant 38 : i32
      %dma_wait3A_71 = arith.constant 0 : i32
      %dma_wait3A_72 = arith.constant 0 : i32
      %dma_wait3A_73 = arith.constant 0 : i32
      %dma_wait3A_74 = tpu.memref_slice %arg7[%dma_wait3A_71, %dma_wait3A_72, %dma_wait3A_73] : memref<2x125x128xf32, #tpu.memory_space<vmem>> -> memref<1x125x128xf32, #tpu.memory_space<vmem>>
      %dma_wait3A_75 = tpu.memref_squeeze %dma_wait3A_74 : memref<1x125x128xf32, #tpu.memory_space<vmem>> -> memref<125x128xf32, #tpu.memory_space<vmem>>
      %dma_wait3A_76 = arith.constant 0 : i32
      %dma_wait3A_77 = tpu.memref_slice %arg5[%dma_wait3A, %dma_wait3A_76] : memref<40x125xi32, #tpu.memory_space<vmem>> -> memref<1x125xi32, #tpu.memory_space<vmem>>
      %dma_wait3A_78 = tpu.memref_squeeze %dma_wait3A_77 : memref<1x125xi32, #tpu.memory_space<vmem>> -> memref<125xi32, #tpu.memory_space<vmem>>
      %dma_wait3A_79 = arith.constant 0 : i32
      %dma_wait3A_80 = arith.constant 0 : i32
      %dma_wait3A_81 = tpu.memref_slice %arg2[%add3A_8, %dma_wait3A_79, %dma_wait3A_80] : memref<2x10000x128xf32, #tpu.memory_space<hbm>> -> memref<1x10000x128xf32, #tpu.memory_space<hbm>>
      %dma_wait3A_82 = tpu.memref_squeeze %dma_wait3A_81 : memref<1x10000x128xf32, #tpu.memory_space<hbm>> -> memref<10000x128xf32, #tpu.memory_space<hbm>>
      %dma_wait3A_83 = arith.constant 0 : i32
      %dma_wait3A_84 = arith.constant 0 : i32
      %dma_wait3A_85 = tpu.memref_slice %dma_wait3A_82[%dma_wait3A_83, %dma_wait3A_84] : memref<10000x128xf32, #tpu.memory_space<hbm>> -> memref<10000x128xf32, #tpu.memory_space<hbm>>
      tpu.wait_indirect_dma semaphore(%arg10 : memref<!tpu.dma_semaphore, #tpu.memory_space<semaphore_mem>>) src(%dma_wait3A_85 : memref<10000x128xf32, #tpu.memory_space<hbm>>) dst(%dma_wait3A_75 : memref<125x128xf32, #tpu.memory_space<vmem>>)
      %run_scoped3A_86 = arith.constant 0 : i32
      %run_scoped3A_87 = arith.constant 38 : i32
      "tpu.region"() ({
        %run_scoped3A_107 = tpu.sem_alloc : memref<!tpu.dma_semaphore, #tpu.memory_space<semaphore_mem>>
        %dma_start3A_108 = arith.constant 0 : i32
        %dma_start3A_109 = arith.constant 0 : i32
        %dma_start3A_110 = tpu.memref_slice %arg7[%run_scoped3A_86, %dma_start3A_108, %dma_start3A_109] : memref<2x125x128xf32, #tpu.memory_space<vmem>> -> memref<1x125x128xf32, #tpu.memory_space<vmem>>
        %dma_start3A_111 = tpu.memref_squeeze %dma_start3A_110 : memref<1x125x128xf32, #tpu.memory_space<vmem>> -> memref<125x128xf32, #tpu.memory_space<vmem>>
        %dma_start3A_112 = arith.constant 0 : i32
        %dma_start3A_113 = tpu.memref_slice %arg6[%run_scoped3A_87, %dma_start3A_112] : memref<40x125xi32, #tpu.memory_space<vmem>> -> memref<1x125xi32, #tpu.memory_space<vmem>>
        %dma_start3A_114 = tpu.memref_squeeze %dma_start3A_113 : memref<1x125xi32, #tpu.memory_space<vmem>> -> memref<125xi32, #tpu.memory_space<vmem>>
        %dma_start3A_115 = arith.constant 0 : i32
        %dma_start3A_116 = arith.constant 0 : i32
        %dma_start3A_117 = tpu.memref_slice %arg9[%dma_start3A_115, %dma_start3A_116] : memref<10000x128xf32, #tpu.memory_space<vmem_shared>> -> memref<10000x128xf32, #tpu.memory_space<vmem_shared>>
        tpu.enqueue_indirect_dma source(%dma_start3A_111 : memref<125x128xf32, #tpu.memory_space<vmem>>) target(%dma_start3A_117 : memref<10000x128xf32, #tpu.memory_space<vmem_shared>>) offsets(%dma_start3A_114 : memref<125xi32, #tpu.memory_space<vmem>>) semaphore(%run_scoped3A_107 : memref<!tpu.dma_semaphore, #tpu.memory_space<semaphore_mem>>) {add = true}
        %dma_wait3A_118 = arith.constant 0 : i32
        %dma_wait3A_119 = arith.constant 0 : i32
        %dma_wait3A_120 = tpu.memref_slice %arg7[%run_scoped3A_86, %dma_wait3A_118, %dma_wait3A_119] : memref<2x125x128xf32, #tpu.memory_space<vmem>> -> memref<1x125x128xf32, #tpu.memory_space<vmem>>
        %dma_wait3A_121 = tpu.memref_squeeze %dma_wait3A_120 : memref<1x125x128xf32, #tpu.memory_space<vmem>> -> memref<125x128xf32, #tpu.memory_space<vmem>>
        %dma_wait3A_122 = arith.constant 0 : i32
        %dma_wait3A_123 = tpu.memref_slice %arg6[%run_scoped3A_87, %dma_wait3A_122] : memref<40x125xi32, #tpu.memory_space<vmem>> -> memref<1x125xi32, #tpu.memory_space<vmem>>
        %dma_wait3A_124 = tpu.memref_squeeze %dma_wait3A_123 : memref<1x125xi32, #tpu.memory_space<vmem>> -> memref<125xi32, #tpu.memory_space<vmem>>
        %dma_wait3A_125 = arith.constant 0 : i32
        %dma_wait3A_126 = arith.constant 0 : i32
        %dma_wait3A_127 = tpu.memref_slice %arg9[%dma_wait3A_125, %dma_wait3A_126] : memref<10000x128xf32, #tpu.memory_space<vmem_shared>> -> memref<10000x128xf32, #tpu.memory_space<vmem_shared>>
        tpu.wait_indirect_dma semaphore(%run_scoped3A_107 : memref<!tpu.dma_semaphore, #tpu.memory_space<semaphore_mem>>) src(%dma_wait3A_121 : memref<125x128xf32, #tpu.memory_space<vmem>>) dst(%dma_wait3A_127 : memref<10000x128xf32, #tpu.memory_space<vmem_shared>>)
        tpu.yield
      }) : () -> ()
      %dma_wait3A_88 = arith.constant 39 : i32
      %dma_wait3A_89 = arith.constant 1 : i32
      %dma_wait3A_90 = arith.constant 0 : i32
      %dma_wait3A_91 = arith.constant 0 : i32
      %dma_wait3A_92 = tpu.memref_slice %arg7[%dma_wait3A_89, %dma_wait3A_90, %dma_wait3A_91] : memref<2x125x128xf32, #tpu.memory_space<vmem>> -> memref<1x125x128xf32, #tpu.memory_space<vmem>>
      %dma_wait3A_93 = tpu.memref_squeeze %dma_wait3A_92 : memref<1x125x128xf32, #tpu.memory_space<vmem>> -> memref<125x128xf32, #tpu.memory_space<vmem>>
      %dma_wait3A_94 = arith.constant 0 : i32
      %dma_wait3A_95 = tpu.memref_slice %arg5[%dma_wait3A_88, %dma_wait3A_94] : memref<40x125xi32, #tpu.memory_space<vmem>> -> memref<1x125xi32, #tpu.memory_space<vmem>>
      %dma_wait3A_96 = tpu.memref_squeeze %dma_wait3A_95 : memref<1x125xi32, #tpu.memory_space<vmem>> -> memref<125xi32, #tpu.memory_space<vmem>>
      %dma_wait3A_97 = arith.constant 0 : i32
      %dma_wait3A_98 = arith.constant 0 : i32
      %dma_wait3A_99 = tpu.memref_slice %arg2[%add3A_8, %dma_wait3A_97, %dma_wait3A_98] : memref<2x10000x128xf32, #tpu.memory_space<hbm>> -> memref<1x10000x128xf32, #tpu.memory_space<hbm>>
      %dma_wait3A_100 = tpu.memref_squeeze %dma_wait3A_99 : memref<1x10000x128xf32, #tpu.memory_space<hbm>> -> memref<10000x128xf32, #tpu.memory_space<hbm>>
      %dma_wait3A_101 = arith.constant 0 : i32
      %dma_wait3A_102 = arith.constant 0 : i32
      %dma_wait3A_103 = tpu.memref_slice %dma_wait3A_100[%dma_wait3A_101, %dma_wait3A_102] : memref<10000x128xf32, #tpu.memory_space<hbm>> -> memref<10000x128xf32, #tpu.memory_space<hbm>>
      tpu.wait_indirect_dma semaphore(%arg11 : memref<!tpu.dma_semaphore, #tpu.memory_space<semaphore_mem>>) src(%dma_wait3A_103 : memref<10000x128xf32, #tpu.memory_space<hbm>>) dst(%dma_wait3A_93 : memref<125x128xf32, #tpu.memory_space<vmem>>)
      %run_scoped3A_104 = arith.constant 1 : i32
      %run_scoped3A_105 = arith.constant 39 : i32
      "tpu.region"() ({
        %run_scoped3A_107 = tpu.sem_alloc : memref<!tpu.dma_semaphore, #tpu.memory_space<semaphore_mem>>
        %dma_start3A_108 = arith.constant 0 : i32
        %dma_start3A_109 = arith.constant 0 : i32
        %dma_start3A_110 = tpu.memref_slice %arg7[%run_scoped3A_104, %dma_start3A_108, %dma_start3A_109] : memref<2x125x128xf32, #tpu.memory_space<vmem>> -> memref<1x125x128xf32, #tpu.memory_space<vmem>>
        %dma_start3A_111 = tpu.memref_squeeze %dma_start3A_110 : memref<1x125x128xf32, #tpu.memory_space<vmem>> -> memref<125x128xf32, #tpu.memory_space<vmem>>
        %dma_start3A_112 = arith.constant 0 : i32
        %dma_start3A_113 = tpu.memref_slice %arg6[%run_scoped3A_105, %dma_start3A_112] : memref<40x125xi32, #tpu.memory_space<vmem>> -> memref<1x125xi32, #tpu.memory_space<vmem>>
        %dma_start3A_114 = tpu.memref_squeeze %dma_start3A_113 : memref<1x125xi32, #tpu.memory_space<vmem>> -> memref<125xi32, #tpu.memory_space<vmem>>
        %dma_start3A_115 = arith.constant 0 : i32
        %dma_start3A_116 = arith.constant 0 : i32
        %dma_start3A_117 = tpu.memref_slice %arg9[%dma_start3A_115, %dma_start3A_116] : memref<10000x128xf32, #tpu.memory_space<vmem_shared>> -> memref<10000x128xf32, #tpu.memory_space<vmem_shared>>
        tpu.enqueue_indirect_dma source(%dma_start3A_111 : memref<125x128xf32, #tpu.memory_space<vmem>>) target(%dma_start3A_117 : memref<10000x128xf32, #tpu.memory_space<vmem_shared>>) offsets(%dma_start3A_114 : memref<125xi32, #tpu.memory_space<vmem>>) semaphore(%run_scoped3A_107 : memref<!tpu.dma_semaphore, #tpu.memory_space<semaphore_mem>>) {add = true}
        %dma_wait3A_118 = arith.constant 0 : i32
        %dma_wait3A_119 = arith.constant 0 : i32
        %dma_wait3A_120 = tpu.memref_slice %arg7[%run_scoped3A_104, %dma_wait3A_118, %dma_wait3A_119] : memref<2x125x128xf32, #tpu.memory_space<vmem>> -> memref<1x125x128xf32, #tpu.memory_space<vmem>>
        %dma_wait3A_121 = tpu.memref_squeeze %dma_wait3A_120 : memref<1x125x128xf32, #tpu.memory_space<vmem>> -> memref<125x128xf32, #tpu.memory_space<vmem>>
        %dma_wait3A_122 = arith.constant 0 : i32
        %dma_wait3A_123 = tpu.memref_slice %arg6[%run_scoped3A_105, %dma_wait3A_122] : memref<40x125xi32, #tpu.memory_space<vmem>> -> memref<1x125xi32, #tpu.memory_space<vmem>>
        %dma_wait3A_124 = tpu.memref_squeeze %dma_wait3A_123 : memref<1x125xi32, #tpu.memory_space<vmem>> -> memref<125xi32, #tpu.memory_space<vmem>>
        %dma_wait3A_125 = arith.constant 0 : i32
        %dma_wait3A_126 = arith.constant 0 : i32
        %dma_wait3A_127 = tpu.memref_slice %arg9[%dma_wait3A_125, %dma_wait3A_126] : memref<10000x128xf32, #tpu.memory_space<vmem_shared>> -> memref<10000x128xf32, #tpu.memory_space<vmem_shared>>
        tpu.wait_indirect_dma semaphore(%run_scoped3A_107 : memref<!tpu.dma_semaphore, #tpu.memory_space<semaphore_mem>>) src(%dma_wait3A_121 : memref<125x128xf32, #tpu.memory_space<vmem>>) dst(%dma_wait3A_127 : memref<10000x128xf32, #tpu.memory_space<vmem_shared>>)
        tpu.yield
      }) : () -> ()
      %scan3A_106 = arith.constant 0 : i32
      scf.yield %scan3A_106 : i32
    }
    %scan3A_22 = arith.constant 2 : i32
    %barrier3A_23 = arith.constant 0 : index
    tpu.barrier barrier_id(%barrier3A_23)
    %mul3A_24 = arith.constant 624 : i32
    %mul3A_25 = arith.muli %arg1, %mul3A_24 : i32
    %mul3A_26 = arith.constant 624 : i32
    %mul3A_27 = arith.muli %arg1, %mul3A_26 : i32
    "tpu.region"() ({
      %run_scoped3A = tpu.sem_alloc : memref<!tpu.dma_semaphore, #tpu.memory_space<semaphore_mem>>
      %dma_start3A = arith.constant 0 : i32
      %dma_start3A_30 = arith.constant 0 : i32
      %dma_start3A_31 = tpu.memref_slice %arg4[%add3A_8, %dma_start3A, %dma_start3A_30] : memref<2x10000x128xf32, #tpu.memory_space<hbm>> -> memref<1x10000x128xf32, #tpu.memory_space<hbm>>
      %dma_start3A_32 = tpu.memref_squeeze %dma_start3A_31 : memref<1x10000x128xf32, #tpu.memory_space<hbm>> -> memref<10000x128xf32, #tpu.memory_space<hbm>>
      %dma_start3A_33 = arith.constant 0 : i32
      %dma_start3A_34 = tpu.memref_slice %dma_start3A_32[%mul3A_27, %dma_start3A_33] : memref<10000x128xf32, #tpu.memory_space<hbm>> -> memref<624x128xf32, #tpu.memory_space<hbm>>
      %dma_start3A_35 = arith.constant 0 : i32
      %dma_start3A_36 = tpu.memref_slice %arg9[%mul3A_25, %dma_start3A_35] : memref<10000x128xf32, #tpu.memory_space<vmem_shared>> -> memref<624x128xf32, #tpu.memory_space<vmem_shared>>
      tpu.enqueue_dma source(%dma_start3A_36 : memref<624x128xf32, #tpu.memory_space<vmem_shared>>) target(%dma_start3A_34 : memref<624x128xf32, #tpu.memory_space<hbm>>) target_semaphore(%run_scoped3A : memref<!tpu.dma_semaphore, #tpu.memory_space<semaphore_mem>>)
      %dma_wait3A = arith.constant 0 : i32
      %dma_wait3A_37 = arith.constant 0 : i32
      %dma_wait3A_38 = tpu.memref_slice %arg4[%add3A_8, %dma_wait3A, %dma_wait3A_37] : memref<2x10000x128xf32, #tpu.memory_space<hbm>> -> memref<1x10000x128xf32, #tpu.memory_space<hbm>>
      %dma_wait3A_39 = tpu.memref_squeeze %dma_wait3A_38 : memref<1x10000x128xf32, #tpu.memory_space<hbm>> -> memref<10000x128xf32, #tpu.memory_space<hbm>>
      %dma_wait3A_40 = arith.constant 0 : i32
      %dma_wait3A_41 = tpu.memref_slice %dma_wait3A_39[%mul3A_27, %dma_wait3A_40] : memref<10000x128xf32, #tpu.memory_space<hbm>> -> memref<624x128xf32, #tpu.memory_space<hbm>>
      %dma_wait3A_42 = arith.constant 0 : i32
      %dma_wait3A_43 = tpu.memref_slice %arg9[%mul3A_25, %dma_wait3A_42] : memref<10000x128xf32, #tpu.memory_space<vmem_shared>> -> memref<624x128xf32, #tpu.memory_space<vmem_shared>>
      tpu.wait_dma2 semaphore(%run_scoped3A : memref<!tpu.dma_semaphore, #tpu.memory_space<semaphore_mem>>) src(%dma_wait3A_43 : memref<624x128xf32, #tpu.memory_space<vmem_shared>>) dst(%dma_wait3A_41 : memref<624x128xf32, #tpu.memory_space<hbm>>)
      tpu.yield
    }) : () -> ()
    %eq3A = arith.constant 15 : i32
    %eq3A_28 = arith.cmpi eq, %arg1, %eq3A : i32
    %convert_element_type3A = arith.extui %eq3A_28 : i1 to i32
    %cond3A = arith.constant 0 : i32
    %cond3A_29 = arith.cmpi ne, %convert_element_type3A, %cond3A : i32
    scf.if %cond3A_29 {
      "tpu.region"() ({
        %run_scoped3A = tpu.sem_alloc : memref<!tpu.dma_semaphore, #tpu.memory_space<semaphore_mem>>
        %dma_start3A = arith.constant 0 : i32
        %dma_start3A_30 = arith.constant 0 : i32
        %dma_start3A_31 = tpu.memref_slice %arg4[%add3A_8, %dma_start3A, %dma_start3A_30] : memref<2x10000x128xf32, #tpu.memory_space<hbm>> -> memref<1x10000x128xf32, #tpu.memory_space<hbm>>
        %dma_start3A_32 = tpu.memref_squeeze %dma_start3A_31 : memref<1x10000x128xf32, #tpu.memory_space<hbm>> -> memref<10000x128xf32, #tpu.memory_space<hbm>>
        %dma_start3A_33 = arith.constant 9984 : i32
        %dma_start3A_34 = arith.constant 0 : i32
        %dma_start3A_35 = tpu.memref_slice %dma_start3A_32[%dma_start3A_33, %dma_start3A_34] : memref<10000x128xf32, #tpu.memory_space<hbm>> -> memref<16x128xf32, #tpu.memory_space<hbm>>
        %dma_start3A_36 = arith.constant 9984 : i32
        %dma_start3A_37 = arith.constant 0 : i32
        %dma_start3A_38 = tpu.memref_slice %arg9[%dma_start3A_36, %dma_start3A_37] : memref<10000x128xf32, #tpu.memory_space<vmem_shared>> -> memref<16x128xf32, #tpu.memory_space<vmem_shared>>
        tpu.enqueue_dma source(%dma_start3A_38 : memref<16x128xf32, #tpu.memory_space<vmem_shared>>) target(%dma_start3A_35 : memref<16x128xf32, #tpu.memory_space<hbm>>) target_semaphore(%run_scoped3A : memref<!tpu.dma_semaphore, #tpu.memory_space<semaphore_mem>>)
        %dma_wait3A = arith.constant 0 : i32
        %dma_wait3A_39 = arith.constant 0 : i32
        %dma_wait3A_40 = tpu.memref_slice %arg4[%add3A_8, %dma_wait3A, %dma_wait3A_39] : memref<2x10000x128xf32, #tpu.memory_space<hbm>> -> memref<1x10000x128xf32, #tpu.memory_space<hbm>>
        %dma_wait3A_41 = tpu.memref_squeeze %dma_wait3A_40 : memref<1x10000x128xf32, #tpu.memory_space<hbm>> -> memref<10000x128xf32, #tpu.memory_space<hbm>>
        %dma_wait3A_42 = arith.constant 9984 : i32
        %dma_wait3A_43 = arith.constant 0 : i32
        %dma_wait3A_44 = tpu.memref_slice %dma_wait3A_41[%dma_wait3A_42, %dma_wait3A_43] : memref<10000x128xf32, #tpu.memory_space<hbm>> -> memref<16x128xf32, #tpu.memory_space<hbm>>
        %dma_wait3A_45 = arith.constant 9984 : i32
        %dma_wait3A_46 = arith.constant 0 : i32
        %dma_wait3A_47 = tpu.memref_slice %arg9[%dma_wait3A_45, %dma_wait3A_46] : memref<10000x128xf32, #tpu.memory_space<vmem_shared>> -> memref<16x128xf32, #tpu.memory_space<vmem_shared>>
        tpu.wait_dma2 semaphore(%run_scoped3A : memref<!tpu.dma_semaphore, #tpu.memory_space<semaphore_mem>>) src(%dma_wait3A_47 : memref<16x128xf32, #tpu.memory_space<vmem_shared>>) dst(%dma_wait3A_44 : memref<16x128xf32, #tpu.memory_space<hbm>>)
        tpu.yield
      }) : () -> ()
    } else {
    }
    return
  }
}

module attributes {stable_mosaic.version = 14 : i64} {
  func.func @_mm_body(%arg0: i32, %arg1: memref<1000x1xf32, #tpu.memory_space<vmem>>, %arg2: memref<2x1000x128xf32, #tpu.memory_space<vmem>>, %arg3: memref<256x512xf32, #tpu.memory_space<vmem>>, %arg4: memref<1x512xf32, #tpu.memory_space<vmem>>, %arg5: memref<1000x1xf32, #tpu.memory_space<vmem>>, %arg6: memref<4x1000x128xf32, #tpu.memory_space<vmem>>) attributes {dimension_semantics = [#tpu.dimension_semantics<arbitrary>], iteration_bounds = array<i64: 10>, scalar_prefetch = 0 : i64, scratch_operands = 0 : i64, tpu.core_type = #tpu.core_type<tc>, window_params = [{transform_indices = @transform_0, window_bounds = array<i64: 1000, 1>}, {transform_indices = @transform_1, window_bounds = array<i64: 2, 1000, 128>}, {pipeline_mode = #tpu.pipeline_mode<synchronous>, transform_indices = @transform_2, window_bounds = array<i64: 256, 512>}, {pipeline_mode = #tpu.pipeline_mode<synchronous>, transform_indices = @transform_3, window_bounds = array<i64: 1, 512>}, {transform_indices = @transform_4, window_bounds = array<i64: 1000, 1>}, {transform_indices = @transform_5, window_bounds = array<i64: 4, 1000, 128>}]} {
    %get3A = arith.constant 0 : index
    %get3A_0 = arith.constant 0 : index
    %get3A_1 = arith.constant 0 : index
    %get3A_2 = vector.load %arg2[%get3A, %get3A_0, %get3A_1] : memref<2x1000x128xf32, #tpu.memory_space<vmem>>, vector<1x1000x128xf32>
    %get3A_3 = vector.shape_cast %get3A_2 : vector<1x1000x128xf32> to vector<1000x128xf32>
    %get3A_4 = arith.constant 1 : index
    %get3A_5 = arith.constant 0 : index
    %get3A_6 = arith.constant 0 : index
    %get3A_7 = vector.load %arg2[%get3A_4, %get3A_5, %get3A_6] : memref<2x1000x128xf32, #tpu.memory_space<vmem>>, vector<1x1000x128xf32>
    %get3A_8 = vector.shape_cast %get3A_7 : vector<1x1000x128xf32> to vector<1000x128xf32>
    %concatenate3A = tpu.concatenate %get3A_3, %get3A_8 in 1 : vector<1000x128xf32>, vector<1000x128xf32> -> vector<1000x256xf32>
    %get3A_9 = arith.constant 0 : index
    %get3A_10 = arith.constant 0 : index
    %get3A_11 = vector.load %arg1[%get3A_9, %get3A_10] : memref<1000x1xf32, #tpu.memory_space<vmem>>, vector<1000x1xf32>
    %mul3A = vector.broadcast %get3A_11 : vector<1000x1xf32> to vector<1000x256xf32>
    %mul3A_12 = arith.mulf %concatenate3A, %mul3A : vector<1000x256xf32>
    %get3A_13 = arith.constant 0 : index
    %get3A_14 = arith.constant 0 : index
    %get3A_15 = vector.load %arg3[%get3A_13, %get3A_14] : memref<256x512xf32, #tpu.memory_space<vmem>>, vector<256x512xf32>
    %dot_general3A = arith.constant dense<0.000000e+00> : vector<1000x512xf32>
    %dot_general3A_16 = tpu.matmul %mul3A_12, %get3A_15, %dot_general3A {dimension_numbers = #tpu.dot_dimension_numbers<[1], [0], [0], [1], [0, 0, 1, 1], [], []>, transpose_lhs_hint = false} : vector<1000x256xf32>, vector<256x512xf32>, vector<1000x512xf32> -> vector<1000x512xf32>
    %get3A_17 = arith.constant 0 : index
    %get3A_18 = arith.constant 0 : index
    %get3A_19 = vector.load %arg4[%get3A_17, %get3A_18] : memref<1x512xf32, #tpu.memory_space<vmem>>, vector<1x512xf32>
    %add3A = vector.broadcast %get3A_19 : vector<1x512xf32> to vector<1000x512xf32>
    %add3A_20 = arith.addf %dot_general3A_16, %add3A : vector<1000x512xf32>
    %max3A = arith.constant 0.000000e+00 : f32
    %max3A_21 = vector.broadcast %max3A : f32 to vector<1000x512xf32>
    %max3A_22 = arith.maximumf %add3A_20, %max3A_21 : vector<1000x512xf32>
    %get3A_23 = arith.constant 0 : index
    %get3A_24 = arith.constant 0 : index
    %get3A_25 = vector.load %arg5[%get3A_23, %get3A_24] : memref<1000x1xf32, #tpu.memory_space<vmem>>, vector<1000x1xf32>
    %mul3A_26 = vector.broadcast %get3A_25 : vector<1000x1xf32> to vector<1000x512xf32>
    %mul3A_27 = arith.mulf %max3A_22, %mul3A_26 : vector<1000x512xf32>
    %slice3A = vector.extract_strided_slice %mul3A_27 {offsets = [0, 0], sizes = [1000, 128], strides = [1, 1]} : vector<1000x512xf32> to vector<1000x128xf32>
    %swap3A = arith.constant 0 : index
    %swap3A_28 = arith.constant 0 : index
    %swap3A_29 = arith.constant 0 : index
    %swap3A_30 = vector.load %arg6[%swap3A, %swap3A_28, %swap3A_29] : memref<4x1000x128xf32, #tpu.memory_space<vmem>>, vector<1x1000x128xf32>
    %swap3A_31 = vector.shape_cast %swap3A_30 : vector<1x1000x128xf32> to vector<1000x128xf32>
    %swap3A_32 = vector.shape_cast %slice3A : vector<1000x128xf32> to vector<1x1000x128xf32>
    tpu.vector_store %arg6[%swap3A, %swap3A_28, %swap3A_29], %swap3A_32 {strides = array<i32>} : memref<4x1000x128xf32, #tpu.memory_space<vmem>>, vector<1x1000x128xf32>,
    %slice3A_33 = vector.extract_strided_slice %mul3A_27 {offsets = [0, 128], sizes = [1000, 128], strides = [1, 1]} : vector<1000x512xf32> to vector<1000x128xf32>
    %swap3A_34 = arith.constant 1 : index
    %swap3A_35 = arith.constant 0 : index
    %swap3A_36 = arith.constant 0 : index
    %swap3A_37 = vector.load %arg6[%swap3A_34, %swap3A_35, %swap3A_36] : memref<4x1000x128xf32, #tpu.memory_space<vmem>>, vector<1x1000x128xf32>
    %swap3A_38 = vector.shape_cast %swap3A_37 : vector<1x1000x128xf32> to vector<1000x128xf32>
    %swap3A_39 = vector.shape_cast %slice3A_33 : vector<1000x128xf32> to vector<1x1000x128xf32>
    tpu.vector_store %arg6[%swap3A_34, %swap3A_35, %swap3A_36], %swap3A_39 {strides = array<i32>} : memref<4x1000x128xf32, #tpu.memory_space<vmem>>, vector<1x1000x128xf32>,
    %slice3A_40 = vector.extract_strided_slice %mul3A_27 {offsets = [0, 256], sizes = [1000, 128], strides = [1, 1]} : vector<1000x512xf32> to vector<1000x128xf32>
    %swap3A_41 = arith.constant 2 : index
    %swap3A_42 = arith.constant 0 : index
    %swap3A_43 = arith.constant 0 : index
    %swap3A_44 = vector.load %arg6[%swap3A_41, %swap3A_42, %swap3A_43] : memref<4x1000x128xf32, #tpu.memory_space<vmem>>, vector<1x1000x128xf32>
    %swap3A_45 = vector.shape_cast %swap3A_44 : vector<1x1000x128xf32> to vector<1000x128xf32>
    %swap3A_46 = vector.shape_cast %slice3A_40 : vector<1000x128xf32> to vector<1x1000x128xf32>
    tpu.vector_store %arg6[%swap3A_41, %swap3A_42, %swap3A_43], %swap3A_46 {strides = array<i32>} : memref<4x1000x128xf32, #tpu.memory_space<vmem>>, vector<1x1000x128xf32>,
    %slice3A_47 = vector.extract_strided_slice %mul3A_27 {offsets = [0, 384], sizes = [1000, 128], strides = [1, 1]} : vector<1000x512xf32> to vector<1000x128xf32>
    %swap3A_48 = arith.constant 3 : index
    %swap3A_49 = arith.constant 0 : index
    %swap3A_50 = arith.constant 0 : index
    %swap3A_51 = vector.load %arg6[%swap3A_48, %swap3A_49, %swap3A_50] : memref<4x1000x128xf32, #tpu.memory_space<vmem>>, vector<1x1000x128xf32>
    %swap3A_52 = vector.shape_cast %swap3A_51 : vector<1x1000x128xf32> to vector<1000x128xf32>
    %swap3A_53 = vector.shape_cast %slice3A_47 : vector<1000x128xf32> to vector<1x1000x128xf32>
    tpu.vector_store %arg6[%swap3A_48, %swap3A_49, %swap3A_50], %swap3A_53 {strides = array<i32>} : memref<4x1000x128xf32, #tpu.memory_space<vmem>>, vector<1x1000x128xf32>,
    return
  }
  func.func @transform_0(%arg0: i32) -> (i32, i32) {
    %c0_i32 = arith.constant 0 : i32
    %c0_i32_0 = arith.constant 0 : i32
    return %arg0, %c0_i32 : i32, i32
  }
  func.func @transform_1(%arg0: i32) -> (i32, i32, i32) {
    %c0_i32 = arith.constant 0 : i32
    %c0_i32_0 = arith.constant 0 : i32
    %c0_i32_1 = arith.constant 0 : i32
    return %c0_i32, %arg0, %c0_i32_0 : i32, i32, i32
  }
  func.func @transform_2(%arg0: i32) -> (i32, i32) {
    %c0_i32 = arith.constant 0 : i32
    %c0_i32_0 = arith.constant 0 : i32
    %c0_i32_1 = arith.constant 0 : i32
    return %c0_i32, %c0_i32_0 : i32, i32
  }
  func.func @transform_3(%arg0: i32) -> (i32, i32) {
    %c0_i32 = arith.constant 0 : i32
    %c0_i32_0 = arith.constant 0 : i32
    %c0_i32_1 = arith.constant 0 : i32
    return %c0_i32, %c0_i32_0 : i32, i32
  }
  func.func @transform_4(%arg0: i32) -> (i32, i32) {
    %c0_i32 = arith.constant 0 : i32
    %c0_i32_0 = arith.constant 0 : i32
    return %arg0, %c0_i32 : i32, i32
  }
  func.func @transform_5(%arg0: i32) -> (i32, i32, i32) {
    %c0_i32 = arith.constant 0 : i32
    %c0_i32_0 = arith.constant 0 : i32
    %c0_i32_1 = arith.constant 0 : i32
    return %c0_i32, %arg0, %c0_i32_0 : i32, i32, i32
  }
}

module attributes {stable_mosaic.version = 14 : i64} {
  func.func @_prep_body(%arg0: i32, %arg1: memref<2x1000x16xf32, #tpu.memory_space<vmem>>, %arg2: memref<1000x256xf32, #tpu.memory_space<vmem>>, %arg3: memref<1000x1xf32, #tpu.memory_space<vmem>>, %arg4: memref<1000x1xf32, #tpu.memory_space<vmem>>, %arg5: memref<2x1000x128xf32, #tpu.memory_space<vmem>>) attributes {dimension_semantics = [#tpu.dimension_semantics<arbitrary>], iteration_bounds = array<i64: 10>, scalar_prefetch = 0 : i64, scratch_operands = 0 : i64, tpu.core_type = #tpu.core_type<tc>, window_params = [{transform_indices = @transform_0, window_bounds = array<i64: 2, 1000, 16>}, {transform_indices = @transform_1, window_bounds = array<i64: 1000, 256>}, {transform_indices = @transform_2, window_bounds = array<i64: 1000, 1>}, {transform_indices = @transform_3, window_bounds = array<i64: 1000, 1>}, {transform_indices = @transform_4, window_bounds = array<i64: 2, 1000, 128>}]} {
    %get3A = arith.constant 0 : index
    %get3A_0 = arith.constant 0 : index
    %get3A_1 = arith.constant 0 : index
    %get3A_2 = vector.load %arg1[%get3A, %get3A_0, %get3A_1] : memref<2x1000x16xf32, #tpu.memory_space<vmem>>, vector<1x1000x1xf32>
    %get3A_3 = vector.shape_cast %get3A_2 : vector<1x1000x1xf32> to vector<1000x1xf32>
    %max3A = arith.constant 1.000000e+00 : f32
    %max3A_4 = vector.broadcast %max3A : f32 to vector<1000x1xf32>
    %max3A_5 = arith.maximumf %get3A_3, %max3A_4 : vector<1000x1xf32>
    %rsqrt3A = math.rsqrt %max3A_5 : vector<1000x1xf32>
    %get3A_6 = arith.constant 1 : index
    %get3A_7 = arith.constant 0 : index
    %get3A_8 = arith.constant 0 : index
    %get3A_9 = vector.load %arg1[%get3A_6, %get3A_7, %get3A_8] : memref<2x1000x16xf32, #tpu.memory_space<vmem>>, vector<1x1000x1xf32>
    %get3A_10 = vector.shape_cast %get3A_9 : vector<1x1000x1xf32> to vector<1000x1xf32>
    %max3A_11 = arith.constant 1.000000e+00 : f32
    %max3A_12 = vector.broadcast %max3A_11 : f32 to vector<1000x1xf32>
    %max3A_13 = arith.maximumf %get3A_10, %max3A_12 : vector<1000x1xf32>
    %rsqrt3A_14 = math.rsqrt %max3A_13 : vector<1000x1xf32>
    %swap3A = arith.constant 0 : index
    %swap3A_15 = arith.constant 0 : index
    %swap3A_16 = vector.load %arg3[%swap3A, %swap3A_15] : memref<1000x1xf32, #tpu.memory_space<vmem>>, vector<1000x1xf32>
    tpu.vector_store %arg3[%swap3A, %swap3A_15], %rsqrt3A {strides = array<i32>} : memref<1000x1xf32, #tpu.memory_space<vmem>>, vector<1000x1xf32>,
    %swap3A_17 = arith.constant 0 : index
    %swap3A_18 = arith.constant 0 : index
    %swap3A_19 = vector.load %arg4[%swap3A_17, %swap3A_18] : memref<1000x1xf32, #tpu.memory_space<vmem>>, vector<1000x1xf32>
    tpu.vector_store %arg4[%swap3A_17, %swap3A_18], %rsqrt3A_14 {strides = array<i32>} : memref<1000x1xf32, #tpu.memory_space<vmem>>, vector<1000x1xf32>,
    %get3A_20 = arith.constant 0 : index
    %get3A_21 = arith.constant 0 : index
    %get3A_22 = vector.load %arg2[%get3A_20, %get3A_21] : memref<1000x256xf32, #tpu.memory_space<vmem>>, vector<1000x256xf32>
    %mul3A = vector.broadcast %rsqrt3A : vector<1000x1xf32> to vector<1000x256xf32>
    %mul3A_23 = arith.mulf %get3A_22, %mul3A : vector<1000x256xf32>
    %slice3A = vector.extract_strided_slice %mul3A_23 {offsets = [0, 0], sizes = [1000, 128], strides = [1, 1]} : vector<1000x256xf32> to vector<1000x128xf32>
    %swap3A_24 = arith.constant 0 : index
    %swap3A_25 = arith.constant 0 : index
    %swap3A_26 = arith.constant 0 : index
    %swap3A_27 = vector.load %arg5[%swap3A_24, %swap3A_25, %swap3A_26] : memref<2x1000x128xf32, #tpu.memory_space<vmem>>, vector<1x1000x128xf32>
    %swap3A_28 = vector.shape_cast %swap3A_27 : vector<1x1000x128xf32> to vector<1000x128xf32>
    %swap3A_29 = vector.shape_cast %slice3A : vector<1000x128xf32> to vector<1x1000x128xf32>
    tpu.vector_store %arg5[%swap3A_24, %swap3A_25, %swap3A_26], %swap3A_29 {strides = array<i32>} : memref<2x1000x128xf32, #tpu.memory_space<vmem>>, vector<1x1000x128xf32>,
    %slice3A_30 = vector.extract_strided_slice %mul3A_23 {offsets = [0, 128], sizes = [1000, 128], strides = [1, 1]} : vector<1000x256xf32> to vector<1000x128xf32>
    %swap3A_31 = arith.constant 1 : index
    %swap3A_32 = arith.constant 0 : index
    %swap3A_33 = arith.constant 0 : index
    %swap3A_34 = vector.load %arg5[%swap3A_31, %swap3A_32, %swap3A_33] : memref<2x1000x128xf32, #tpu.memory_space<vmem>>, vector<1x1000x128xf32>
    %swap3A_35 = vector.shape_cast %swap3A_34 : vector<1x1000x128xf32> to vector<1000x128xf32>
    %swap3A_36 = vector.shape_cast %slice3A_30 : vector<1000x128xf32> to vector<1x1000x128xf32>
    tpu.vector_store %arg5[%swap3A_31, %swap3A_32, %swap3A_33], %swap3A_36 {strides = array<i32>} : memref<2x1000x128xf32, #tpu.memory_space<vmem>>, vector<1x1000x128xf32>,
    return
  }
  func.func @transform_0(%arg0: i32) -> (i32, i32, i32) {
    %c0_i32 = arith.constant 0 : i32
    %c0_i32_0 = arith.constant 0 : i32
    %c0_i32_1 = arith.constant 0 : i32
    return %c0_i32, %arg0, %c0_i32_0 : i32, i32, i32
  }
  func.func @transform_1(%arg0: i32) -> (i32, i32) {
    %c0_i32 = arith.constant 0 : i32
    %c0_i32_0 = arith.constant 0 : i32
    return %arg0, %c0_i32 : i32, i32
  }
  func.func @transform_2(%arg0: i32) -> (i32, i32) {
    %c0_i32 = arith.constant 0 : i32
    %c0_i32_0 = arith.constant 0 : i32
    return %arg0, %c0_i32 : i32, i32
  }
  func.func @transform_3(%arg0: i32) -> (i32, i32) {
    %c0_i32 = arith.constant 0 : i32
    %c0_i32_0 = arith.constant 0 : i32
    return %arg0, %c0_i32 : i32, i32
  }
  func.func @transform_4(%arg0: i32) -> (i32, i32, i32) {
    %c0_i32 = arith.constant 0 : i32
    %c0_i32_0 = arith.constant 0 : i32
    %c0_i32_1 = arith.constant 0 : i32
    return %c0_i32, %arg0, %c0_i32_0 : i32, i32, i32
  }
}

module attributes {stable_mosaic.version = 14 : i64} {
  func.func @_mm23_body(%arg0: i32, %arg1: memref<1000x1xf32, #tpu.memory_space<vmem>>, %arg2: memref<4x1000x128xf32, #tpu.memory_space<vmem>>, %arg3: memref<512x512xf32, #tpu.memory_space<vmem>>, %arg4: memref<1x512xf32, #tpu.memory_space<vmem>>, %arg5: memref<1000x1xf32, #tpu.memory_space<vmem>>, %arg6: memref<512x256xf32, #tpu.memory_space<vmem>>, %arg7: memref<2x1000x128xf32, #tpu.memory_space<vmem>>) attributes {dimension_semantics = [#tpu.dimension_semantics<arbitrary>], iteration_bounds = array<i64: 10>, scalar_prefetch = 0 : i64, scratch_operands = 0 : i64, tpu.core_type = #tpu.core_type<tc>, window_params = [{transform_indices = @transform_0, window_bounds = array<i64: 1000, 1>}, {transform_indices = @transform_1, window_bounds = array<i64: 4, 1000, 128>}, {pipeline_mode = #tpu.pipeline_mode<synchronous>, transform_indices = @transform_2, window_bounds = array<i64: 512, 512>}, {pipeline_mode = #tpu.pipeline_mode<synchronous>, transform_indices = @transform_3, window_bounds = array<i64: 1, 512>}, {transform_indices = @transform_4, window_bounds = array<i64: 1000, 1>}, {pipeline_mode = #tpu.pipeline_mode<synchronous>, transform_indices = @transform_5, window_bounds = array<i64: 512, 256>}, {transform_indices = @transform_6, window_bounds = array<i64: 2, 1000, 128>}]} {
    %get3A = arith.constant 0 : index
    %get3A_0 = arith.constant 0 : index
    %get3A_1 = arith.constant 0 : index
    %get3A_2 = vector.load %arg2[%get3A, %get3A_0, %get3A_1] : memref<4x1000x128xf32, #tpu.memory_space<vmem>>, vector<1x1000x128xf32>
    %get3A_3 = vector.shape_cast %get3A_2 : vector<1x1000x128xf32> to vector<1000x128xf32>
    %get3A_4 = arith.constant 1 : index
    %get3A_5 = arith.constant 0 : index
    %get3A_6 = arith.constant 0 : index
    %get3A_7 = vector.load %arg2[%get3A_4, %get3A_5, %get3A_6] : memref<4x1000x128xf32, #tpu.memory_space<vmem>>, vector<1x1000x128xf32>
    %get3A_8 = vector.shape_cast %get3A_7 : vector<1x1000x128xf32> to vector<1000x128xf32>
    %get3A_9 = arith.constant 2 : index
    %get3A_10 = arith.constant 0 : index
    %get3A_11 = arith.constant 0 : index
    %get3A_12 = vector.load %arg2[%get3A_9, %get3A_10, %get3A_11] : memref<4x1000x128xf32, #tpu.memory_space<vmem>>, vector<1x1000x128xf32>
    %get3A_13 = vector.shape_cast %get3A_12 : vector<1x1000x128xf32> to vector<1000x128xf32>
    %get3A_14 = arith.constant 3 : index
    %get3A_15 = arith.constant 0 : index
    %get3A_16 = arith.constant 0 : index
    %get3A_17 = vector.load %arg2[%get3A_14, %get3A_15, %get3A_16] : memref<4x1000x128xf32, #tpu.memory_space<vmem>>, vector<1x1000x128xf32>
    %get3A_18 = vector.shape_cast %get3A_17 : vector<1x1000x128xf32> to vector<1000x128xf32>
    %concatenate3A = tpu.concatenate %get3A_3, %get3A_8, %get3A_13, %get3A_18 in 1 : vector<1000x128xf32>, vector<1000x128xf32>, vector<1000x128xf32>, vector<1000x128xf32> -> vector<1000x512xf32>
    %get3A_19 = arith.constant 0 : index
    %get3A_20 = arith.constant 0 : index
    %get3A_21 = vector.load %arg1[%get3A_19, %get3A_20] : memref<1000x1xf32, #tpu.memory_space<vmem>>, vector<1000x1xf32>
    %mul3A = vector.broadcast %get3A_21 : vector<1000x1xf32> to vector<1000x512xf32>
    %mul3A_22 = arith.mulf %concatenate3A, %mul3A : vector<1000x512xf32>
    %get3A_23 = arith.constant 0 : index
    %get3A_24 = arith.constant 0 : index
    %get3A_25 = vector.load %arg3[%get3A_23, %get3A_24] : memref<512x512xf32, #tpu.memory_space<vmem>>, vector<512x512xf32>
    %dot_general3A = arith.constant dense<0.000000e+00> : vector<1000x512xf32>
    %dot_general3A_26 = tpu.matmul %mul3A_22, %get3A_25, %dot_general3A {dimension_numbers = #tpu.dot_dimension_numbers<[1], [0], [0], [1], [0, 0, 1, 1], [], []>, transpose_lhs_hint = false} : vector<1000x512xf32>, vector<512x512xf32>, vector<1000x512xf32> -> vector<1000x512xf32>
    %get3A_27 = arith.constant 0 : index
    %get3A_28 = arith.constant 0 : index
    %get3A_29 = vector.load %arg4[%get3A_27, %get3A_28] : memref<1x512xf32, #tpu.memory_space<vmem>>, vector<1x512xf32>
    %add3A = vector.broadcast %get3A_29 : vector<1x512xf32> to vector<1000x512xf32>
    %add3A_30 = arith.addf %dot_general3A_26, %add3A : vector<1000x512xf32>
    %max3A = arith.constant 0.000000e+00 : f32
    %max3A_31 = vector.broadcast %max3A : f32 to vector<1000x512xf32>
    %max3A_32 = arith.maximumf %add3A_30, %max3A_31 : vector<1000x512xf32>
    %get3A_33 = arith.constant 0 : index
    %get3A_34 = arith.constant 0 : index
    %get3A_35 = vector.load %arg5[%get3A_33, %get3A_34] : memref<1000x1xf32, #tpu.memory_space<vmem>>, vector<1000x1xf32>
    %mul3A_36 = vector.broadcast %get3A_35 : vector<1000x1xf32> to vector<1000x512xf32>
    %mul3A_37 = arith.mulf %max3A_32, %mul3A_36 : vector<1000x512xf32>
    %get3A_38 = arith.constant 0 : index
    %get3A_39 = arith.constant 0 : index
    %get3A_40 = vector.load %arg6[%get3A_38, %get3A_39] : memref<512x256xf32, #tpu.memory_space<vmem>>, vector<512x256xf32>
    %dot_general3A_41 = arith.constant dense<0.000000e+00> : vector<1000x256xf32>
    %dot_general3A_42 = tpu.matmul %mul3A_37, %get3A_40, %dot_general3A_41 {dimension_numbers = #tpu.dot_dimension_numbers<[1], [0], [0], [1], [0, 0, 1, 1], [], []>, transpose_lhs_hint = false} : vector<1000x512xf32>, vector<512x256xf32>, vector<1000x256xf32> -> vector<1000x256xf32>
    %slice3A = vector.extract_strided_slice %dot_general3A_42 {offsets = [0, 0], sizes = [1000, 128], strides = [1, 1]} : vector<1000x256xf32> to vector<1000x128xf32>
    %swap3A = arith.constant 0 : index
    %swap3A_43 = arith.constant 0 : index
    %swap3A_44 = arith.constant 0 : index
    %swap3A_45 = vector.load %arg7[%swap3A, %swap3A_43, %swap3A_44] : memref<2x1000x128xf32, #tpu.memory_space<vmem>>, vector<1x1000x128xf32>
    %swap3A_46 = vector.shape_cast %swap3A_45 : vector<1x1000x128xf32> to vector<1000x128xf32>
    %swap3A_47 = vector.shape_cast %slice3A : vector<1000x128xf32> to vector<1x1000x128xf32>
    tpu.vector_store %arg7[%swap3A, %swap3A_43, %swap3A_44], %swap3A_47 {strides = array<i32>} : memref<2x1000x128xf32, #tpu.memory_space<vmem>>, vector<1x1000x128xf32>,
    %slice3A_48 = vector.extract_strided_slice %dot_general3A_42 {offsets = [0, 128], sizes = [1000, 128], strides = [1, 1]} : vector<1000x256xf32> to vector<1000x128xf32>
    %swap3A_49 = arith.constant 1 : index
    %swap3A_50 = arith.constant 0 : index
    %swap3A_51 = arith.constant 0 : index
    %swap3A_52 = vector.load %arg7[%swap3A_49, %swap3A_50, %swap3A_51] : memref<2x1000x128xf32, #tpu.memory_space<vmem>>, vector<1x1000x128xf32>
    %swap3A_53 = vector.shape_cast %swap3A_52 : vector<1x1000x128xf32> to vector<1000x128xf32>
    %swap3A_54 = vector.shape_cast %slice3A_48 : vector<1000x128xf32> to vector<1x1000x128xf32>
    tpu.vector_store %arg7[%swap3A_49, %swap3A_50, %swap3A_51], %swap3A_54 {strides = array<i32>} : memref<2x1000x128xf32, #tpu.memory_space<vmem>>, vector<1x1000x128xf32>,
    return
  }
  func.func @transform_0(%arg0: i32) -> (i32, i32) {
    %c0_i32 = arith.constant 0 : i32
    %c0_i32_0 = arith.constant 0 : i32
    return %arg0, %c0_i32 : i32, i32
  }
  func.func @transform_1(%arg0: i32) -> (i32, i32, i32) {
    %c0_i32 = arith.constant 0 : i32
    %c0_i32_0 = arith.constant 0 : i32
    %c0_i32_1 = arith.constant 0 : i32
    return %c0_i32, %arg0, %c0_i32_0 : i32, i32, i32
  }
  func.func @transform_2(%arg0: i32) -> (i32, i32) {
    %c0_i32 = arith.constant 0 : i32
    %c0_i32_0 = arith.constant 0 : i32
    %c0_i32_1 = arith.constant 0 : i32
    return %c0_i32, %c0_i32_0 : i32, i32
  }
  func.func @transform_3(%arg0: i32) -> (i32, i32) {
    %c0_i32 = arith.constant 0 : i32
    %c0_i32_0 = arith.constant 0 : i32
    %c0_i32_1 = arith.constant 0 : i32
    return %c0_i32, %c0_i32_0 : i32, i32
  }
  func.func @transform_4(%arg0: i32) -> (i32, i32) {
    %c0_i32 = arith.constant 0 : i32
    %c0_i32_0 = arith.constant 0 : i32
    return %arg0, %c0_i32 : i32, i32
  }
  func.func @transform_5(%arg0: i32) -> (i32, i32) {
    %c0_i32 = arith.constant 0 : i32
    %c0_i32_0 = arith.constant 0 : i32
    %c0_i32_1 = arith.constant 0 : i32
    return %c0_i32, %c0_i32_0 : i32, i32
  }
  func.func @transform_6(%arg0: i32) -> (i32, i32, i32) {
    %c0_i32 = arith.constant 0 : i32
    %c0_i32_0 = arith.constant 0 : i32
    %c0_i32_1 = arith.constant 0 : i32
    return %c0_i32, %arg0, %c0_i32_0 : i32, i32, i32
  }
}

module attributes {stable_mosaic.version = 14 : i64} {
  func.func @_final_body(%arg0: i32, %arg1: memref<2x1000x128xf32, #tpu.memory_space<vmem>>, %arg2: memref<1000x1xf32, #tpu.memory_space<vmem>>, %arg3: memref<1x256xf32, #tpu.memory_space<vmem>>, %arg4: memref<1000x256xf32, #tpu.memory_space<vmem>>) attributes {dimension_semantics = [#tpu.dimension_semantics<arbitrary>], iteration_bounds = array<i64: 10>, scalar_prefetch = 0 : i64, scratch_operands = 0 : i64, tpu.core_type = #tpu.core_type<tc>, window_params = [{transform_indices = @transform_0, window_bounds = array<i64: 2, 1000, 128>}, {transform_indices = @transform_1, window_bounds = array<i64: 1000, 1>}, {pipeline_mode = #tpu.pipeline_mode<synchronous>, transform_indices = @transform_2, window_bounds = array<i64: 1, 256>}, {transform_indices = @transform_3, window_bounds = array<i64: 1000, 256>}]} {
    %get3A = arith.constant 0 : index
    %get3A_0 = arith.constant 0 : index
    %get3A_1 = arith.constant 0 : index
    %get3A_2 = vector.load %arg1[%get3A, %get3A_0, %get3A_1] : memref<2x1000x128xf32, #tpu.memory_space<vmem>>, vector<1x1000x128xf32>
    %get3A_3 = vector.shape_cast %get3A_2 : vector<1x1000x128xf32> to vector<1000x128xf32>
    %get3A_4 = arith.constant 1 : index
    %get3A_5 = arith.constant 0 : index
    %get3A_6 = arith.constant 0 : index
    %get3A_7 = vector.load %arg1[%get3A_4, %get3A_5, %get3A_6] : memref<2x1000x128xf32, #tpu.memory_space<vmem>>, vector<1x1000x128xf32>
    %get3A_8 = vector.shape_cast %get3A_7 : vector<1x1000x128xf32> to vector<1000x128xf32>
    %concatenate3A = tpu.concatenate %get3A_3, %get3A_8 in 1 : vector<1000x128xf32>, vector<1000x128xf32> -> vector<1000x256xf32>
    %get3A_9 = arith.constant 0 : index
    %get3A_10 = arith.constant 0 : index
    %get3A_11 = vector.load %arg2[%get3A_9, %get3A_10] : memref<1000x1xf32, #tpu.memory_space<vmem>>, vector<1000x1xf32>
    %mul3A = vector.broadcast %get3A_11 : vector<1000x1xf32> to vector<1000x256xf32>
    %mul3A_12 = arith.mulf %concatenate3A, %mul3A : vector<1000x256xf32>
    %get3A_13 = arith.constant 0 : index
    %get3A_14 = arith.constant 0 : index
    %get3A_15 = vector.load %arg3[%get3A_13, %get3A_14] : memref<1x256xf32, #tpu.memory_space<vmem>>, vector<1x256xf32>
    %add3A = vector.broadcast %get3A_15 : vector<1x256xf32> to vector<1000x256xf32>
    %add3A_16 = arith.addf %mul3A_12, %add3A : vector<1000x256xf32>
    %max3A = arith.constant 0.000000e+00 : f32
    %max3A_17 = vector.broadcast %max3A : f32 to vector<1000x256xf32>
    %max3A_18 = arith.maximumf %add3A_16, %max3A_17 : vector<1000x256xf32>
    %swap3A = arith.constant 0 : index
    %swap3A_19 = arith.constant 0 : index
    %swap3A_20 = vector.load %arg4[%swap3A, %swap3A_19] : memref<1000x256xf32, #tpu.memory_space<vmem>>, vector<1000x256xf32>
    tpu.vector_store %arg4[%swap3A, %swap3A_19], %max3A_18 {strides = array<i32>} : memref<1000x256xf32, #tpu.memory_space<vmem>>, vector<1000x256xf32>,
    return
  }
  func.func @transform_0(%arg0: i32) -> (i32, i32, i32) {
    %c0_i32 = arith.constant 0 : i32
    %c0_i32_0 = arith.constant 0 : i32
    %c0_i32_1 = arith.constant 0 : i32
    return %c0_i32, %arg0, %c0_i32_0 : i32, i32, i32
  }
  func.func @transform_1(%arg0: i32) -> (i32, i32) {
    %c0_i32 = arith.constant 0 : i32
    %c0_i32_0 = arith.constant 0 : i32
    return %arg0, %c0_i32 : i32, i32
  }
  func.func @transform_2(%arg0: i32) -> (i32, i32) {
    %c0_i32 = arith.constant 0 : i32
    %c0_i32_0 = arith.constant 0 : i32
    %c0_i32_1 = arith.constant 0 : i32
    return %c0_i32, %c0_i32_0 : i32, i32
  }
  func.func @transform_3(%arg0: i32) -> (i32, i32) {
    %c0_i32 = arith.constant 0 : i32
    %c0_i32_0 = arith.constant 0 : i32
    return %arg0, %c0_i32 : i32, i32
  }
}

</mosaic_0001>

<sc_bundles>
// kernel: kernel.10.cloned.1.call-start
scs
__scs_entry_jumppad:
0x0: {  	(pc) =	sbr.rel $0x88, $3  }
0x1: {  	(tag) =	ssettag $0x0;
	lr =	simm.s32 $0x1  }
0x2: {  	[smem:$0x3F99] =	sst lr;
	_ =	strace $0xD0000000  }
0x3: {  	_ = 	snop  }
0x4: {  	_ = 	snop  }
0x5: {  	_ = 	snop  }
0x6: {  	_ = 	snop  }
0x7: {  	_ = 	snop  }
__scs_overlays_trampoline_lowered:
0x8: {  	[smem:$0x3FA8] =	sst s0  }
0x9: {  	[smem:$0x3FA9] =	sst s1  }
0xa: {  	[smem:$0x3FAA] =	sst s2  }
0xb: {  	[smem:$0x3FAB] =	sst s3  }
0xc: {  	[smem:$0x3FAC] =	sst s4  }
0xd: {  	[smem:$0x3FAD] =	sst s5  }
0xe: {  	[smem:$0x3FAE] =	sst s6  }
0xf: {  	[smem:$0x3FAF] =	sst s7  }
0x10: {  	[smem:$0x3FB0] =	sst s8  }
0x11: {  	[smem:$0x3FB1] =	sst s9;
	s0 =	simm.s32 @!p0 $0x0  }
0x12: {  	s1 =	sld [smem:$0x3F97];
	s0 =	simm.s32 @p0 $0x1  }
0x13: {  	[smem:$0x3FB2] =	sst s0;
	s0 =	simm.s32 @!p1 $0x0  }
0x14: {  	s2 =	sld [smem:$0x3F96];
	s0 =	simm.s32 @p1 $0x1  }
0x15: {  	[smem:$0x3FB3] =	sst s0;
	s0 =	simm.s32 @!p2 $0x0  }
0x16: {  	s3 =	sld [smem:$0x3FDB];
	s0 =	simm.s32 @p2 $0x1  }
0x17: {  	s4 =	simm.s32 $0x1BF5;
	[smem:$0x3FB5] =	sst s0  }
0x18: {  	s0 =	sld [smem:$0x3F98];
	_ =	swait.ge [sflag:s4], $0x0  }
0x19: {  	s7 =	sld [smem:$0x3F99]  }
0x1a: {  	s8 =	sadd.s32 $0xFFFFE003, lr  }
0x1b: {  	s9 =	sadd.s32 $0xFFFFFEF7, lr;
	s5 =	simm.s32 $0xFFFFFFFF;
	p2 =	slt.u32 s8, $0xFFFFF086  }
0x1c: {  	p1 =	slt.u32 s9, $0xF7A;
	s5 =	simm.s32 @!p2 $0x0  }
0x1d: {  	s5 =	simm.s32 @p1 $0x1;
	p0 =	seq.s32 s7, s2  }
0x1e: {  	s7 =	smul.u32 @!p0 $0xF7A, s2;
	p2 =	seq.s32 @!p0 s5, $0x0  }
0x1f: {  	s9 =	smul.u32 $0xF7A, s1;
	s8 =	simm.s32 @!p0 $0x1BF5;
	p2 =	por !p2, p0  }
0x20: {  	[sflag:s8] =	ssyncset.s32 @!p0 $0xFFFFF086;
	s6 =	sadd.s32 @!p0 s3, s7;
	s7 =	simm.s32 @!p0 $0x108  }
0x21: {  	s3 =	sadd.s32 s3, s9;
	s6 =	sadd.s32 @!p0 $0x88, s6;
	s7 =	simm.s32 @p2 $0x1082  }
0x22: {  	[simem:s7], [sflag:s8] =	dma.local @!p0 [hbm:s6], $0xF7A  }
0x23: {  	s9 =	sor.u32 $0xD0000000, s2;
	s6 =	simm.s32 $0x108;
	_ =	swait.ge @!p0 [sflag:s8], $0x0  }
0x24: {  	s3 =	sadd.s32 $0x88, s3;
	s6 =	simm.s32 @!p1 $0x1082;
	[sflag:s4] =	ssyncset.s32 $0xFFFFF086  }
0x25: {  	[simem:s6], [sflag:s4] =	dma.local [hbm:s3], $0xF7A  }
0x26: {  	[smem:$0x3F99] =	sst s1;
	(tag) =	ssettag s2;
	_ =	strace s9  }
0x27: {  	s1 =	sld [smem:$0x3FA9]  }
0x28: {  	s2 =	sld [smem:$0x3FAA]  }
0x29: {  	s4 =	sld [smem:$0x3FAC]  }
0x2a: {  	p0 =	seq.s32 s5, $0x0;
	s5 =	sld [smem:$0x3FAD]  }
0x2b: {  	s6 =	sld [smem:$0x3FAE]  }
0x2c: {  	s7 =	sld [smem:$0x3FAF]  }
0x2d: {  	s3 =	simm.s32 $0x108;
	s8 =	sld [smem:$0x3FB0]  }
0x2e: {  	s3 =	simm.s32 @!p0 $0x1082;
	s9 =	sld [smem:$0x3FB1]  }
0x2f: {  	lr =	sadd.s32 s0, s3;
	s0 =	sld [smem:$0x3FA8]  }
0x30: {  	s3 =	sld [smem:$0x3FAB]  }
0x31: {  	[smem:$0x3FB4] =	sst s10  }
0x32: {  	s10 =	sld [smem:$0x3FB2];
	_ =	sdelay $0x3  }
0x33: {  	p0 =	seq.s32 s10, $0x1;
	s10 =	sld [smem:$0x3FB4];
	_ =	sdelay $0x3  }
0x34: {  	[smem:$0x3FB4] =	sst s10  }
0x35: {  	s10 =	sld [smem:$0x3FB3];
	_ =	sdelay $0x3  }
0x36: {  	p1 =	seq.s32 s10, $0x1;
	s10 =	sld [smem:$0x3FB4];
	_ =	sdelay $0x3  }
0x37: {  	[smem:$0x3FB4] =	sst s10  }
0x38: {  	s10 =	sld [smem:$0x3FB5]  }
0x39: {  	_ = 	snop;
	(pc) =	sbr.ind lr, $3  }
0x3a: {  	_ = 	snop  }
0x3b: {  	_ = 	snop  }
0x3c: {  	p2 =	seq.s32 s10, $0x1;
	s10 =	sld [smem:$0x3FB4]  }
0x3d: {  	_ =	shalt  }
0x3e: {  	_ =	shalt  }
0x3f: {  	_ =	shalt  }
0x40: {  	_ =	shalt  }
0x41: {  	_ =	shalt  }
0x42: {  	_ =	shalt  }
0x43: {  	_ =	shalt  }
0x44: {  	_ =	shalt  }
0x45: {  	_ =	shalt  }
0x46: {  	_ =	shalt  }
0x47: {  	_ =	shalt  }
0x48: {  	_ =	shalt  }
0x49: {  	_ =	shalt  }
0x4a: {  	_ =	shalt  }
0x4b: {  	_ =	shalt  }
0x4c: {  	_ =	shalt  }
0x4d: {  	_ =	shalt  }
0x4e: {  	_ =	shalt  }
0x4f: {  	_ =	shalt  }
0x50: {  	_ =	shalt  }
0x51: {  	_ =	shalt  }
0x52: {  	_ =	shalt  }
0x53: {  	_ =	shalt  }
0x54: {  	_ =	shalt  }
0x55: {  	_ =	shalt  }
0x56: {  	_ =	shalt  }
0x57: {  	_ =	shalt  }
0x58: {  	_ =	shalt  }
0x59: {  	_ =	shalt  }
0x5a: {  	_ =	shalt  }
0x5b: {  	_ =	shalt  }
0x5c: {  	_ =	shalt  }
0x5d: {  	_ =	shalt  }
0x5e: {  	_ =	shalt  }
0x5f: {  	_ =	shalt  }
0x60: {  	_ =	shalt  }
0x61: {  	_ =	shalt  }
0x62: {  	_ =	shalt  }
0x63: {  	_ =	shalt  }
0x64: {  	_ =	shalt  }
0x65: {  	_ =	shalt  }
0x66: {  	_ =	shalt  }
0x67: {  	_ =	shalt  }
0x68: {  	_ =	shalt  }
0x69: {  	_ =	shalt  }
0x6a: {  	_ =	shalt  }
0x6b: {  	_ =	shalt  }
0x6c: {  	_ =	shalt  }
0x6d: {  	_ =	shalt  }
0x6e: {  	_ =	shalt  }
0x6f: {  	_ =	shalt  }
0x70: {  	_ =	shalt  }
0x71: {  	_ =	shalt  }
0x72: {  	_ =	shalt  }
0x73: {  	_ =	shalt  }
0x74: {  	_ =	shalt  }
0x75: {  	_ =	shalt  }
0x76: {  	_ =	shalt  }
0x77: {  	_ =	shalt  }
0x78: {  	_ =	shalt  }
0x79: {  	_ =	shalt  }
0x7a: {  	_ =	shalt  }
0x7b: {  	_ =	shalt  }
0x7c: {  	_ =	shalt  }
0x7d: {  	_ =	shalt  }
0x7e: {  	_ =	shalt  }
0x7f: {  	_ =	shalt  }
0x80: {  	_ =	shalt  }
0x81: {  	_ =	shalt  }
0x82: {  	_ =	shalt  }
0x83: {  	_ =	shalt  }
0x84: {  	_ =	shalt  }
0x85: {  	_ =	shalt  }
0x86: {  	_ =	shalt  }
0x87: {  	_ =	shalt  }
.Lfunc_end0:
.L_simem_size_0:
called_computation_lowered:
.L_overlay_start_0:
0x88: {  	s2 =	sld [smem:$0x3FD9]  }
0x89: {  	s3 =	sld [smem:$0x3FFE];
	_ =	sdelay $0x1  }
0x8a: {  	s1 =	srdreg.scid  }
0x8b: {  	s0 =	sand.u32 $0x1, s1  }
0x8c: {  	s17 =	sshll.u32 s0, $0xA;
	s2 =	sadd.s32 s3, s2  }
0x8d: {  	s2 =	sadd.s32 s2, s17  }
0x8e: {  	[smem:$0x3FC0] =	sst s2  }
0x8f: {  	_ = 	snop  }
0x90: {  	s2 =	sld [smem:$0x3FD0];
	(tm) =	ssettm $0x1  }
0x91: {  	s18 =	sld [smem:$0x3FFB];
	_ =	sdelay $0x3  }
0x92: {  	_ =	strace s18  }
0x93: {  	s3 =	sld [smem:$0x3FFC];
	_ =	sdelay $0x3  }
0x94: {  	_ =	strace s3  }
0x95: {  	s3 =	sld [smem:$0x3FFD];
	_ =	sdelay $0x3  }
0x96: {  	_ =	strace s3  }
0x97: {  	_ =	strace $0x8FFFFFFF  }
0x98: {  	s19 =	sld [smem:$0x3FDB];
	_ =	sdelay $0x1  }
0x99: {  	s4 =	simm.s32 $_scs_section_size  }
0x9a: {  	s5 =	simm.s32 $_size__tile_overlayer_lowered;
	s6 =	simm.s32 $_tile_overlayer_lowered  }
0x9b: {  	s22 =	simm.s32 $0x1BFF;
	s21 =	sshll.u32 s6, $0x1;
	s3 =	sadd.s32 s4, s19  }
0x9c: {  	s7 =	simm.s32 $0x0;
	s20 =	sshll.u32 s5, $0x1;
	s5 =	sadd.s32 s21, s3  }
0x9d: {  	[timem:s7], [sflag:s22] =	dma.local [hbm:s5], s20  }
0x9e: {  	_ =	swait.ge [sflag:s22], s20  }
0x9f: {  	s4 =	ssub.s32 $0x0, s20;
	[sflag:s22] =	ssyncset.done $0x0  }
0xa0: {  	[sflag:s22] =	ssyncadd.s32 s4;
	_ =	sdelay $0x1  }
0xa1: {  	s23 =	simm.s32 $0x1B8B  }
0xa2: {  	_ =	swait.ge [sflag:s23], $0x1  }
0xa3: {  	[sflag:s23] =	ssyncset.done $0x0  }
0xa4: {  	s25 =	simm.s32 $0x1B8E;
	s24 =	sld [smem:$0x3FFE];
	[sflag:s23] =	ssyncadd.s32 $0xFFFFFFFF  }
0xa5: {  	s26 =	simm.s32 $execute0_lowered;
	[smem:$0x3FD2] =	sst s25  }
0xa6: {  	s5 =	sshll.u32 s26, $0x1;
	_ =	strace $0x80000046;
	[dreg:$0x1] =	wrdreg $0xFFFFFFFF  }
0xa7: {  	s28 =	simm.s32 $_size_execute0_lowered;
	s3 =	sadd.s32 s3, s5;
	[dreg:$0x0] =	wrdreg $0x0  }
0xa8: {  	s5 =	sshll.u32 s28, $0x1;
	[dreg:$0x2] =	wrdreg s3  }
0xa9: {  	[dreg:$0x3] =	wrdreg s5  }
0xaa: {  	[dreg:$0x4] =	wrdreg $0xC0  }
0xab: {  	_ =	task [dreg:s7], $0x5FFFF  }
0xac: {  	[dreg:$0x1] =	wrdreg $0xFFFFFFFF  }
0xad: {  	[dreg:$0x0] =	wrdreg $0x60  }
0xae: {  	[dreg:$0x2] =	wrdreg s24  }
0xaf: {  	[dreg:$0x3] =	wrdreg s2  }
0xb0: {  	[dreg:$0x4] =	wrdreg $0x6C000  }
0xb1: {  	[dreg:$0x5] =	wrdreg $0x9  }
0xb2: {  	_ =	task.clear_ibuf [dreg:s7], $0x6FFFF;
	_ =	strace $0x90000046  }
0xb3: {  	s29 =	simm.s32 $0x9;
	_ =	strace $0x80000048  }
0xb4: {  	_ =	swait.ge [sflag:s29], $0x1  }
0xb5: {  	[sflag:s29] =	ssyncadd.s32 $0xFFFFFFFF  }
0xb6: {  	_ =	strace $0x90000048  }
0xb7: {  	_ =	sfence  }
0xb8: {  	s30 =	sld [smem:$0x0];
	_ =	sdelay $0x2  }
0xb9: {  	s31 =	sshll.u32 s1, $0xD;
	s1 =	sshrl.u32 s1, $0x2  }
0xba: {  	s3 =	sand.u32 $0x4000, s31;
	s1 =	sadd.s32 s1, s30  }
0xbb: {  	s0 =	sor.u32 s3, s0;
	s1 =	sshll.u32 s1, $0x11  }
0xbc: {  	s0 =	sor.u32 s1, s0  }
0xbd: {  	s0 =	sadd.s32 $0x8F2B, s0  }
0xbe: {  	[sflag:s0] =	ssyncadd.remote.s32 $0x1  }
0xbf: {  	_ =	sfence.sel $0xFFFF  }
0xc0: {  	[dreg:$0x0] =	wrdreg $0xFFFFFFFF;
	(pc) =	sbr.abs _section_cstart, $3  }
0xc1: {  	[dreg:$0x1] =	wrdreg $0xFFFFFFFF  }
0xc2: {  	_ =	task.clear_ibuf [dreg:s7], $0x2FFFF;
	_ =	strace $0x9FFFFFFF  }
0xc3: {  	(tm) =	ssettm $0x7FFFFFFF  }
tec
execute0_lowered:
.L_overlay_start_1:
0x0: {  	(tag) =	ssettag $0x1  }
0x1: {  	s6 =	rddreg [dreg:$0x0]  }
0x2: {  	s7 =	rddreg [dreg:$0x1]  }
0x3: {  	s0 =	srdreg.scid;
	s2 =	rddreg [dreg:$0x2]  }
0x4: {  	s1 =	rddreg [dreg:$0x3];
	s4 =	sand.u32 $0x1, s0  }
0x5: {  	s0 =	stileid.u32;
	s5 =	smul.u32 $0x28000, s4  }
0x6: {  	s3 =	simm.s32 $0x0;
	s12 =	simm.s32 $0x7D;
	s8 =	smul.u32 $0x2800, s0  }
0x7: {  	s18 =	simm.s32 $0x0;
	[smem:$0x7FF] =	sst s3;
	s9 =	smul.u32 $0x27100, s4  }
0x8: {  	s17 =	sadd.s32 $0x138000, s2;
	_ =	strace $0x80000047;
	s11 =	smul.u32 $0x4E000, s0  }
0x9: {  	s28 =	ssub.s32 $0x2, s4;
	s4 =	sadd.s32 $0xC600, s6;
	s29 =	smul.u32 $0x4E200, s0  }
0xa: {  	s13 =	smul.u32 $0x2700, s0;
	p0 =	sne.s32 s0, $0xF;
	s14 =	sshll.u32 s0, $0x6  }
0xb: {  	s10 =	sshrl.u32 s28, $0x1;
	s14 =	sor.u32 $0x1C01, s14;
	s17 =	sshrl.u32 @!p0 s17, $0x3  }
0xc: {  	s5 =	sadd.s32 s8, s5;
	s8 =	ssub.s32 s28, s10;
	s16 =	sadd.s32 s7, s9  }
0xd: {  	s30 =	sshrl.u32 s11, $0x2;
	s31 =	sshrl.u32 s29, $0x2;
	s9 =	simm.s32 $0x1  }
0xe: {  	s10 =	simm.s32 $0x2800;
	s11 =	simm.s32 $0x5C00;
	s5 =	sshrl.u32 s5, $0x3  }
0xf: {  	s15 =	sadd.s32 s30, s2;
	s7 =	smax.u32 s8, $0x1;
	s8 =	sadd.s32 s31, s2  }
0x10: {  	s13 =	sadd.s32 s13, s16;
	s16 =	sadd.s32 @!p0 $0x27000, s16;
	s5 =	sadd.s32 s5, s6  }
0x11: {  	s6 =	sadd.s32 $0xCC80, s6;
	s15 =	sshrl.u32 s15, $0x3;
	s5 =	sadd.s32 $0x2600, s5  }
.LBB2_1:
0x12: {  	[tilespmem:s3], [sflag:$0x1] =	stream.linear.gather [hbm4b:s5+s3], $0x2800, $0x38;
	[tilespmem:$0x9310] =	vst v63  }
0x13: {  	_ =	swait.ge [sflag:s9], $0x2800  }
0x14: {  	[sflag:s9] =	ssyncset.done $0x0  }
0x15: {  	[sflag:s9] =	ssyncadd.s32 $0xFFFFD800  }
0x16: {  	[tilespmem:s10], [sflag:$0x1] =	stream.linear.gather [hbm4b:s4+s3], $0x3400, $0x38;
	[tilespmem:$0x9310] =	vst v63  }
0x17: {  	_ =	swait.ge [sflag:s9], $0x3400  }
0x18: {  	[sflag:s9] =	ssyncset.done $0x0  }
0x19: {  	[sflag:s9] =	ssyncadd.s32 $0xFFFFCC00  }
0x1a: {  	[tilespmem:s11], [sflag:$0x1] =	stream.linear.gather [hbm4b:s6+s3], $0x1000, $0x38;
	[tilespmem:$0x9310] =	vst v63  }
0x1b: {  	_ =	swait.ge [sflag:s9], $0x1000  }
0x1c: {  	[sflag:s9] =	ssyncset.done $0x0  }
0x1d: {  	s19 =	sadd.s32 $0x0, s8;
	[sflag:s9] =	ssyncadd.s32 $0xFFFFF000  }
0x1e: {  	[spmem:s19] =	stream.linear.scatter [tilespmem:s11], [sflag:$0x1], $0xC80, $0x38;
	[tilespmem:$0x9310] =	vst v63  }
0x1f: {  	s19 =	simm.s32 $0x3200;
	_ =	swait.ge [sflag:s9], $0xC80  }
.LBB2_2:
0x20: {  	s20 =	sshra.s32 s19, $0x2;
	[sflag:s9] =	ssyncset.done $0x0;
	p1 =	sne.s32 s19, $0x4B000  }
.Ltmp0:
0x21: {  	s20 =	sadd.s32 s20, s8;
	[sflag:s9] =	ssyncadd.s32 $0xFFFFF380;
	(pc) =	sbr.rel @p1 .LBB2_2-.Ltmp0, $3  }
0x22: {  	[spmem:s20] =	stream.linear.scatter [tilespmem:s11], [sflag:$0x1], $0xC80, $0x38;
	[tilespmem:$0x9310] =	vst v63  }
0x23: {  	s19 =	sadd.s32 $0x3200, s19;
	_ =	sdelay $0x1  }
0x24: {  	_ =	swait.ge [sflag:s9], $0xC80  }
0x25: {  	[sflag:s9] =	ssyncset.done $0x0  }
0x26: {  	s19 =	simm.s32 $0x0;
	p1 =	por $0x1, $0x1;
	s20 =	simm.s32 $0xFFFFB000  }
0x27: {  	p2 =	por $0x0, $0x0;
	s20 =	smov.u32 @p1 s19;
	s19 =	simm.s32 $0x1400  }
0x28: {  	[sflag:s9] =	ssyncadd.s32 $0xFFFFF380;
	s19 =	simm.s32 @!p2 $0x0;
	s20 =	sshra.s32 s20, $0x2  }
0x29: {  	[bflag:$0x0] =	sbarrier.arrive $0xFFFF;
	s19 =	sadd.s32 s20, s19  }
0x2a: {  	[spmem:s2] =	stream.indirect.scatter.add.f32 [tilespmem:s10], [sflag:$0x1], $0x10, s19, s12, $0xb8;
	[tilespmem:$0x9310] =	vst v63  }
0x2b: {  	s20 =	simm.s32 $0x1;
	s19 =	simm.s32 $0x200  }
.LBB2_4:
0x2c: {  	p1 =	slt.u32 s20, $0x28;
	s21 =	sadd.s32 $0xFFFFB000, s19  }
0x2d: {  	s21 =	smov.u32 @p1 s19;
	p1 =	sne.s32 s20, $0x4F  }
.Ltmp1:
0x2e: {  	p2 =	sgt.u32 s20, $0x27;
	s22 =	simm.s32 $0x1400;
	(pc) =	sbr.rel @p1 .LBB2_4-.Ltmp1, $4  }
0x2f: {  	s22 =	simm.s32 @!p2 $0x0;
	s21 =	sshra.s32 s21, $0x2;
	_ =	swait.ge [sflag:s9], $0x7D0  }
0x30: {  	s19 =	sadd.s32 $0x200, s19;
	s21 =	sadd.s32 s21, s22;
	[sflag:s9] =	ssyncset.done $0x0  }
0x31: {  	s20 =	sadd.s32 $0x1, s20;
	[sflag:s9] =	ssyncadd.s32 $0xFFFFF830  }
0x32: {  	[spmem:s2] =	stream.indirect.scatter.add.f32 [tilespmem:s10], [sflag:$0x1], $0x10, s21, s12, $0xb8;
	[tilespmem:$0x9310] =	vst v63  }
0x33: {  	_ =	swait.ge [sflag:s9], $0x7D0  }
0x34: {  	[sflag:s9] =	ssyncset.done $0x0  }
0x35: {  	[sflag:s9] =	ssyncadd.s32 $0xFFFFF830  }
0x36: {  	[bflag:$0x0] =	sbarrier.arrive $0xFFFF  }
0x37: {  	[hbm:s13], [sflag:s14] =	dma.local [spmem:s15], $0x2700  }
0x38: {  	s18 =	sadd.s32 $0x1, s18;
	_ =	swait.ge [sflag:s9], $0x2700  }
0x39: {  	p1 =	sne.s32 s18, s7;
	[sflag:s9] =	ssyncset.done $0x0  }
.Ltmp2:
0x3a: {  	s19 =	simm.s32 @!p0 $0x1;
	[sflag:s9] =	ssyncadd.s32 $0xFFFFD900;
	(pc) =	sbr.rel @p1 .LBB2_1-.Ltmp2, $4  }
0x3b: {  	[hbm:s16], [sflag:s14] =	dma.local @!p0 [spmem:s17], $0x100  }
0x3c: {  	_ =	swait.ge @!p0 [sflag:s19], $0x100  }
0x3d: {  	[sflag:s19] =	ssyncset.done @!p0 $0x0  }
0x3e: {  	[sflag:s19] =	ssyncadd.s32 @!p0 $0xFFFFFF00  }
0x3f: {  	_ =	sfence.sel $0x180000  }
0x40: {  	[bflag:$0x0] =	sbarrier.arrive $0xFFFF  }
0x41: {  	p0 =	sne.s32 s0, $0x0;
	_ =	strace $0x90000047  }
0x42: {  	s0 =	sadd.s32 @!p0 $0x100000, s1;
	[bflag:$0x2] =	sbarrier.arrive $0xFFFF  }
0x43: {  	[sflag:s0] =	ssyncadd.tile.s32 @!p0 $0x1;
	_ =	shalt  }
.Lfunc_end2:
_tile_overlayer_lowered:
.L_overlay_start_2:
0x44: {  	(tag) =	ssettag $0x2  }
0x45: {  	s0 =	rddreg [dreg:$0x0];
	s2 =	stileid.u32  }
0x46: {  	s1 =	rddreg [dreg:$0x1];
	p0 =	sne.s32 s2, $0x0  }
0x47: {  	s3 =	rddreg [dreg:$0x2];
	[bflag:$0x3] =	sbarrier.arrive $0xFFFF;
	s2 =	simm.s32 @!p0 $0x1C01  }
0x48: {  	[timem:s3], [sflag:s2] =	dma.local @!p0 [hbm:s0], s1  }
0x49: {  	s0 =	simm.s32 @!p0 $0x1  }
0x4a: {  	_ =	swait.ge @!p0 [sflag:s0], s1  }
0x4b: {  	s1 =	ssub.s32 @!p0 $0x0, s1;
	[sflag:s0] =	ssyncset.done @!p0 $0x0  }
0x4c: {  	[sflag:s0] =	ssyncadd.s32 @!p0 s1  }
0x4d: {  	[bflag:$0x3] =	sbarrier.arrive $0xFFFF  }
0x4e: {  	_ =	shalt  }

// kernel: kernel.13.cloned.1.call-start
scs
__scs_entry_jumppad:
0x0: {  	(pc) =	sbr.rel $0x88, $3  }
0x1: {  	(tag) =	ssettag $0x0;
	lr =	simm.s32 $0x1  }
0x2: {  	[smem:$0x3F99] =	sst lr;
	_ =	strace $0xD0000000  }
0x3: {  	_ = 	snop  }
0x4: {  	_ = 	snop  }
0x5: {  	_ = 	snop  }
0x6: {  	_ = 	snop  }
0x7: {  	_ = 	snop  }
__scs_overlays_trampoline_lowered:
0x8: {  	[smem:$0x3FA8] =	sst s0  }
0x9: {  	[smem:$0x3FA9] =	sst s1  }
0xa: {  	[smem:$0x3FAA] =	sst s2  }
0xb: {  	[smem:$0x3FAB] =	sst s3  }
0xc: {  	[smem:$0x3FAC] =	sst s4  }
0xd: {  	[smem:$0x3FAD] =	sst s5  }
0xe: {  	[smem:$0x3FAE] =	sst s6  }
0xf: {  	[smem:$0x3FAF] =	sst s7  }
0x10: {  	[smem:$0x3FB0] =	sst s8  }
0x11: {  	[smem:$0x3FB1] =	sst s9;
	s0 =	simm.s32 @!p0 $0x0  }
0x12: {  	s1 =	sld [smem:$0x3F97];
	s0 =	simm.s32 @p0 $0x1  }
0x13: {  	[smem:$0x3FB2] =	sst s0;
	s0 =	simm.s32 @!p1 $0x0  }
0x14: {  	s2 =	sld [smem:$0x3F96];
	s0 =	simm.s32 @p1 $0x1  }
0x15: {  	[smem:$0x3FB3] =	sst s0;
	s0 =	simm.s32 @!p2 $0x0  }
0x16: {  	s3 =	sld [smem:$0x3FDB];
	s0 =	simm.s32 @p2 $0x1  }
0x17: {  	s4 =	simm.s32 $0x1BF5;
	[smem:$0x3FB5] =	sst s0  }
0x18: {  	s0 =	sld [smem:$0x3F98];
	_ =	swait.ge [sflag:s4], $0x0  }
0x19: {  	s7 =	sld [smem:$0x3F99]  }
0x1a: {  	s8 =	sadd.s32 $0xFFFFE003, lr  }
0x1b: {  	s9 =	sadd.s32 $0xFFFFFEF7, lr;
	s5 =	simm.s32 $0xFFFFFFFF;
	p2 =	slt.u32 s8, $0xFFFFF086  }
0x1c: {  	p1 =	slt.u32 s9, $0xF7A;
	s5 =	simm.s32 @!p2 $0x0  }
0x1d: {  	s5 =	simm.s32 @p1 $0x1;
	p0 =	seq.s32 s7, s2  }
0x1e: {  	s7 =	smul.u32 @!p0 $0xF7A, s2;
	p2 =	seq.s32 @!p0 s5, $0x0  }
0x1f: {  	s9 =	smul.u32 $0xF7A, s1;
	s8 =	simm.s32 @!p0 $0x1BF5;
	p2 =	por !p2, p0  }
0x20: {  	[sflag:s8] =	ssyncset.s32 @!p0 $0xFFFFF086;
	s6 =	sadd.s32 @!p0 s3, s7;
	s7 =	simm.s32 @!p0 $0x108  }
0x21: {  	s3 =	sadd.s32 s3, s9;
	s6 =	sadd.s32 @!p0 $0x88, s6;
	s7 =	simm.s32 @p2 $0x1082  }
0x22: {  	[simem:s7], [sflag:s8] =	dma.local @!p0 [hbm:s6], $0xF7A  }
0x23: {  	s9 =	sor.u32 $0xD0000000, s2;
	s6 =	simm.s32 $0x108;
	_ =	swait.ge @!p0 [sflag:s8], $0x0  }
0x24: {  	s3 =	sadd.s32 $0x88, s3;
	s6 =	simm.s32 @!p1 $0x1082;
	[sflag:s4] =	ssyncset.s32 $0xFFFFF086  }
0x25: {  	[simem:s6], [sflag:s4] =	dma.local [hbm:s3], $0xF7A  }
0x26: {  	[smem:$0x3F99] =	sst s1;
	(tag) =	ssettag s2;
	_ =	strace s9  }
0x27: {  	s1 =	sld [smem:$0x3FA9]  }
0x28: {  	s2 =	sld [smem:$0x3FAA]  }
0x29: {  	s4 =	sld [smem:$0x3FAC]  }
0x2a: {  	p0 =	seq.s32 s5, $0x0;
	s5 =	sld [smem:$0x3FAD]  }
0x2b: {  	s6 =	sld [smem:$0x3FAE]  }
0x2c: {  	s7 =	sld [smem:$0x3FAF]  }
0x2d: {  	s3 =	simm.s32 $0x108;
	s8 =	sld [smem:$0x3FB0]  }
0x2e: {  	s3 =	simm.s32 @!p0 $0x1082;
	s9 =	sld [smem:$0x3FB1]  }
0x2f: {  	lr =	sadd.s32 s0, s3;
	s0 =	sld [smem:$0x3FA8]  }
0x30: {  	s3 =	sld [smem:$0x3FAB]  }
0x31: {  	[smem:$0x3FB4] =	sst s10  }
0x32: {  	s10 =	sld [smem:$0x3FB2];
	_ =	sdelay $0x3  }
0x33: {  	p0 =	seq.s32 s10, $0x1;
	s10 =	sld [smem:$0x3FB4];
	_ =	sdelay $0x3  }
0x34: {  	[smem:$0x3FB4] =	sst s10  }
0x35: {  	s10 =	sld [smem:$0x3FB3];
	_ =	sdelay $0x3  }
0x36: {  	p1 =	seq.s32 s10, $0x1;
	s10 =	sld [smem:$0x3FB4];
	_ =	sdelay $0x3  }
0x37: {  	[smem:$0x3FB4] =	sst s10  }
0x38: {  	s10 =	sld [smem:$0x3FB5]  }
0x39: {  	_ = 	snop;
	(pc) =	sbr.ind lr, $3  }
0x3a: {  	_ = 	snop  }
0x3b: {  	_ = 	snop  }
0x3c: {  	p2 =	seq.s32 s10, $0x1;
	s10 =	sld [smem:$0x3FB4]  }
0x3d: {  	_ =	shalt  }
0x3e: {  	_ =	shalt  }
0x3f: {  	_ =	shalt  }
0x40: {  	_ =	shalt  }
0x41: {  	_ =	shalt  }
0x42: {  	_ =	shalt  }
0x43: {  	_ =	shalt  }
0x44: {  	_ =	shalt  }
0x45: {  	_ =	shalt  }
0x46: {  	_ =	shalt  }
0x47: {  	_ =	shalt  }
0x48: {  	_ =	shalt  }
0x49: {  	_ =	shalt  }
0x4a: {  	_ =	shalt  }
0x4b: {  	_ =	shalt  }
0x4c: {  	_ =	shalt  }
0x4d: {  	_ =	shalt  }
0x4e: {  	_ =	shalt  }
0x4f: {  	_ =	shalt  }
0x50: {  	_ =	shalt  }
0x51: {  	_ =	shalt  }
0x52: {  	_ =	shalt  }
0x53: {  	_ =	shalt  }
0x54: {  	_ =	shalt  }
0x55: {  	_ =	shalt  }
0x56: {  	_ =	shalt  }
0x57: {  	_ =	shalt  }
0x58: {  	_ =	shalt  }
0x59: {  	_ =	shalt  }
0x5a: {  	_ =	shalt  }
0x5b: {  	_ =	shalt  }
0x5c: {  	_ =	shalt  }
0x5d: {  	_ =	shalt  }
0x5e: {  	_ =	shalt  }
0x5f: {  	_ =	shalt  }
0x60: {  	_ =	shalt  }
0x61: {  	_ =	shalt  }
0x62: {  	_ =	shalt  }
0x63: {  	_ =	shalt  }
0x64: {  	_ =	shalt  }
0x65: {  	_ =	shalt  }
0x66: {  	_ =	shalt  }
0x67: {  	_ =	shalt  }
0x68: {  	_ =	shalt  }
0x69: {  	_ =	shalt  }
0x6a: {  	_ =	shalt  }
0x6b: {  	_ =	shalt  }
0x6c: {  	_ =	shalt  }
0x6d: {  	_ =	shalt  }
0x6e: {  	_ =	shalt  }
0x6f: {  	_ =	shalt  }
0x70: {  	_ =	shalt  }
0x71: {  	_ =	shalt  }
0x72: {  	_ =	shalt  }
0x73: {  	_ =	shalt  }
0x74: {  	_ =	shalt  }
0x75: {  	_ =	shalt  }
0x76: {  	_ =	shalt  }
0x77: {  	_ =	shalt  }
0x78: {  	_ =	shalt  }
0x79: {  	_ =	shalt  }
0x7a: {  	_ =	shalt  }
0x7b: {  	_ =	shalt  }
0x7c: {  	_ =	shalt  }
0x7d: {  	_ =	shalt  }
0x7e: {  	_ =	shalt  }
0x7f: {  	_ =	shalt  }
0x80: {  	_ =	shalt  }
0x81: {  	_ =	shalt  }
0x82: {  	_ =	shalt  }
0x83: {  	_ =	shalt  }
0x84: {  	_ =	shalt  }
0x85: {  	_ =	shalt  }
0x86: {  	_ =	shalt  }
0x87: {  	_ =	shalt  }
.Lfunc_end0:
.L_simem_size_0:
called_computation.1_lowered:
.L_overlay_start_0:
0x88: {  	s2 =	sld [smem:$0x3FD9]  }
0x89: {  	s3 =	sld [smem:$0x3FFE];
	_ =	sdelay $0x1  }
0x8a: {  	s1 =	srdreg.scid  }
0x8b: {  	s0 =	sand.u32 $0x1, s1  }
0x8c: {  	s17 =	sshll.u32 s0, $0xA;
	s2 =	sadd.s32 s3, s2  }
0x8d: {  	s2 =	sadd.s32 s2, s17  }
0x8e: {  	[smem:$0x3FC0] =	sst s2  }
0x8f: {  	_ = 	snop  }
0x90: {  	s2 =	sld [smem:$0x3FD0];
	(tm) =	ssettm $0x1  }
0x91: {  	s18 =	sld [smem:$0x3FFB];
	_ =	sdelay $0x3  }
0x92: {  	_ =	strace s18  }
0x93: {  	s3 =	sld [smem:$0x3FFC];
	_ =	sdelay $0x3  }
0x94: {  	_ =	strace s3  }
0x95: {  	s3 =	sld [smem:$0x3FFD];
	_ =	sdelay $0x3  }
0x96: {  	_ =	strace s3  }
0x97: {  	_ =	strace $0x8FFFFFFF  }
0x98: {  	s19 =	sld [smem:$0x3FDB];
	_ =	sdelay $0x1  }
0x99: {  	s4 =	simm.s32 $_scs_section_size  }
0x9a: {  	s5 =	simm.s32 $_size__tile_overlayer_lowered;
	s6 =	simm.s32 $_tile_overlayer_lowered  }
0x9b: {  	s22 =	simm.s32 $0x1BFF;
	s21 =	sshll.u32 s6, $0x1;
	s3 =	sadd.s32 s4, s19  }
0x9c: {  	s7 =	simm.s32 $0x0;
	s20 =	sshll.u32 s5, $0x1;
	s5 =	sadd.s32 s21, s3  }
0x9d: {  	[timem:s7], [sflag:s22] =	dma.local [hbm:s5], s20  }
0x9e: {  	_ =	swait.ge [sflag:s22], s20  }
0x9f: {  	s4 =	ssub.s32 $0x0, s20;
	[sflag:s22] =	ssyncset.done $0x0  }
0xa0: {  	[sflag:s22] =	ssyncadd.s32 s4;
	_ =	sdelay $0x1  }
0xa1: {  	s23 =	simm.s32 $0x1B8B  }
0xa2: {  	_ =	swait.ge [sflag:s23], $0x1  }
0xa3: {  	[sflag:s23] =	ssyncset.done $0x0  }
0xa4: {  	s25 =	simm.s32 $0x1B8E;
	s24 =	sld [smem:$0x3FFE];
	[sflag:s23] =	ssyncadd.s32 $0xFFFFFFFF  }
0xa5: {  	s26 =	simm.s32 $execute0_lowered;
	[smem:$0x3FD2] =	sst s25  }
0xa6: {  	s5 =	sshll.u32 s26, $0x1;
	_ =	strace $0x80000049;
	[dreg:$0x1] =	wrdreg $0xFFFFFFFF  }
0xa7: {  	s28 =	simm.s32 $_size_execute0_lowered;
	s3 =	sadd.s32 s3, s5;
	[dreg:$0x0] =	wrdreg $0x0  }
0xa8: {  	s5 =	sshll.u32 s28, $0x1;
	[dreg:$0x2] =	wrdreg s3  }
0xa9: {  	[dreg:$0x3] =	wrdreg s5  }
0xaa: {  	[dreg:$0x4] =	wrdreg $0xC0  }
0xab: {  	_ =	task [dreg:s7], $0x5FFFF  }
0xac: {  	[dreg:$0x1] =	wrdreg $0xFFFFFFFF  }
0xad: {  	[dreg:$0x0] =	wrdreg $0x60  }
0xae: {  	[dreg:$0x2] =	wrdreg s2  }
0xaf: {  	[dreg:$0x3] =	wrdreg s24  }
0xb0: {  	[dreg:$0x4] =	wrdreg $0xB8000  }
0xb1: {  	[dreg:$0x5] =	wrdreg $0x9  }
0xb2: {  	_ =	task.clear_ibuf [dreg:s7], $0x6FFFF;
	_ =	strace $0x90000049  }
0xb3: {  	s29 =	simm.s32 $0x9;
	_ =	strace $0x8000004B  }
0xb4: {  	_ =	swait.ge [sflag:s29], $0x1  }
0xb5: {  	[sflag:s29] =	ssyncadd.s32 $0xFFFFFFFF  }
0xb6: {  	_ =	strace $0x9000004B  }
0xb7: {  	_ =	sfence  }
0xb8: {  	s30 =	sld [smem:$0x0];
	_ =	sdelay $0x2  }
0xb9: {  	s31 =	sshll.u32 s1, $0xD;
	s1 =	sshrl.u32 s1, $0x2  }
0xba: {  	s3 =	sand.u32 $0x4000, s31;
	s1 =	sadd.s32 s1, s30  }
0xbb: {  	s0 =	sor.u32 s3, s0;
	s1 =	sshll.u32 s1, $0x11  }
0xbc: {  	s0 =	sor.u32 s1, s0  }
0xbd: {  	s0 =	sadd.s32 $0x8F2B, s0  }
0xbe: {  	[sflag:s0] =	ssyncadd.remote.s32 $0x1  }
0xbf: {  	_ =	sfence.sel $0xFFFF  }
0xc0: {  	[dreg:$0x0] =	wrdreg $0xFFFFFFFF;
	(pc) =	sbr.abs _section_cstart, $3  }
0xc1: {  	[dreg:$0x1] =	wrdreg $0xFFFFFFFF  }
0xc2: {  	_ =	task.clear_ibuf [dreg:s7], $0x2FFFF;
	_ =	strace $0x9FFFFFFF  }
0xc3: {  	(tm) =	ssettm $0x7FFFFFFF  }
tec
execute0_lowered:
.L_overlay_start_1:
0x0: {  	(tag) =	ssettag $0x1  }
0x1: {  	s4 =	rddreg [dreg:$0x0]  }
0x2: {  	s5 =	rddreg [dreg:$0x1]  }
0x3: {  	s2 =	rddreg [dreg:$0x2]  }
0x4: {  	s0 =	rddreg [dreg:$0x3];
	s3 =	simm.s32 $0x0;
	s1 =	stileid.u32  }
0x5: {  	s6 =	srdreg.scid;
	s12 =	simm.s32 $0xA800;
	s13 =	simm.s32 $0x3  }
0x6: {  	s14 =	simm.s32 $0x1400;
	s15 =	simm.s32 $0x7D;
	s16 =	simm.s32 $0x2800  }
0x7: {  	s17 =	simm.s32 $0x6800;
	s18 =	simm.s32 $0x1;
	s7 =	smul.u32 $0x2800, s1  }
0x8: {  	s19 =	simm.s32 $0x2;
	s20 =	simm.s32 $0x1380;
	s9 =	smul.u32 $0x4E000, s1  }
0x9: {  	s21 =	simm.s32 $0x2700;
	s22 =	simm.s32 $0x2780;
	s31 =	smul.u32 $0x4E200, s1  }
0xa: {  	[smem:$0x7FF] =	sst s3;
	s6 =	sand.u32 $0x1, s6;
	s23 =	smul.u32 $0x2700, s1  }
0xb: {  	s25 =	sadd.s32 $0x138000, s2;
	p0 =	sne.s32 s1, $0xF;
	_ =	strace $0x8000004A  }
0xc: {  	s8 =	smul.u32 $0x27100, s6;
	s6 =	ssub.s32 $0x2, s6;
	s25 =	sshrl.u32 @!p0 s25, $0x3  }
0xd: {  	s7 =	sshrl.u32 s7, $0x3;
	s29 =	sshrl.u32 s6, $0x1;
	s30 =	sshrl.u32 s9, $0x2  }
0xe: {  	s11 =	sshrl.u32 s31, $0x2;
	s10 =	sadd.s32 s7, s5;
	s5 =	sadd.s32 s8, s5  }
0xf: {  	s6 =	ssub.s32 s6, s29;
	s4 =	sadd.s32 s4, s8;
	s24 =	sadd.s32 s30, s2  }
0x10: {  	s11 =	sadd.s32 s11, s2;
	s5 =	sadd.s32 $0xC600, s5;
	s6 =	smax.u32 s6, $0x1  }
0x11: {  	s7 =	sadd.s32 $0x2600, s10;
	s8 =	sadd.s32 $0x7600, s10;
	s9 =	sadd.s32 $0x2880, s10  }
0x12: {  	v0 =	vimm.f32 $0.0e+00;
	s10 =	sadd.s32 $0x7880, s10;
	s24 =	sshrl.u32 s24, $0x3;
	s23 =	sadd.s32 s23, s5  }
.LBB2_1:
0x13: {  	s26 =	simm.s32 $0x0;
	s28 =	simm.s32 $0x200  }
.LBB2_2:
0x14: {  	p1 =	sne.s32 s28, $0x3000;
	[tilespmem:s26+$0xA870] =	vst v0  }
0x15: {  	[tilespmem:s26+$0xA800] =	vst v0  }
0x16: {  	[tilespmem:s26+$0xA810] =	vst v0  }
.Ltmp0:
0x17: {  	[tilespmem:s26+$0xA820] =	vst v0;
	(pc) =	sbr.rel @p1 .LBB2_2-.Ltmp0, $4  }
0x18: {  	[tilespmem:s26+$0xA830] =	vst v0  }
0x19: {  	[tilespmem:s26+$0xA840] =	vst v0  }
0x1a: {  	[tilespmem:s26+$0xA850] =	vst v0  }
0x1b: {  	[tilespmem:s26+$0xA860] =	vst v0;
	s26 =	sshra.s32 s28, $0x2;
	s28 =	sadd.s32 $0x200, s28  }
0x1c: {  	[tilespmem:s26+$0xA870] =	vst v0  }
0x1d: {  	[tilespmem:s26+$0xA800] =	vst v0  }
0x1e: {  	[tilespmem:s26+$0xA810] =	vst v0  }
0x1f: {  	[tilespmem:s26+$0xA820] =	vst v0  }
0x20: {  	[tilespmem:s26+$0xA830] =	vst v0  }
0x21: {  	[tilespmem:s26+$0xA840] =	vst v0  }
0x22: {  	[tilespmem:s26+$0xA850] =	vst v0  }
0x23: {  	[tilespmem:s26+$0xA860] =	vst v0;
	s31 =	sadd.s32 $0x0, s11  }
0x24: {  	[spmem:s31] =	stream.linear.scatter [tilespmem:s12], [sflag:$0x3], $0xC80, $0x38;
	[tilespmem:$0x1F080] =	vst v63  }
0x25: {  	s26 =	simm.s32 $0x3200;
	_ =	swait.ge [sflag:s13], $0xC80  }
.LBB2_4:
0x26: {  	s28 =	sshra.s32 s26, $0x2;
	[sflag:s13] =	ssyncset.done $0x0;
	p1 =	sne.s32 s26, $0x4B000  }
.Ltmp1:
0x27: {  	s28 =	sadd.s32 s28, s11;
	[sflag:s13] =	ssyncadd.s32 $0xFFFFF380;
	(pc) =	sbr.rel @p1 .LBB2_4-.Ltmp1, $3  }
0x28: {  	[spmem:s28] =	stream.linear.scatter [tilespmem:s12], [sflag:$0x3], $0xC80, $0x38;
	[tilespmem:$0x1F080] =	vst v63  }
0x29: {  	s26 =	sadd.s32 $0x3200, s26;
	_ =	sdelay $0x1  }
0x2a: {  	_ =	swait.ge [sflag:s13], $0xC80  }
0x2b: {  	[sflag:s13] =	ssyncset.done $0x0  }
0x2c: {  	[sflag:s13] =	ssyncadd.s32 $0xFFFFF380  }
0x2d: {  	s26 =	simm.s32 $0x0;
	[bflag:$0x0] =	sbarrier.arrive $0xFFFF  }
0x2e: {  	[tilespmem:s26], [sflag:$0x3] =	stream.linear.gather [hbm4b:s7+s26], $0x1400, $0x38;
	[tilespmem:$0x1F080] =	vst v63  }
0x2f: {  	_ =	swait.ge [sflag:s13], $0x1400  }
0x30: {  	[sflag:s13] =	ssyncset.done $0x0  }
0x31: {  	[sflag:s13] =	ssyncadd.s32 $0xFFFFEC00  }
0x32: {  	[tilespmem:s14], [sflag:$0x3] =	stream.linear.gather [hbm4b:s8+s26], $0x1400, $0x38;
	[tilespmem:$0x1F080] =	vst v63  }
0x33: {  	_ =	swait.ge [sflag:s13], $0x1400  }
0x34: {  	[sflag:s13] =	ssyncset.done $0x0  }
0x35: {  	[sflag:s13] =	ssyncadd.s32 $0xFFFFEC00  }
0x36: {  	[tilespmem:s16], [sflag:$0x1] =	stream.indirect.gather [hbm4b:s4+s15], $0x80, s26, s15, $0xb8;
	[tilespmem:$0x1F080] =	vst v63  }
0x37: {  	s31 =	simm.s32 $0x80  }
0x38: {  	[tilespmem:s17], [sflag:$0x2] =	stream.indirect.gather [hbm4b:s4+s15], $0x80, s31, s15, $0xb8;
	[tilespmem:$0x1F080] =	vst v63  }
0x39: {  	_ =	swait.ge [sflag:s18], $0x3E80  }
0x3a: {  	[sflag:s18] =	ssyncset.done $0x0  }
0x3b: {  	s29 =	simm.s32 $0x1400;
	[sflag:s18] =	ssyncadd.s32 $0xFFFFC180  }
0x3c: {  	[spmem:s2] =	stream.indirect.scatter.add.f32 [tilespmem:s16], [sflag:$0x3], $0x80, s29, s15, $0xb8;
	[tilespmem:$0x1F080] =	vst v63  }
0x3d: {  	_ =	swait.ge [sflag:s13], $0x3E80  }
0x3e: {  	[sflag:s13] =	ssyncset.done $0x0  }
0x3f: {  	s30 =	simm.s32 $0x100;
	[sflag:s13] =	ssyncadd.s32 $0xFFFFC180  }
0x40: {  	[tilespmem:s16], [sflag:$0x1] =	stream.indirect.gather [hbm4b:s4+s15], $0x80, s30, s15, $0xb8;
	[tilespmem:$0x1F080] =	vst v63  }
0x41: {  	_ =	swait.ge [sflag:s19], $0x3E80  }
0x42: {  	[sflag:s19] =	ssyncset.done $0x0  }
0x43: {  	s31 =	simm.s32 $0x1480;
	[sflag:s19] =	ssyncadd.s32 $0xFFFFC180  }
0x44: {  	[spmem:s2] =	stream.indirect.scatter.add.f32 [tilespmem:s17], [sflag:$0x3], $0x80, s31, s15, $0xb8;
	[tilespmem:$0x1F080] =	vst v63  }
0x45: {  	_ =	swait.ge [sflag:s13], $0x3E80  }
0x46: {  	s28 =	simm.s32 $0x800;
	s26 =	simm.s32 $0x100;
	[sflag:s13] =	ssyncset.done $0x0  }
.LBB2_6:
0x47: {  	s29 =	sadd.s32 $0x80, s26  }
0x48: {  	[sflag:s13] =	ssyncadd.s32 $0xFFFFC180;
	s30 =	smov.u32 s28;
	s31 =	sadd.s32 $0x400, s28  }
0x49: {  	[tilespmem:s17], [sflag:$0x2] =	stream.indirect.gather [hbm4b:s4+s15], $0x80, s29, s15, $0xb8;
	[tilespmem:$0x1F080] =	vst v63  }
0x4a: {  	p1 =	sne.s32 s28, $0x4800;
	_ =	swait.ge [sflag:s18], $0x3E80  }
0x4b: {  	[sflag:s18] =	ssyncset.done $0x0  }
0x4c: {  	s28 =	sadd.s32 $0x1400, s26;
	[sflag:s18] =	ssyncadd.s32 $0xFFFFC180  }
0x4d: {  	[spmem:s2] =	stream.indirect.scatter.add.f32 [tilespmem:s16], [sflag:$0x3], $0x80, s28, s15, $0xb8;
	[tilespmem:$0x1F080] =	vst v63  }
0x4e: {  	_ =	swait.ge [sflag:s13], $0x3E80  }
0x4f: {  	[sflag:s13] =	ssyncset.done $0x0  }
0x50: {  	s28 =	sadd.s32 $0x100, s26;
	[sflag:s13] =	ssyncadd.s32 $0xFFFFC180  }
0x51: {  	[tilespmem:s16], [sflag:$0x1] =	stream.indirect.gather [hbm4b:s4+s15], $0x80, s28, s15, $0xb8;
	[tilespmem:$0x1F080] =	vst v63  }
0x52: {  	_ =	swait.ge [sflag:s19], $0x3E80  }
.Ltmp2:
0x53: {  	[sflag:s19] =	ssyncset.done $0x0;
	(pc) =	sbr.rel @p1 .LBB2_6-.Ltmp2, $4  }
0x54: {  	s26 =	sadd.s32 $0x1480, s26;
	[sflag:s19] =	ssyncadd.s32 $0xFFFFC180  }
0x55: {  	[spmem:s2] =	stream.indirect.scatter.add.f32 [tilespmem:s17], [sflag:$0x3], $0x80, s26, s15, $0xb8;
	[tilespmem:$0x1F080] =	vst v63  }
0x56: {  	_ =	swait.ge [sflag:s13], $0x3E80  }
0x57: {  	s28 =	smov.u32 s31;
	s26 =	sshra.s32 s30, $0x2;
	[sflag:s13] =	ssyncset.done $0x0  }
0x58: {  	s28 =	sadd.s32 $0x80, s26;
	[sflag:s13] =	ssyncadd.s32 $0xFFFFC180  }
0x59: {  	[tilespmem:s17], [sflag:$0x2] =	stream.indirect.gather [hbm4b:s4+s15], $0x80, s28, s15, $0xb8;
	[tilespmem:$0x1F080] =	vst v63  }
0x5a: {  	_ =	swait.ge [sflag:s18], $0x3E80  }
0x5b: {  	[sflag:s18] =	ssyncset.done $0x0  }
0x5c: {  	s28 =	sadd.s32 $0x1400, s26;
	[sflag:s18] =	ssyncadd.s32 $0xFFFFC180  }
0x5d: {  	[spmem:s2] =	stream.indirect.scatter.add.f32 [tilespmem:s16], [sflag:$0x3], $0x80, s28, s15, $0xb8;
	[tilespmem:$0x1F080] =	vst v63  }
0x5e: {  	_ =	swait.ge [sflag:s13], $0x3E80  }
0x5f: {  	[sflag:s13] =	ssyncset.done $0x0  }
0x60: {  	s28 =	sadd.s32 $0x100, s26;
	[sflag:s13] =	ssyncadd.s32 $0xFFFFC180  }
0x61: {  	[tilespmem:s16], [sflag:$0x1] =	stream.indirect.gather [hbm4b:s4+s15], $0x80, s28, s15, $0xb8;
	[tilespmem:$0x1F080] =	vst v63  }
0x62: {  	_ =	swait.ge [sflag:s19], $0x3E80  }
0x63: {  	[sflag:s19] =	ssyncset.done $0x0  }
0x64: {  	s29 =	sadd.s32 $0x1480, s26;
	[sflag:s19] =	ssyncadd.s32 $0xFFFFC180  }
0x65: {  	[spmem:s2] =	stream.indirect.scatter.add.f32 [tilespmem:s17], [sflag:$0x3], $0x80, s29, s15, $0xb8;
	[tilespmem:$0x1F080] =	vst v63  }
0x66: {  	_ =	swait.ge [sflag:s13], $0x3E80  }
0x67: {  	[sflag:s13] =	ssyncset.done $0x0  }
0x68: {  	[sflag:s13] =	ssyncadd.s32 $0xFFFFC180  }
0x69: {  	[tilespmem:s17], [sflag:$0x2] =	stream.indirect.gather [hbm4b:s4+s15], $0x80, s20, s15, $0xb8;
	[tilespmem:$0x1F080] =	vst v63  }
0x6a: {  	_ =	swait.ge [sflag:s18], $0x3E80  }
0x6b: {  	[sflag:s18] =	ssyncset.done $0x0  }
0x6c: {  	[sflag:s18] =	ssyncadd.s32 $0xFFFFC180  }
0x6d: {  	[spmem:s2] =	stream.indirect.scatter.add.f32 [tilespmem:s16], [sflag:$0x3], $0x80, s21, s15, $0xb8;
	[tilespmem:$0x1F080] =	vst v63  }
0x6e: {  	_ =	swait.ge [sflag:s13], $0x3E80  }
0x6f: {  	[sflag:s13] =	ssyncset.done $0x0  }
0x70: {  	[sflag:s13] =	ssyncadd.s32 $0xFFFFC180  }
0x71: {  	_ =	swait.ge [sflag:s19], $0x3E80  }
0x72: {  	[sflag:s19] =	ssyncset.done $0x0  }
0x73: {  	[sflag:s19] =	ssyncadd.s32 $0xFFFFC180  }
0x74: {  	[spmem:s2] =	stream.indirect.scatter.add.f32 [tilespmem:s17], [sflag:$0x3], $0x80, s22, s15, $0xb8;
	[tilespmem:$0x1F080] =	vst v63  }
0x75: {  	_ =	swait.ge [sflag:s13], $0x3E80  }
0x76: {  	[sflag:s13] =	ssyncset.done $0x0  }
0x77: {  	s30 =	simm.s32 $0x0;
	[sflag:s13] =	ssyncadd.s32 $0xFFFFC180  }
0x78: {  	[tilespmem:s30], [sflag:$0x3] =	stream.linear.gather [hbm4b:s9+s30], $0x1400, $0x38;
	[tilespmem:$0x1F080] =	vst v63  }
0x79: {  	_ =	swait.ge [sflag:s13], $0x1400  }
0x7a: {  	[sflag:s13] =	ssyncset.done $0x0  }
0x7b: {  	[sflag:s13] =	ssyncadd.s32 $0xFFFFEC00  }
0x7c: {  	[tilespmem:s14], [sflag:$0x3] =	stream.linear.gather [hbm4b:s10+s30], $0x1400, $0x38;
	[tilespmem:$0x1F080] =	vst v63  }
0x7d: {  	_ =	swait.ge [sflag:s13], $0x1400  }
0x7e: {  	[sflag:s13] =	ssyncset.done $0x0  }
0x7f: {  	[sflag:s13] =	ssyncadd.s32 $0xFFFFEC00  }
0x80: {  	[tilespmem:s16], [sflag:$0x1] =	stream.indirect.gather [hbm4b:s4+s15], $0x80, s30, s15, $0xb8;
	[tilespmem:$0x1F080] =	vst v63  }
0x81: {  	s31 =	simm.s32 $0x80  }
0x82: {  	[tilespmem:s17], [sflag:$0x2] =	stream.indirect.gather [hbm4b:s4+s15], $0x80, s31, s15, $0xb8;
	[tilespmem:$0x1F080] =	vst v63  }
0x83: {  	_ =	swait.ge [sflag:s18], $0x3E80  }
0x84: {  	[sflag:s18] =	ssyncset.done $0x0  }
0x85: {  	s29 =	simm.s32 $0x1400;
	[sflag:s18] =	ssyncadd.s32 $0xFFFFC180  }
0x86: {  	[spmem:s2] =	stream.indirect.scatter.add.f32 [tilespmem:s16], [sflag:$0x3], $0x80, s29, s15, $0xb8;
	[tilespmem:$0x1F080] =	vst v63  }
0x87: {  	_ =	swait.ge [sflag:s13], $0x3E80  }
0x88: {  	[sflag:s13] =	ssyncset.done $0x0  }
0x89: {  	s30 =	simm.s32 $0x100;
	[sflag:s13] =	ssyncadd.s32 $0xFFFFC180  }
0x8a: {  	[tilespmem:s16], [sflag:$0x1] =	stream.indirect.gather [hbm4b:s4+s15], $0x80, s30, s15, $0xb8;
	[tilespmem:$0x1F080] =	vst v63  }
0x8b: {  	_ =	swait.ge [sflag:s19], $0x3E80  }
0x8c: {  	[sflag:s19] =	ssyncset.done $0x0  }
0x8d: {  	s31 =	simm.s32 $0x1480;
	[sflag:s19] =	ssyncadd.s32 $0xFFFFC180  }
0x8e: {  	[spmem:s2] =	stream.indirect.scatter.add.f32 [tilespmem:s17], [sflag:$0x3], $0x80, s31, s15, $0xb8;
	[tilespmem:$0x1F080] =	vst v63  }
0x8f: {  	_ =	swait.ge [sflag:s13], $0x3E80  }
0x90: {  	s26 =	simm.s32 $0x100;
	s28 =	simm.s32 $0x800;
	[sflag:s13] =	ssyncset.done $0x0  }
.LBB2_8:
0x91: {  	s29 =	sadd.s32 $0x80, s26  }
0x92: {  	[sflag:s13] =	ssyncadd.s32 $0xFFFFC180;
	s30 =	smov.u32 s28;
	s31 =	sadd.s32 $0x400, s28  }
0x93: {  	[tilespmem:s17], [sflag:$0x2] =	stream.indirect.gather [hbm4b:s4+s15], $0x80, s29, s15, $0xb8;
	[tilespmem:$0x1F080] =	vst v63  }
0x94: {  	p1 =	sne.s32 s28, $0x4800;
	_ =	swait.ge [sflag:s18], $0x3E80  }
0x95: {  	[sflag:s18] =	ssyncset.done $0x0  }
0x96: {  	s28 =	sadd.s32 $0x1400, s26;
	[sflag:s18] =	ssyncadd.s32 $0xFFFFC180  }
0x97: {  	[spmem:s2] =	stream.indirect.scatter.add.f32 [tilespmem:s16], [sflag:$0x3], $0x80, s28, s15, $0xb8;
	[tilespmem:$0x1F080] =	vst v63  }
0x98: {  	_ =	swait.ge [sflag:s13], $0x3E80  }
0x99: {  	[sflag:s13] =	ssyncset.done $0x0  }
0x9a: {  	s28 =	sadd.s32 $0x100, s26;
	[sflag:s13] =	ssyncadd.s32 $0xFFFFC180  }
0x9b: {  	[tilespmem:s16], [sflag:$0x1] =	stream.indirect.gather [hbm4b:s4+s15], $0x80, s28, s15, $0xb8;
	[tilespmem:$0x1F080] =	vst v63  }
0x9c: {  	_ =	swait.ge [sflag:s19], $0x3E80  }
.Ltmp3:
0x9d: {  	[sflag:s19] =	ssyncset.done $0x0;
	(pc) =	sbr.rel @p1 .LBB2_8-.Ltmp3, $4  }
0x9e: {  	s26 =	sadd.s32 $0x1480, s26;
	[sflag:s19] =	ssyncadd.s32 $0xFFFFC180  }
0x9f: {  	[spmem:s2] =	stream.indirect.scatter.add.f32 [tilespmem:s17], [sflag:$0x3], $0x80, s26, s15, $0xb8;
	[tilespmem:$0x1F080] =	vst v63  }
0xa0: {  	_ =	swait.ge [sflag:s13], $0x3E80  }
0xa1: {  	s28 =	smov.u32 s31;
	s26 =	sshra.s32 s30, $0x2;
	[sflag:s13] =	ssyncset.done $0x0  }
0xa2: {  	s28 =	sadd.s32 $0x80, s26;
	[sflag:s13] =	ssyncadd.s32 $0xFFFFC180  }
0xa3: {  	[tilespmem:s17], [sflag:$0x2] =	stream.indirect.gather [hbm4b:s4+s15], $0x80, s28, s15, $0xb8;
	[tilespmem:$0x1F080] =	vst v63  }
0xa4: {  	_ =	swait.ge [sflag:s18], $0x3E80  }
0xa5: {  	[sflag:s18] =	ssyncset.done $0x0  }
0xa6: {  	s31 =	sadd.s32 $0x1400, s26;
	[sflag:s18] =	ssyncadd.s32 $0xFFFFC180  }
0xa7: {  	[spmem:s2] =	stream.indirect.scatter.add.f32 [tilespmem:s16], [sflag:$0x3], $0x80, s31, s15, $0xb8;
	[tilespmem:$0x1F080] =	vst v63  }
0xa8: {  	_ =	swait.ge [sflag:s13], $0x3E80  }
0xa9: {  	[sflag:s13] =	ssyncset.done $0x0  }
0xaa: {  	s29 =	sadd.s32 $0x100, s26;
	[sflag:s13] =	ssyncadd.s32 $0xFFFFC180  }
0xab: {  	[tilespmem:s16], [sflag:$0x1] =	stream.indirect.gather [hbm4b:s4+s15], $0x80, s29, s15, $0xb8;
	[tilespmem:$0x1F080] =	vst v63  }
0xac: {  	_ =	swait.ge [sflag:s19], $0x3E80  }
0xad: {  	[sflag:s19] =	ssyncset.done $0x0  }
0xae: {  	s30 =	sadd.s32 $0x1480, s26;
	[sflag:s19] =	ssyncadd.s32 $0xFFFFC180  }
0xaf: {  	[spmem:s2] =	stream.indirect.scatter.add.f32 [tilespmem:s17], [sflag:$0x3], $0x80, s30, s15, $0xb8;
	[tilespmem:$0x1F080] =	vst v63  }
0xb0: {  	_ =	swait.ge [sflag:s13], $0x3E80  }
0xb1: {  	[sflag:s13] =	ssyncset.done $0x0  }
0xb2: {  	[sflag:s13] =	ssyncadd.s32 $0xFFFFC180  }
0xb3: {  	[tilespmem:s17], [sflag:$0x2] =	stream.indirect.gather [hbm4b:s4+s15], $0x80, s20, s15, $0xb8;
	[tilespmem:$0x1F080] =	vst v63  }
0xb4: {  	_ =	swait.ge [sflag:s18], $0x3E80  }
0xb5: {  	[sflag:s18] =	ssyncset.done $0x0  }
0xb6: {  	[sflag:s18] =	ssyncadd.s32 $0xFFFFC180  }
0xb7: {  	[spmem:s2] =	stream.indirect.scatter.add.f32 [tilespmem:s16], [sflag:$0x3], $0x80, s21, s15, $0xb8;
	[tilespmem:$0x1F080] =	vst v63  }
0xb8: {  	_ =	swait.ge [sflag:s13], $0x3E80  }
0xb9: {  	[sflag:s13] =	ssyncset.done $0x0  }
0xba: {  	[sflag:s13] =	ssyncadd.s32 $0xFFFFC180  }
0xbb: {  	_ =	swait.ge [sflag:s19], $0x3E80  }
0xbc: {  	[sflag:s19] =	ssyncset.done $0x0  }
0xbd: {  	[sflag:s19] =	ssyncadd.s32 $0xFFFFC180  }
0xbe: {  	[spmem:s2] =	stream.indirect.scatter.add.f32 [tilespmem:s17], [sflag:$0x3], $0x80, s22, s15, $0xb8;
	[tilespmem:$0x1F080] =	vst v63  }
0xbf: {  	_ =	swait.ge [sflag:s13], $0x3E80  }
0xc0: {  	[sflag:s13] =	ssyncset.done $0x0  }
0xc1: {  	s31 =	sshll.u32 s1, $0x6;
	[sflag:s13] =	ssyncadd.s32 $0xFFFFC180  }
0xc2: {  	s26 =	sor.u32 $0x1C03, s31;
	[bflag:$0x0] =	sbarrier.arrive $0xFFFF  }
0xc3: {  	[hbm:s23], [sflag:s26] =	dma.local [spmem:s24], $0x2700  }
0xc4: {  	_ =	swait.ge [sflag:s13], $0x2700  }
0xc5: {  	s3 =	sadd.s32 $0x1, s3;
	[sflag:s13] =	ssyncset.done $0x0  }
0xc6: {  	s28 =	sadd.s32 @!p0 $0x27000, s5;
	p1 =	sne.s32 s3, s6;
	[sflag:s13] =	ssyncadd.s32 $0xFFFFD900  }
0xc7: {  	[hbm:s28], [sflag:s26] =	dma.local @!p0 [spmem:s25], $0x100  }
.Ltmp4:
0xc8: {  	_ = 	snop;
	(pc) =	sbr.rel @p1 .LBB2_1-.Ltmp4, $4  }
0xc9: {  	s26 =	simm.s32 @!p0 $0x3  }
0xca: {  	_ =	swait.ge @!p0 [sflag:s26], $0x100  }
0xcb: {  	[sflag:s26] =	ssyncset.done @!p0 $0x0  }
0xcc: {  	[sflag:s26] =	ssyncadd.s32 @!p0 $0xFFFFFF00  }
0xcd: {  	_ =	sfence.sel $0x180000  }
0xce: {  	[bflag:$0x0] =	sbarrier.arrive $0xFFFF  }
0xcf: {  	p0 =	sne.s32 s1, $0x0;
	_ =	strace $0x9000004A  }
0xd0: {  	s0 =	sadd.s32 @!p0 $0x100000, s0;
	[bflag:$0x2] =	sbarrier.arrive $0xFFFF  }
0xd1: {  	[sflag:s0] =	ssyncadd.tile.s32 @!p0 $0x1;
	_ =	shalt  }
.Lfunc_end2:
_tile_overlayer_lowered:
.L_overlay_start_2:
0xd2: {  	(tag) =	ssettag $0x2  }
0xd3: {  	s0 =	rddreg [dreg:$0x0];
	s2 =	stileid.u32  }
0xd4: {  	s1 =	rddreg [dreg:$0x1];
	p0 =	sne.s32 s2, $0x0  }
0xd5: {  	s3 =	rddreg [dreg:$0x2];
	[bflag:$0x3] =	sbarrier.arrive $0xFFFF;
	s2 =	simm.s32 @!p0 $0x1C03  }
0xd6: {  	[timem:s3], [sflag:s2] =	dma.local @!p0 [hbm:s0], s1  }
0xd7: {  	s0 =	simm.s32 @!p0 $0x3  }
0xd8: {  	_ =	swait.ge @!p0 [sflag:s0], s1  }
0xd9: {  	s1 =	ssub.s32 @!p0 $0x0, s1;
	[sflag:s0] =	ssyncset.done @!p0 $0x0  }
0xda: {  	[sflag:s0] =	ssyncadd.s32 @!p0 s1  }
0xdb: {  	[bflag:$0x3] =	sbarrier.arrive $0xFFFF  }
0xdc: {  	_ =	shalt  }

// kernel: kernel.16.cloned.1.call-start
scs
__scs_entry_jumppad:
0x0: {  	(pc) =	sbr.rel $0x88, $3  }
0x1: {  	(tag) =	ssettag $0x0;
	lr =	simm.s32 $0x1  }
0x2: {  	[smem:$0x3F99] =	sst lr;
	_ =	strace $0xD0000000  }
0x3: {  	_ = 	snop  }
0x4: {  	_ = 	snop  }
0x5: {  	_ = 	snop  }
0x6: {  	_ = 	snop  }
0x7: {  	_ = 	snop  }
__scs_overlays_trampoline_lowered:
0x8: {  	[smem:$0x3FA8] =	sst s0  }
0x9: {  	[smem:$0x3FA9] =	sst s1  }
0xa: {  	[smem:$0x3FAA] =	sst s2  }
0xb: {  	[smem:$0x3FAB] =	sst s3  }
0xc: {  	[smem:$0x3FAC] =	sst s4  }
0xd: {  	[smem:$0x3FAD] =	sst s5  }
0xe: {  	[smem:$0x3FAE] =	sst s6  }
0xf: {  	[smem:$0x3FAF] =	sst s7  }
0x10: {  	[smem:$0x3FB0] =	sst s8  }
0x11: {  	[smem:$0x3FB1] =	sst s9;
	s0 =	simm.s32 @!p0 $0x0  }
0x12: {  	s1 =	sld [smem:$0x3F97];
	s0 =	simm.s32 @p0 $0x1  }
0x13: {  	[smem:$0x3FB2] =	sst s0;
	s0 =	simm.s32 @!p1 $0x0  }
0x14: {  	s2 =	sld [smem:$0x3F96];
	s0 =	simm.s32 @p1 $0x1  }
0x15: {  	[smem:$0x3FB3] =	sst s0;
	s0 =	simm.s32 @!p2 $0x0  }
0x16: {  	s3 =	sld [smem:$0x3FDB];
	s0 =	simm.s32 @p2 $0x1  }
0x17: {  	s4 =	simm.s32 $0x1BF5;
	[smem:$0x3FB5] =	sst s0  }
0x18: {  	s0 =	sld [smem:$0x3F98];
	_ =	swait.ge [sflag:s4], $0x0  }
0x19: {  	s7 =	sld [smem:$0x3F99]  }
0x1a: {  	s8 =	sadd.s32 $0xFFFFE003, lr  }
0x1b: {  	s9 =	sadd.s32 $0xFFFFFEF7, lr;
	s5 =	simm.s32 $0xFFFFFFFF;
	p2 =	slt.u32 s8, $0xFFFFF086  }
0x1c: {  	p1 =	slt.u32 s9, $0xF7A;
	s5 =	simm.s32 @!p2 $0x0  }
0x1d: {  	s5 =	simm.s32 @p1 $0x1;
	p0 =	seq.s32 s7, s2  }
0x1e: {  	s7 =	smul.u32 @!p0 $0xF7A, s2;
	p2 =	seq.s32 @!p0 s5, $0x0  }
0x1f: {  	s9 =	smul.u32 $0xF7A, s1;
	s8 =	simm.s32 @!p0 $0x1BF5;
	p2 =	por !p2, p0  }
0x20: {  	[sflag:s8] =	ssyncset.s32 @!p0 $0xFFFFF086;
	s6 =	sadd.s32 @!p0 s3, s7;
	s7 =	simm.s32 @!p0 $0x108  }
0x21: {  	s3 =	sadd.s32 s3, s9;
	s6 =	sadd.s32 @!p0 $0x88, s6;
	s7 =	simm.s32 @p2 $0x1082  }
0x22: {  	[simem:s7], [sflag:s8] =	dma.local @!p0 [hbm:s6], $0xF7A  }
0x23: {  	s9 =	sor.u32 $0xD0000000, s2;
	s6 =	simm.s32 $0x108;
	_ =	swait.ge @!p0 [sflag:s8], $0x0  }
0x24: {  	s3 =	sadd.s32 $0x88, s3;
	s6 =	simm.s32 @!p1 $0x1082;
	[sflag:s4] =	ssyncset.s32 $0xFFFFF086  }
0x25: {  	[simem:s6], [sflag:s4] =	dma.local [hbm:s3], $0xF7A  }
0x26: {  	[smem:$0x3F99] =	sst s1;
	(tag) =	ssettag s2;
	_ =	strace s9  }
0x27: {  	s1 =	sld [smem:$0x3FA9]  }
0x28: {  	s2 =	sld [smem:$0x3FAA]  }
0x29: {  	s4 =	sld [smem:$0x3FAC]  }
0x2a: {  	p0 =	seq.s32 s5, $0x0;
	s5 =	sld [smem:$0x3FAD]  }
0x2b: {  	s6 =	sld [smem:$0x3FAE]  }
0x2c: {  	s7 =	sld [smem:$0x3FAF]  }
0x2d: {  	s3 =	simm.s32 $0x108;
	s8 =	sld [smem:$0x3FB0]  }
0x2e: {  	s3 =	simm.s32 @!p0 $0x1082;
	s9 =	sld [smem:$0x3FB1]  }
0x2f: {  	lr =	sadd.s32 s0, s3;
	s0 =	sld [smem:$0x3FA8]  }
0x30: {  	s3 =	sld [smem:$0x3FAB]  }
0x31: {  	[smem:$0x3FB4] =	sst s10  }
0x32: {  	s10 =	sld [smem:$0x3FB2];
	_ =	sdelay $0x3  }
0x33: {  	p0 =	seq.s32 s10, $0x1;
	s10 =	sld [smem:$0x3FB4];
	_ =	sdelay $0x3  }
0x34: {  	[smem:$0x3FB4] =	sst s10  }
0x35: {  	s10 =	sld [smem:$0x3FB3];
	_ =	sdelay $0x3  }
0x36: {  	p1 =	seq.s32 s10, $0x1;
	s10 =	sld [smem:$0x3FB4];
	_ =	sdelay $0x3  }
0x37: {  	[smem:$0x3FB4] =	sst s10  }
0x38: {  	s10 =	sld [smem:$0x3FB5]  }
0x39: {  	_ = 	snop;
	(pc) =	sbr.ind lr, $3  }
0x3a: {  	_ = 	snop  }
0x3b: {  	_ = 	snop  }
0x3c: {  	p2 =	seq.s32 s10, $0x1;
	s10 =	sld [smem:$0x3FB4]  }
0x3d: {  	_ =	shalt  }
0x3e: {  	_ =	shalt  }
0x3f: {  	_ =	shalt  }
0x40: {  	_ =	shalt  }
0x41: {  	_ =	shalt  }
0x42: {  	_ =	shalt  }
0x43: {  	_ =	shalt  }
0x44: {  	_ =	shalt  }
0x45: {  	_ =	shalt  }
0x46: {  	_ =	shalt  }
0x47: {  	_ =	shalt  }
0x48: {  	_ =	shalt  }
0x49: {  	_ =	shalt  }
0x4a: {  	_ =	shalt  }
0x4b: {  	_ =	shalt  }
0x4c: {  	_ =	shalt  }
0x4d: {  	_ =	shalt  }
0x4e: {  	_ =	shalt  }
0x4f: {  	_ =	shalt  }
0x50: {  	_ =	shalt  }
0x51: {  	_ =	shalt  }
0x52: {  	_ =	shalt  }
0x53: {  	_ =	shalt  }
0x54: {  	_ =	shalt  }
0x55: {  	_ =	shalt  }
0x56: {  	_ =	shalt  }
0x57: {  	_ =	shalt  }
0x58: {  	_ =	shalt  }
0x59: {  	_ =	shalt  }
0x5a: {  	_ =	shalt  }
0x5b: {  	_ =	shalt  }
0x5c: {  	_ =	shalt  }
0x5d: {  	_ =	shalt  }
0x5e: {  	_ =	shalt  }
0x5f: {  	_ =	shalt  }
0x60: {  	_ =	shalt  }
0x61: {  	_ =	shalt  }
0x62: {  	_ =	shalt  }
0x63: {  	_ =	shalt  }
0x64: {  	_ =	shalt  }
0x65: {  	_ =	shalt  }
0x66: {  	_ =	shalt  }
0x67: {  	_ =	shalt  }
0x68: {  	_ =	shalt  }
0x69: {  	_ =	shalt  }
0x6a: {  	_ =	shalt  }
0x6b: {  	_ =	shalt  }
0x6c: {  	_ =	shalt  }
0x6d: {  	_ =	shalt  }
0x6e: {  	_ =	shalt  }
0x6f: {  	_ =	shalt  }
0x70: {  	_ =	shalt  }
0x71: {  	_ =	shalt  }
0x72: {  	_ =	shalt  }
0x73: {  	_ =	shalt  }
0x74: {  	_ =	shalt  }
0x75: {  	_ =	shalt  }
0x76: {  	_ =	shalt  }
0x77: {  	_ =	shalt  }
0x78: {  	_ =	shalt  }
0x79: {  	_ =	shalt  }
0x7a: {  	_ =	shalt  }
0x7b: {  	_ =	shalt  }
0x7c: {  	_ =	shalt  }
0x7d: {  	_ =	shalt  }
0x7e: {  	_ =	shalt  }
0x7f: {  	_ =	shalt  }
0x80: {  	_ =	shalt  }
0x81: {  	_ =	shalt  }
0x82: {  	_ =	shalt  }
0x83: {  	_ =	shalt  }
0x84: {  	_ =	shalt  }
0x85: {  	_ =	shalt  }
0x86: {  	_ =	shalt  }
0x87: {  	_ =	shalt  }
.Lfunc_end0:
.L_simem_size_0:
called_computation.2_lowered:
.L_overlay_start_0:
0x88: {  	s2 =	sld [smem:$0x3FD9]  }
0x89: {  	s3 =	sld [smem:$0x3FFE];
	_ =	sdelay $0x1  }
0x8a: {  	s1 =	srdreg.scid  }
0x8b: {  	s0 =	sand.u32 $0x1, s1  }
0x8c: {  	s16 =	sshll.u32 s0, $0xA;
	s2 =	sadd.s32 s3, s2  }
0x8d: {  	s2 =	sadd.s32 s2, s16  }
0x8e: {  	[smem:$0x3FC0] =	sst s2  }
0x8f: {  	_ = 	snop  }
0x90: {  	(tm) =	ssettm $0x1  }
0x91: {  	s17 =	sld [smem:$0x3FFB];
	_ =	sdelay $0x3  }
0x92: {  	_ =	strace s17  }
0x93: {  	s2 =	sld [smem:$0x3FFC];
	_ =	sdelay $0x3  }
0x94: {  	_ =	strace s2  }
0x95: {  	s2 =	sld [smem:$0x3FFD];
	_ =	sdelay $0x3  }
0x96: {  	_ =	strace s2  }
0x97: {  	_ =	strace $0x8FFFFFFF  }
0x98: {  	s18 =	sld [smem:$0x3FDB];
	_ =	sdelay $0x1  }
0x99: {  	s19 =	simm.s32 $_scs_section_size  }
0x9a: {  	s4 =	simm.s32 $_size__tile_overlayer_lowered;
	s5 =	simm.s32 $_tile_overlayer_lowered  }
0x9b: {  	s22 =	simm.s32 $0x1BFF;
	s21 =	sshll.u32 s5, $0x1;
	s2 =	sadd.s32 s19, s18  }
0x9c: {  	s6 =	simm.s32 $0x0;
	s20 =	sshll.u32 s4, $0x1;
	s4 =	sadd.s32 s21, s2  }
0x9d: {  	[timem:s6], [sflag:s22] =	dma.local [hbm:s4], s20  }
0x9e: {  	_ =	swait.ge [sflag:s22], s20  }
0x9f: {  	s3 =	ssub.s32 $0x0, s20;
	[sflag:s22] =	ssyncset.done $0x0  }
0xa0: {  	[sflag:s22] =	ssyncadd.s32 s3;
	_ =	sdelay $0x1  }
0xa1: {  	s23 =	simm.s32 $0x1B8B  }
0xa2: {  	_ =	swait.ge [sflag:s23], $0x1  }
0xa3: {  	[sflag:s23] =	ssyncset.done $0x0  }
0xa4: {  	s25 =	simm.s32 $0x1B8E;
	s24 =	sld [smem:$0x3FFE];
	[sflag:s23] =	ssyncadd.s32 $0xFFFFFFFF  }
0xa5: {  	s26 =	simm.s32 $execute0_lowered;
	[smem:$0x3FD2] =	sst s25  }
0xa6: {  	s4 =	sshll.u32 s26, $0x1;
	_ =	strace $0x8000004C;
	[dreg:$0x1] =	wrdreg $0xFFFFFFFF  }
0xa7: {  	s28 =	simm.s32 $_size_execute0_lowered;
	s2 =	sadd.s32 s2, s4;
	[dreg:$0x0] =	wrdreg $0x0  }
0xa8: {  	s4 =	sshll.u32 s28, $0x1;
	[dreg:$0x2] =	wrdreg s2  }
0xa9: {  	[dreg:$0x3] =	wrdreg s4  }
0xaa: {  	[dreg:$0x4] =	wrdreg $0xC0  }
0xab: {  	_ =	task [dreg:s6], $0x5FFFF  }
0xac: {  	[dreg:$0x1] =	wrdreg $0xFFFFFFFF  }
0xad: {  	[dreg:$0x0] =	wrdreg $0x60  }
0xae: {  	[dreg:$0x2] =	wrdreg s24  }
0xaf: {  	[dreg:$0x3] =	wrdreg $0xB8000  }
0xb0: {  	[dreg:$0x4] =	wrdreg $0x9  }
0xb1: {  	_ =	task.clear_ibuf [dreg:s6], $0x5FFFF;
	_ =	strace $0x9000004C  }
0xb2: {  	s29 =	simm.s32 $0x9;
	_ =	strace $0x8000004E  }
0xb3: {  	_ =	swait.ge [sflag:s29], $0x1  }
0xb4: {  	[sflag:s29] =	ssyncadd.s32 $0xFFFFFFFF  }
0xb5: {  	_ =	strace $0x9000004E  }
0xb6: {  	_ =	sfence  }
0xb7: {  	s30 =	sld [smem:$0x0];
	_ =	sdelay $0x2  }
0xb8: {  	s31 =	sshll.u32 s1, $0xD;
	s1 =	sshrl.u32 s1, $0x2  }
0xb9: {  	s3 =	sand.u32 $0x4000, s31;
	s1 =	sadd.s32 s1, s30  }
0xba: {  	s0 =	sor.u32 s3, s0;
	s1 =	sshll.u32 s1, $0x11  }
0xbb: {  	s0 =	sor.u32 s1, s0  }
0xbc: {  	s0 =	sadd.s32 $0x8F2B, s0  }
0xbd: {  	[sflag:s0] =	ssyncadd.remote.s32 $0x1  }
0xbe: {  	_ =	sfence.sel $0xFFFF  }
0xbf: {  	[dreg:$0x0] =	wrdreg $0xFFFFFFFF;
	(pc) =	sbr.abs _section_cstart, $3  }
0xc0: {  	[dreg:$0x1] =	wrdreg $0xFFFFFFFF  }
0xc1: {  	_ =	task.clear_ibuf [dreg:s6], $0x2FFFF;
	_ =	strace $0x9FFFFFFF  }
0xc2: {  	(tm) =	ssettm $0x7FFFFFFF  }
0xc3: {  	_ =	shalt  }
tec
execute0_lowered:
.L_overlay_start_1:
0x0: {  	(tag) =	ssettag $0x1  }
0x1: {  	s0 =	rddreg [dreg:$0x0]  }
0x2: {  	s2 =	rddreg [dreg:$0x1]  }
0x3: {  	s3 =	simm.s32 $0x0;
	s8 =	stileid.u32;
	s1 =	srdreg.scid  }
0x4: {  	s17 =	simm.s32 $0xA800;
	s18 =	simm.s32 $0x3;
	s19 =	simm.s32 $0x1400  }
0x5: {  	s20 =	simm.s32 $0x7D;
	s21 =	simm.s32 $0x2800;
	s22 =	simm.s32 $0x6800  }
0x6: {  	s23 =	simm.s32 $0x1;
	s24 =	simm.s32 $0x2;
	s4 =	smul.u32 $0x2800, s8  }
0x7: {  	s25 =	simm.s32 $0x1380;
	s28 =	simm.s32 $0x2780;
	s5 =	smul.u32 $0x4E000, s8  }
0x8: {  	[smem:$0x7FF] =	sst s3;
	s1 =	sand.u32 $0x1, s1;
	s7 =	smul.u32 $0x2700, s8  }
0x9: {  	s9 =	sadd.s32 $0xC600, s0;
	s29 =	sadd.s32 $0x138000, s2;
	s14 =	smul.u32 $0x4E200, s8  }
0xa: {  	p0 =	sne.s32 s8, $0xF;
	_ =	strace $0x8000004D;
	s10 =	smul.u32 $0x4E200, s1  }
0xb: {  	s1 =	ssub.s32 $0x2, s1;
	[dreg:$0x4] =	wrdreg s29;
	s4 =	sshrl.u32 s4, $0x3  }
0xc: {  	s26 =	sshrl.u32 s1, $0x1;
	s6 =	sshrl.u32 s5, $0x2;
	s31 =	sshrl.u32 s14, $0x2  }
0xd: {  	s15 =	sadd.s32 s4, s0;
	s0 =	sadd.s32 $0xA8A00, s0;
	s1 =	ssub.s32 s1, s26  }
0xe: {  	s4 =	sadd.s32 s9, s10;
	s6 =	sadd.s32 s6, s2;
	s16 =	sadd.s32 s31, s2  }
0xf: {  	s26 =	simm.s32 $0x2700;
	s5 =	sadd.s32 s0, s10;
	[dreg:$0x3] =	wrdreg s6  }
0x10: {  	s10 =	sadd.s32 $0x27100, s10;
	s30 =	smax.u32 s1, $0x1;
	s12 =	sadd.s32 $0x2600, s15  }
0x11: {  	s13 =	sadd.s32 $0x7600, s15;
	s14 =	sadd.s32 $0x2880, s15;
	s15 =	sadd.s32 $0x7880, s15  }
0x12: {  	v0 =	vimm.f32 $0.0e+00;
	s9 =	sadd.s32 s9, s10;
	s10 =	sadd.s32 s0, s10;
	[dreg:$0x5] =	wrdreg s30  }
.LBB2_1:
0x13: {  	s0 =	simm.s32 $0x0;
	s29 =	simm.s32 $0x200  }
.LBB2_2:
0x14: {  	p1 =	sne.s32 s29, $0x3000;
	[tilespmem:s0+$0xA870] =	vst v0  }
0x15: {  	[tilespmem:s0+$0xA800] =	vst v0  }
0x16: {  	[tilespmem:s0+$0xA810] =	vst v0  }
.Ltmp0:
0x17: {  	[tilespmem:s0+$0xA820] =	vst v0;
	(pc) =	sbr.rel @p1 .LBB2_2-.Ltmp0, $4  }
0x18: {  	[tilespmem:s0+$0xA830] =	vst v0  }
0x19: {  	[tilespmem:s0+$0xA840] =	vst v0  }
0x1a: {  	[tilespmem:s0+$0xA850] =	vst v0  }
0x1b: {  	[tilespmem:s0+$0xA860] =	vst v0;
	s0 =	sshra.s32 s29, $0x2;
	s29 =	sadd.s32 $0x200, s29  }
0x1c: {  	[tilespmem:s0+$0xA870] =	vst v0  }
0x1d: {  	[tilespmem:s0+$0xA800] =	vst v0  }
0x1e: {  	[tilespmem:s0+$0xA810] =	vst v0  }
0x1f: {  	[tilespmem:s0+$0xA820] =	vst v0  }
0x20: {  	[tilespmem:s0+$0xA830] =	vst v0  }
0x21: {  	[tilespmem:s0+$0xA840] =	vst v0  }
0x22: {  	[tilespmem:s0+$0xA850] =	vst v0  }
0x23: {  	[tilespmem:s0+$0xA860] =	vst v0;
	s31 =	sadd.s32 $0x0, s16  }
0x24: {  	[spmem:s31] =	stream.linear.scatter [tilespmem:s17], [sflag:$0x3], $0xC80, $0x38;
	[tilespmem:$0x1F080] =	vst v63  }
0x25: {  	s0 =	simm.s32 $0x3200;
	_ =	swait.ge [sflag:s18], $0xC80  }
.LBB2_4:
0x26: {  	s1 =	sshra.s32 s0, $0x2;
	[sflag:s18] =	ssyncset.done $0x0;
	p1 =	sne.s32 s0, $0x4B000  }
.Ltmp1:
0x27: {  	s1 =	sadd.s32 s1, s16;
	[sflag:s18] =	ssyncadd.s32 $0xFFFFF380;
	(pc) =	sbr.rel @p1 .LBB2_4-.Ltmp1, $3  }
0x28: {  	[spmem:s1] =	stream.linear.scatter [tilespmem:s17], [sflag:$0x3], $0xC80, $0x38;
	[tilespmem:$0x1F080] =	vst v63  }
0x29: {  	s0 =	sadd.s32 $0x3200, s0;
	_ =	sdelay $0x1  }
0x2a: {  	_ =	swait.ge [sflag:s18], $0xC80  }
0x2b: {  	[sflag:s18] =	ssyncset.done $0x0  }
0x2c: {  	[sflag:s18] =	ssyncadd.s32 $0xFFFFF380  }
0x2d: {  	s0 =	simm.s32 $0x0;
	[bflag:$0x0] =	sbarrier.arrive $0xFFFF  }
0x2e: {  	[tilespmem:s0], [sflag:$0x3] =	stream.linear.gather [hbm4b:s12+s0], $0x1400, $0x38;
	[tilespmem:$0x1F080] =	vst v63  }
0x2f: {  	_ =	swait.ge [sflag:s18], $0x1400  }
0x30: {  	[sflag:s18] =	ssyncset.done $0x0  }
0x31: {  	[sflag:s18] =	ssyncadd.s32 $0xFFFFEC00  }
0x32: {  	[tilespmem:s19], [sflag:$0x3] =	stream.linear.gather [hbm4b:s13+s0], $0x1400, $0x38;
	[tilespmem:$0x1F080] =	vst v63  }
0x33: {  	_ =	swait.ge [sflag:s18], $0x1400  }
0x34: {  	[sflag:s18] =	ssyncset.done $0x0  }
0x35: {  	[sflag:s18] =	ssyncadd.s32 $0xFFFFEC00  }
0x36: {  	[tilespmem:s21], [sflag:$0x1] =	stream.indirect.gather [hbm4b:s4+s20], $0x80, s0, s20, $0xb8;
	[tilespmem:$0x1F080] =	vst v63  }
0x37: {  	s8 =	simm.s32 $0x80  }
0x38: {  	[tilespmem:s22], [sflag:$0x2] =	stream.indirect.gather [hbm4b:s4+s20], $0x80, s8, s20, $0xb8;
	[tilespmem:$0x1F080] =	vst v63  }
0x39: {  	_ =	swait.ge [sflag:s23], $0x3E80  }
0x3a: {  	[sflag:s23] =	ssyncset.done $0x0  }
0x3b: {  	s11 =	simm.s32 $0x1400;
	[sflag:s23] =	ssyncadd.s32 $0xFFFFC180  }
0x3c: {  	[spmem:s2] =	stream.indirect.scatter.add.f32 [tilespmem:s21], [sflag:$0x3], $0x80, s11, s20, $0xb8;
	[tilespmem:$0x1F080] =	vst v63  }
0x3d: {  	_ =	swait.ge [sflag:s18], $0x3E80  }
0x3e: {  	[sflag:s18] =	ssyncset.done $0x0  }
0x3f: {  	s30 =	simm.s32 $0x100;
	[sflag:s18] =	ssyncadd.s32 $0xFFFFC180  }
0x40: {  	[tilespmem:s21], [sflag:$0x1] =	stream.indirect.gather [hbm4b:s4+s20], $0x80, s30, s20, $0xb8;
	[tilespmem:$0x1F080] =	vst v63  }
0x41: {  	_ =	swait.ge [sflag:s24], $0x3E80  }
0x42: {  	[sflag:s24] =	ssyncset.done $0x0  }
0x43: {  	s31 =	simm.s32 $0x1480;
	[sflag:s24] =	ssyncadd.s32 $0xFFFFC180  }
0x44: {  	[spmem:s2] =	stream.indirect.scatter.add.f32 [tilespmem:s22], [sflag:$0x3], $0x80, s31, s20, $0xb8;
	[tilespmem:$0x1F080] =	vst v63  }
0x45: {  	_ =	swait.ge [sflag:s18], $0x3E80  }
0x46: {  	s29 =	simm.s32 $0x100;
	s0 =	simm.s32 $0x800;
	[sflag:s18] =	ssyncset.done $0x0  }
.LBB2_6:
0x47: {  	s1 =	sadd.s32 $0x80, s29  }
0x48: {  	[sflag:s18] =	ssyncadd.s32 $0xFFFFC180;
	s30 =	smov.u32 s0;
	s31 =	sadd.s32 $0x400, s0  }
0x49: {  	[tilespmem:s22], [sflag:$0x2] =	stream.indirect.gather [hbm4b:s4+s20], $0x80, s1, s20, $0xb8;
	[tilespmem:$0x1F080] =	vst v63  }
0x4a: {  	p1 =	sne.s32 s0, $0x4800;
	_ =	swait.ge [sflag:s23], $0x3E80  }
0x4b: {  	[sflag:s23] =	ssyncset.done $0x0  }
0x4c: {  	s0 =	sadd.s32 $0x1400, s29;
	[sflag:s23] =	ssyncadd.s32 $0xFFFFC180  }
0x4d: {  	[spmem:s2] =	stream.indirect.scatter.add.f32 [tilespmem:s21], [sflag:$0x3], $0x80, s0, s20, $0xb8;
	[tilespmem:$0x1F080] =	vst v63  }
0x4e: {  	_ =	swait.ge [sflag:s18], $0x3E80  }
0x4f: {  	[sflag:s18] =	ssyncset.done $0x0  }
0x50: {  	s0 =	sadd.s32 $0x100, s29;
	[sflag:s18] =	ssyncadd.s32 $0xFFFFC180  }
0x51: {  	[tilespmem:s21], [sflag:$0x1] =	stream.indirect.gather [hbm4b:s4+s20], $0x80, s0, s20, $0xb8;
	[tilespmem:$0x1F080] =	vst v63  }
0x52: {  	_ =	swait.ge [sflag:s24], $0x3E80  }
.Ltmp2:
0x53: {  	[sflag:s24] =	ssyncset.done $0x0;
	(pc) =	sbr.rel @p1 .LBB2_6-.Ltmp2, $4  }
0x54: {  	s0 =	sadd.s32 $0x1480, s29;
	[sflag:s24] =	ssyncadd.s32 $0xFFFFC180  }
0x55: {  	[spmem:s2] =	stream.indirect.scatter.add.f32 [tilespmem:s22], [sflag:$0x3], $0x80, s0, s20, $0xb8;
	[tilespmem:$0x1F080] =	vst v63  }
0x56: {  	_ =	swait.ge [sflag:s18], $0x3E80  }
0x57: {  	s29 =	sshra.s32 s30, $0x2;
	s0 =	smov.u32 s31;
	[sflag:s18] =	ssyncset.done $0x0  }
0x58: {  	s0 =	sadd.s32 $0x80, s29;
	[sflag:s18] =	ssyncadd.s32 $0xFFFFC180  }
0x59: {  	[tilespmem:s22], [sflag:$0x2] =	stream.indirect.gather [hbm4b:s4+s20], $0x80, s0, s20, $0xb8;
	[tilespmem:$0x1F080] =	vst v63  }
0x5a: {  	_ =	swait.ge [sflag:s23], $0x3E80  }
0x5b: {  	[sflag:s23] =	ssyncset.done $0x0  }
0x5c: {  	s30 =	sadd.s32 $0x1400, s29;
	[sflag:s23] =	ssyncadd.s32 $0xFFFFC180  }
0x5d: {  	[spmem:s2] =	stream.indirect.scatter.add.f32 [tilespmem:s21], [sflag:$0x3], $0x80, s30, s20, $0xb8;
	[tilespmem:$0x1F080] =	vst v63  }
0x5e: {  	_ =	swait.ge [sflag:s18], $0x3E80  }
0x5f: {  	[sflag:s18] =	ssyncset.done $0x0  }
0x60: {  	s31 =	sadd.s32 $0x100, s29;
	[sflag:s18] =	ssyncadd.s32 $0xFFFFC180  }
0x61: {  	[tilespmem:s21], [sflag:$0x1] =	stream.indirect.gather [hbm4b:s4+s20], $0x80, s31, s20, $0xb8;
	[tilespmem:$0x1F080] =	vst v63  }
0x62: {  	_ =	swait.ge [sflag:s24], $0x3E80  }
0x63: {  	[sflag:s24] =	ssyncset.done $0x0  }
0x64: {  	s1 =	sadd.s32 $0x1480, s29;
	[sflag:s24] =	ssyncadd.s32 $0xFFFFC180  }
0x65: {  	[spmem:s2] =	stream.indirect.scatter.add.f32 [tilespmem:s22], [sflag:$0x3], $0x80, s1, s20, $0xb8;
	[tilespmem:$0x1F080] =	vst v63  }
0x66: {  	_ =	swait.ge [sflag:s18], $0x3E80  }
0x67: {  	[sflag:s18] =	ssyncset.done $0x0  }
0x68: {  	[sflag:s18] =	ssyncadd.s32 $0xFFFFC180  }
0x69: {  	[tilespmem:s22], [sflag:$0x2] =	stream.indirect.gather [hbm4b:s4+s20], $0x80, s25, s20, $0xb8;
	[tilespmem:$0x1F080] =	vst v63  }
0x6a: {  	_ =	swait.ge [sflag:s23], $0x3E80  }
0x6b: {  	[sflag:s23] =	ssyncset.done $0x0  }
0x6c: {  	[sflag:s23] =	ssyncadd.s32 $0xFFFFC180  }
0x6d: {  	[spmem:s2] =	stream.indirect.scatter.add.f32 [tilespmem:s21], [sflag:$0x3], $0x80, s26, s20, $0xb8;
	[tilespmem:$0x1F080] =	vst v63  }
0x6e: {  	_ =	swait.ge [sflag:s18], $0x3E80  }
0x6f: {  	[sflag:s18] =	ssyncset.done $0x0  }
0x70: {  	[sflag:s18] =	ssyncadd.s32 $0xFFFFC180  }
0x71: {  	_ =	swait.ge [sflag:s24], $0x3E80  }
0x72: {  	[sflag:s24] =	ssyncset.done $0x0  }
0x73: {  	[sflag:s24] =	ssyncadd.s32 $0xFFFFC180  }
0x74: {  	[spmem:s2] =	stream.indirect.scatter.add.f32 [tilespmem:s22], [sflag:$0x3], $0x80, s28, s20, $0xb8;
	[tilespmem:$0x1F080] =	vst v63  }
0x75: {  	_ =	swait.ge [sflag:s18], $0x3E80  }
0x76: {  	[sflag:s18] =	ssyncset.done $0x0  }
0x77: {  	s6 =	simm.s32 $0x0;
	[sflag:s18] =	ssyncadd.s32 $0xFFFFC180  }
0x78: {  	[tilespmem:s6], [sflag:$0x3] =	stream.linear.gather [hbm4b:s14+s6], $0x1400, $0x38;
	[tilespmem:$0x1F080] =	vst v63  }
0x79: {  	_ =	swait.ge [sflag:s18], $0x1400  }
0x7a: {  	[sflag:s18] =	ssyncset.done $0x0  }
0x7b: {  	[sflag:s18] =	ssyncadd.s32 $0xFFFFEC00  }
0x7c: {  	[tilespmem:s19], [sflag:$0x3] =	stream.linear.gather [hbm4b:s15+s6], $0x1400, $0x38;
	[tilespmem:$0x1F080] =	vst v63  }
0x7d: {  	_ =	swait.ge [sflag:s18], $0x1400  }
0x7e: {  	[sflag:s18] =	ssyncset.done $0x0  }
0x7f: {  	[sflag:s18] =	ssyncadd.s32 $0xFFFFEC00  }
0x80: {  	[tilespmem:s21], [sflag:$0x1] =	stream.indirect.gather [hbm4b:s4+s20], $0x80, s6, s20, $0xb8;
	[tilespmem:$0x1F080] =	vst v63  }
0x81: {  	s8 =	simm.s32 $0x80  }
0x82: {  	[tilespmem:s22], [sflag:$0x2] =	stream.indirect.gather [hbm4b:s4+s20], $0x80, s8, s20, $0xb8;
	[tilespmem:$0x1F080] =	vst v63  }
0x83: {  	_ =	swait.ge [sflag:s23], $0x3E80  }
0x84: {  	[sflag:s23] =	ssyncset.done $0x0  }
0x85: {  	s11 =	simm.s32 $0x1400;
	[sflag:s23] =	ssyncadd.s32 $0xFFFFC180  }
0x86: {  	[spmem:s2] =	stream.indirect.scatter.add.f32 [tilespmem:s21], [sflag:$0x3], $0x80, s11, s20, $0xb8;
	[tilespmem:$0x1F080] =	vst v63  }
0x87: {  	_ =	swait.ge [sflag:s18], $0x3E80  }
0x88: {  	[sflag:s18] =	ssyncset.done $0x0  }
0x89: {  	s30 =	simm.s32 $0x100;
	[sflag:s18] =	ssyncadd.s32 $0xFFFFC180  }
0x8a: {  	[tilespmem:s21], [sflag:$0x1] =	stream.indirect.gather [hbm4b:s4+s20], $0x80, s30, s20, $0xb8;
	[tilespmem:$0x1F080] =	vst v63  }
0x8b: {  	_ =	swait.ge [sflag:s24], $0x3E80  }
0x8c: {  	[sflag:s24] =	ssyncset.done $0x0  }
0x8d: {  	s31 =	simm.s32 $0x1480;
	[sflag:s24] =	ssyncadd.s32 $0xFFFFC180  }
0x8e: {  	[spmem:s2] =	stream.indirect.scatter.add.f32 [tilespmem:s22], [sflag:$0x3], $0x80, s31, s20, $0xb8;
	[tilespmem:$0x1F080] =	vst v63  }
0x8f: {  	_ =	swait.ge [sflag:s18], $0x3E80  }
0x90: {  	s29 =	simm.s32 $0x100;
	s0 =	simm.s32 $0x800;
	[sflag:s18] =	ssyncset.done $0x0  }
.LBB2_8:
0x91: {  	s1 =	sadd.s32 $0x80, s29  }
0x92: {  	[sflag:s18] =	ssyncadd.s32 $0xFFFFC180;
	s30 =	smov.u32 s0;
	s31 =	sadd.s32 $0x400, s0  }
0x93: {  	[tilespmem:s22], [sflag:$0x2] =	stream.indirect.gather [hbm4b:s4+s20], $0x80, s1, s20, $0xb8;
	[tilespmem:$0x1F080] =	vst v63  }
0x94: {  	p1 =	sne.s32 s0, $0x4800;
	_ =	swait.ge [sflag:s23], $0x3E80  }
0x95: {  	[sflag:s23] =	ssyncset.done $0x0  }
0x96: {  	s0 =	sadd.s32 $0x1400, s29;
	[sflag:s23] =	ssyncadd.s32 $0xFFFFC180  }
0x97: {  	[spmem:s2] =	stream.indirect.scatter.add.f32 [tilespmem:s21], [sflag:$0x3], $0x80, s0, s20, $0xb8;
	[tilespmem:$0x1F080] =	vst v63  }
0x98: {  	_ =	swait.ge [sflag:s18], $0x3E80  }
0x99: {  	[sflag:s18] =	ssyncset.done $0x0  }
0x9a: {  	s0 =	sadd.s32 $0x100, s29;
	[sflag:s18] =	ssyncadd.s32 $0xFFFFC180  }
0x9b: {  	[tilespmem:s21], [sflag:$0x1] =	stream.indirect.gather [hbm4b:s4+s20], $0x80, s0, s20, $0xb8;
	[tilespmem:$0x1F080] =	vst v63  }
0x9c: {  	_ =	swait.ge [sflag:s24], $0x3E80  }
.Ltmp3:
0x9d: {  	[sflag:s24] =	ssyncset.done $0x0;
	(pc) =	sbr.rel @p1 .LBB2_8-.Ltmp3, $4  }
0x9e: {  	s0 =	sadd.s32 $0x1480, s29;
	[sflag:s24] =	ssyncadd.s32 $0xFFFFC180  }
0x9f: {  	[spmem:s2] =	stream.indirect.scatter.add.f32 [tilespmem:s22], [sflag:$0x3], $0x80, s0, s20, $0xb8;
	[tilespmem:$0x1F080] =	vst v63  }
0xa0: {  	_ =	swait.ge [sflag:s18], $0x3E80  }
0xa1: {  	s29 =	sshra.s32 s30, $0x2;
	s0 =	smov.u32 s31;
	[sflag:s18] =	ssyncset.done $0x0  }
0xa2: {  	s0 =	sadd.s32 $0x80, s29;
	[sflag:s18] =	ssyncadd.s32 $0xFFFFC180  }
0xa3: {  	[tilespmem:s22], [sflag:$0x2] =	stream.indirect.gather [hbm4b:s4+s20], $0x80, s0, s20, $0xb8;
	[tilespmem:$0x1F080] =	vst v63  }
0xa4: {  	_ =	swait.ge [sflag:s23], $0x3E80  }
0xa5: {  	[sflag:s23] =	ssyncset.done $0x0  }
0xa6: {  	s8 =	sadd.s32 $0x1400, s29;
	[sflag:s23] =	ssyncadd.s32 $0xFFFFC180  }
0xa7: {  	[spmem:s2] =	stream.indirect.scatter.add.f32 [tilespmem:s21], [sflag:$0x3], $0x80, s8, s20, $0xb8;
	[tilespmem:$0x1F080] =	vst v63  }
0xa8: {  	_ =	swait.ge [sflag:s18], $0x3E80  }
0xa9: {  	[sflag:s18] =	ssyncset.done $0x0  }
0xaa: {  	s11 =	sadd.s32 $0x100, s29;
	[sflag:s18] =	ssyncadd.s32 $0xFFFFC180  }
0xab: {  	[tilespmem:s21], [sflag:$0x1] =	stream.indirect.gather [hbm4b:s4+s20], $0x80, s11, s20, $0xb8;
	[tilespmem:$0x1F080] =	vst v63  }
0xac: {  	_ =	swait.ge [sflag:s24], $0x3E80  }
0xad: {  	[sflag:s24] =	ssyncset.done $0x0  }
0xae: {  	s1 =	sadd.s32 $0x1480, s29;
	[sflag:s24] =	ssyncadd.s32 $0xFFFFC180  }
0xaf: {  	[spmem:s2] =	stream.indirect.scatter.add.f32 [tilespmem:s22], [sflag:$0x3], $0x80, s1, s20, $0xb8;
	[tilespmem:$0x1F080] =	vst v63  }
0xb0: {  	_ =	swait.ge [sflag:s18], $0x3E80  }
0xb1: {  	[sflag:s18] =	ssyncset.done $0x0  }
0xb2: {  	[sflag:s18] =	ssyncadd.s32 $0xFFFFC180  }
0xb3: {  	[tilespmem:s22], [sflag:$0x2] =	stream.indirect.gather [hbm4b:s4+s20], $0x80, s25, s20, $0xb8;
	[tilespmem:$0x1F080] =	vst v63  }
0xb4: {  	_ =	swait.ge [sflag:s23], $0x3E80  }
0xb5: {  	[sflag:s23] =	ssyncset.done $0x0  }
0xb6: {  	[sflag:s23] =	ssyncadd.s32 $0xFFFFC180  }
0xb7: {  	[spmem:s2] =	stream.indirect.scatter.add.f32 [tilespmem:s21], [sflag:$0x3], $0x80, s26, s20, $0xb8;
	[tilespmem:$0x1F080] =	vst v63  }
0xb8: {  	_ =	swait.ge [sflag:s18], $0x3E80  }
0xb9: {  	[sflag:s18] =	ssyncset.done $0x0  }
0xba: {  	[sflag:s18] =	ssyncadd.s32 $0xFFFFC180  }
0xbb: {  	_ =	swait.ge [sflag:s24], $0x3E80  }
0xbc: {  	[sflag:s24] =	ssyncset.done $0x0  }
0xbd: {  	[sflag:s24] =	ssyncadd.s32 $0xFFFFC180  }
0xbe: {  	[spmem:s2] =	stream.indirect.scatter.add.f32 [tilespmem:s22], [sflag:$0x3], $0x80, s28, s20, $0xb8;
	[tilespmem:$0x1F080] =	vst v63  }
0xbf: {  	_ =	swait.ge [sflag:s18], $0x3E80  }
0xc0: {  	[sflag:s18] =	ssyncset.done $0x0  }
0xc1: {  	[sflag:s18] =	ssyncadd.s32 $0xFFFFC180  }
0xc2: {  	s6 =	stileid.u32;
	[bflag:$0x0] =	sbarrier.arrive $0xFFFF  }
0xc3: {  	s0 =	sshll.u32 s6, $0x6;
	s8 =	rddreg [dreg:$0x3]  }
0xc4: {  	s29 =	sor.u32 $0x1C03, s0;
	s1 =	sadd.s32 s7, s5;
	s30 =	sshrl.u32 s8, $0x3  }
0xc5: {  	[hbm:s1], [sflag:s29] =	dma.local [spmem:s30], $0x2700  }
0xc6: {  	_ =	swait.ge [sflag:s18], $0x2700  }
0xc7: {  	[sflag:s18] =	ssyncset.done $0x0;
	s1 =	rddreg [dreg:$0x4]  }
0xc8: {  	s0 =	sadd.s32 @!p0 $0x27000, s5;
	[sflag:s18] =	ssyncadd.s32 $0xFFFFD900;
	s31 =	sshrl.u32 @!p0 s1, $0x3  }
0xc9: {  	[hbm:s0], [sflag:s29] =	dma.local @!p0 [spmem:s31], $0x100  }
0xca: {  	s0 =	simm.s32 @!p0 $0x3  }
0xcb: {  	_ =	swait.ge @!p0 [sflag:s0], $0x100  }
0xcc: {  	[sflag:s0] =	ssyncset.done @!p0 $0x0  }
0xcd: {  	[sflag:s0] =	ssyncadd.s32 @!p0 $0xFFFFFF00  }
0xce: {  	s11 =	sadd.s32 $0x0, s16;
	[bflag:$0x0] =	sbarrier.arrive $0xFFFF  }
0xcf: {  	[spmem:s11] =	stream.linear.scatter [tilespmem:s17], [sflag:$0x3], $0xC80, $0x38;
	[tilespmem:$0x1F080] =	vst v63  }
0xd0: {  	s0 =	simm.s32 $0x3200;
	_ =	swait.ge [sflag:s18], $0xC80  }
.LBB2_10:
0xd1: {  	s1 =	sshra.s32 s0, $0x2;
	[sflag:s18] =	ssyncset.done $0x0;
	p1 =	sne.s32 s0, $0x4B000  }
.Ltmp4:
0xd2: {  	s1 =	sadd.s32 s1, s16;
	[sflag:s18] =	ssyncadd.s32 $0xFFFFF380;
	(pc) =	sbr.rel @p1 .LBB2_10-.Ltmp4, $3  }
0xd3: {  	[spmem:s1] =	stream.linear.scatter [tilespmem:s17], [sflag:$0x3], $0xC80, $0x38;
	[tilespmem:$0x1F080] =	vst v63  }
0xd4: {  	s0 =	sadd.s32 $0x3200, s0;
	_ =	sdelay $0x1  }
0xd5: {  	_ =	swait.ge [sflag:s18], $0xC80  }
0xd6: {  	[sflag:s18] =	ssyncset.done $0x0  }
0xd7: {  	[sflag:s18] =	ssyncadd.s32 $0xFFFFF380  }
0xd8: {  	s0 =	simm.s32 $0x0;
	[bflag:$0x0] =	sbarrier.arrive $0xFFFF  }
0xd9: {  	[tilespmem:s0], [sflag:$0x3] =	stream.linear.gather [hbm4b:s12+s0], $0x1400, $0x38;
	[tilespmem:$0x1F080] =	vst v63  }
0xda: {  	_ =	swait.ge [sflag:s18], $0x1400  }
0xdb: {  	[sflag:s18] =	ssyncset.done $0x0  }
0xdc: {  	[sflag:s18] =	ssyncadd.s32 $0xFFFFEC00  }
0xdd: {  	[tilespmem:s19], [sflag:$0x3] =	stream.linear.gather [hbm4b:s13+s0], $0x1400, $0x38;
	[tilespmem:$0x1F080] =	vst v63  }
0xde: {  	_ =	swait.ge [sflag:s18], $0x1400  }
0xdf: {  	[sflag:s18] =	ssyncset.done $0x0  }
0xe0: {  	[sflag:s18] =	ssyncadd.s32 $0xFFFFEC00  }
0xe1: {  	[tilespmem:s21], [sflag:$0x1] =	stream.indirect.gather [hbm4b:s9+s20], $0x80, s0, s20, $0xb8;
	[tilespmem:$0x1F080] =	vst v63  }
0xe2: {  	s1 =	simm.s32 $0x80  }
0xe3: {  	[tilespmem:s22], [sflag:$0x2] =	stream.indirect.gather [hbm4b:s9+s20], $0x80, s1, s20, $0xb8;
	[tilespmem:$0x1F080] =	vst v63  }
0xe4: {  	_ =	swait.ge [sflag:s23], $0x3E80  }
0xe5: {  	[sflag:s23] =	ssyncset.done $0x0  }
0xe6: {  	s6 =	simm.s32 $0x1400;
	[sflag:s23] =	ssyncadd.s32 $0xFFFFC180  }
0xe7: {  	[spmem:s2] =	stream.indirect.scatter.add.f32 [tilespmem:s21], [sflag:$0x3], $0x80, s6, s20, $0xb8;
	[tilespmem:$0x1F080] =	vst v63  }
0xe8: {  	_ =	swait.ge [sflag:s18], $0x3E80  }
0xe9: {  	[sflag:s18] =	ssyncset.done $0x0  }
0xea: {  	s8 =	simm.s32 $0x100;
	[sflag:s18] =	ssyncadd.s32 $0xFFFFC180  }
0xeb: {  	[tilespmem:s21], [sflag:$0x1] =	stream.indirect.gather [hbm4b:s9+s20], $0x80, s8, s20, $0xb8;
	[tilespmem:$0x1F080] =	vst v63  }
0xec: {  	_ =	swait.ge [sflag:s24], $0x3E80  }
0xed: {  	[sflag:s24] =	ssyncset.done $0x0  }
0xee: {  	s11 =	simm.s32 $0x1480;
	[sflag:s24] =	ssyncadd.s32 $0xFFFFC180  }
0xef: {  	[spmem:s2] =	stream.indirect.scatter.add.f32 [tilespmem:s22], [sflag:$0x3], $0x80, s11, s20, $0xb8;
	[tilespmem:$0x1F080] =	vst v63  }
0xf0: {  	_ =	swait.ge [sflag:s18], $0x3E80  }
0xf1: {  	s0 =	simm.s32 $0x100;
	s1 =	simm.s32 $0x800;
	[sflag:s18] =	ssyncset.done $0x0  }
.LBB2_12:
0xf2: {  	s6 =	sadd.s32 $0x80, s0  }
0xf3: {  	[sflag:s18] =	ssyncadd.s32 $0xFFFFC180;
	s8 =	smov.u32 s1;
	s11 =	sadd.s32 $0x400, s1  }
0xf4: {  	[tilespmem:s22], [sflag:$0x2] =	stream.indirect.gather [hbm4b:s9+s20], $0x80, s6, s20, $0xb8;
	[tilespmem:$0x1F080] =	vst v63  }
0xf5: {  	p1 =	sne.s32 s1, $0x4800;
	_ =	swait.ge [sflag:s23], $0x3E80  }
0xf6: {  	[sflag:s23] =	ssyncset.done $0x0  }
0xf7: {  	s1 =	sadd.s32 $0x1400, s0;
	[sflag:s23] =	ssyncadd.s32 $0xFFFFC180  }
0xf8: {  	[spmem:s2] =	stream.indirect.scatter.add.f32 [tilespmem:s21], [sflag:$0x3], $0x80, s1, s20, $0xb8;
	[tilespmem:$0x1F080] =	vst v63  }
0xf9: {  	_ =	swait.ge [sflag:s18], $0x3E80  }
0xfa: {  	[sflag:s18] =	ssyncset.done $0x0  }
0xfb: {  	s1 =	sadd.s32 $0x100, s0;
	[sflag:s18] =	ssyncadd.s32 $0xFFFFC180  }
0xfc: {  	[tilespmem:s21], [sflag:$0x1] =	stream.indirect.gather [hbm4b:s9+s20], $0x80, s1, s20, $0xb8;
	[tilespmem:$0x1F080] =	vst v63  }
0xfd: {  	_ =	swait.ge [sflag:s24], $0x3E80  }
.Ltmp5:
0xfe: {  	[sflag:s24] =	ssyncset.done $0x0;
	(pc) =	sbr.rel @p1 .LBB2_12-.Ltmp5, $4  }
0xff: {  	s0 =	sadd.s32 $0x1480, s0;
	[sflag:s24] =	ssyncadd.s32 $0xFFFFC180  }
0x100: {  	[spmem:s2] =	stream.indirect.scatter.add.f32 [tilespmem:s22], [sflag:$0x3], $0x80, s0, s20, $0xb8;
	[tilespmem:$0x1F080] =	vst v63  }
0x101: {  	_ =	swait.ge [sflag:s18], $0x3E80  }
0x102: {  	s1 =	smov.u32 s11;
	s0 =	sshra.s32 s8, $0x2;
	[sflag:s18] =	ssyncset.done $0x0  }
0x103: {  	s1 =	sadd.s32 $0x80, s0;
	[sflag:s18] =	ssyncadd.s32 $0xFFFFC180  }
0x104: {  	[tilespmem:s22], [sflag:$0x2] =	stream.indirect.gather [hbm4b:s9+s20], $0x80, s1, s20, $0xb8;
	[tilespmem:$0x1F080] =	vst v63  }
0x105: {  	_ =	swait.ge [sflag:s23], $0x3E80  }
0x106: {  	[sflag:s23] =	ssyncset.done $0x0  }
0x107: {  	s11 =	sadd.s32 $0x1400, s0;
	[sflag:s23] =	ssyncadd.s32 $0xFFFFC180  }
0x108: {  	[spmem:s2] =	stream.indirect.scatter.add.f32 [tilespmem:s21], [sflag:$0x3], $0x80, s11, s20, $0xb8;
	[tilespmem:$0x1F080] =	vst v63  }
0x109: {  	_ =	swait.ge [sflag:s18], $0x3E80  }
0x10a: {  	[sflag:s18] =	ssyncset.done $0x0  }
0x10b: {  	s6 =	sadd.s32 $0x100, s0;
	[sflag:s18] =	ssyncadd.s32 $0xFFFFC180  }
0x10c: {  	[tilespmem:s21], [sflag:$0x1] =	stream.indirect.gather [hbm4b:s9+s20], $0x80, s6, s20, $0xb8;
	[tilespmem:$0x1F080] =	vst v63  }
0x10d: {  	_ =	swait.ge [sflag:s24], $0x3E80  }
0x10e: {  	[sflag:s24] =	ssyncset.done $0x0  }
0x10f: {  	s8 =	sadd.s32 $0x1480, s0;
	[sflag:s24] =	ssyncadd.s32 $0xFFFFC180  }
0x110: {  	[spmem:s2] =	stream.indirect.scatter.add.f32 [tilespmem:s22], [sflag:$0x3], $0x80, s8, s20, $0xb8;
	[tilespmem:$0x1F080] =	vst v63  }
0x111: {  	_ =	swait.ge [sflag:s18], $0x3E80  }
0x112: {  	[sflag:s18] =	ssyncset.done $0x0  }
0x113: {  	[sflag:s18] =	ssyncadd.s32 $0xFFFFC180  }
0x114: {  	[tilespmem:s22], [sflag:$0x2] =	stream.indirect.gather [hbm4b:s9+s20], $0x80, s25, s20, $0xb8;
	[tilespmem:$0x1F080] =	vst v63  }
0x115: {  	_ =	swait.ge [sflag:s23], $0x3E80  }
0x116: {  	[sflag:s23] =	ssyncset.done $0x0  }
0x117: {  	[sflag:s23] =	ssyncadd.s32 $0xFFFFC180  }
0x118: {  	[spmem:s2] =	stream.indirect.scatter.add.f32 [tilespmem:s21], [sflag:$0x3], $0x80, s26, s20, $0xb8;
	[tilespmem:$0x1F080] =	vst v63  }
0x119: {  	_ =	swait.ge [sflag:s18], $0x3E80  }
0x11a: {  	[sflag:s18] =	ssyncset.done $0x0  }
0x11b: {  	[sflag:s18] =	ssyncadd.s32 $0xFFFFC180  }
0x11c: {  	_ =	swait.ge [sflag:s24], $0x3E80  }
0x11d: {  	[sflag:s24] =	ssyncset.done $0x0  }
0x11e: {  	[sflag:s24] =	ssyncadd.s32 $0xFFFFC180  }
0x11f: {  	[spmem:s2] =	stream.indirect.scatter.add.f32 [tilespmem:s22], [sflag:$0x3], $0x80, s28, s20, $0xb8;
	[tilespmem:$0x1F080] =	vst v63  }
0x120: {  	_ =	swait.ge [sflag:s18], $0x3E80  }
0x121: {  	[sflag:s18] =	ssyncset.done $0x0  }
0x122: {  	s11 =	simm.s32 $0x0;
	[sflag:s18] =	ssyncadd.s32 $0xFFFFC180  }
0x123: {  	[tilespmem:s11], [sflag:$0x3] =	stream.linear.gather [hbm4b:s14+s11], $0x1400, $0x38;
	[tilespmem:$0x1F080] =	vst v63  }
0x124: {  	_ =	swait.ge [sflag:s18], $0x1400  }
0x125: {  	[sflag:s18] =	ssyncset.done $0x0  }
0x126: {  	[sflag:s18] =	ssyncadd.s32 $0xFFFFEC00  }
0x127: {  	[tilespmem:s19], [sflag:$0x3] =	stream.linear.gather [hbm4b:s15+s11], $0x1400, $0x38;
	[tilespmem:$0x1F080] =	vst v63  }
0x128: {  	_ =	swait.ge [sflag:s18], $0x1400  }
0x129: {  	[sflag:s18] =	ssyncset.done $0x0  }
0x12a: {  	[sflag:s18] =	ssyncadd.s32 $0xFFFFEC00  }
0x12b: {  	[tilespmem:s21], [sflag:$0x1] =	stream.indirect.gather [hbm4b:s9+s20], $0x80, s11, s20, $0xb8;
	[tilespmem:$0x1F080] =	vst v63  }
0x12c: {  	s1 =	simm.s32 $0x80  }
0x12d: {  	[tilespmem:s22], [sflag:$0x2] =	stream.indirect.gather [hbm4b:s9+s20], $0x80, s1, s20, $0xb8;
	[tilespmem:$0x1F080] =	vst v63  }
0x12e: {  	_ =	swait.ge [sflag:s23], $0x3E80  }
0x12f: {  	[sflag:s23] =	ssyncset.done $0x0  }
0x130: {  	s6 =	simm.s32 $0x1400;
	[sflag:s23] =	ssyncadd.s32 $0xFFFFC180  }
0x131: {  	[spmem:s2] =	stream.indirect.scatter.add.f32 [tilespmem:s21], [sflag:$0x3], $0x80, s6, s20, $0xb8;
	[tilespmem:$0x1F080] =	vst v63  }
0x132: {  	_ =	swait.ge [sflag:s18], $0x3E80  }
0x133: {  	[sflag:s18] =	ssyncset.done $0x0  }
0x134: {  	s8 =	simm.s32 $0x100;
	[sflag:s18] =	ssyncadd.s32 $0xFFFFC180  }
0x135: {  	[tilespmem:s21], [sflag:$0x1] =	stream.indirect.gather [hbm4b:s9+s20], $0x80, s8, s20, $0xb8;
	[tilespmem:$0x1F080] =	vst v63  }
0x136: {  	_ =	swait.ge [sflag:s24], $0x3E80  }
0x137: {  	[sflag:s24] =	ssyncset.done $0x0  }
0x138: {  	s11 =	simm.s32 $0x1480;
	[sflag:s24] =	ssyncadd.s32 $0xFFFFC180  }
0x139: {  	[spmem:s2] =	stream.indirect.scatter.add.f32 [tilespmem:s22], [sflag:$0x3], $0x80, s11, s20, $0xb8;
	[tilespmem:$0x1F080] =	vst v63  }
0x13a: {  	_ =	swait.ge [sflag:s18], $0x3E80  }
0x13b: {  	s0 =	simm.s32 $0x100;
	s1 =	simm.s32 $0x800;
	[sflag:s18] =	ssyncset.done $0x0  }
.LBB2_14:
0x13c: {  	s6 =	sadd.s32 $0x80, s0  }
0x13d: {  	[sflag:s18] =	ssyncadd.s32 $0xFFFFC180;
	s8 =	smov.u32 s1;
	s11 =	sadd.s32 $0x400, s1  }
0x13e: {  	[tilespmem:s22], [sflag:$0x2] =	stream.indirect.gather [hbm4b:s9+s20], $0x80, s6, s20, $0xb8;
	[tilespmem:$0x1F080] =	vst v63  }
0x13f: {  	p1 =	sne.s32 s1, $0x4800;
	_ =	swait.ge [sflag:s23], $0x3E80  }
0x140: {  	[sflag:s23] =	ssyncset.done $0x0  }
0x141: {  	s1 =	sadd.s32 $0x1400, s0;
	[sflag:s23] =	ssyncadd.s32 $0xFFFFC180  }
0x142: {  	[spmem:s2] =	stream.indirect.scatter.add.f32 [tilespmem:s21], [sflag:$0x3], $0x80, s1, s20, $0xb8;
	[tilespmem:$0x1F080] =	vst v63  }
0x143: {  	_ =	swait.ge [sflag:s18], $0x3E80  }
0x144: {  	[sflag:s18] =	ssyncset.done $0x0  }
0x145: {  	s1 =	sadd.s32 $0x100, s0;
	[sflag:s18] =	ssyncadd.s32 $0xFFFFC180  }
0x146: {  	[tilespmem:s21], [sflag:$0x1] =	stream.indirect.gather [hbm4b:s9+s20], $0x80, s1, s20, $0xb8;
	[tilespmem:$0x1F080] =	vst v63  }
0x147: {  	_ =	swait.ge [sflag:s24], $0x3E80  }
.Ltmp6:
0x148: {  	[sflag:s24] =	ssyncset.done $0x0;
	(pc) =	sbr.rel @p1 .LBB2_14-.Ltmp6, $4  }
0x149: {  	s0 =	sadd.s32 $0x1480, s0;
	[sflag:s24] =	ssyncadd.s32 $0xFFFFC180  }
0x14a: {  	[spmem:s2] =	stream.indirect.scatter.add.f32 [tilespmem:s22], [sflag:$0x3], $0x80, s0, s20, $0xb8;
	[tilespmem:$0x1F080] =	vst v63  }
0x14b: {  	_ =	swait.ge [sflag:s18], $0x3E80  }
0x14c: {  	s1 =	smov.u32 s11;
	s0 =	sshra.s32 s8, $0x2;
	[sflag:s18] =	ssyncset.done $0x0  }
0x14d: {  	s1 =	sadd.s32 $0x80, s0;
	[sflag:s18] =	ssyncadd.s32 $0xFFFFC180  }
0x14e: {  	[tilespmem:s22], [sflag:$0x2] =	stream.indirect.gather [hbm4b:s9+s20], $0x80, s1, s20, $0xb8;
	[tilespmem:$0x1F080] =	vst v63  }
0x14f: {  	_ =	swait.ge [sflag:s23], $0x3E80  }
0x150: {  	[sflag:s23] =	ssyncset.done $0x0  }
0x151: {  	s11 =	sadd.s32 $0x1400, s0;
	[sflag:s23] =	ssyncadd.s32 $0xFFFFC180  }
0x152: {  	[spmem:s2] =	stream.indirect.scatter.add.f32 [tilespmem:s21], [sflag:$0x3], $0x80, s11, s20, $0xb8;
	[tilespmem:$0x1F080] =	vst v63  }
0x153: {  	_ =	swait.ge [sflag:s18], $0x3E80  }
0x154: {  	[sflag:s18] =	ssyncset.done $0x0  }
0x155: {  	s6 =	sadd.s32 $0x100, s0;
	[sflag:s18] =	ssyncadd.s32 $0xFFFFC180  }
0x156: {  	[tilespmem:s21], [sflag:$0x1] =	stream.indirect.gather [hbm4b:s9+s20], $0x80, s6, s20, $0xb8;
	[tilespmem:$0x1F080] =	vst v63  }
0x157: {  	_ =	swait.ge [sflag:s24], $0x3E80  }
0x158: {  	[sflag:s24] =	ssyncset.done $0x0  }
0x159: {  	s8 =	sadd.s32 $0x1480, s0;
	[sflag:s24] =	ssyncadd.s32 $0xFFFFC180  }
0x15a: {  	[spmem:s2] =	stream.indirect.scatter.add.f32 [tilespmem:s22], [sflag:$0x3], $0x80, s8, s20, $0xb8;
	[tilespmem:$0x1F080] =	vst v63  }
0x15b: {  	_ =	swait.ge [sflag:s18], $0x3E80  }
0x15c: {  	[sflag:s18] =	ssyncset.done $0x0  }
0x15d: {  	[sflag:s18] =	ssyncadd.s32 $0xFFFFC180  }
0x15e: {  	[tilespmem:s22], [sflag:$0x2] =	stream.indirect.gather [hbm4b:s9+s20], $0x80, s25, s20, $0xb8;
	[tilespmem:$0x1F080] =	vst v63  }
0x15f: {  	_ =	swait.ge [sflag:s23], $0x3E80  }
0x160: {  	[sflag:s23] =	ssyncset.done $0x0  }
0x161: {  	[sflag:s23] =	ssyncadd.s32 $0xFFFFC180  }
0x162: {  	[spmem:s2] =	stream.indirect.scatter.add.f32 [tilespmem:s21], [sflag:$0x3], $0x80, s26, s20, $0xb8;
	[tilespmem:$0x1F080] =	vst v63  }
0x163: {  	_ =	swait.ge [sflag:s18], $0x3E80  }
0x164: {  	[sflag:s18] =	ssyncset.done $0x0  }
0x165: {  	[sflag:s18] =	ssyncadd.s32 $0xFFFFC180  }
0x166: {  	_ =	swait.ge [sflag:s24], $0x3E80  }
0x167: {  	[sflag:s24] =	ssyncset.done $0x0  }
0x168: {  	[sflag:s24] =	ssyncadd.s32 $0xFFFFC180  }
0x169: {  	[spmem:s2] =	stream.indirect.scatter.add.f32 [tilespmem:s22], [sflag:$0x3], $0x80, s28, s20, $0xb8;
	[tilespmem:$0x1F080] =	vst v63  }
0x16a: {  	_ =	swait.ge [sflag:s18], $0x3E80  }
0x16b: {  	[sflag:s18] =	ssyncset.done $0x0  }
0x16c: {  	[sflag:s18] =	ssyncadd.s32 $0xFFFFC180  }
0x16d: {  	s11 =	sadd.s32 s7, s10;
	[bflag:$0x0] =	sbarrier.arrive $0xFFFF  }
0x16e: {  	[hbm:s11], [sflag:s29] =	dma.local [spmem:s30], $0x2700  }
0x16f: {  	_ =	swait.ge [sflag:s18], $0x2700  }
0x170: {  	[sflag:s18] =	ssyncset.done $0x0  }
0x171: {  	s0 =	sadd.s32 @!p0 $0x27000, s10;
	[sflag:s18] =	ssyncadd.s32 $0xFFFFD900  }
0x172: {  	[hbm:s0], [sflag:s29] =	dma.local @!p0 [spmem:s31], $0x100  }
0x173: {  	s0 =	simm.s32 @!p0 $0x3  }
0x174: {  	_ =	swait.ge @!p0 [sflag:s0], $0x100  }
0x175: {  	s3 =	sadd.s32 $0x1, s3;
	s31 =	rddreg [dreg:$0x5]  }
0x176: {  	p1 =	sne.s32 s3, s31  }
.Ltmp7:
0x177: {  	_ = 	snop;
	(pc) =	sbr.rel @p1 .LBB2_1-.Ltmp7, $3  }
0x178: {  	_ =	sdelay $0x1  }
0x179: {  	[sflag:s0] =	ssyncset.done @!p0 $0x0  }
0x17a: {  	[sflag:s0] =	ssyncadd.s32 @!p0 $0xFFFFFF00  }
0x17b: {  	_ =	sfence.sel $0x180000  }
0x17c: {  	[bflag:$0x0] =	sbarrier.arrive $0xFFFF  }
0x17d: {  	_ =	strace $0x9000004D  }
0x17e: {  	s0 =	stileid.u32;
	[bflag:$0x2] =	sbarrier.arrive $0xFFFF  }
0x17f: {  	p0 =	sne.s32 s0, $0x0;
	s0 =	rddreg [dreg:$0x2]  }
0x180: {  	s0 =	sadd.s32 @!p0 $0x100000, s0  }
0x181: {  	[sflag:s0] =	ssyncadd.tile.s32 @!p0 $0x1;
	_ =	shalt  }
.Lfunc_end2:
_tile_overlayer_lowered:
.L_overlay_start_2:
0x182: {  	(tag) =	ssettag $0x2  }
0x183: {  	s0 =	rddreg [dreg:$0x0];
	s2 =	stileid.u32  }
0x184: {  	s1 =	rddreg [dreg:$0x1];
	p0 =	sne.s32 s2, $0x0  }
0x185: {  	s3 =	rddreg [dreg:$0x2];
	[bflag:$0x3] =	sbarrier.arrive $0xFFFF;
	s2 =	simm.s32 @!p0 $0x1C03  }
0x186: {  	[timem:s3], [sflag:s2] =	dma.local @!p0 [hbm:s0], s1  }
0x187: {  	s0 =	simm.s32 @!p0 $0x3  }
0x188: {  	_ =	swait.ge @!p0 [sflag:s0], s1  }
0x189: {  	s1 =	ssub.s32 @!p0 $0x0, s1;
	[sflag:s0] =	ssyncset.done @!p0 $0x0  }
0x18a: {  	[sflag:s0] =	ssyncadd.s32 @!p0 s1  }
0x18b: {  	[bflag:$0x3] =	sbarrier.arrive $0xFFFF  }
0x18c: {  	_ =	shalt  }

// kernel: kernel.19.cloned.1.call-start
scs
__scs_entry_jumppad:
0x0: {  	(pc) =	sbr.rel $0x88, $3  }
0x1: {  	(tag) =	ssettag $0x0;
	lr =	simm.s32 $0x1  }
0x2: {  	[smem:$0x3F99] =	sst lr;
	_ =	strace $0xD0000000  }
0x3: {  	_ = 	snop  }
0x4: {  	_ = 	snop  }
0x5: {  	_ = 	snop  }
0x6: {  	_ = 	snop  }
0x7: {  	_ = 	snop  }
__scs_overlays_trampoline_lowered:
0x8: {  	[smem:$0x3FA8] =	sst s0  }
0x9: {  	[smem:$0x3FA9] =	sst s1  }
0xa: {  	[smem:$0x3FAA] =	sst s2  }
0xb: {  	[smem:$0x3FAB] =	sst s3  }
0xc: {  	[smem:$0x3FAC] =	sst s4  }
0xd: {  	[smem:$0x3FAD] =	sst s5  }
0xe: {  	[smem:$0x3FAE] =	sst s6  }
0xf: {  	[smem:$0x3FAF] =	sst s7  }
0x10: {  	[smem:$0x3FB0] =	sst s8  }
0x11: {  	[smem:$0x3FB1] =	sst s9;
	s0 =	simm.s32 @!p0 $0x0  }
0x12: {  	s1 =	sld [smem:$0x3F97];
	s0 =	simm.s32 @p0 $0x1  }
0x13: {  	[smem:$0x3FB2] =	sst s0;
	s0 =	simm.s32 @!p1 $0x0  }
0x14: {  	s2 =	sld [smem:$0x3F96];
	s0 =	simm.s32 @p1 $0x1  }
0x15: {  	[smem:$0x3FB3] =	sst s0;
	s0 =	simm.s32 @!p2 $0x0  }
0x16: {  	s3 =	sld [smem:$0x3FDB];
	s0 =	simm.s32 @p2 $0x1  }
0x17: {  	s4 =	simm.s32 $0x1BF5;
	[smem:$0x3FB5] =	sst s0  }
0x18: {  	s0 =	sld [smem:$0x3F98];
	_ =	swait.ge [sflag:s4], $0x0  }
0x19: {  	s7 =	sld [smem:$0x3F99]  }
0x1a: {  	s8 =	sadd.s32 $0xFFFFE003, lr  }
0x1b: {  	s9 =	sadd.s32 $0xFFFFFEF7, lr;
	s5 =	simm.s32 $0xFFFFFFFF;
	p2 =	slt.u32 s8, $0xFFFFF086  }
0x1c: {  	p1 =	slt.u32 s9, $0xF7A;
	s5 =	simm.s32 @!p2 $0x0  }
0x1d: {  	s5 =	simm.s32 @p1 $0x1;
	p0 =	seq.s32 s7, s2  }
0x1e: {  	s7 =	smul.u32 @!p0 $0xF7A, s2;
	p2 =	seq.s32 @!p0 s5, $0x0  }
0x1f: {  	s9 =	smul.u32 $0xF7A, s1;
	s8 =	simm.s32 @!p0 $0x1BF5;
	p2 =	por !p2, p0  }
0x20: {  	[sflag:s8] =	ssyncset.s32 @!p0 $0xFFFFF086;
	s6 =	sadd.s32 @!p0 s3, s7;
	s7 =	simm.s32 @!p0 $0x108  }
0x21: {  	s3 =	sadd.s32 s3, s9;
	s6 =	sadd.s32 @!p0 $0x88, s6;
	s7 =	simm.s32 @p2 $0x1082  }
0x22: {  	[simem:s7], [sflag:s8] =	dma.local @!p0 [hbm:s6], $0xF7A  }
0x23: {  	s9 =	sor.u32 $0xD0000000, s2;
	s6 =	simm.s32 $0x108;
	_ =	swait.ge @!p0 [sflag:s8], $0x0  }
0x24: {  	s3 =	sadd.s32 $0x88, s3;
	s6 =	simm.s32 @!p1 $0x1082;
	[sflag:s4] =	ssyncset.s32 $0xFFFFF086  }
0x25: {  	[simem:s6], [sflag:s4] =	dma.local [hbm:s3], $0xF7A  }
0x26: {  	[smem:$0x3F99] =	sst s1;
	(tag) =	ssettag s2;
	_ =	strace s9  }
0x27: {  	s1 =	sld [smem:$0x3FA9]  }
0x28: {  	s2 =	sld [smem:$0x3FAA]  }
0x29: {  	s4 =	sld [smem:$0x3FAC]  }
0x2a: {  	p0 =	seq.s32 s5, $0x0;
	s5 =	sld [smem:$0x3FAD]  }
0x2b: {  	s6 =	sld [smem:$0x3FAE]  }
0x2c: {  	s7 =	sld [smem:$0x3FAF]  }
0x2d: {  	s3 =	simm.s32 $0x108;
	s8 =	sld [smem:$0x3FB0]  }
0x2e: {  	s3 =	simm.s32 @!p0 $0x1082;
	s9 =	sld [smem:$0x3FB1]  }
0x2f: {  	lr =	sadd.s32 s0, s3;
	s0 =	sld [smem:$0x3FA8]  }
0x30: {  	s3 =	sld [smem:$0x3FAB]  }
0x31: {  	[smem:$0x3FB4] =	sst s10  }
0x32: {  	s10 =	sld [smem:$0x3FB2];
	_ =	sdelay $0x3  }
0x33: {  	p0 =	seq.s32 s10, $0x1;
	s10 =	sld [smem:$0x3FB4];
	_ =	sdelay $0x3  }
0x34: {  	[smem:$0x3FB4] =	sst s10  }
0x35: {  	s10 =	sld [smem:$0x3FB3];
	_ =	sdelay $0x3  }
0x36: {  	p1 =	seq.s32 s10, $0x1;
	s10 =	sld [smem:$0x3FB4];
	_ =	sdelay $0x3  }
0x37: {  	[smem:$0x3FB4] =	sst s10  }
0x38: {  	s10 =	sld [smem:$0x3FB5]  }
0x39: {  	_ = 	snop;
	(pc) =	sbr.ind lr, $3  }
0x3a: {  	_ = 	snop  }
0x3b: {  	_ = 	snop  }
0x3c: {  	p2 =	seq.s32 s10, $0x1;
	s10 =	sld [smem:$0x3FB4]  }
0x3d: {  	_ =	shalt  }
0x3e: {  	_ =	shalt  }
0x3f: {  	_ =	shalt  }
0x40: {  	_ =	shalt  }
0x41: {  	_ =	shalt  }
0x42: {  	_ =	shalt  }
0x43: {  	_ =	shalt  }
0x44: {  	_ =	shalt  }
0x45: {  	_ =	shalt  }
0x46: {  	_ =	shalt  }
0x47: {  	_ =	shalt  }
0x48: {  	_ =	shalt  }
0x49: {  	_ =	shalt  }
0x4a: {  	_ =	shalt  }
0x4b: {  	_ =	shalt  }
0x4c: {  	_ =	shalt  }
0x4d: {  	_ =	shalt  }
0x4e: {  	_ =	shalt  }
0x4f: {  	_ =	shalt  }
0x50: {  	_ =	shalt  }
0x51: {  	_ =	shalt  }
0x52: {  	_ =	shalt  }
0x53: {  	_ =	shalt  }
0x54: {  	_ =	shalt  }
0x55: {  	_ =	shalt  }
0x56: {  	_ =	shalt  }
0x57: {  	_ =	shalt  }
0x58: {  	_ =	shalt  }
0x59: {  	_ =	shalt  }
0x5a: {  	_ =	shalt  }
0x5b: {  	_ =	shalt  }
0x5c: {  	_ =	shalt  }
0x5d: {  	_ =	shalt  }
0x5e: {  	_ =	shalt  }
0x5f: {  	_ =	shalt  }
0x60: {  	_ =	shalt  }
0x61: {  	_ =	shalt  }
0x62: {  	_ =	shalt  }
0x63: {  	_ =	shalt  }
0x64: {  	_ =	shalt  }
0x65: {  	_ =	shalt  }
0x66: {  	_ =	shalt  }
0x67: {  	_ =	shalt  }
0x68: {  	_ =	shalt  }
0x69: {  	_ =	shalt  }
0x6a: {  	_ =	shalt  }
0x6b: {  	_ =	shalt  }
0x6c: {  	_ =	shalt  }
0x6d: {  	_ =	shalt  }
0x6e: {  	_ =	shalt  }
0x6f: {  	_ =	shalt  }
0x70: {  	_ =	shalt  }
0x71: {  	_ =	shalt  }
0x72: {  	_ =	shalt  }
0x73: {  	_ =	shalt  }
0x74: {  	_ =	shalt  }
0x75: {  	_ =	shalt  }
0x76: {  	_ =	shalt  }
0x77: {  	_ =	shalt  }
0x78: {  	_ =	shalt  }
0x79: {  	_ =	shalt  }
0x7a: {  	_ =	shalt  }
0x7b: {  	_ =	shalt  }
0x7c: {  	_ =	shalt  }
0x7d: {  	_ =	shalt  }
0x7e: {  	_ =	shalt  }
0x7f: {  	_ =	shalt  }
0x80: {  	_ =	shalt  }
0x81: {  	_ =	shalt  }
0x82: {  	_ =	shalt  }
0x83: {  	_ =	shalt  }
0x84: {  	_ =	shalt  }
0x85: {  	_ =	shalt  }
0x86: {  	_ =	shalt  }
0x87: {  	_ =	shalt  }
.Lfunc_end0:
.L_simem_size_0:
called_computation.3_lowered:
.L_overlay_start_0:
0x88: {  	s2 =	sld [smem:$0x3FD9]  }
0x89: {  	s3 =	sld [smem:$0x3FFE];
	_ =	sdelay $0x1  }
0x8a: {  	s1 =	srdreg.scid  }
0x8b: {  	s0 =	sand.u32 $0x1, s1  }
0x8c: {  	s17 =	sshll.u32 s0, $0xA;
	s2 =	sadd.s32 s3, s2  }
0x8d: {  	s2 =	sadd.s32 s2, s17  }
0x8e: {  	[smem:$0x3FC0] =	sst s2  }
0x8f: {  	_ = 	snop  }
0x90: {  	s2 =	sld [smem:$0x3FD0];
	(tm) =	ssettm $0x1  }
0x91: {  	s18 =	sld [smem:$0x3FFB];
	_ =	sdelay $0x3  }
0x92: {  	_ =	strace s18  }
0x93: {  	s3 =	sld [smem:$0x3FFC];
	_ =	sdelay $0x3  }
0x94: {  	_ =	strace s3  }
0x95: {  	s3 =	sld [smem:$0x3FFD];
	_ =	sdelay $0x3  }
0x96: {  	_ =	strace s3  }
0x97: {  	_ =	strace $0x8FFFFFFF  }
0x98: {  	s19 =	sld [smem:$0x3FDB];
	_ =	sdelay $0x1  }
0x99: {  	s4 =	simm.s32 $_scs_section_size  }
0x9a: {  	s5 =	simm.s32 $_size__tile_overlayer_lowered;
	s6 =	simm.s32 $_tile_overlayer_lowered  }
0x9b: {  	s22 =	simm.s32 $0x1BFF;
	s21 =	sshll.u32 s6, $0x1;
	s3 =	sadd.s32 s4, s19  }
0x9c: {  	s7 =	simm.s32 $0x0;
	s20 =	sshll.u32 s5, $0x1;
	s5 =	sadd.s32 s21, s3  }
0x9d: {  	[timem:s7], [sflag:s22] =	dma.local [hbm:s5], s20  }
0x9e: {  	_ =	swait.ge [sflag:s22], s20  }
0x9f: {  	s4 =	ssub.s32 $0x0, s20;
	[sflag:s22] =	ssyncset.done $0x0  }
0xa0: {  	[sflag:s22] =	ssyncadd.s32 s4;
	_ =	sdelay $0x1  }
0xa1: {  	s23 =	simm.s32 $0x1B8B  }
0xa2: {  	_ =	swait.ge [sflag:s23], $0x1  }
0xa3: {  	[sflag:s23] =	ssyncset.done $0x0  }
0xa4: {  	s25 =	simm.s32 $0x1B8E;
	s24 =	sld [smem:$0x3FFE];
	[sflag:s23] =	ssyncadd.s32 $0xFFFFFFFF  }
0xa5: {  	s26 =	simm.s32 $execute0_lowered;
	[smem:$0x3FD2] =	sst s25  }
0xa6: {  	s5 =	sshll.u32 s26, $0x1;
	_ =	strace $0x8000004F;
	[dreg:$0x1] =	wrdreg $0xFFFFFFFF  }
0xa7: {  	s28 =	simm.s32 $_size_execute0_lowered;
	s3 =	sadd.s32 s3, s5;
	[dreg:$0x0] =	wrdreg $0x0  }
0xa8: {  	s5 =	sshll.u32 s28, $0x1;
	[dreg:$0x2] =	wrdreg s3  }
0xa9: {  	[dreg:$0x3] =	wrdreg s5  }
0xaa: {  	[dreg:$0x4] =	wrdreg $0xC0  }
0xab: {  	_ =	task [dreg:s7], $0x5FFFF  }
0xac: {  	[dreg:$0x1] =	wrdreg $0xFFFFFFFF  }
0xad: {  	[dreg:$0x0] =	wrdreg $0x60  }
0xae: {  	[dreg:$0x2] =	wrdreg s2  }
0xaf: {  	[dreg:$0x3] =	wrdreg s24  }
0xb0: {  	[dreg:$0x4] =	wrdreg $0xB8000  }
0xb1: {  	[dreg:$0x5] =	wrdreg $0x9  }
0xb2: {  	_ =	task.clear_ibuf [dreg:s7], $0x6FFFF;
	_ =	strace $0x9000004F  }
0xb3: {  	s29 =	simm.s32 $0x9;
	_ =	strace $0x80000051  }
0xb4: {  	_ =	swait.ge [sflag:s29], $0x1  }
0xb5: {  	[sflag:s29] =	ssyncadd.s32 $0xFFFFFFFF  }
0xb6: {  	_ =	strace $0x90000051  }
0xb7: {  	_ =	sfence  }
0xb8: {  	s30 =	sld [smem:$0x0];
	_ =	sdelay $0x2  }
0xb9: {  	s31 =	sshll.u32 s1, $0xD;
	s1 =	sshrl.u32 s1, $0x2  }
0xba: {  	s3 =	sand.u32 $0x4000, s31;
	s1 =	sadd.s32 s1, s30  }
0xbb: {  	s0 =	sor.u32 s3, s0;
	s1 =	sshll.u32 s1, $0x11  }
0xbc: {  	s0 =	sor.u32 s1, s0  }
0xbd: {  	s0 =	sadd.s32 $0x8F2B, s0  }
0xbe: {  	[sflag:s0] =	ssyncadd.remote.s32 $0x1  }
0xbf: {  	_ =	sfence.sel $0xFFFF  }
0xc0: {  	[dreg:$0x0] =	wrdreg $0xFFFFFFFF;
	(pc) =	sbr.abs _section_cstart, $3  }
0xc1: {  	[dreg:$0x1] =	wrdreg $0xFFFFFFFF  }
0xc2: {  	_ =	task.clear_ibuf [dreg:s7], $0x2FFFF;
	_ =	strace $0x9FFFFFFF  }
0xc3: {  	(tm) =	ssettm $0x7FFFFFFF  }
tec
execute0_lowered:
.L_overlay_start_1:
0x0: {  	(tag) =	ssettag $0x1  }
0x1: {  	s4 =	rddreg [dreg:$0x0]  }
0x2: {  	s5 =	rddreg [dreg:$0x1]  }
0x3: {  	s2 =	rddreg [dreg:$0x2]  }
0x4: {  	s0 =	rddreg [dreg:$0x3];
	s3 =	simm.s32 $0x0;
	s1 =	stileid.u32  }
0x5: {  	s6 =	srdreg.scid;
	s12 =	simm.s32 $0xA800;
	s13 =	simm.s32 $0x3  }
0x6: {  	s14 =	simm.s32 $0x1400;
	s15 =	simm.s32 $0x7D;
	s16 =	simm.s32 $0x2800  }
0x7: {  	s17 =	simm.s32 $0x6800;
	s18 =	simm.s32 $0x1;
	s7 =	smul.u32 $0x2800, s1  }
0x8: {  	s19 =	simm.s32 $0x2;
	s20 =	simm.s32 $0x1380;
	s9 =	smul.u32 $0x4E000, s1  }
0x9: {  	s21 =	simm.s32 $0x2700;
	s22 =	simm.s32 $0x2780;
	s31 =	smul.u32 $0x4E200, s1  }
0xa: {  	[smem:$0x7FF] =	sst s3;
	s6 =	sand.u32 $0x1, s6;
	s23 =	smul.u32 $0x2700, s1  }
0xb: {  	s25 =	sadd.s32 $0x138000, s2;
	p0 =	sne.s32 s1, $0xF;
	_ =	strace $0x80000050  }
0xc: {  	s8 =	smul.u32 $0x27100, s6;
	s6 =	ssub.s32 $0x2, s6;
	s25 =	sshrl.u32 @!p0 s25, $0x3  }
0xd: {  	s7 =	sshrl.u32 s7, $0x3;
	s29 =	sshrl.u32 s6, $0x1;
	s30 =	sshrl.u32 s9, $0x2  }
0xe: {  	s11 =	sshrl.u32 s31, $0x2;
	s10 =	sadd.s32 s7, s5;
	s5 =	sadd.s32 s8, s5  }
0xf: {  	s6 =	ssub.s32 s6, s29;
	s4 =	sadd.s32 s4, s8;
	s24 =	sadd.s32 s30, s2  }
0x10: {  	s11 =	sadd.s32 s11, s2;
	s5 =	sadd.s32 $0xC600, s5;
	s6 =	smax.u32 s6, $0x1  }
0x11: {  	s7 =	sadd.s32 $0x2600, s10;
	s8 =	sadd.s32 $0x7600, s10;
	s9 =	sadd.s32 $0x2880, s10  }
0x12: {  	v0 =	vimm.f32 $0.0e+00;
	s10 =	sadd.s32 $0x7880, s10;
	s24 =	sshrl.u32 s24, $0x3;
	s23 =	sadd.s32 s23, s5  }
.LBB2_1:
0x13: {  	s26 =	simm.s32 $0x0;
	s28 =	simm.s32 $0x200  }
.LBB2_2:
0x14: {  	p1 =	sne.s32 s28, $0x3000;
	[tilespmem:s26+$0xA870] =	vst v0  }
0x15: {  	[tilespmem:s26+$0xA800] =	vst v0  }
0x16: {  	[tilespmem:s26+$0xA810] =	vst v0  }
.Ltmp0:
0x17: {  	[tilespmem:s26+$0xA820] =	vst v0;
	(pc) =	sbr.rel @p1 .LBB2_2-.Ltmp0, $4  }
0x18: {  	[tilespmem:s26+$0xA830] =	vst v0  }
0x19: {  	[tilespmem:s26+$0xA840] =	vst v0  }
0x1a: {  	[tilespmem:s26+$0xA850] =	vst v0  }
0x1b: {  	[tilespmem:s26+$0xA860] =	vst v0;
	s26 =	sshra.s32 s28, $0x2;
	s28 =	sadd.s32 $0x200, s28  }
0x1c: {  	[tilespmem:s26+$0xA870] =	vst v0  }
0x1d: {  	[tilespmem:s26+$0xA800] =	vst v0  }
0x1e: {  	[tilespmem:s26+$0xA810] =	vst v0  }
0x1f: {  	[tilespmem:s26+$0xA820] =	vst v0  }
0x20: {  	[tilespmem:s26+$0xA830] =	vst v0  }
0x21: {  	[tilespmem:s26+$0xA840] =	vst v0  }
0x22: {  	[tilespmem:s26+$0xA850] =	vst v0  }
0x23: {  	[tilespmem:s26+$0xA860] =	vst v0;
	s31 =	sadd.s32 $0x0, s11  }
0x24: {  	[spmem:s31] =	stream.linear.scatter [tilespmem:s12], [sflag:$0x3], $0xC80, $0x38;
	[tilespmem:$0x1F080] =	vst v63  }
0x25: {  	s26 =	simm.s32 $0x3200;
	_ =	swait.ge [sflag:s13], $0xC80  }
.LBB2_4:
0x26: {  	s28 =	sshra.s32 s26, $0x2;
	[sflag:s13] =	ssyncset.done $0x0;
	p1 =	sne.s32 s26, $0x4B000  }
.Ltmp1:
0x27: {  	s28 =	sadd.s32 s28, s11;
	[sflag:s13] =	ssyncadd.s32 $0xFFFFF380;
	(pc) =	sbr.rel @p1 .LBB2_4-.Ltmp1, $3  }
0x28: {  	[spmem:s28] =	stream.linear.scatter [tilespmem:s12], [sflag:$0x3], $0xC80, $0x38;
	[tilespmem:$0x1F080] =	vst v63  }
0x29: {  	s26 =	sadd.s32 $0x3200, s26;
	_ =	sdelay $0x1  }
0x2a: {  	_ =	swait.ge [sflag:s13], $0xC80  }
0x2b: {  	[sflag:s13] =	ssyncset.done $0x0  }
0x2c: {  	[sflag:s13] =	ssyncadd.s32 $0xFFFFF380  }
0x2d: {  	s26 =	simm.s32 $0x0;
	[bflag:$0x0] =	sbarrier.arrive $0xFFFF  }
0x2e: {  	[tilespmem:s26], [sflag:$0x3] =	stream.linear.gather [hbm4b:s7+s26], $0x1400, $0x38;
	[tilespmem:$0x1F080] =	vst v63  }
0x2f: {  	_ =	swait.ge [sflag:s13], $0x1400  }
0x30: {  	[sflag:s13] =	ssyncset.done $0x0  }
0x31: {  	[sflag:s13] =	ssyncadd.s32 $0xFFFFEC00  }
0x32: {  	[tilespmem:s14], [sflag:$0x3] =	stream.linear.gather [hbm4b:s8+s26], $0x1400, $0x38;
	[tilespmem:$0x1F080] =	vst v63  }
0x33: {  	_ =	swait.ge [sflag:s13], $0x1400  }
0x34: {  	[sflag:s13] =	ssyncset.done $0x0  }
0x35: {  	[sflag:s13] =	ssyncadd.s32 $0xFFFFEC00  }
0x36: {  	[tilespmem:s16], [sflag:$0x1] =	stream.indirect.gather [hbm4b:s4+s15], $0x80, s26, s15, $0xb8;
	[tilespmem:$0x1F080] =	vst v63  }
0x37: {  	s31 =	simm.s32 $0x80  }
0x38: {  	[tilespmem:s17], [sflag:$0x2] =	stream.indirect.gather [hbm4b:s4+s15], $0x80, s31, s15, $0xb8;
	[tilespmem:$0x1F080] =	vst v63  }
0x39: {  	_ =	swait.ge [sflag:s18], $0x3E80  }
0x3a: {  	[sflag:s18] =	ssyncset.done $0x0  }
0x3b: {  	s29 =	simm.s32 $0x1400;
	[sflag:s18] =	ssyncadd.s32 $0xFFFFC180  }
0x3c: {  	[spmem:s2] =	stream.indirect.scatter.add.f32 [tilespmem:s16], [sflag:$0x3], $0x80, s29, s15, $0xb8;
	[tilespmem:$0x1F080] =	vst v63  }
0x3d: {  	_ =	swait.ge [sflag:s13], $0x3E80  }
0x3e: {  	[sflag:s13] =	ssyncset.done $0x0  }
0x3f: {  	s30 =	simm.s32 $0x100;
	[sflag:s13] =	ssyncadd.s32 $0xFFFFC180  }
0x40: {  	[tilespmem:s16], [sflag:$0x1] =	stream.indirect.gather [hbm4b:s4+s15], $0x80, s30, s15, $0xb8;
	[tilespmem:$0x1F080] =	vst v63  }
0x41: {  	_ =	swait.ge [sflag:s19], $0x3E80  }
0x42: {  	[sflag:s19] =	ssyncset.done $0x0  }
0x43: {  	s31 =	simm.s32 $0x1480;
	[sflag:s19] =	ssyncadd.s32 $0xFFFFC180  }
0x44: {  	[spmem:s2] =	stream.indirect.scatter.add.f32 [tilespmem:s17], [sflag:$0x3], $0x80, s31, s15, $0xb8;
	[tilespmem:$0x1F080] =	vst v63  }
0x45: {  	_ =	swait.ge [sflag:s13], $0x3E80  }
0x46: {  	s28 =	simm.s32 $0x800;
	s26 =	simm.s32 $0x100;
	[sflag:s13] =	ssyncset.done $0x0  }
.LBB2_6:
0x47: {  	s29 =	sadd.s32 $0x80, s26  }
0x48: {  	[sflag:s13] =	ssyncadd.s32 $0xFFFFC180;
	s30 =	smov.u32 s28;
	s31 =	sadd.s32 $0x400, s28  }
0x49: {  	[tilespmem:s17], [sflag:$0x2] =	stream.indirect.gather [hbm4b:s4+s15], $0x80, s29, s15, $0xb8;
	[tilespmem:$0x1F080] =	vst v63  }
0x4a: {  	p1 =	sne.s32 s28, $0x4800;
	_ =	swait.ge [sflag:s18], $0x3E80  }
0x4b: {  	[sflag:s18] =	ssyncset.done $0x0  }
0x4c: {  	s28 =	sadd.s32 $0x1400, s26;
	[sflag:s18] =	ssyncadd.s32 $0xFFFFC180  }
0x4d: {  	[spmem:s2] =	stream.indirect.scatter.add.f32 [tilespmem:s16], [sflag:$0x3], $0x80, s28, s15, $0xb8;
	[tilespmem:$0x1F080] =	vst v63  }
0x4e: {  	_ =	swait.ge [sflag:s13], $0x3E80  }
0x4f: {  	[sflag:s13] =	ssyncset.done $0x0  }
0x50: {  	s28 =	sadd.s32 $0x100, s26;
	[sflag:s13] =	ssyncadd.s32 $0xFFFFC180  }
0x51: {  	[tilespmem:s16], [sflag:$0x1] =	stream.indirect.gather [hbm4b:s4+s15], $0x80, s28, s15, $0xb8;
	[tilespmem:$0x1F080] =	vst v63  }
0x52: {  	_ =	swait.ge [sflag:s19], $0x3E80  }
.Ltmp2:
0x53: {  	[sflag:s19] =	ssyncset.done $0x0;
	(pc) =	sbr.rel @p1 .LBB2_6-.Ltmp2, $4  }
0x54: {  	s26 =	sadd.s32 $0x1480, s26;
	[sflag:s19] =	ssyncadd.s32 $0xFFFFC180  }
0x55: {  	[spmem:s2] =	stream.indirect.scatter.add.f32 [tilespmem:s17], [sflag:$0x3], $0x80, s26, s15, $0xb8;
	[tilespmem:$0x1F080] =	vst v63  }
0x56: {  	_ =	swait.ge [sflag:s13], $0x3E80  }
0x57: {  	s28 =	smov.u32 s31;
	s26 =	sshra.s32 s30, $0x2;
	[sflag:s13] =	ssyncset.done $0x0  }
0x58: {  	s28 =	sadd.s32 $0x80, s26;
	[sflag:s13] =	ssyncadd.s32 $0xFFFFC180  }
0x59: {  	[tilespmem:s17], [sflag:$0x2] =	stream.indirect.gather [hbm4b:s4+s15], $0x80, s28, s15, $0xb8;
	[tilespmem:$0x1F080] =	vst v63  }
0x5a: {  	_ =	swait.ge [sflag:s18], $0x3E80  }
0x5b: {  	[sflag:s18] =	ssyncset.done $0x0  }
0x5c: {  	s28 =	sadd.s32 $0x1400, s26;
	[sflag:s18] =	ssyncadd.s32 $0xFFFFC180  }
0x5d: {  	[spmem:s2] =	stream.indirect.scatter.add.f32 [tilespmem:s16], [sflag:$0x3], $0x80, s28, s15, $0xb8;
	[tilespmem:$0x1F080] =	vst v63  }
0x5e: {  	_ =	swait.ge [sflag:s13], $0x3E80  }
0x5f: {  	[sflag:s13] =	ssyncset.done $0x0  }
0x60: {  	s28 =	sadd.s32 $0x100, s26;
	[sflag:s13] =	ssyncadd.s32 $0xFFFFC180  }
0x61: {  	[tilespmem:s16], [sflag:$0x1] =	stream.indirect.gather [hbm4b:s4+s15], $0x80, s28, s15, $0xb8;
	[tilespmem:$0x1F080] =	vst v63  }
0x62: {  	_ =	swait.ge [sflag:s19], $0x3E80  }
0x63: {  	[sflag:s19] =	ssyncset.done $0x0  }
0x64: {  	s29 =	sadd.s32 $0x1480, s26;
	[sflag:s19] =	ssyncadd.s32 $0xFFFFC180  }
0x65: {  	[spmem:s2] =	stream.indirect.scatter.add.f32 [tilespmem:s17], [sflag:$0x3], $0x80, s29, s15, $0xb8;
	[tilespmem:$0x1F080] =	vst v63  }
0x66: {  	_ =	swait.ge [sflag:s13], $0x3E80  }
0x67: {  	[sflag:s13] =	ssyncset.done $0x0  }
0x68: {  	[sflag:s13] =	ssyncadd.s32 $0xFFFFC180  }
0x69: {  	[tilespmem:s17], [sflag:$0x2] =	stream.indirect.gather [hbm4b:s4+s15], $0x80, s20, s15, $0xb8;
	[tilespmem:$0x1F080] =	vst v63  }
0x6a: {  	_ =	swait.ge [sflag:s18], $0x3E80  }
0x6b: {  	[sflag:s18] =	ssyncset.done $0x0  }
0x6c: {  	[sflag:s18] =	ssyncadd.s32 $0xFFFFC180  }
0x6d: {  	[spmem:s2] =	stream.indirect.scatter.add.f32 [tilespmem:s16], [sflag:$0x3], $0x80, s21, s15, $0xb8;
	[tilespmem:$0x1F080] =	vst v63  }
0x6e: {  	_ =	swait.ge [sflag:s13], $0x3E80  }
0x6f: {  	[sflag:s13] =	ssyncset.done $0x0  }
0x70: {  	[sflag:s13] =	ssyncadd.s32 $0xFFFFC180  }
0x71: {  	_ =	swait.ge [sflag:s19], $0x3E80  }
0x72: {  	[sflag:s19] =	ssyncset.done $0x0  }
0x73: {  	[sflag:s19] =	ssyncadd.s32 $0xFFFFC180  }
0x74: {  	[spmem:s2] =	stream.indirect.scatter.add.f32 [tilespmem:s17], [sflag:$0x3], $0x80, s22, s15, $0xb8;
	[tilespmem:$0x1F080] =	vst v63  }
0x75: {  	_ =	swait.ge [sflag:s13], $0x3E80  }
0x76: {  	[sflag:s13] =	ssyncset.done $0x0  }
0x77: {  	s30 =	simm.s32 $0x0;
	[sflag:s13] =	ssyncadd.s32 $0xFFFFC180  }
0x78: {  	[tilespmem:s30], [sflag:$0x3] =	stream.linear.gather [hbm4b:s9+s30], $0x1400, $0x38;
	[tilespmem:$0x1F080] =	vst v63  }
0x79: {  	_ =	swait.ge [sflag:s13], $0x1400  }
0x7a: {  	[sflag:s13] =	ssyncset.done $0x0  }
0x7b: {  	[sflag:s13] =	ssyncadd.s32 $0xFFFFEC00  }
0x7c: {  	[tilespmem:s14], [sflag:$0x3] =	stream.linear.gather [hbm4b:s10+s30], $0x1400, $0x38;
	[tilespmem:$0x1F080] =	vst v63  }
0x7d: {  	_ =	swait.ge [sflag:s13], $0x1400  }
0x7e: {  	[sflag:s13] =	ssyncset.done $0x0  }
0x7f: {  	[sflag:s13] =	ssyncadd.s32 $0xFFFFEC00  }
0x80: {  	[tilespmem:s16], [sflag:$0x1] =	stream.indirect.gather [hbm4b:s4+s15], $0x80, s30, s15, $0xb8;
	[tilespmem:$0x1F080] =	vst v63  }
0x81: {  	s31 =	simm.s32 $0x80  }
0x82: {  	[tilespmem:s17], [sflag:$0x2] =	stream.indirect.gather [hbm4b:s4+s15], $0x80, s31, s15, $0xb8;
	[tilespmem:$0x1F080] =	vst v63  }
0x83: {  	_ =	swait.ge [sflag:s18], $0x3E80  }
0x84: {  	[sflag:s18] =	ssyncset.done $0x0  }
0x85: {  	s29 =	simm.s32 $0x1400;
	[sflag:s18] =	ssyncadd.s32 $0xFFFFC180  }
0x86: {  	[spmem:s2] =	stream.indirect.scatter.add.f32 [tilespmem:s16], [sflag:$0x3], $0x80, s29, s15, $0xb8;
	[tilespmem:$0x1F080] =	vst v63  }
0x87: {  	_ =	swait.ge [sflag:s13], $0x3E80  }
0x88: {  	[sflag:s13] =	ssyncset.done $0x0  }
0x89: {  	s30 =	simm.s32 $0x100;
	[sflag:s13] =	ssyncadd.s32 $0xFFFFC180  }
0x8a: {  	[tilespmem:s16], [sflag:$0x1] =	stream.indirect.gather [hbm4b:s4+s15], $0x80, s30, s15, $0xb8;
	[tilespmem:$0x1F080] =	vst v63  }
0x8b: {  	_ =	swait.ge [sflag:s19], $0x3E80  }
0x8c: {  	[sflag:s19] =	ssyncset.done $0x0  }
0x8d: {  	s31 =	simm.s32 $0x1480;
	[sflag:s19] =	ssyncadd.s32 $0xFFFFC180  }
0x8e: {  	[spmem:s2] =	stream.indirect.scatter.add.f32 [tilespmem:s17], [sflag:$0x3], $0x80, s31, s15, $0xb8;
	[tilespmem:$0x1F080] =	vst v63  }
0x8f: {  	_ =	swait.ge [sflag:s13], $0x3E80  }
0x90: {  	s26 =	simm.s32 $0x100;
	s28 =	simm.s32 $0x800;
	[sflag:s13] =	ssyncset.done $0x0  }
.LBB2_8:
0x91: {  	s29 =	sadd.s32 $0x80, s26  }
0x92: {  	[sflag:s13] =	ssyncadd.s32 $0xFFFFC180;
	s30 =	smov.u32 s28;
	s31 =	sadd.s32 $0x400, s28  }
0x93: {  	[tilespmem:s17], [sflag:$0x2] =	stream.indirect.gather [hbm4b:s4+s15], $0x80, s29, s15, $0xb8;
	[tilespmem:$0x1F080] =	vst v63  }
0x94: {  	p1 =	sne.s32 s28, $0x4800;
	_ =	swait.ge [sflag:s18], $0x3E80  }
0x95: {  	[sflag:s18] =	ssyncset.done $0x0  }
0x96: {  	s28 =	sadd.s32 $0x1400, s26;
	[sflag:s18] =	ssyncadd.s32 $0xFFFFC180  }
0x97: {  	[spmem:s2] =	stream.indirect.scatter.add.f32 [tilespmem:s16], [sflag:$0x3], $0x80, s28, s15, $0xb8;
	[tilespmem:$0x1F080] =	vst v63  }
0x98: {  	_ =	swait.ge [sflag:s13], $0x3E80  }
0x99: {  	[sflag:s13] =	ssyncset.done $0x0  }
0x9a: {  	s28 =	sadd.s32 $0x100, s26;
	[sflag:s13] =	ssyncadd.s32 $0xFFFFC180  }
0x9b: {  	[tilespmem:s16], [sflag:$0x1] =	stream.indirect.gather [hbm4b:s4+s15], $0x80, s28, s15, $0xb8;
	[tilespmem:$0x1F080] =	vst v63  }
0x9c: {  	_ =	swait.ge [sflag:s19], $0x3E80  }
.Ltmp3:
0x9d: {  	[sflag:s19] =	ssyncset.done $0x0;
	(pc) =	sbr.rel @p1 .LBB2_8-.Ltmp3, $4  }
0x9e: {  	s26 =	sadd.s32 $0x1480, s26;
	[sflag:s19] =	ssyncadd.s32 $0xFFFFC180  }
0x9f: {  	[spmem:s2] =	stream.indirect.scatter.add.f32 [tilespmem:s17], [sflag:$0x3], $0x80, s26, s15, $0xb8;
	[tilespmem:$0x1F080] =	vst v63  }
0xa0: {  	_ =	swait.ge [sflag:s13], $0x3E80  }
0xa1: {  	s28 =	smov.u32 s31;
	s26 =	sshra.s32 s30, $0x2;
	[sflag:s13] =	ssyncset.done $0x0  }
0xa2: {  	s28 =	sadd.s32 $0x80, s26;
	[sflag:s13] =	ssyncadd.s32 $0xFFFFC180  }
0xa3: {  	[tilespmem:s17], [sflag:$0x2] =	stream.indirect.gather [hbm4b:s4+s15], $0x80, s28, s15, $0xb8;
	[tilespmem:$0x1F080] =	vst v63  }
0xa4: {  	_ =	swait.ge [sflag:s18], $0x3E80  }
0xa5: {  	[sflag:s18] =	ssyncset.done $0x0  }
0xa6: {  	s31 =	sadd.s32 $0x1400, s26;
	[sflag:s18] =	ssyncadd.s32 $0xFFFFC180  }
0xa7: {  	[spmem:s2] =	stream.indirect.scatter.add.f32 [tilespmem:s16], [sflag:$0x3], $0x80, s31, s15, $0xb8;
	[tilespmem:$0x1F080] =	vst v63  }
0xa8: {  	_ =	swait.ge [sflag:s13], $0x3E80  }
0xa9: {  	[sflag:s13] =	ssyncset.done $0x0  }
0xaa: {  	s29 =	sadd.s32 $0x100, s26;
	[sflag:s13] =	ssyncadd.s32 $0xFFFFC180  }
0xab: {  	[tilespmem:s16], [sflag:$0x1] =	stream.indirect.gather [hbm4b:s4+s15], $0x80, s29, s15, $0xb8;
	[tilespmem:$0x1F080] =	vst v63  }
0xac: {  	_ =	swait.ge [sflag:s19], $0x3E80  }
0xad: {  	[sflag:s19] =	ssyncset.done $0x0  }
0xae: {  	s30 =	sadd.s32 $0x1480, s26;
	[sflag:s19] =	ssyncadd.s32 $0xFFFFC180  }
0xaf: {  	[spmem:s2] =	stream.indirect.scatter.add.f32 [tilespmem:s17], [sflag:$0x3], $0x80, s30, s15, $0xb8;
	[tilespmem:$0x1F080] =	vst v63  }
0xb0: {  	_ =	swait.ge [sflag:s13], $0x3E80  }
0xb1: {  	[sflag:s13] =	ssyncset.done $0x0  }
0xb2: {  	[sflag:s13] =	ssyncadd.s32 $0xFFFFC180  }
0xb3: {  	[tilespmem:s17], [sflag:$0x2] =	stream.indirect.gather [hbm4b:s4+s15], $0x80, s20, s15, $0xb8;
	[tilespmem:$0x1F080] =	vst v63  }
0xb4: {  	_ =	swait.ge [sflag:s18], $0x3E80  }
0xb5: {  	[sflag:s18] =	ssyncset.done $0x0  }
0xb6: {  	[sflag:s18] =	ssyncadd.s32 $0xFFFFC180  }
0xb7: {  	[spmem:s2] =	stream.indirect.scatter.add.f32 [tilespmem:s16], [sflag:$0x3], $0x80, s21, s15, $0xb8;
	[tilespmem:$0x1F080] =	vst v63  }
0xb8: {  	_ =	swait.ge [sflag:s13], $0x3E80  }
0xb9: {  	[sflag:s13] =	ssyncset.done $0x0  }
0xba: {  	[sflag:s13] =	ssyncadd.s32 $0xFFFFC180  }
0xbb: {  	_ =	swait.ge [sflag:s19], $0x3E80  }
0xbc: {  	[sflag:s19] =	ssyncset.done $0x0  }
0xbd: {  	[sflag:s19] =	ssyncadd.s32 $0xFFFFC180  }
0xbe: {  	[spmem:s2] =	stream.indirect.scatter.add.f32 [tilespmem:s17], [sflag:$0x3], $0x80, s22, s15, $0xb8;
	[tilespmem:$0x1F080] =	vst v63  }
0xbf: {  	_ =	swait.ge [sflag:s13], $0x3E80  }
0xc0: {  	[sflag:s13] =	ssyncset.done $0x0  }
0xc1: {  	s31 =	sshll.u32 s1, $0x6;
	[sflag:s13] =	ssyncadd.s32 $0xFFFFC180  }
0xc2: {  	s26 =	sor.u32 $0x1C03, s31;
	[bflag:$0x0] =	sbarrier.arrive $0xFFFF  }
0xc3: {  	[hbm:s23], [sflag:s26] =	dma.local [spmem:s24], $0x2700  }
0xc4: {  	_ =	swait.ge [sflag:s13], $0x2700  }
0xc5: {  	s3 =	sadd.s32 $0x1, s3;
	[sflag:s13] =	ssyncset.done $0x0  }
0xc6: {  	s28 =	sadd.s32 @!p0 $0x27000, s5;
	p1 =	sne.s32 s3, s6;
	[sflag:s13] =	ssyncadd.s32 $0xFFFFD900  }
0xc7: {  	[hbm:s28], [sflag:s26] =	dma.local @!p0 [spmem:s25], $0x100  }
.Ltmp4:
0xc8: {  	_ = 	snop;
	(pc) =	sbr.rel @p1 .LBB2_1-.Ltmp4, $4  }
0xc9: {  	s26 =	simm.s32 @!p0 $0x3  }
0xca: {  	_ =	swait.ge @!p0 [sflag:s26], $0x100  }
0xcb: {  	[sflag:s26] =	ssyncset.done @!p0 $0x0  }
0xcc: {  	[sflag:s26] =	ssyncadd.s32 @!p0 $0xFFFFFF00  }
0xcd: {  	_ =	sfence.sel $0x180000  }
0xce: {  	[bflag:$0x0] =	sbarrier.arrive $0xFFFF  }
0xcf: {  	p0 =	sne.s32 s1, $0x0;
	_ =	strace $0x90000050  }
0xd0: {  	s0 =	sadd.s32 @!p0 $0x100000, s0;
	[bflag:$0x2] =	sbarrier.arrive $0xFFFF  }
0xd1: {  	[sflag:s0] =	ssyncadd.tile.s32 @!p0 $0x1;
	_ =	shalt  }
.Lfunc_end2:
_tile_overlayer_lowered:
.L_overlay_start_2:
0xd2: {  	(tag) =	ssettag $0x2  }
0xd3: {  	s0 =	rddreg [dreg:$0x0];
	s2 =	stileid.u32  }
0xd4: {  	s1 =	rddreg [dreg:$0x1];
	p0 =	sne.s32 s2, $0x0  }
0xd5: {  	s3 =	rddreg [dreg:$0x2];
	[bflag:$0x3] =	sbarrier.arrive $0xFFFF;
	s2 =	simm.s32 @!p0 $0x1C03  }
0xd6: {  	[timem:s3], [sflag:s2] =	dma.local @!p0 [hbm:s0], s1  }
0xd7: {  	s0 =	simm.s32 @!p0 $0x3  }
0xd8: {  	_ =	swait.ge @!p0 [sflag:s0], s1  }
0xd9: {  	s1 =	ssub.s32 @!p0 $0x0, s1;
	[sflag:s0] =	ssyncset.done @!p0 $0x0  }
0xda: {  	[sflag:s0] =	ssyncadd.s32 @!p0 s1  }
0xdb: {  	[bflag:$0x3] =	sbarrier.arrive $0xFFFF  }
0xdc: {  	_ =	shalt  }

</sc_bundles>
